<compile_context>
chip_gen: v7x
topology: tpu7x:2x2x1
jax: 0.10.2.dev20260603
libtpu: 0.0.44.dev20260713+nightly
codegen_flags: <defaults>
</compile_context>

<pallas_src>
import jax
import jax.numpy as jnp
from jax import lax
from jax.experimental import pallas as pl
from jax.experimental.pallas import tpu as pltpu
from jax.experimental.pallas import tpu_sc as plsc

_B = 16384
_D = 16
_NC, _NS = 2, 16
_NW = _NC * _NS
_BPW = _B // _NW
_N = 1000000
_NCOLS = 7813
_TAIL = _NCOLS - 1
_Q = 1
_QSHIFT = _Q.bit_length() - 1
_NQ = (_NCOLS + _Q - 1) // _Q
_TAILQ = _NQ - 1
_SLOT = _D * _Q * 128
_L = 16
_CHUNKS = _BPW // _L

_NBUF = 32
_LAG = 16


_QPW = (_NQ + _NW - 1) // _NW


def _detile_body(zt_hbm, ztail_hbm, zst_hbm, bufs, in_sem, out_sem):
    wid = lax.axis_index("s") * _NC + lax.axis_index("c")
    lo = wid * _QPW
    nit = jnp.maximum(jnp.minimum(_NQ - lo, _QPW), 0)

    def in_copy(g):
        q = lo + g
        b = lax.rem(g, _NBUF)

        @pl.when(q != _TAILQ)
        def _():
            pltpu.make_async_copy(
                zt_hbm.at[:, pl.ds(q * (_Q * 128), _Q * 128)],
                bufs.at[b],
                in_sem,
            ).start()

        @pl.when(q == _TAILQ)
        def _():
            pltpu.make_async_copy(
                ztail_hbm, bufs.at[b, :, pl.ds(0, 128)], in_sem
            ).start()

    def in_wait(g):
        q = lo + g
        b = lax.rem(g, _NBUF)

        @pl.when(q != _TAILQ)
        def _():
            pltpu.make_async_copy(
                zt_hbm.at[:, pl.ds(0, _Q * 128)], bufs.at[b], in_sem
            ).wait()

        @pl.when(q == _TAILQ)
        def _():
            pltpu.make_async_copy(
                ztail_hbm, bufs.at[b, :, pl.ds(0, 128)], in_sem
            ).wait()

    def out_copy(g):
        q = lo + g
        pltpu.make_async_copy(
            bufs.at[lax.rem(g, _NBUF)], zst_hbm.at[q], out_sem
        ).start()

    def out_wait():
        pltpu.make_async_copy(
            bufs.at[0], zst_hbm.at[wid], out_sem
        ).wait()

    def step(g, carry):
        @pl.when(g >= _NBUF)
        def _():
            out_wait()

        @pl.when(g < nit)
        def _():
            in_copy(g)

        @pl.when(jnp.logical_and(g >= _LAG, g - _LAG < nit))
        def _():
            in_wait(g - _LAG)
            out_copy(g - _LAG)

        return carry

    lax.fori_loop(0, nit + _LAG, step, 0, unroll=False)

    def drain(k, carry):
        @pl.when(k < jnp.minimum(nit, _NBUF - _LAG))
        def _():
            out_wait()

        return carry

    lax.fori_loop(0, _NBUF - _LAG, drain, 0, unroll=False)


def _gather_body(
    zst_hbm, idx_hbm, out_hbm, idx_v, off_v, val_v, isem, gsem, osem
):
    wid = lax.axis_index("s") * _NC + lax.axis_index("c")
    base = wid * _BPW
    cp = pltpu.make_async_copy(idx_hbm.at[pl.ds(base, _BPW)], idx_v, isem)
    cp.start()
    cp.wait()

    def compute(k, carry):
        idx = idx_v[pl.ds(k * _L, _L)]
        c = lax.shift_right_logical(idx, 7)
        il = lax.bitwise_and(idx, 127)
        s = lax.shift_right_logical(c, _QSHIFT)
        cl = lax.bitwise_and(c, _Q - 1)
        boff = s * _SLOT + cl * 128 + il
        for j in range(_D):
            off_v[j, pl.ds(k * _L, _L)] = boff + (j * (_Q * 128))
        return carry

    half = _BPW // 2

    def fire(j, lo):
        pltpu.make_async_copy(
            zst_hbm.at[off_v.at[j, pl.ds(lo, half)]],
            val_v.at[j, pl.ds(lo, half)],
            gsem,
        ).start()

    def drain(j, lo):
        pltpu.make_async_copy(
            zst_hbm.at[off_v.at[j, pl.ds(lo, half)]],
            val_v.at[j, pl.ds(lo, half)],
            gsem,
        ).wait()

    lax.fori_loop(0, _CHUNKS // 2, compute, 0, unroll=False)
    for j in range(_D):
        fire(j, 0)
    lax.fori_loop(_CHUNKS // 2, _CHUNKS, compute, 0, unroll=False)
    for j in range(_D):
        fire(j, half)
    for j in range(_D):
        drain(j, 0)
        pltpu.make_async_copy(
            val_v.at[j, pl.ds(0, half)],
            out_hbm.at[j, pl.ds(base, half)],
            osem,
        ).start()
    for j in range(_D):
        drain(j, half)
        pltpu.make_async_copy(
            val_v.at[j, pl.ds(half, half)],
            out_hbm.at[j, pl.ds(base + half, half)],
            osem,
        ).start()
    for j in range(2 * _D):
        pltpu.make_async_copy(
            val_v.at[0, pl.ds(0, half)],
            out_hbm.at[0, pl.ds(base, half)],
            osem,
        ).wait()


def kernel(indices, z):
    mesh = plsc.VectorSubcoreMesh(core_axis_name="c", subcore_axis_name="s")
    detile = pl.kernel(
        _detile_body,
        mesh=mesh,
        out_type=jax.ShapeDtypeStruct((_NQ, _D, _Q * 128), jnp.float32),
        scratch_types=[
            pltpu.VMEM((_NBUF, _D, _Q * 128), jnp.float32),
            pltpu.SemaphoreType.DMA,
            pltpu.SemaphoreType.DMA,
        ],
    )
    gather = pl.kernel(
        _gather_body,
        mesh=mesh,
        out_type=jax.ShapeDtypeStruct((_D, _B), jnp.float32),
        scratch_types=[
            pltpu.VMEM((_BPW,), jnp.int32),
            pltpu.VMEM((_D, _BPW), jnp.int32),
            pltpu.VMEM((_D, _BPW), jnp.float32),
            pltpu.SemaphoreType.DMA,
            pltpu.SemaphoreType.DMA,
            pltpu.SemaphoreType.DMA,
        ],
        compiler_params=pltpu.CompilerParams(use_tc_tiling_on_sc=False),
    )
    zt = z.T
    ztail = jnp.pad(zt[:, _TAIL * 128 :], ((0, 0), (0, _NCOLS * 128 - _N)))
    zst = detile(zt, ztail)
    zst_flat = zst.reshape(-1)
    out_t = gather(zst_flat, indices.astype(jnp.int32))
    return out_t.T

# --- scband reference (transcript-rebuilt; emitter-appended) ---
"""Pipeline reference for scband-representation-layer-833223656437 (READ-ONLY COPY).

The authoritative reference and input builder live on the scoring server;
editing this copy changes nothing except your own understanding.
"""

import jax, jax.numpy as jnp
import numpy as np


def setup_inputs(seed: int = 0) -> dict:
    key = jax.random.key(seed)
    k_idx, k_z = jax.random.split(key)
    # forward arg: indices into the representation table
    indices = jax.random.randint(k_idx, (16384,), 0, 1000000)
    # learned parameter: representation table sampled from standard multivariate
    # normal (dist='normal' with default mean=0, cov=I), shape [n_samples, dim]
    z = jax.random.normal(k_z, (1000000, 16), dtype=jnp.float32)
    return {"indices": indices, "z": z}


def reference(indices, z):
    # RepresentationLayer.forward: gather stored representations at the given
    # sample indices (embedding lookup on the learned table self._z).
    return jnp.take(z, indices, axis=0)

if __name__ == "__main__":
    import jax
    _d = setup_inputs()
    print(jax.jit(kernel)(*tuple(_d.values())))

</pallas_src>

<mosaic_0001>
#map = affine_map<(d0, d1) -> (0, 0)>
#map1 = affine_map<(d0, d1) -> (0, 0, 0)>
module attributes {stable_mosaic.version = 14 : i64} {
  func.func @_detile_body(%arg0: i32, %arg1: i32, %arg2: memref<16x1000000xf32, #tpu.memory_space<hbm>>, %arg3: memref<16x128xf32, #tpu.memory_space<hbm>>, %arg4: memref<7813x16x128xf32, #tpu.memory_space<hbm>>, %arg5: memref<32x16x128xf32, #tpu.memory_space<vmem>>, %arg6: memref<!tpu.dma_semaphore, #tpu.memory_space<semaphore_mem>>, %arg7: memref<!tpu.dma_semaphore, #tpu.memory_space<semaphore_mem>>) attributes {dimension_semantics = [#tpu.dimension_semantics<core_parallel>, #tpu.dimension_semantics<subcore_parallel>], iteration_bounds = array<i64: 2, 16>, scalar_prefetch = 0 : i64, scratch_operands = 3 : i64, tpu.core_type = #tpu.core_type<sc_vector_subcore>, window_params = [{transform_indices = #map}, {transform_indices = #map}, {transform_indices = #map1}]} {
    %mul3A = arith.constant 2 : i32
    %mul3A_0 = arith.muli %arg1, %mul3A : i32
    %add3A = arith.addi %mul3A_0, %arg0 : i32
    %mul3A_1 = arith.constant 245 : i32
    %mul3A_2 = arith.muli %add3A, %mul3A_1 : i32
    %sub3A = arith.constant 7813 : i32
    %sub3A_3 = arith.subi %sub3A, %mul3A_2 : i32
    %min3A = arith.constant 245 : i32
    %min3A_4 = arith.minsi %sub3A_3, %min3A : i32
    %max3A = arith.constant 0 : i32
    %max3A_5 = arith.maxsi %min3A_4, %max3A : i32
    %add3A_6 = arith.constant 16 : i32
    %add3A_7 = arith.addi %max3A_5, %add3A_6 : i32
    %while3A = arith.constant 0 : i32
    %while3A_8 = arith.constant 0 : i32
    %while3A_9 = arith.subi %add3A_7, %while3A_8 : i32
    %while3A_10 = arith.addi %while3A_8, %while3A_9 : i32
    %while3A_11 = arith.constant 1 : i32
    %while3A_12 = arith.divsi %while3A_9, %while3A_11 : i32
    %while3A_13 = arith.muli %while3A_12, %while3A_11 : i32
    %while3A_14 = arith.addi %while3A_8, %while3A_13 : i32
    %while3A_15 = arith.constant 1 : i32
    scf.for %while3A_22 = %while3A_8 to %while3A_14 step %while3A_15  : i32 {
      %ge3A = arith.constant 32 : i32
      %ge3A_23 = arith.cmpi sge, %while3A_22, %ge3A : i32
      %convert_element_type3A = arith.extui %ge3A_23 : i1 to i32
      %cond3A = arith.constant 0 : i32
      %cond3A_24 = arith.cmpi ne, %convert_element_type3A, %cond3A : i32
      scf.if %cond3A_24 {
        %dma_wait3A = arith.constant 0 : i32
        %dma_wait3A_36 = arith.constant 0 : i32
        %dma_wait3A_37 = arith.constant 0 : i32
        %dma_wait3A_38 = tpu.memref_slice %arg5[%dma_wait3A, %dma_wait3A_36, %dma_wait3A_37] : memref<32x16x128xf32, #tpu.memory_space<vmem>> -> memref<1x16x128xf32, #tpu.memory_space<vmem>>
        %dma_wait3A_39 = tpu.memref_squeeze %dma_wait3A_38 : memref<1x16x128xf32, #tpu.memory_space<vmem>> -> memref<16x128xf32, #tpu.memory_space<vmem>>
        %dma_wait3A_40 = arith.constant 0 : i32
        %dma_wait3A_41 = arith.constant 0 : i32
        %dma_wait3A_42 = tpu.memref_slice %arg4[%add3A, %dma_wait3A_40, %dma_wait3A_41] : memref<7813x16x128xf32, #tpu.memory_space<hbm>> -> memref<1x16x128xf32, #tpu.memory_space<hbm>>
        %dma_wait3A_43 = tpu.memref_squeeze %dma_wait3A_42 : memref<1x16x128xf32, #tpu.memory_space<hbm>> -> memref<16x128xf32, #tpu.memory_space<hbm>>
        %dma_wait3A_44 = arith.constant 0 : i32
        %dma_wait3A_45 = arith.constant 0 : i32
        %dma_wait3A_46 = tpu.memref_slice %arg4[%add3A, %dma_wait3A_44, %dma_wait3A_45] : memref<7813x16x128xf32, #tpu.memory_space<hbm>> -> memref<1x16x128xf32, #tpu.memory_space<hbm>>
        %dma_wait3A_47 = tpu.memref_squeeze %dma_wait3A_46 : memref<1x16x128xf32, #tpu.memory_space<hbm>> -> memref<16x128xf32, #tpu.memory_space<hbm>>
        %dma_wait3A_48 = arith.constant 0 : i32
        %dma_wait3A_49 = arith.constant 0 : i32
        %dma_wait3A_50 = tpu.memref_slice %arg5[%dma_wait3A, %dma_wait3A_48, %dma_wait3A_49] : memref<32x16x128xf32, #tpu.memory_space<vmem>> -> memref<1x16x128xf32, #tpu.memory_space<vmem>>
        %dma_wait3A_51 = tpu.memref_squeeze %dma_wait3A_50 : memref<1x16x128xf32, #tpu.memory_space<vmem>> -> memref<16x128xf32, #tpu.memory_space<vmem>>
        tpu.wait_dma2 semaphore(%arg7 : memref<!tpu.dma_semaphore, #tpu.memory_space<semaphore_mem>>) src(%dma_wait3A_51 : memref<16x128xf32, #tpu.memory_space<vmem>>) dst(%dma_wait3A_47 : memref<16x128xf32, #tpu.memory_space<hbm>>)
      } else {
      }
      %lt3A = arith.cmpi slt, %while3A_22, %max3A_5 : i32
      %convert_element_type3A_25 = arith.extui %lt3A : i1 to i32
      %cond3A_26 = arith.constant 0 : i32
      %cond3A_27 = arith.cmpi ne, %convert_element_type3A_25, %cond3A_26 : i32
      scf.if %cond3A_27 {
        %add3A_36 = arith.addi %mul3A_2, %while3A_22 : i32
        %rem3A = arith.constant 32 : i32
        %rem3A_37 = arith.remsi %while3A_22, %rem3A : i32
        %ne3A = arith.constant 7812 : i32
        %ne3A_38 = arith.cmpi ne, %add3A_36, %ne3A : i32
        %convert_element_type3A_39 = arith.extui %ne3A_38 : i1 to i32
        %cond3A_40 = arith.constant 0 : i32
        %cond3A_41 = arith.cmpi ne, %convert_element_type3A_39, %cond3A_40 : i32
        scf.if %cond3A_41 {
          %mul3A_46 = arith.constant 128 : i32
          %mul3A_47 = arith.muli %add3A_36, %mul3A_46 : i32
          %dma_start3A = arith.constant 0 : i32
          %dma_start3A_48 = arith.constant 0 : i32
          %dma_start3A_49 = tpu.memref_slice %arg5[%rem3A_37, %dma_start3A, %dma_start3A_48] : memref<32x16x128xf32, #tpu.memory_space<vmem>> -> memref<1x16x128xf32, #tpu.memory_space<vmem>>
          %dma_start3A_50 = tpu.memref_squeeze %dma_start3A_49 : memref<1x16x128xf32, #tpu.memory_space<vmem>> -> memref<16x128xf32, #tpu.memory_space<vmem>>
          %dma_start3A_51 = arith.constant 0 : i32
          %dma_start3A_52 = tpu.memref_slice %arg2[%dma_start3A_51, %mul3A_47] : memref<16x1000000xf32, #tpu.memory_space<hbm>> -> memref<16x128xf32, #tpu.memory_space<hbm>>
          %dma_start3A_53 = arith.constant 0 : i32
          %dma_start3A_54 = arith.constant 0 : i32
          %dma_start3A_55 = tpu.memref_slice %arg5[%rem3A_37, %dma_start3A_53, %dma_start3A_54] : memref<32x16x128xf32, #tpu.memory_space<vmem>> -> memref<1x16x128xf32, #tpu.memory_space<vmem>>
          %dma_start3A_56 = tpu.memref_squeeze %dma_start3A_55 : memref<1x16x128xf32, #tpu.memory_space<vmem>> -> memref<16x128xf32, #tpu.memory_space<vmem>>
          %dma_start3A_57 = arith.constant 0 : i32
          %dma_start3A_58 = tpu.memref_slice %arg2[%dma_start3A_57, %mul3A_47] : memref<16x1000000xf32, #tpu.memory_space<hbm>> -> memref<16x128xf32, #tpu.memory_space<hbm>>
          tpu.enqueue_dma source(%dma_start3A_58 : memref<16x128xf32, #tpu.memory_space<hbm>>) target(%dma_start3A_56 : memref<16x128xf32, #tpu.memory_space<vmem>>) target_semaphore(%arg6 : memref<!tpu.dma_semaphore, #tpu.memory_space<semaphore_mem>>)
        } else {
        }
        %eq3A = arith.constant 7812 : i32
        %eq3A_42 = arith.cmpi eq, %add3A_36, %eq3A : i32
        %convert_element_type3A_43 = arith.extui %eq3A_42 : i1 to i32
        %cond3A_44 = arith.constant 0 : i32
        %cond3A_45 = arith.cmpi ne, %convert_element_type3A_43, %cond3A_44 : i32
        scf.if %cond3A_45 {
          %dma_start3A = arith.constant 0 : i32
          %dma_start3A_46 = arith.constant 0 : i32
          %dma_start3A_47 = tpu.memref_slice %arg5[%rem3A_37, %dma_start3A, %dma_start3A_46] : memref<32x16x128xf32, #tpu.memory_space<vmem>> -> memref<1x16x128xf32, #tpu.memory_space<vmem>>
          %dma_start3A_48 = tpu.memref_squeeze %dma_start3A_47 : memref<1x16x128xf32, #tpu.memory_space<vmem>> -> memref<16x128xf32, #tpu.memory_space<vmem>>
          %dma_start3A_49 = arith.constant 0 : i32
          %dma_start3A_50 = arith.constant 0 : i32
          %dma_start3A_51 = tpu.memref_slice %arg5[%rem3A_37, %dma_start3A_49, %dma_start3A_50] : memref<32x16x128xf32, #tpu.memory_space<vmem>> -> memref<1x16x128xf32, #tpu.memory_space<vmem>>
          %dma_start3A_52 = tpu.memref_squeeze %dma_start3A_51 : memref<1x16x128xf32, #tpu.memory_space<vmem>> -> memref<16x128xf32, #tpu.memory_space<vmem>>
          tpu.enqueue_dma source(%arg3 : memref<16x128xf32, #tpu.memory_space<hbm>>) target(%dma_start3A_52 : memref<16x128xf32, #tpu.memory_space<vmem>>) target_semaphore(%arg6 : memref<!tpu.dma_semaphore, #tpu.memory_space<semaphore_mem>>)
        } else {
        }
      } else {
      }
      %ge3A_28 = arith.constant 16 : i32
      %ge3A_29 = arith.cmpi sge, %while3A_22, %ge3A_28 : i32
      %sub3A_30 = arith.constant 16 : i32
      %sub3A_31 = arith.subi %while3A_22, %sub3A_30 : i32
      %lt3A_32 = arith.cmpi slt, %sub3A_31, %max3A_5 : i32
      %and3A = arith.andi %ge3A_29, %lt3A_32 : i1
      %convert_element_type3A_33 = arith.extui %and3A : i1 to i32
      %cond3A_34 = arith.constant 0 : i32
      %cond3A_35 = arith.cmpi ne, %convert_element_type3A_33, %cond3A_34 : i32
      scf.if %cond3A_35 {
        %sub3A_36 = arith.constant 16 : i32
        %sub3A_37 = arith.subi %while3A_22, %sub3A_36 : i32
        %add3A_38 = arith.addi %mul3A_2, %sub3A_37 : i32
        %rem3A = arith.constant 32 : i32
        %rem3A_39 = arith.remsi %sub3A_37, %rem3A : i32
        %ne3A = arith.constant 7812 : i32
        %ne3A_40 = arith.cmpi ne, %add3A_38, %ne3A : i32
        %convert_element_type3A_41 = arith.extui %ne3A_40 : i1 to i32
        %cond3A_42 = arith.constant 0 : i32
        %cond3A_43 = arith.cmpi ne, %convert_element_type3A_41, %cond3A_42 : i32
        scf.if %cond3A_43 {
          %dma_wait3A = arith.constant 0 : i32
          %dma_wait3A_68 = arith.constant 0 : i32
          %dma_wait3A_69 = tpu.memref_slice %arg5[%rem3A_39, %dma_wait3A, %dma_wait3A_68] : memref<32x16x128xf32, #tpu.memory_space<vmem>> -> memref<1x16x128xf32, #tpu.memory_space<vmem>>
          %dma_wait3A_70 = tpu.memref_squeeze %dma_wait3A_69 : memref<1x16x128xf32, #tpu.memory_space<vmem>> -> memref<16x128xf32, #tpu.memory_space<vmem>>
          %dma_wait3A_71 = arith.constant 0 : i32
          %dma_wait3A_72 = arith.constant 0 : i32
          %dma_wait3A_73 = tpu.memref_slice %arg2[%dma_wait3A_71, %dma_wait3A_72] : memref<16x1000000xf32, #tpu.memory_space<hbm>> -> memref<16x128xf32, #tpu.memory_space<hbm>>
          %dma_wait3A_74 = arith.constant 0 : i32
          %dma_wait3A_75 = arith.constant 0 : i32
          %dma_wait3A_76 = tpu.memref_slice %arg5[%rem3A_39, %dma_wait3A_74, %dma_wait3A_75] : memref<32x16x128xf32, #tpu.memory_space<vmem>> -> memref<1x16x128xf32, #tpu.memory_space<vmem>>
          %dma_wait3A_77 = tpu.memref_squeeze %dma_wait3A_76 : memref<1x16x128xf32, #tpu.memory_space<vmem>> -> memref<16x128xf32, #tpu.memory_space<vmem>>
          %dma_wait3A_78 = arith.constant 0 : i32
          %dma_wait3A_79 = arith.constant 0 : i32
          %dma_wait3A_80 = tpu.memref_slice %arg2[%dma_wait3A_78, %dma_wait3A_79] : memref<16x1000000xf32, #tpu.memory_space<hbm>> -> memref<16x128xf32, #tpu.memory_space<hbm>>
          tpu.wait_dma2 semaphore(%arg6 : memref<!tpu.dma_semaphore, #tpu.memory_space<semaphore_mem>>) src(%dma_wait3A_80 : memref<16x128xf32, #tpu.memory_space<hbm>>) dst(%dma_wait3A_77 : memref<16x128xf32, #tpu.memory_space<vmem>>)
        } else {
        }
        %eq3A = arith.constant 7812 : i32
        %eq3A_44 = arith.cmpi eq, %add3A_38, %eq3A : i32
        %convert_element_type3A_45 = arith.extui %eq3A_44 : i1 to i32
        %cond3A_46 = arith.constant 0 : i32
        %cond3A_47 = arith.cmpi ne, %convert_element_type3A_45, %cond3A_46 : i32
        scf.if %cond3A_47 {
          %dma_wait3A = arith.constant 0 : i32
          %dma_wait3A_68 = arith.constant 0 : i32
          %dma_wait3A_69 = tpu.memref_slice %arg5[%rem3A_39, %dma_wait3A, %dma_wait3A_68] : memref<32x16x128xf32, #tpu.memory_space<vmem>> -> memref<1x16x128xf32, #tpu.memory_space<vmem>>
          %dma_wait3A_70 = tpu.memref_squeeze %dma_wait3A_69 : memref<1x16x128xf32, #tpu.memory_space<vmem>> -> memref<16x128xf32, #tpu.memory_space<vmem>>
          %dma_wait3A_71 = arith.constant 0 : i32
          %dma_wait3A_72 = arith.constant 0 : i32
          %dma_wait3A_73 = tpu.memref_slice %arg5[%rem3A_39, %dma_wait3A_71, %dma_wait3A_72] : memref<32x16x128xf32, #tpu.memory_space<vmem>> -> memref<1x16x128xf32, #tpu.memory_space<vmem>>
          %dma_wait3A_74 = tpu.memref_squeeze %dma_wait3A_73 : memref<1x16x128xf32, #tpu.memory_space<vmem>> -> memref<16x128xf32, #tpu.memory_space<vmem>>
          tpu.wait_dma2 semaphore(%arg6 : memref<!tpu.dma_semaphore, #tpu.memory_space<semaphore_mem>>) src(%arg3 : memref<16x128xf32, #tpu.memory_space<hbm>>) dst(%dma_wait3A_74 : memref<16x128xf32, #tpu.memory_space<vmem>>)
        } else {
        }
        %sub3A_48 = arith.constant 16 : i32
        %sub3A_49 = arith.subi %while3A_22, %sub3A_48 : i32
        %add3A_50 = arith.addi %mul3A_2, %sub3A_49 : i32
        %rem3A_51 = arith.constant 32 : i32
        %rem3A_52 = arith.remsi %sub3A_49, %rem3A_51 : i32
        %dma_start3A = arith.constant 0 : i32
        %dma_start3A_53 = arith.constant 0 : i32
        %dma_start3A_54 = tpu.memref_slice %arg5[%rem3A_52, %dma_start3A, %dma_start3A_53] : memref<32x16x128xf32, #tpu.memory_space<vmem>> -> memref<1x16x128xf32, #tpu.memory_space<vmem>>
        %dma_start3A_55 = tpu.memref_squeeze %dma_start3A_54 : memref<1x16x128xf32, #tpu.memory_space<vmem>> -> memref<16x128xf32, #tpu.memory_space<vmem>>
        %dma_start3A_56 = arith.constant 0 : i32
        %dma_start3A_57 = arith.constant 0 : i32
        %dma_start3A_58 = tpu.memref_slice %arg4[%add3A_50, %dma_start3A_56, %dma_start3A_57] : memref<7813x16x128xf32, #tpu.memory_space<hbm>> -> memref<1x16x128xf32, #tpu.memory_space<hbm>>
        %dma_start3A_59 = tpu.memref_squeeze %dma_start3A_58 : memref<1x16x128xf32, #tpu.memory_space<hbm>> -> memref<16x128xf32, #tpu.memory_space<hbm>>
        %dma_start3A_60 = arith.constant 0 : i32
        %dma_start3A_61 = arith.constant 0 : i32
        %dma_start3A_62 = tpu.memref_slice %arg4[%add3A_50, %dma_start3A_60, %dma_start3A_61] : memref<7813x16x128xf32, #tpu.memory_space<hbm>> -> memref<1x16x128xf32, #tpu.memory_space<hbm>>
        %dma_start3A_63 = tpu.memref_squeeze %dma_start3A_62 : memref<1x16x128xf32, #tpu.memory_space<hbm>> -> memref<16x128xf32, #tpu.memory_space<hbm>>
        %dma_start3A_64 = arith.constant 0 : i32
        %dma_start3A_65 = arith.constant 0 : i32
        %dma_start3A_66 = tpu.memref_slice %arg5[%rem3A_52, %dma_start3A_64, %dma_start3A_65] : memref<32x16x128xf32, #tpu.memory_space<vmem>> -> memref<1x16x128xf32, #tpu.memory_space<vmem>>
        %dma_start3A_67 = tpu.memref_squeeze %dma_start3A_66 : memref<1x16x128xf32, #tpu.memory_space<vmem>> -> memref<16x128xf32, #tpu.memory_space<vmem>>
        tpu.enqueue_dma source(%dma_start3A_67 : memref<16x128xf32, #tpu.memory_space<vmem>>) target(%dma_start3A_63 : memref<16x128xf32, #tpu.memory_space<hbm>>) target_semaphore(%arg7 : memref<!tpu.dma_semaphore, #tpu.memory_space<semaphore_mem>>)
      } else {
      }
    }
    %while3A_16 = arith.constant 1 : i32
    scf.for %while3A_22 = %while3A_14 to %while3A_10 step %while3A_16  : i32 {
      %ge3A = arith.constant 32 : i32
      %ge3A_23 = arith.cmpi sge, %while3A_22, %ge3A : i32
      %convert_element_type3A = arith.extui %ge3A_23 : i1 to i32
      %cond3A = arith.constant 0 : i32
      %cond3A_24 = arith.cmpi ne, %convert_element_type3A, %cond3A : i32
      scf.if %cond3A_24 {
        %dma_wait3A = arith.constant 0 : i32
        %dma_wait3A_36 = arith.constant 0 : i32
        %dma_wait3A_37 = arith.constant 0 : i32
        %dma_wait3A_38 = tpu.memref_slice %arg5[%dma_wait3A, %dma_wait3A_36, %dma_wait3A_37] : memref<32x16x128xf32, #tpu.memory_space<vmem>> -> memref<1x16x128xf32, #tpu.memory_space<vmem>>
        %dma_wait3A_39 = tpu.memref_squeeze %dma_wait3A_38 : memref<1x16x128xf32, #tpu.memory_space<vmem>> -> memref<16x128xf32, #tpu.memory_space<vmem>>
        %dma_wait3A_40 = arith.constant 0 : i32
        %dma_wait3A_41 = arith.constant 0 : i32
        %dma_wait3A_42 = tpu.memref_slice %arg4[%add3A, %dma_wait3A_40, %dma_wait3A_41] : memref<7813x16x128xf32, #tpu.memory_space<hbm>> -> memref<1x16x128xf32, #tpu.memory_space<hbm>>
        %dma_wait3A_43 = tpu.memref_squeeze %dma_wait3A_42 : memref<1x16x128xf32, #tpu.memory_space<hbm>> -> memref<16x128xf32, #tpu.memory_space<hbm>>
        %dma_wait3A_44 = arith.constant 0 : i32
        %dma_wait3A_45 = arith.constant 0 : i32
        %dma_wait3A_46 = tpu.memref_slice %arg4[%add3A, %dma_wait3A_44, %dma_wait3A_45] : memref<7813x16x128xf32, #tpu.memory_space<hbm>> -> memref<1x16x128xf32, #tpu.memory_space<hbm>>
        %dma_wait3A_47 = tpu.memref_squeeze %dma_wait3A_46 : memref<1x16x128xf32, #tpu.memory_space<hbm>> -> memref<16x128xf32, #tpu.memory_space<hbm>>
        %dma_wait3A_48 = arith.constant 0 : i32
        %dma_wait3A_49 = arith.constant 0 : i32
        %dma_wait3A_50 = tpu.memref_slice %arg5[%dma_wait3A, %dma_wait3A_48, %dma_wait3A_49] : memref<32x16x128xf32, #tpu.memory_space<vmem>> -> memref<1x16x128xf32, #tpu.memory_space<vmem>>
        %dma_wait3A_51 = tpu.memref_squeeze %dma_wait3A_50 : memref<1x16x128xf32, #tpu.memory_space<vmem>> -> memref<16x128xf32, #tpu.memory_space<vmem>>
        tpu.wait_dma2 semaphore(%arg7 : memref<!tpu.dma_semaphore, #tpu.memory_space<semaphore_mem>>) src(%dma_wait3A_51 : memref<16x128xf32, #tpu.memory_space<vmem>>) dst(%dma_wait3A_47 : memref<16x128xf32, #tpu.memory_space<hbm>>)
      } else {
      }
      %lt3A = arith.cmpi slt, %while3A_22, %max3A_5 : i32
      %convert_element_type3A_25 = arith.extui %lt3A : i1 to i32
      %cond3A_26 = arith.constant 0 : i32
      %cond3A_27 = arith.cmpi ne, %convert_element_type3A_25, %cond3A_26 : i32
      scf.if %cond3A_27 {
        %add3A_36 = arith.addi %mul3A_2, %while3A_22 : i32
        %rem3A = arith.constant 32 : i32
        %rem3A_37 = arith.remsi %while3A_22, %rem3A : i32
        %ne3A = arith.constant 7812 : i32
        %ne3A_38 = arith.cmpi ne, %add3A_36, %ne3A : i32
        %convert_element_type3A_39 = arith.extui %ne3A_38 : i1 to i32
        %cond3A_40 = arith.constant 0 : i32
        %cond3A_41 = arith.cmpi ne, %convert_element_type3A_39, %cond3A_40 : i32
        scf.if %cond3A_41 {
          %mul3A_46 = arith.constant 128 : i32
          %mul3A_47 = arith.muli %add3A_36, %mul3A_46 : i32
          %dma_start3A = arith.constant 0 : i32
          %dma_start3A_48 = arith.constant 0 : i32
          %dma_start3A_49 = tpu.memref_slice %arg5[%rem3A_37, %dma_start3A, %dma_start3A_48] : memref<32x16x128xf32, #tpu.memory_space<vmem>> -> memref<1x16x128xf32, #tpu.memory_space<vmem>>
          %dma_start3A_50 = tpu.memref_squeeze %dma_start3A_49 : memref<1x16x128xf32, #tpu.memory_space<vmem>> -> memref<16x128xf32, #tpu.memory_space<vmem>>
          %dma_start3A_51 = arith.constant 0 : i32
          %dma_start3A_52 = tpu.memref_slice %arg2[%dma_start3A_51, %mul3A_47] : memref<16x1000000xf32, #tpu.memory_space<hbm>> -> memref<16x128xf32, #tpu.memory_space<hbm>>
          %dma_start3A_53 = arith.constant 0 : i32
          %dma_start3A_54 = arith.constant 0 : i32
          %dma_start3A_55 = tpu.memref_slice %arg5[%rem3A_37, %dma_start3A_53, %dma_start3A_54] : memref<32x16x128xf32, #tpu.memory_space<vmem>> -> memref<1x16x128xf32, #tpu.memory_space<vmem>>
          %dma_start3A_56 = tpu.memref_squeeze %dma_start3A_55 : memref<1x16x128xf32, #tpu.memory_space<vmem>> -> memref<16x128xf32, #tpu.memory_space<vmem>>
          %dma_start3A_57 = arith.constant 0 : i32
          %dma_start3A_58 = tpu.memref_slice %arg2[%dma_start3A_57, %mul3A_47] : memref<16x1000000xf32, #tpu.memory_space<hbm>> -> memref<16x128xf32, #tpu.memory_space<hbm>>
          tpu.enqueue_dma source(%dma_start3A_58 : memref<16x128xf32, #tpu.memory_space<hbm>>) target(%dma_start3A_56 : memref<16x128xf32, #tpu.memory_space<vmem>>) target_semaphore(%arg6 : memref<!tpu.dma_semaphore, #tpu.memory_space<semaphore_mem>>)
        } else {
        }
        %eq3A = arith.constant 7812 : i32
        %eq3A_42 = arith.cmpi eq, %add3A_36, %eq3A : i32
        %convert_element_type3A_43 = arith.extui %eq3A_42 : i1 to i32
        %cond3A_44 = arith.constant 0 : i32
        %cond3A_45 = arith.cmpi ne, %convert_element_type3A_43, %cond3A_44 : i32
        scf.if %cond3A_45 {
          %dma_start3A = arith.constant 0 : i32
          %dma_start3A_46 = arith.constant 0 : i32
          %dma_start3A_47 = tpu.memref_slice %arg5[%rem3A_37, %dma_start3A, %dma_start3A_46] : memref<32x16x128xf32, #tpu.memory_space<vmem>> -> memref<1x16x128xf32, #tpu.memory_space<vmem>>
          %dma_start3A_48 = tpu.memref_squeeze %dma_start3A_47 : memref<1x16x128xf32, #tpu.memory_space<vmem>> -> memref<16x128xf32, #tpu.memory_space<vmem>>
          %dma_start3A_49 = arith.constant 0 : i32
          %dma_start3A_50 = arith.constant 0 : i32
          %dma_start3A_51 = tpu.memref_slice %arg5[%rem3A_37, %dma_start3A_49, %dma_start3A_50] : memref<32x16x128xf32, #tpu.memory_space<vmem>> -> memref<1x16x128xf32, #tpu.memory_space<vmem>>
          %dma_start3A_52 = tpu.memref_squeeze %dma_start3A_51 : memref<1x16x128xf32, #tpu.memory_space<vmem>> -> memref<16x128xf32, #tpu.memory_space<vmem>>
          tpu.enqueue_dma source(%arg3 : memref<16x128xf32, #tpu.memory_space<hbm>>) target(%dma_start3A_52 : memref<16x128xf32, #tpu.memory_space<vmem>>) target_semaphore(%arg6 : memref<!tpu.dma_semaphore, #tpu.memory_space<semaphore_mem>>)
        } else {
        }
      } else {
      }
      %ge3A_28 = arith.constant 16 : i32
      %ge3A_29 = arith.cmpi sge, %while3A_22, %ge3A_28 : i32
      %sub3A_30 = arith.constant 16 : i32
      %sub3A_31 = arith.subi %while3A_22, %sub3A_30 : i32
      %lt3A_32 = arith.cmpi slt, %sub3A_31, %max3A_5 : i32
      %and3A = arith.andi %ge3A_29, %lt3A_32 : i1
      %convert_element_type3A_33 = arith.extui %and3A : i1 to i32
      %cond3A_34 = arith.constant 0 : i32
      %cond3A_35 = arith.cmpi ne, %convert_element_type3A_33, %cond3A_34 : i32
      scf.if %cond3A_35 {
        %sub3A_36 = arith.constant 16 : i32
        %sub3A_37 = arith.subi %while3A_22, %sub3A_36 : i32
        %add3A_38 = arith.addi %mul3A_2, %sub3A_37 : i32
        %rem3A = arith.constant 32 : i32
        %rem3A_39 = arith.remsi %sub3A_37, %rem3A : i32
        %ne3A = arith.constant 7812 : i32
        %ne3A_40 = arith.cmpi ne, %add3A_38, %ne3A : i32
        %convert_element_type3A_41 = arith.extui %ne3A_40 : i1 to i32
        %cond3A_42 = arith.constant 0 : i32
        %cond3A_43 = arith.cmpi ne, %convert_element_type3A_41, %cond3A_42 : i32
        scf.if %cond3A_43 {
          %dma_wait3A = arith.constant 0 : i32
          %dma_wait3A_68 = arith.constant 0 : i32
          %dma_wait3A_69 = tpu.memref_slice %arg5[%rem3A_39, %dma_wait3A, %dma_wait3A_68] : memref<32x16x128xf32, #tpu.memory_space<vmem>> -> memref<1x16x128xf32, #tpu.memory_space<vmem>>
          %dma_wait3A_70 = tpu.memref_squeeze %dma_wait3A_69 : memref<1x16x128xf32, #tpu.memory_space<vmem>> -> memref<16x128xf32, #tpu.memory_space<vmem>>
          %dma_wait3A_71 = arith.constant 0 : i32
          %dma_wait3A_72 = arith.constant 0 : i32
          %dma_wait3A_73 = tpu.memref_slice %arg2[%dma_wait3A_71, %dma_wait3A_72] : memref<16x1000000xf32, #tpu.memory_space<hbm>> -> memref<16x128xf32, #tpu.memory_space<hbm>>
          %dma_wait3A_74 = arith.constant 0 : i32
          %dma_wait3A_75 = arith.constant 0 : i32
          %dma_wait3A_76 = tpu.memref_slice %arg5[%rem3A_39, %dma_wait3A_74, %dma_wait3A_75] : memref<32x16x128xf32, #tpu.memory_space<vmem>> -> memref<1x16x128xf32, #tpu.memory_space<vmem>>
          %dma_wait3A_77 = tpu.memref_squeeze %dma_wait3A_76 : memref<1x16x128xf32, #tpu.memory_space<vmem>> -> memref<16x128xf32, #tpu.memory_space<vmem>>
          %dma_wait3A_78 = arith.constant 0 : i32
          %dma_wait3A_79 = arith.constant 0 : i32
          %dma_wait3A_80 = tpu.memref_slice %arg2[%dma_wait3A_78, %dma_wait3A_79] : memref<16x1000000xf32, #tpu.memory_space<hbm>> -> memref<16x128xf32, #tpu.memory_space<hbm>>
          tpu.wait_dma2 semaphore(%arg6 : memref<!tpu.dma_semaphore, #tpu.memory_space<semaphore_mem>>) src(%dma_wait3A_80 : memref<16x128xf32, #tpu.memory_space<hbm>>) dst(%dma_wait3A_77 : memref<16x128xf32, #tpu.memory_space<vmem>>)
        } else {
        }
        %eq3A = arith.constant 7812 : i32
        %eq3A_44 = arith.cmpi eq, %add3A_38, %eq3A : i32
        %convert_element_type3A_45 = arith.extui %eq3A_44 : i1 to i32
        %cond3A_46 = arith.constant 0 : i32
        %cond3A_47 = arith.cmpi ne, %convert_element_type3A_45, %cond3A_46 : i32
        scf.if %cond3A_47 {
          %dma_wait3A = arith.constant 0 : i32
          %dma_wait3A_68 = arith.constant 0 : i32
          %dma_wait3A_69 = tpu.memref_slice %arg5[%rem3A_39, %dma_wait3A, %dma_wait3A_68] : memref<32x16x128xf32, #tpu.memory_space<vmem>> -> memref<1x16x128xf32, #tpu.memory_space<vmem>>
          %dma_wait3A_70 = tpu.memref_squeeze %dma_wait3A_69 : memref<1x16x128xf32, #tpu.memory_space<vmem>> -> memref<16x128xf32, #tpu.memory_space<vmem>>
          %dma_wait3A_71 = arith.constant 0 : i32
          %dma_wait3A_72 = arith.constant 0 : i32
          %dma_wait3A_73 = tpu.memref_slice %arg5[%rem3A_39, %dma_wait3A_71, %dma_wait3A_72] : memref<32x16x128xf32, #tpu.memory_space<vmem>> -> memref<1x16x128xf32, #tpu.memory_space<vmem>>
          %dma_wait3A_74 = tpu.memref_squeeze %dma_wait3A_73 : memref<1x16x128xf32, #tpu.memory_space<vmem>> -> memref<16x128xf32, #tpu.memory_space<vmem>>
          tpu.wait_dma2 semaphore(%arg6 : memref<!tpu.dma_semaphore, #tpu.memory_space<semaphore_mem>>) src(%arg3 : memref<16x128xf32, #tpu.memory_space<hbm>>) dst(%dma_wait3A_74 : memref<16x128xf32, #tpu.memory_space<vmem>>)
        } else {
        }
        %sub3A_48 = arith.constant 16 : i32
        %sub3A_49 = arith.subi %while3A_22, %sub3A_48 : i32
        %add3A_50 = arith.addi %mul3A_2, %sub3A_49 : i32
        %rem3A_51 = arith.constant 32 : i32
        %rem3A_52 = arith.remsi %sub3A_49, %rem3A_51 : i32
        %dma_start3A = arith.constant 0 : i32
        %dma_start3A_53 = arith.constant 0 : i32
        %dma_start3A_54 = tpu.memref_slice %arg5[%rem3A_52, %dma_start3A, %dma_start3A_53] : memref<32x16x128xf32, #tpu.memory_space<vmem>> -> memref<1x16x128xf32, #tpu.memory_space<vmem>>
        %dma_start3A_55 = tpu.memref_squeeze %dma_start3A_54 : memref<1x16x128xf32, #tpu.memory_space<vmem>> -> memref<16x128xf32, #tpu.memory_space<vmem>>
        %dma_start3A_56 = arith.constant 0 : i32
        %dma_start3A_57 = arith.constant 0 : i32
        %dma_start3A_58 = tpu.memref_slice %arg4[%add3A_50, %dma_start3A_56, %dma_start3A_57] : memref<7813x16x128xf32, #tpu.memory_space<hbm>> -> memref<1x16x128xf32, #tpu.memory_space<hbm>>
        %dma_start3A_59 = tpu.memref_squeeze %dma_start3A_58 : memref<1x16x128xf32, #tpu.memory_space<hbm>> -> memref<16x128xf32, #tpu.memory_space<hbm>>
        %dma_start3A_60 = arith.constant 0 : i32
        %dma_start3A_61 = arith.constant 0 : i32
        %dma_start3A_62 = tpu.memref_slice %arg4[%add3A_50, %dma_start3A_60, %dma_start3A_61] : memref<7813x16x128xf32, #tpu.memory_space<hbm>> -> memref<1x16x128xf32, #tpu.memory_space<hbm>>
        %dma_start3A_63 = tpu.memref_squeeze %dma_start3A_62 : memref<1x16x128xf32, #tpu.memory_space<hbm>> -> memref<16x128xf32, #tpu.memory_space<hbm>>
        %dma_start3A_64 = arith.constant 0 : i32
        %dma_start3A_65 = arith.constant 0 : i32
        %dma_start3A_66 = tpu.memref_slice %arg5[%rem3A_52, %dma_start3A_64, %dma_start3A_65] : memref<32x16x128xf32, #tpu.memory_space<vmem>> -> memref<1x16x128xf32, #tpu.memory_space<vmem>>
        %dma_start3A_67 = tpu.memref_squeeze %dma_start3A_66 : memref<1x16x128xf32, #tpu.memory_space<vmem>> -> memref<16x128xf32, #tpu.memory_space<vmem>>
        tpu.enqueue_dma source(%dma_start3A_67 : memref<16x128xf32, #tpu.memory_space<vmem>>) target(%dma_start3A_63 : memref<16x128xf32, #tpu.memory_space<hbm>>) target_semaphore(%arg7 : memref<!tpu.dma_semaphore, #tpu.memory_space<semaphore_mem>>)
      } else {
      }
    }
    %scan3A = arith.constant 0 : i32
    %scan3A_17 = arith.constant 0 : i32
    %scan3A_18 = arith.constant 16 : i32
    %scan3A_19 = arith.addi %scan3A_17, %scan3A_18 : i32
    %scan3A_20 = arith.constant 1 : i32
    scf.for %scan3A_22 = %scan3A_17 to %scan3A_19 step %scan3A_20  : i32 {
      %min3A_23 = arith.constant 16 : i32
      %min3A_24 = arith.minsi %max3A_5, %min3A_23 : i32
      %lt3A = arith.cmpi slt, %scan3A_22, %min3A_24 : i32
      %convert_element_type3A = arith.extui %lt3A : i1 to i32
      %cond3A = arith.constant 0 : i32
      %cond3A_25 = arith.cmpi ne, %convert_element_type3A, %cond3A : i32
      scf.if %cond3A_25 {
        %dma_wait3A = arith.constant 0 : i32
        %dma_wait3A_26 = arith.constant 0 : i32
        %dma_wait3A_27 = arith.constant 0 : i32
        %dma_wait3A_28 = tpu.memref_slice %arg5[%dma_wait3A, %dma_wait3A_26, %dma_wait3A_27] : memref<32x16x128xf32, #tpu.memory_space<vmem>> -> memref<1x16x128xf32, #tpu.memory_space<vmem>>
        %dma_wait3A_29 = tpu.memref_squeeze %dma_wait3A_28 : memref<1x16x128xf32, #tpu.memory_space<vmem>> -> memref<16x128xf32, #tpu.memory_space<vmem>>
        %dma_wait3A_30 = arith.constant 0 : i32
        %dma_wait3A_31 = arith.constant 0 : i32
        %dma_wait3A_32 = tpu.memref_slice %arg4[%add3A, %dma_wait3A_30, %dma_wait3A_31] : memref<7813x16x128xf32, #tpu.memory_space<hbm>> -> memref<1x16x128xf32, #tpu.memory_space<hbm>>
        %dma_wait3A_33 = tpu.memref_squeeze %dma_wait3A_32 : memref<1x16x128xf32, #tpu.memory_space<hbm>> -> memref<16x128xf32, #tpu.memory_space<hbm>>
        %dma_wait3A_34 = arith.constant 0 : i32
        %dma_wait3A_35 = arith.constant 0 : i32
        %dma_wait3A_36 = tpu.memref_slice %arg4[%add3A, %dma_wait3A_34, %dma_wait3A_35] : memref<7813x16x128xf32, #tpu.memory_space<hbm>> -> memref<1x16x128xf32, #tpu.memory_space<hbm>>
        %dma_wait3A_37 = tpu.memref_squeeze %dma_wait3A_36 : memref<1x16x128xf32, #tpu.memory_space<hbm>> -> memref<16x128xf32, #tpu.memory_space<hbm>>
        %dma_wait3A_38 = arith.constant 0 : i32
        %dma_wait3A_39 = arith.constant 0 : i32
        %dma_wait3A_40 = tpu.memref_slice %arg5[%dma_wait3A, %dma_wait3A_38, %dma_wait3A_39] : memref<32x16x128xf32, #tpu.memory_space<vmem>> -> memref<1x16x128xf32, #tpu.memory_space<vmem>>
        %dma_wait3A_41 = tpu.memref_squeeze %dma_wait3A_40 : memref<1x16x128xf32, #tpu.memory_space<vmem>> -> memref<16x128xf32, #tpu.memory_space<vmem>>
        tpu.wait_dma2 semaphore(%arg7 : memref<!tpu.dma_semaphore, #tpu.memory_space<semaphore_mem>>) src(%dma_wait3A_41 : memref<16x128xf32, #tpu.memory_space<vmem>>) dst(%dma_wait3A_37 : memref<16x128xf32, #tpu.memory_space<hbm>>)
      } else {
      }
    }
    %scan3A_21 = arith.constant 16 : i32
    return
  }
}

#map = affine_map<(d0, d1) -> (0)>
#map1 = affine_map<(d0, d1) -> (0, 0)>
module attributes {stable_mosaic.version = 14 : i64} {
  func.func @_gather_body(%arg0: i32, %arg1: i32, %arg2: memref<16001024xf32, #tpu.memory_space<hbm>>, %arg3: memref<16384xi32, #tpu.memory_space<hbm>>, %arg4: memref<16x16384xf32, #tpu.memory_space<hbm>>, %arg5: memref<512xi32, #tpu.memory_space<vmem>>, %arg6: memref<16x512xi32, #tpu.memory_space<vmem>>, %arg7: memref<16x512xf32, #tpu.memory_space<vmem>>, %arg8: memref<!tpu.dma_semaphore, #tpu.memory_space<semaphore_mem>>, %arg9: memref<!tpu.dma_semaphore, #tpu.memory_space<semaphore_mem>>, %arg10: memref<!tpu.dma_semaphore, #tpu.memory_space<semaphore_mem>>) attributes {dimension_semantics = [#tpu.dimension_semantics<core_parallel>, #tpu.dimension_semantics<subcore_parallel>], iteration_bounds = array<i64: 2, 16>, scalar_prefetch = 0 : i64, scratch_operands = 6 : i64, tpu.core_type = #tpu.core_type<sc_vector_subcore>, window_params = [{transform_indices = #map}, {transform_indices = #map}, {transform_indices = #map1}]} {
    %mul3A = arith.constant 2 : i32
    %mul3A_0 = arith.muli %arg1, %mul3A : i32
    %add3A = arith.addi %mul3A_0, %arg0 : i32
    %mul3A_1 = arith.constant 512 : i32
    %mul3A_2 = arith.muli %add3A, %mul3A_1 : i32
    %dma_start3A = tpu.memref_slice %arg3[%mul3A_2] : memref<16384xi32, #tpu.memory_space<hbm>> -> memref<512xi32, #tpu.memory_space<hbm>>
    %dma_start3A_3 = tpu.memref_slice %arg3[%mul3A_2] : memref<16384xi32, #tpu.memory_space<hbm>> -> memref<512xi32, #tpu.memory_space<hbm>>
    tpu.enqueue_dma source(%dma_start3A_3 : memref<512xi32, #tpu.memory_space<hbm>>) target(%arg5 : memref<512xi32, #tpu.memory_space<vmem>>) target_semaphore(%arg8 : memref<!tpu.dma_semaphore, #tpu.memory_space<semaphore_mem>>)
    %dma_wait3A = tpu.memref_slice %arg3[%mul3A_2] : memref<16384xi32, #tpu.memory_space<hbm>> -> memref<512xi32, #tpu.memory_space<hbm>>
    %dma_wait3A_4 = tpu.memref_slice %arg3[%mul3A_2] : memref<16384xi32, #tpu.memory_space<hbm>> -> memref<512xi32, #tpu.memory_space<hbm>>
    tpu.wait_dma2 semaphore(%arg8 : memref<!tpu.dma_semaphore, #tpu.memory_space<semaphore_mem>>) src(%dma_wait3A_4 : memref<512xi32, #tpu.memory_space<hbm>>) dst(%arg5 : memref<512xi32, #tpu.memory_space<vmem>>)
    %scan3A = arith.constant 0 : i32
    %scan3A_5 = arith.constant 0 : i32
    %scan3A_6 = arith.constant 16 : i32
    %scan3A_7 = arith.addi %scan3A_5, %scan3A_6 : i32
    %scan3A_8 = arith.constant 1 : i32
    scf.for %scan3A_1456 = %scan3A_5 to %scan3A_7 step %scan3A_8  : i32 {
      %mul3A_1457 = arith.constant 16 : i32
      %mul3A_1458 = arith.muli %scan3A_1456, %mul3A_1457 : i32
      %get3A = arith.index_cast %mul3A_1458 : i32 to index
      %get3A_1459 = tpu.vector_load %arg5[%get3A] {strides = array<i32>} : memref<512xi32, #tpu.memory_space<vmem>>, vector<16xi32>,
      %get3A_1460 = vector.shape_cast %get3A_1459 : vector<16xi32> to vector<16xi32>
      %shift_right_logical3A = arith.constant 7 : i32
      %shift_right_logical3A_1461 = vector.broadcast %shift_right_logical3A : i32 to vector<16xi32>
      %shift_right_logical3A_1462 = arith.shrui %get3A_1460, %shift_right_logical3A_1461 : vector<16xi32>
      %and3A = arith.constant 127 : i32
      %and3A_1463 = vector.broadcast %and3A : i32 to vector<16xi32>
      %and3A_1464 = arith.andi %get3A_1460, %and3A_1463 : vector<16xi32>
      %shift_right_logical3A_1465 = arith.constant 0 : i32
      %shift_right_logical3A_1466 = vector.broadcast %shift_right_logical3A_1465 : i32 to vector<16xi32>
      %shift_right_logical3A_1467 = arith.shrui %shift_right_logical3A_1462, %shift_right_logical3A_1466 : vector<16xi32>
      %and3A_1468 = arith.constant 0 : i32
      %and3A_1469 = vector.broadcast %and3A_1468 : i32 to vector<16xi32>
      %and3A_1470 = arith.andi %shift_right_logical3A_1462, %and3A_1469 : vector<16xi32>
      %mul3A_1471 = arith.constant 2048 : i32
      %mul3A_1472 = vector.broadcast %mul3A_1471 : i32 to vector<16xi32>
      %mul3A_1473 = arith.muli %shift_right_logical3A_1467, %mul3A_1472 : vector<16xi32>
      %mul3A_1474 = arith.constant 128 : i32
      %mul3A_1475 = vector.broadcast %mul3A_1474 : i32 to vector<16xi32>
      %mul3A_1476 = arith.muli %and3A_1470, %mul3A_1475 : vector<16xi32>
      %add3A_1477 = arith.addi %mul3A_1473, %mul3A_1476 : vector<16xi32>
      %add3A_1478 = arith.addi %add3A_1477, %and3A_1464 : vector<16xi32>
      %add3A_1479 = arith.constant 0 : i32
      %add3A_1480 = vector.broadcast %add3A_1479 : i32 to vector<16xi32>
      %add3A_1481 = arith.addi %add3A_1478, %add3A_1480 : vector<16xi32>
      %mul3A_1482 = arith.constant 16 : i32
      %mul3A_1483 = arith.muli %scan3A_1456, %mul3A_1482 : i32
      %swap3A = arith.constant 0 : i32
      %swap3A_1484 = arith.index_cast %swap3A : i32 to index
      %swap3A_1485 = arith.index_cast %mul3A_1483 : i32 to index
      %swap3A_1486 = tpu.vector_load %arg6[%swap3A_1484, %swap3A_1485] {strides = array<i32>} : memref<16x512xi32, #tpu.memory_space<vmem>>, vector<1x16xi32>,
      %swap3A_1487 = vector.shape_cast %swap3A_1486 : vector<1x16xi32> to vector<16xi32>
      %swap3A_1488 = vector.shape_cast %add3A_1481 : vector<16xi32> to vector<1x16xi32>
      tpu.vector_store %arg6[%swap3A_1484, %swap3A_1485], %swap3A_1488 {strides = array<i32>} : memref<16x512xi32, #tpu.memory_space<vmem>>, vector<1x16xi32>,
      %add3A_1489 = arith.constant 128 : i32
      %add3A_1490 = vector.broadcast %add3A_1489 : i32 to vector<16xi32>
      %add3A_1491 = arith.addi %add3A_1478, %add3A_1490 : vector<16xi32>
      %mul3A_1492 = arith.constant 16 : i32
      %mul3A_1493 = arith.muli %scan3A_1456, %mul3A_1492 : i32
      %swap3A_1494 = arith.constant 1 : i32
      %swap3A_1495 = arith.index_cast %swap3A_1494 : i32 to index
      %swap3A_1496 = arith.index_cast %mul3A_1493 : i32 to index
      %swap3A_1497 = tpu.vector_load %arg6[%swap3A_1495, %swap3A_1496] {strides = array<i32>} : memref<16x512xi32, #tpu.memory_space<vmem>>, vector<1x16xi32>,
      %swap3A_1498 = vector.shape_cast %swap3A_1497 : vector<1x16xi32> to vector<16xi32>
      %swap3A_1499 = vector.shape_cast %add3A_1491 : vector<16xi32> to vector<1x16xi32>
      tpu.vector_store %arg6[%swap3A_1495, %swap3A_1496], %swap3A_1499 {strides = array<i32>} : memref<16x512xi32, #tpu.memory_space<vmem>>, vector<1x16xi32>,
      %add3A_1500 = arith.constant 256 : i32
      %add3A_1501 = vector.broadcast %add3A_1500 : i32 to vector<16xi32>
      %add3A_1502 = arith.addi %add3A_1478, %add3A_1501 : vector<16xi32>
      %mul3A_1503 = arith.constant 16 : i32
      %mul3A_1504 = arith.muli %scan3A_1456, %mul3A_1503 : i32
      %swap3A_1505 = arith.constant 2 : i32
      %swap3A_1506 = arith.index_cast %swap3A_1505 : i32 to index
      %swap3A_1507 = arith.index_cast %mul3A_1504 : i32 to index
      %swap3A_1508 = tpu.vector_load %arg6[%swap3A_1506, %swap3A_1507] {strides = array<i32>} : memref<16x512xi32, #tpu.memory_space<vmem>>, vector<1x16xi32>,
      %swap3A_1509 = vector.shape_cast %swap3A_1508 : vector<1x16xi32> to vector<16xi32>
      %swap3A_1510 = vector.shape_cast %add3A_1502 : vector<16xi32> to vector<1x16xi32>
      tpu.vector_store %arg6[%swap3A_1506, %swap3A_1507], %swap3A_1510 {strides = array<i32>} : memref<16x512xi32, #tpu.memory_space<vmem>>, vector<1x16xi32>,
      %add3A_1511 = arith.constant 384 : i32
      %add3A_1512 = vector.broadcast %add3A_1511 : i32 to vector<16xi32>
      %add3A_1513 = arith.addi %add3A_1478, %add3A_1512 : vector<16xi32>
      %mul3A_1514 = arith.constant 16 : i32
      %mul3A_1515 = arith.muli %scan3A_1456, %mul3A_1514 : i32
      %swap3A_1516 = arith.constant 3 : i32
      %swap3A_1517 = arith.index_cast %swap3A_1516 : i32 to index
      %swap3A_1518 = arith.index_cast %mul3A_1515 : i32 to index
      %swap3A_1519 = tpu.vector_load %arg6[%swap3A_1517, %swap3A_1518] {strides = array<i32>} : memref<16x512xi32, #tpu.memory_space<vmem>>, vector<1x16xi32>,
      %swap3A_1520 = vector.shape_cast %swap3A_1519 : vector<1x16xi32> to vector<16xi32>
      %swap3A_1521 = vector.shape_cast %add3A_1513 : vector<16xi32> to vector<1x16xi32>
      tpu.vector_store %arg6[%swap3A_1517, %swap3A_1518], %swap3A_1521 {strides = array<i32>} : memref<16x512xi32, #tpu.memory_space<vmem>>, vector<1x16xi32>,
      %add3A_1522 = arith.constant 512 : i32
      %add3A_1523 = vector.broadcast %add3A_1522 : i32 to vector<16xi32>
      %add3A_1524 = arith.addi %add3A_1478, %add3A_1523 : vector<16xi32>
      %mul3A_1525 = arith.constant 16 : i32
      %mul3A_1526 = arith.muli %scan3A_1456, %mul3A_1525 : i32
      %swap3A_1527 = arith.constant 4 : i32
      %swap3A_1528 = arith.index_cast %swap3A_1527 : i32 to index
      %swap3A_1529 = arith.index_cast %mul3A_1526 : i32 to index
      %swap3A_1530 = tpu.vector_load %arg6[%swap3A_1528, %swap3A_1529] {strides = array<i32>} : memref<16x512xi32, #tpu.memory_space<vmem>>, vector<1x16xi32>,
      %swap3A_1531 = vector.shape_cast %swap3A_1530 : vector<1x16xi32> to vector<16xi32>
      %swap3A_1532 = vector.shape_cast %add3A_1524 : vector<16xi32> to vector<1x16xi32>
      tpu.vector_store %arg6[%swap3A_1528, %swap3A_1529], %swap3A_1532 {strides = array<i32>} : memref<16x512xi32, #tpu.memory_space<vmem>>, vector<1x16xi32>,
      %add3A_1533 = arith.constant 640 : i32
      %add3A_1534 = vector.broadcast %add3A_1533 : i32 to vector<16xi32>
      %add3A_1535 = arith.addi %add3A_1478, %add3A_1534 : vector<16xi32>
      %mul3A_1536 = arith.constant 16 : i32
      %mul3A_1537 = arith.muli %scan3A_1456, %mul3A_1536 : i32
      %swap3A_1538 = arith.constant 5 : i32
      %swap3A_1539 = arith.index_cast %swap3A_1538 : i32 to index
      %swap3A_1540 = arith.index_cast %mul3A_1537 : i32 to index
      %swap3A_1541 = tpu.vector_load %arg6[%swap3A_1539, %swap3A_1540] {strides = array<i32>} : memref<16x512xi32, #tpu.memory_space<vmem>>, vector<1x16xi32>,
      %swap3A_1542 = vector.shape_cast %swap3A_1541 : vector<1x16xi32> to vector<16xi32>
      %swap3A_1543 = vector.shape_cast %add3A_1535 : vector<16xi32> to vector<1x16xi32>
      tpu.vector_store %arg6[%swap3A_1539, %swap3A_1540], %swap3A_1543 {strides = array<i32>} : memref<16x512xi32, #tpu.memory_space<vmem>>, vector<1x16xi32>,
      %add3A_1544 = arith.constant 768 : i32
      %add3A_1545 = vector.broadcast %add3A_1544 : i32 to vector<16xi32>
      %add3A_1546 = arith.addi %add3A_1478, %add3A_1545 : vector<16xi32>
      %mul3A_1547 = arith.constant 16 : i32
      %mul3A_1548 = arith.muli %scan3A_1456, %mul3A_1547 : i32
      %swap3A_1549 = arith.constant 6 : i32
      %swap3A_1550 = arith.index_cast %swap3A_1549 : i32 to index
      %swap3A_1551 = arith.index_cast %mul3A_1548 : i32 to index
      %swap3A_1552 = tpu.vector_load %arg6[%swap3A_1550, %swap3A_1551] {strides = array<i32>} : memref<16x512xi32, #tpu.memory_space<vmem>>, vector<1x16xi32>,
      %swap3A_1553 = vector.shape_cast %swap3A_1552 : vector<1x16xi32> to vector<16xi32>
      %swap3A_1554 = vector.shape_cast %add3A_1546 : vector<16xi32> to vector<1x16xi32>
      tpu.vector_store %arg6[%swap3A_1550, %swap3A_1551], %swap3A_1554 {strides = array<i32>} : memref<16x512xi32, #tpu.memory_space<vmem>>, vector<1x16xi32>,
      %add3A_1555 = arith.constant 896 : i32
      %add3A_1556 = vector.broadcast %add3A_1555 : i32 to vector<16xi32>
      %add3A_1557 = arith.addi %add3A_1478, %add3A_1556 : vector<16xi32>
      %mul3A_1558 = arith.constant 16 : i32
      %mul3A_1559 = arith.muli %scan3A_1456, %mul3A_1558 : i32
      %swap3A_1560 = arith.constant 7 : i32
      %swap3A_1561 = arith.index_cast %swap3A_1560 : i32 to index
      %swap3A_1562 = arith.index_cast %mul3A_1559 : i32 to index
      %swap3A_1563 = tpu.vector_load %arg6[%swap3A_1561, %swap3A_1562] {strides = array<i32>} : memref<16x512xi32, #tpu.memory_space<vmem>>, vector<1x16xi32>,
      %swap3A_1564 = vector.shape_cast %swap3A_1563 : vector<1x16xi32> to vector<16xi32>
      %swap3A_1565 = vector.shape_cast %add3A_1557 : vector<16xi32> to vector<1x16xi32>
      tpu.vector_store %arg6[%swap3A_1561, %swap3A_1562], %swap3A_1565 {strides = array<i32>} : memref<16x512xi32, #tpu.memory_space<vmem>>, vector<1x16xi32>,
      %add3A_1566 = arith.constant 1024 : i32
      %add3A_1567 = vector.broadcast %add3A_1566 : i32 to vector<16xi32>
      %add3A_1568 = arith.addi %add3A_1478, %add3A_1567 : vector<16xi32>
      %mul3A_1569 = arith.constant 16 : i32
      %mul3A_1570 = arith.muli %scan3A_1456, %mul3A_1569 : i32
      %swap3A_1571 = arith.constant 8 : i32
      %swap3A_1572 = arith.index_cast %swap3A_1571 : i32 to index
      %swap3A_1573 = arith.index_cast %mul3A_1570 : i32 to index
      %swap3A_1574 = tpu.vector_load %arg6[%swap3A_1572, %swap3A_1573] {strides = array<i32>} : memref<16x512xi32, #tpu.memory_space<vmem>>, vector<1x16xi32>,
      %swap3A_1575 = vector.shape_cast %swap3A_1574 : vector<1x16xi32> to vector<16xi32>
      %swap3A_1576 = vector.shape_cast %add3A_1568 : vector<16xi32> to vector<1x16xi32>
      tpu.vector_store %arg6[%swap3A_1572, %swap3A_1573], %swap3A_1576 {strides = array<i32>} : memref<16x512xi32, #tpu.memory_space<vmem>>, vector<1x16xi32>,
      %add3A_1577 = arith.constant 1152 : i32
      %add3A_1578 = vector.broadcast %add3A_1577 : i32 to vector<16xi32>
      %add3A_1579 = arith.addi %add3A_1478, %add3A_1578 : vector<16xi32>
      %mul3A_1580 = arith.constant 16 : i32
      %mul3A_1581 = arith.muli %scan3A_1456, %mul3A_1580 : i32
      %swap3A_1582 = arith.constant 9 : i32
      %swap3A_1583 = arith.index_cast %swap3A_1582 : i32 to index
      %swap3A_1584 = arith.index_cast %mul3A_1581 : i32 to index
      %swap3A_1585 = tpu.vector_load %arg6[%swap3A_1583, %swap3A_1584] {strides = array<i32>} : memref<16x512xi32, #tpu.memory_space<vmem>>, vector<1x16xi32>,
      %swap3A_1586 = vector.shape_cast %swap3A_1585 : vector<1x16xi32> to vector<16xi32>
      %swap3A_1587 = vector.shape_cast %add3A_1579 : vector<16xi32> to vector<1x16xi32>
      tpu.vector_store %arg6[%swap3A_1583, %swap3A_1584], %swap3A_1587 {strides = array<i32>} : memref<16x512xi32, #tpu.memory_space<vmem>>, vector<1x16xi32>,
      %add3A_1588 = arith.constant 1280 : i32
      %add3A_1589 = vector.broadcast %add3A_1588 : i32 to vector<16xi32>
      %add3A_1590 = arith.addi %add3A_1478, %add3A_1589 : vector<16xi32>
      %mul3A_1591 = arith.constant 16 : i32
      %mul3A_1592 = arith.muli %scan3A_1456, %mul3A_1591 : i32
      %swap3A_1593 = arith.constant 10 : i32
      %swap3A_1594 = arith.index_cast %swap3A_1593 : i32 to index
      %swap3A_1595 = arith.index_cast %mul3A_1592 : i32 to index
      %swap3A_1596 = tpu.vector_load %arg6[%swap3A_1594, %swap3A_1595] {strides = array<i32>} : memref<16x512xi32, #tpu.memory_space<vmem>>, vector<1x16xi32>,
      %swap3A_1597 = vector.shape_cast %swap3A_1596 : vector<1x16xi32> to vector<16xi32>
      %swap3A_1598 = vector.shape_cast %add3A_1590 : vector<16xi32> to vector<1x16xi32>
      tpu.vector_store %arg6[%swap3A_1594, %swap3A_1595], %swap3A_1598 {strides = array<i32>} : memref<16x512xi32, #tpu.memory_space<vmem>>, vector<1x16xi32>,
      %add3A_1599 = arith.constant 1408 : i32
      %add3A_1600 = vector.broadcast %add3A_1599 : i32 to vector<16xi32>
      %add3A_1601 = arith.addi %add3A_1478, %add3A_1600 : vector<16xi32>
      %mul3A_1602 = arith.constant 16 : i32
      %mul3A_1603 = arith.muli %scan3A_1456, %mul3A_1602 : i32
      %swap3A_1604 = arith.constant 11 : i32
      %swap3A_1605 = arith.index_cast %swap3A_1604 : i32 to index
      %swap3A_1606 = arith.index_cast %mul3A_1603 : i32 to index
      %swap3A_1607 = tpu.vector_load %arg6[%swap3A_1605, %swap3A_1606] {strides = array<i32>} : memref<16x512xi32, #tpu.memory_space<vmem>>, vector<1x16xi32>,
      %swap3A_1608 = vector.shape_cast %swap3A_1607 : vector<1x16xi32> to vector<16xi32>
      %swap3A_1609 = vector.shape_cast %add3A_1601 : vector<16xi32> to vector<1x16xi32>
      tpu.vector_store %arg6[%swap3A_1605, %swap3A_1606], %swap3A_1609 {strides = array<i32>} : memref<16x512xi32, #tpu.memory_space<vmem>>, vector<1x16xi32>,
      %add3A_1610 = arith.constant 1536 : i32
      %add3A_1611 = vector.broadcast %add3A_1610 : i32 to vector<16xi32>
      %add3A_1612 = arith.addi %add3A_1478, %add3A_1611 : vector<16xi32>
      %mul3A_1613 = arith.constant 16 : i32
      %mul3A_1614 = arith.muli %scan3A_1456, %mul3A_1613 : i32
      %swap3A_1615 = arith.constant 12 : i32
      %swap3A_1616 = arith.index_cast %swap3A_1615 : i32 to index
      %swap3A_1617 = arith.index_cast %mul3A_1614 : i32 to index
      %swap3A_1618 = tpu.vector_load %arg6[%swap3A_1616, %swap3A_1617] {strides = array<i32>} : memref<16x512xi32, #tpu.memory_space<vmem>>, vector<1x16xi32>,
      %swap3A_1619 = vector.shape_cast %swap3A_1618 : vector<1x16xi32> to vector<16xi32>
      %swap3A_1620 = vector.shape_cast %add3A_1612 : vector<16xi32> to vector<1x16xi32>
      tpu.vector_store %arg6[%swap3A_1616, %swap3A_1617], %swap3A_1620 {strides = array<i32>} : memref<16x512xi32, #tpu.memory_space<vmem>>, vector<1x16xi32>,
      %add3A_1621 = arith.constant 1664 : i32
      %add3A_1622 = vector.broadcast %add3A_1621 : i32 to vector<16xi32>
      %add3A_1623 = arith.addi %add3A_1478, %add3A_1622 : vector<16xi32>
      %mul3A_1624 = arith.constant 16 : i32
      %mul3A_1625 = arith.muli %scan3A_1456, %mul3A_1624 : i32
      %swap3A_1626 = arith.constant 13 : i32
      %swap3A_1627 = arith.index_cast %swap3A_1626 : i32 to index
      %swap3A_1628 = arith.index_cast %mul3A_1625 : i32 to index
      %swap3A_1629 = tpu.vector_load %arg6[%swap3A_1627, %swap3A_1628] {strides = array<i32>} : memref<16x512xi32, #tpu.memory_space<vmem>>, vector<1x16xi32>,
      %swap3A_1630 = vector.shape_cast %swap3A_1629 : vector<1x16xi32> to vector<16xi32>
      %swap3A_1631 = vector.shape_cast %add3A_1623 : vector<16xi32> to vector<1x16xi32>
      tpu.vector_store %arg6[%swap3A_1627, %swap3A_1628], %swap3A_1631 {strides = array<i32>} : memref<16x512xi32, #tpu.memory_space<vmem>>, vector<1x16xi32>,
      %add3A_1632 = arith.constant 1792 : i32
      %add3A_1633 = vector.broadcast %add3A_1632 : i32 to vector<16xi32>
      %add3A_1634 = arith.addi %add3A_1478, %add3A_1633 : vector<16xi32>
      %mul3A_1635 = arith.constant 16 : i32
      %mul3A_1636 = arith.muli %scan3A_1456, %mul3A_1635 : i32
      %swap3A_1637 = arith.constant 14 : i32
      %swap3A_1638 = arith.index_cast %swap3A_1637 : i32 to index
      %swap3A_1639 = arith.index_cast %mul3A_1636 : i32 to index
      %swap3A_1640 = tpu.vector_load %arg6[%swap3A_1638, %swap3A_1639] {strides = array<i32>} : memref<16x512xi32, #tpu.memory_space<vmem>>, vector<1x16xi32>,
      %swap3A_1641 = vector.shape_cast %swap3A_1640 : vector<1x16xi32> to vector<16xi32>
      %swap3A_1642 = vector.shape_cast %add3A_1634 : vector<16xi32> to vector<1x16xi32>
      tpu.vector_store %arg6[%swap3A_1638, %swap3A_1639], %swap3A_1642 {strides = array<i32>} : memref<16x512xi32, #tpu.memory_space<vmem>>, vector<1x16xi32>,
      %add3A_1643 = arith.constant 1920 : i32
      %add3A_1644 = vector.broadcast %add3A_1643 : i32 to vector<16xi32>
      %add3A_1645 = arith.addi %add3A_1478, %add3A_1644 : vector<16xi32>
      %mul3A_1646 = arith.constant 16 : i32
      %mul3A_1647 = arith.muli %scan3A_1456, %mul3A_1646 : i32
      %swap3A_1648 = arith.constant 15 : i32
      %swap3A_1649 = arith.index_cast %swap3A_1648 : i32 to index
      %swap3A_1650 = arith.index_cast %mul3A_1647 : i32 to index
      %swap3A_1651 = tpu.vector_load %arg6[%swap3A_1649, %swap3A_1650] {strides = array<i32>} : memref<16x512xi32, #tpu.memory_space<vmem>>, vector<1x16xi32>,
      %swap3A_1652 = vector.shape_cast %swap3A_1651 : vector<1x16xi32> to vector<16xi32>
      %swap3A_1653 = vector.shape_cast %add3A_1645 : vector<16xi32> to vector<1x16xi32>
      tpu.vector_store %arg6[%swap3A_1649, %swap3A_1650], %swap3A_1653 {strides = array<i32>} : memref<16x512xi32, #tpu.memory_space<vmem>>, vector<1x16xi32>,
    }
    %scan3A_9 = arith.constant 16 : i32
    %dma_start3A_10 = arith.constant 0 : i32
    %dma_start3A_11 = arith.constant 0 : i32
    %dma_start3A_12 = arith.constant 0 : i32
    %dma_start3A_13 = tpu.memref_slice %arg7[%dma_start3A_11, %dma_start3A_12] : memref<16x512xf32, #tpu.memory_space<vmem>> -> memref<1x256xf32, #tpu.memory_space<vmem>>
    %dma_start3A_14 = tpu.memref_squeeze %dma_start3A_13 : memref<1x256xf32, #tpu.memory_space<vmem>> -> memref<256xf32, #tpu.memory_space<vmem>>
    %dma_start3A_15 = arith.constant 0 : i32
    %dma_start3A_16 = tpu.memref_slice %arg6[%dma_start3A_10, %dma_start3A_15] : memref<16x512xi32, #tpu.memory_space<vmem>> -> memref<1x256xi32, #tpu.memory_space<vmem>>
    %dma_start3A_17 = tpu.memref_squeeze %dma_start3A_16 : memref<1x256xi32, #tpu.memory_space<vmem>> -> memref<256xi32, #tpu.memory_space<vmem>>
    %dma_start3A_18 = arith.constant 0 : i32
    %dma_start3A_19 = tpu.memref_slice %arg2[%dma_start3A_18] : memref<16001024xf32, #tpu.memory_space<hbm>> -> memref<16001024xf32, #tpu.memory_space<hbm>>
    tpu.enqueue_indirect_dma source(%dma_start3A_19 : memref<16001024xf32, #tpu.memory_space<hbm>>) target(%dma_start3A_14 : memref<256xf32, #tpu.memory_space<vmem>>) offsets(%dma_start3A_17 : memref<256xi32, #tpu.memory_space<vmem>>) semaphore(%arg9 : memref<!tpu.dma_semaphore, #tpu.memory_space<semaphore_mem>>)
    %dma_start3A_20 = arith.constant 1 : i32
    %dma_start3A_21 = arith.constant 1 : i32
    %dma_start3A_22 = arith.constant 0 : i32
    %dma_start3A_23 = tpu.memref_slice %arg7[%dma_start3A_21, %dma_start3A_22] : memref<16x512xf32, #tpu.memory_space<vmem>> -> memref<1x256xf32, #tpu.memory_space<vmem>>
    %dma_start3A_24 = tpu.memref_squeeze %dma_start3A_23 : memref<1x256xf32, #tpu.memory_space<vmem>> -> memref<256xf32, #tpu.memory_space<vmem>>
    %dma_start3A_25 = arith.constant 0 : i32
    %dma_start3A_26 = tpu.memref_slice %arg6[%dma_start3A_20, %dma_start3A_25] : memref<16x512xi32, #tpu.memory_space<vmem>> -> memref<1x256xi32, #tpu.memory_space<vmem>>
    %dma_start3A_27 = tpu.memref_squeeze %dma_start3A_26 : memref<1x256xi32, #tpu.memory_space<vmem>> -> memref<256xi32, #tpu.memory_space<vmem>>
    %dma_start3A_28 = arith.constant 0 : i32
    %dma_start3A_29 = tpu.memref_slice %arg2[%dma_start3A_28] : memref<16001024xf32, #tpu.memory_space<hbm>> -> memref<16001024xf32, #tpu.memory_space<hbm>>
    tpu.enqueue_indirect_dma source(%dma_start3A_29 : memref<16001024xf32, #tpu.memory_space<hbm>>) target(%dma_start3A_24 : memref<256xf32, #tpu.memory_space<vmem>>) offsets(%dma_start3A_27 : memref<256xi32, #tpu.memory_space<vmem>>) semaphore(%arg9 : memref<!tpu.dma_semaphore, #tpu.memory_space<semaphore_mem>>)
    %dma_start3A_30 = arith.constant 2 : i32
    %dma_start3A_31 = arith.constant 2 : i32
    %dma_start3A_32 = arith.constant 0 : i32
    %dma_start3A_33 = tpu.memref_slice %arg7[%dma_start3A_31, %dma_start3A_32] : memref<16x512xf32, #tpu.memory_space<vmem>> -> memref<1x256xf32, #tpu.memory_space<vmem>>
    %dma_start3A_34 = tpu.memref_squeeze %dma_start3A_33 : memref<1x256xf32, #tpu.memory_space<vmem>> -> memref<256xf32, #tpu.memory_space<vmem>>
    %dma_start3A_35 = arith.constant 0 : i32
    %dma_start3A_36 = tpu.memref_slice %arg6[%dma_start3A_30, %dma_start3A_35] : memref<16x512xi32, #tpu.memory_space<vmem>> -> memref<1x256xi32, #tpu.memory_space<vmem>>
    %dma_start3A_37 = tpu.memref_squeeze %dma_start3A_36 : memref<1x256xi32, #tpu.memory_space<vmem>> -> memref<256xi32, #tpu.memory_space<vmem>>
    %dma_start3A_38 = arith.constant 0 : i32
    %dma_start3A_39 = tpu.memref_slice %arg2[%dma_start3A_38] : memref<16001024xf32, #tpu.memory_space<hbm>> -> memref<16001024xf32, #tpu.memory_space<hbm>>
    tpu.enqueue_indirect_dma source(%dma_start3A_39 : memref<16001024xf32, #tpu.memory_space<hbm>>) target(%dma_start3A_34 : memref<256xf32, #tpu.memory_space<vmem>>) offsets(%dma_start3A_37 : memref<256xi32, #tpu.memory_space<vmem>>) semaphore(%arg9 : memref<!tpu.dma_semaphore, #tpu.memory_space<semaphore_mem>>)
    %dma_start3A_40 = arith.constant 3 : i32
    %dma_start3A_41 = arith.constant 3 : i32
    %dma_start3A_42 = arith.constant 0 : i32
    %dma_start3A_43 = tpu.memref_slice %arg7[%dma_start3A_41, %dma_start3A_42] : memref<16x512xf32, #tpu.memory_space<vmem>> -> memref<1x256xf32, #tpu.memory_space<vmem>>
    %dma_start3A_44 = tpu.memref_squeeze %dma_start3A_43 : memref<1x256xf32, #tpu.memory_space<vmem>> -> memref<256xf32, #tpu.memory_space<vmem>>
    %dma_start3A_45 = arith.constant 0 : i32
    %dma_start3A_46 = tpu.memref_slice %arg6[%dma_start3A_40, %dma_start3A_45] : memref<16x512xi32, #tpu.memory_space<vmem>> -> memref<1x256xi32, #tpu.memory_space<vmem>>
    %dma_start3A_47 = tpu.memref_squeeze %dma_start3A_46 : memref<1x256xi32, #tpu.memory_space<vmem>> -> memref<256xi32, #tpu.memory_space<vmem>>
    %dma_start3A_48 = arith.constant 0 : i32
    %dma_start3A_49 = tpu.memref_slice %arg2[%dma_start3A_48] : memref<16001024xf32, #tpu.memory_space<hbm>> -> memref<16001024xf32, #tpu.memory_space<hbm>>
    tpu.enqueue_indirect_dma source(%dma_start3A_49 : memref<16001024xf32, #tpu.memory_space<hbm>>) target(%dma_start3A_44 : memref<256xf32, #tpu.memory_space<vmem>>) offsets(%dma_start3A_47 : memref<256xi32, #tpu.memory_space<vmem>>) semaphore(%arg9 : memref<!tpu.dma_semaphore, #tpu.memory_space<semaphore_mem>>)
    %dma_start3A_50 = arith.constant 4 : i32
    %dma_start3A_51 = arith.constant 4 : i32
    %dma_start3A_52 = arith.constant 0 : i32
    %dma_start3A_53 = tpu.memref_slice %arg7[%dma_start3A_51, %dma_start3A_52] : memref<16x512xf32, #tpu.memory_space<vmem>> -> memref<1x256xf32, #tpu.memory_space<vmem>>
    %dma_start3A_54 = tpu.memref_squeeze %dma_start3A_53 : memref<1x256xf32, #tpu.memory_space<vmem>> -> memref<256xf32, #tpu.memory_space<vmem>>
    %dma_start3A_55 = arith.constant 0 : i32
    %dma_start3A_56 = tpu.memref_slice %arg6[%dma_start3A_50, %dma_start3A_55] : memref<16x512xi32, #tpu.memory_space<vmem>> -> memref<1x256xi32, #tpu.memory_space<vmem>>
    %dma_start3A_57 = tpu.memref_squeeze %dma_start3A_56 : memref<1x256xi32, #tpu.memory_space<vmem>> -> memref<256xi32, #tpu.memory_space<vmem>>
    %dma_start3A_58 = arith.constant 0 : i32
    %dma_start3A_59 = tpu.memref_slice %arg2[%dma_start3A_58] : memref<16001024xf32, #tpu.memory_space<hbm>> -> memref<16001024xf32, #tpu.memory_space<hbm>>
    tpu.enqueue_indirect_dma source(%dma_start3A_59 : memref<16001024xf32, #tpu.memory_space<hbm>>) target(%dma_start3A_54 : memref<256xf32, #tpu.memory_space<vmem>>) offsets(%dma_start3A_57 : memref<256xi32, #tpu.memory_space<vmem>>) semaphore(%arg9 : memref<!tpu.dma_semaphore, #tpu.memory_space<semaphore_mem>>)
    %dma_start3A_60 = arith.constant 5 : i32
    %dma_start3A_61 = arith.constant 5 : i32
    %dma_start3A_62 = arith.constant 0 : i32
    %dma_start3A_63 = tpu.memref_slice %arg7[%dma_start3A_61, %dma_start3A_62] : memref<16x512xf32, #tpu.memory_space<vmem>> -> memref<1x256xf32, #tpu.memory_space<vmem>>
    %dma_start3A_64 = tpu.memref_squeeze %dma_start3A_63 : memref<1x256xf32, #tpu.memory_space<vmem>> -> memref<256xf32, #tpu.memory_space<vmem>>
    %dma_start3A_65 = arith.constant 0 : i32
    %dma_start3A_66 = tpu.memref_slice %arg6[%dma_start3A_60, %dma_start3A_65] : memref<16x512xi32, #tpu.memory_space<vmem>> -> memref<1x256xi32, #tpu.memory_space<vmem>>
    %dma_start3A_67 = tpu.memref_squeeze %dma_start3A_66 : memref<1x256xi32, #tpu.memory_space<vmem>> -> memref<256xi32, #tpu.memory_space<vmem>>
    %dma_start3A_68 = arith.constant 0 : i32
    %dma_start3A_69 = tpu.memref_slice %arg2[%dma_start3A_68] : memref<16001024xf32, #tpu.memory_space<hbm>> -> memref<16001024xf32, #tpu.memory_space<hbm>>
    tpu.enqueue_indirect_dma source(%dma_start3A_69 : memref<16001024xf32, #tpu.memory_space<hbm>>) target(%dma_start3A_64 : memref<256xf32, #tpu.memory_space<vmem>>) offsets(%dma_start3A_67 : memref<256xi32, #tpu.memory_space<vmem>>) semaphore(%arg9 : memref<!tpu.dma_semaphore, #tpu.memory_space<semaphore_mem>>)
    %dma_start3A_70 = arith.constant 6 : i32
    %dma_start3A_71 = arith.constant 6 : i32
    %dma_start3A_72 = arith.constant 0 : i32
    %dma_start3A_73 = tpu.memref_slice %arg7[%dma_start3A_71, %dma_start3A_72] : memref<16x512xf32, #tpu.memory_space<vmem>> -> memref<1x256xf32, #tpu.memory_space<vmem>>
    %dma_start3A_74 = tpu.memref_squeeze %dma_start3A_73 : memref<1x256xf32, #tpu.memory_space<vmem>> -> memref<256xf32, #tpu.memory_space<vmem>>
    %dma_start3A_75 = arith.constant 0 : i32
    %dma_start3A_76 = tpu.memref_slice %arg6[%dma_start3A_70, %dma_start3A_75] : memref<16x512xi32, #tpu.memory_space<vmem>> -> memref<1x256xi32, #tpu.memory_space<vmem>>
    %dma_start3A_77 = tpu.memref_squeeze %dma_start3A_76 : memref<1x256xi32, #tpu.memory_space<vmem>> -> memref<256xi32, #tpu.memory_space<vmem>>
    %dma_start3A_78 = arith.constant 0 : i32
    %dma_start3A_79 = tpu.memref_slice %arg2[%dma_start3A_78] : memref<16001024xf32, #tpu.memory_space<hbm>> -> memref<16001024xf32, #tpu.memory_space<hbm>>
    tpu.enqueue_indirect_dma source(%dma_start3A_79 : memref<16001024xf32, #tpu.memory_space<hbm>>) target(%dma_start3A_74 : memref<256xf32, #tpu.memory_space<vmem>>) offsets(%dma_start3A_77 : memref<256xi32, #tpu.memory_space<vmem>>) semaphore(%arg9 : memref<!tpu.dma_semaphore, #tpu.memory_space<semaphore_mem>>)
    %dma_start3A_80 = arith.constant 7 : i32
    %dma_start3A_81 = arith.constant 7 : i32
    %dma_start3A_82 = arith.constant 0 : i32
    %dma_start3A_83 = tpu.memref_slice %arg7[%dma_start3A_81, %dma_start3A_82] : memref<16x512xf32, #tpu.memory_space<vmem>> -> memref<1x256xf32, #tpu.memory_space<vmem>>
    %dma_start3A_84 = tpu.memref_squeeze %dma_start3A_83 : memref<1x256xf32, #tpu.memory_space<vmem>> -> memref<256xf32, #tpu.memory_space<vmem>>
    %dma_start3A_85 = arith.constant 0 : i32
    %dma_start3A_86 = tpu.memref_slice %arg6[%dma_start3A_80, %dma_start3A_85] : memref<16x512xi32, #tpu.memory_space<vmem>> -> memref<1x256xi32, #tpu.memory_space<vmem>>
    %dma_start3A_87 = tpu.memref_squeeze %dma_start3A_86 : memref<1x256xi32, #tpu.memory_space<vmem>> -> memref<256xi32, #tpu.memory_space<vmem>>
    %dma_start3A_88 = arith.constant 0 : i32
    %dma_start3A_89 = tpu.memref_slice %arg2[%dma_start3A_88] : memref<16001024xf32, #tpu.memory_space<hbm>> -> memref<16001024xf32, #tpu.memory_space<hbm>>
    tpu.enqueue_indirect_dma source(%dma_start3A_89 : memref<16001024xf32, #tpu.memory_space<hbm>>) target(%dma_start3A_84 : memref<256xf32, #tpu.memory_space<vmem>>) offsets(%dma_start3A_87 : memref<256xi32, #tpu.memory_space<vmem>>) semaphore(%arg9 : memref<!tpu.dma_semaphore, #tpu.memory_space<semaphore_mem>>)
    %dma_start3A_90 = arith.constant 8 : i32
    %dma_start3A_91 = arith.constant 8 : i32
    %dma_start3A_92 = arith.constant 0 : i32
    %dma_start3A_93 = tpu.memref_slice %arg7[%dma_start3A_91, %dma_start3A_92] : memref<16x512xf32, #tpu.memory_space<vmem>> -> memref<1x256xf32, #tpu.memory_space<vmem>>
    %dma_start3A_94 = tpu.memref_squeeze %dma_start3A_93 : memref<1x256xf32, #tpu.memory_space<vmem>> -> memref<256xf32, #tpu.memory_space<vmem>>
    %dma_start3A_95 = arith.constant 0 : i32
    %dma_start3A_96 = tpu.memref_slice %arg6[%dma_start3A_90, %dma_start3A_95] : memref<16x512xi32, #tpu.memory_space<vmem>> -> memref<1x256xi32, #tpu.memory_space<vmem>>
    %dma_start3A_97 = tpu.memref_squeeze %dma_start3A_96 : memref<1x256xi32, #tpu.memory_space<vmem>> -> memref<256xi32, #tpu.memory_space<vmem>>
    %dma_start3A_98 = arith.constant 0 : i32
    %dma_start3A_99 = tpu.memref_slice %arg2[%dma_start3A_98] : memref<16001024xf32, #tpu.memory_space<hbm>> -> memref<16001024xf32, #tpu.memory_space<hbm>>
    tpu.enqueue_indirect_dma source(%dma_start3A_99 : memref<16001024xf32, #tpu.memory_space<hbm>>) target(%dma_start3A_94 : memref<256xf32, #tpu.memory_space<vmem>>) offsets(%dma_start3A_97 : memref<256xi32, #tpu.memory_space<vmem>>) semaphore(%arg9 : memref<!tpu.dma_semaphore, #tpu.memory_space<semaphore_mem>>)
    %dma_start3A_100 = arith.constant 9 : i32
    %dma_start3A_101 = arith.constant 9 : i32
    %dma_start3A_102 = arith.constant 0 : i32
    %dma_start3A_103 = tpu.memref_slice %arg7[%dma_start3A_101, %dma_start3A_102] : memref<16x512xf32, #tpu.memory_space<vmem>> -> memref<1x256xf32, #tpu.memory_space<vmem>>
    %dma_start3A_104 = tpu.memref_squeeze %dma_start3A_103 : memref<1x256xf32, #tpu.memory_space<vmem>> -> memref<256xf32, #tpu.memory_space<vmem>>
    %dma_start3A_105 = arith.constant 0 : i32
    %dma_start3A_106 = tpu.memref_slice %arg6[%dma_start3A_100, %dma_start3A_105] : memref<16x512xi32, #tpu.memory_space<vmem>> -> memref<1x256xi32, #tpu.memory_space<vmem>>
    %dma_start3A_107 = tpu.memref_squeeze %dma_start3A_106 : memref<1x256xi32, #tpu.memory_space<vmem>> -> memref<256xi32, #tpu.memory_space<vmem>>
    %dma_start3A_108 = arith.constant 0 : i32
    %dma_start3A_109 = tpu.memref_slice %arg2[%dma_start3A_108] : memref<16001024xf32, #tpu.memory_space<hbm>> -> memref<16001024xf32, #tpu.memory_space<hbm>>
    tpu.enqueue_indirect_dma source(%dma_start3A_109 : memref<16001024xf32, #tpu.memory_space<hbm>>) target(%dma_start3A_104 : memref<256xf32, #tpu.memory_space<vmem>>) offsets(%dma_start3A_107 : memref<256xi32, #tpu.memory_space<vmem>>) semaphore(%arg9 : memref<!tpu.dma_semaphore, #tpu.memory_space<semaphore_mem>>)
    %dma_start3A_110 = arith.constant 10 : i32
    %dma_start3A_111 = arith.constant 10 : i32
    %dma_start3A_112 = arith.constant 0 : i32
    %dma_start3A_113 = tpu.memref_slice %arg7[%dma_start3A_111, %dma_start3A_112] : memref<16x512xf32, #tpu.memory_space<vmem>> -> memref<1x256xf32, #tpu.memory_space<vmem>>
    %dma_start3A_114 = tpu.memref_squeeze %dma_start3A_113 : memref<1x256xf32, #tpu.memory_space<vmem>> -> memref<256xf32, #tpu.memory_space<vmem>>
    %dma_start3A_115 = arith.constant 0 : i32
    %dma_start3A_116 = tpu.memref_slice %arg6[%dma_start3A_110, %dma_start3A_115] : memref<16x512xi32, #tpu.memory_space<vmem>> -> memref<1x256xi32, #tpu.memory_space<vmem>>
    %dma_start3A_117 = tpu.memref_squeeze %dma_start3A_116 : memref<1x256xi32, #tpu.memory_space<vmem>> -> memref<256xi32, #tpu.memory_space<vmem>>
    %dma_start3A_118 = arith.constant 0 : i32
    %dma_start3A_119 = tpu.memref_slice %arg2[%dma_start3A_118] : memref<16001024xf32, #tpu.memory_space<hbm>> -> memref<16001024xf32, #tpu.memory_space<hbm>>
    tpu.enqueue_indirect_dma source(%dma_start3A_119 : memref<16001024xf32, #tpu.memory_space<hbm>>) target(%dma_start3A_114 : memref<256xf32, #tpu.memory_space<vmem>>) offsets(%dma_start3A_117 : memref<256xi32, #tpu.memory_space<vmem>>) semaphore(%arg9 : memref<!tpu.dma_semaphore, #tpu.memory_space<semaphore_mem>>)
    %dma_start3A_120 = arith.constant 11 : i32
    %dma_start3A_121 = arith.constant 11 : i32
    %dma_start3A_122 = arith.constant 0 : i32
    %dma_start3A_123 = tpu.memref_slice %arg7[%dma_start3A_121, %dma_start3A_122] : memref<16x512xf32, #tpu.memory_space<vmem>> -> memref<1x256xf32, #tpu.memory_space<vmem>>
    %dma_start3A_124 = tpu.memref_squeeze %dma_start3A_123 : memref<1x256xf32, #tpu.memory_space<vmem>> -> memref<256xf32, #tpu.memory_space<vmem>>
    %dma_start3A_125 = arith.constant 0 : i32
    %dma_start3A_126 = tpu.memref_slice %arg6[%dma_start3A_120, %dma_start3A_125] : memref<16x512xi32, #tpu.memory_space<vmem>> -> memref<1x256xi32, #tpu.memory_space<vmem>>
    %dma_start3A_127 = tpu.memref_squeeze %dma_start3A_126 : memref<1x256xi32, #tpu.memory_space<vmem>> -> memref<256xi32, #tpu.memory_space<vmem>>
    %dma_start3A_128 = arith.constant 0 : i32
    %dma_start3A_129 = tpu.memref_slice %arg2[%dma_start3A_128] : memref<16001024xf32, #tpu.memory_space<hbm>> -> memref<16001024xf32, #tpu.memory_space<hbm>>
    tpu.enqueue_indirect_dma source(%dma_start3A_129 : memref<16001024xf32, #tpu.memory_space<hbm>>) target(%dma_start3A_124 : memref<256xf32, #tpu.memory_space<vmem>>) offsets(%dma_start3A_127 : memref<256xi32, #tpu.memory_space<vmem>>) semaphore(%arg9 : memref<!tpu.dma_semaphore, #tpu.memory_space<semaphore_mem>>)
    %dma_start3A_130 = arith.constant 12 : i32
    %dma_start3A_131 = arith.constant 12 : i32
    %dma_start3A_132 = arith.constant 0 : i32
    %dma_start3A_133 = tpu.memref_slice %arg7[%dma_start3A_131, %dma_start3A_132] : memref<16x512xf32, #tpu.memory_space<vmem>> -> memref<1x256xf32, #tpu.memory_space<vmem>>
    %dma_start3A_134 = tpu.memref_squeeze %dma_start3A_133 : memref<1x256xf32, #tpu.memory_space<vmem>> -> memref<256xf32, #tpu.memory_space<vmem>>
    %dma_start3A_135 = arith.constant 0 : i32
    %dma_start3A_136 = tpu.memref_slice %arg6[%dma_start3A_130, %dma_start3A_135] : memref<16x512xi32, #tpu.memory_space<vmem>> -> memref<1x256xi32, #tpu.memory_space<vmem>>
    %dma_start3A_137 = tpu.memref_squeeze %dma_start3A_136 : memref<1x256xi32, #tpu.memory_space<vmem>> -> memref<256xi32, #tpu.memory_space<vmem>>
    %dma_start3A_138 = arith.constant 0 : i32
    %dma_start3A_139 = tpu.memref_slice %arg2[%dma_start3A_138] : memref<16001024xf32, #tpu.memory_space<hbm>> -> memref<16001024xf32, #tpu.memory_space<hbm>>
    tpu.enqueue_indirect_dma source(%dma_start3A_139 : memref<16001024xf32, #tpu.memory_space<hbm>>) target(%dma_start3A_134 : memref<256xf32, #tpu.memory_space<vmem>>) offsets(%dma_start3A_137 : memref<256xi32, #tpu.memory_space<vmem>>) semaphore(%arg9 : memref<!tpu.dma_semaphore, #tpu.memory_space<semaphore_mem>>)
    %dma_start3A_140 = arith.constant 13 : i32
    %dma_start3A_141 = arith.constant 13 : i32
    %dma_start3A_142 = arith.constant 0 : i32
    %dma_start3A_143 = tpu.memref_slice %arg7[%dma_start3A_141, %dma_start3A_142] : memref<16x512xf32, #tpu.memory_space<vmem>> -> memref<1x256xf32, #tpu.memory_space<vmem>>
    %dma_start3A_144 = tpu.memref_squeeze %dma_start3A_143 : memref<1x256xf32, #tpu.memory_space<vmem>> -> memref<256xf32, #tpu.memory_space<vmem>>
    %dma_start3A_145 = arith.constant 0 : i32
    %dma_start3A_146 = tpu.memref_slice %arg6[%dma_start3A_140, %dma_start3A_145] : memref<16x512xi32, #tpu.memory_space<vmem>> -> memref<1x256xi32, #tpu.memory_space<vmem>>
    %dma_start3A_147 = tpu.memref_squeeze %dma_start3A_146 : memref<1x256xi32, #tpu.memory_space<vmem>> -> memref<256xi32, #tpu.memory_space<vmem>>
    %dma_start3A_148 = arith.constant 0 : i32
    %dma_start3A_149 = tpu.memref_slice %arg2[%dma_start3A_148] : memref<16001024xf32, #tpu.memory_space<hbm>> -> memref<16001024xf32, #tpu.memory_space<hbm>>
    tpu.enqueue_indirect_dma source(%dma_start3A_149 : memref<16001024xf32, #tpu.memory_space<hbm>>) target(%dma_start3A_144 : memref<256xf32, #tpu.memory_space<vmem>>) offsets(%dma_start3A_147 : memref<256xi32, #tpu.memory_space<vmem>>) semaphore(%arg9 : memref<!tpu.dma_semaphore, #tpu.memory_space<semaphore_mem>>)
    %dma_start3A_150 = arith.constant 14 : i32
    %dma_start3A_151 = arith.constant 14 : i32
    %dma_start3A_152 = arith.constant 0 : i32
    %dma_start3A_153 = tpu.memref_slice %arg7[%dma_start3A_151, %dma_start3A_152] : memref<16x512xf32, #tpu.memory_space<vmem>> -> memref<1x256xf32, #tpu.memory_space<vmem>>
    %dma_start3A_154 = tpu.memref_squeeze %dma_start3A_153 : memref<1x256xf32, #tpu.memory_space<vmem>> -> memref<256xf32, #tpu.memory_space<vmem>>
    %dma_start3A_155 = arith.constant 0 : i32
    %dma_start3A_156 = tpu.memref_slice %arg6[%dma_start3A_150, %dma_start3A_155] : memref<16x512xi32, #tpu.memory_space<vmem>> -> memref<1x256xi32, #tpu.memory_space<vmem>>
    %dma_start3A_157 = tpu.memref_squeeze %dma_start3A_156 : memref<1x256xi32, #tpu.memory_space<vmem>> -> memref<256xi32, #tpu.memory_space<vmem>>
    %dma_start3A_158 = arith.constant 0 : i32
    %dma_start3A_159 = tpu.memref_slice %arg2[%dma_start3A_158] : memref<16001024xf32, #tpu.memory_space<hbm>> -> memref<16001024xf32, #tpu.memory_space<hbm>>
    tpu.enqueue_indirect_dma source(%dma_start3A_159 : memref<16001024xf32, #tpu.memory_space<hbm>>) target(%dma_start3A_154 : memref<256xf32, #tpu.memory_space<vmem>>) offsets(%dma_start3A_157 : memref<256xi32, #tpu.memory_space<vmem>>) semaphore(%arg9 : memref<!tpu.dma_semaphore, #tpu.memory_space<semaphore_mem>>)
    %dma_start3A_160 = arith.constant 15 : i32
    %dma_start3A_161 = arith.constant 15 : i32
    %dma_start3A_162 = arith.constant 0 : i32
    %dma_start3A_163 = tpu.memref_slice %arg7[%dma_start3A_161, %dma_start3A_162] : memref<16x512xf32, #tpu.memory_space<vmem>> -> memref<1x256xf32, #tpu.memory_space<vmem>>
    %dma_start3A_164 = tpu.memref_squeeze %dma_start3A_163 : memref<1x256xf32, #tpu.memory_space<vmem>> -> memref<256xf32, #tpu.memory_space<vmem>>
    %dma_start3A_165 = arith.constant 0 : i32
    %dma_start3A_166 = tpu.memref_slice %arg6[%dma_start3A_160, %dma_start3A_165] : memref<16x512xi32, #tpu.memory_space<vmem>> -> memref<1x256xi32, #tpu.memory_space<vmem>>
    %dma_start3A_167 = tpu.memref_squeeze %dma_start3A_166 : memref<1x256xi32, #tpu.memory_space<vmem>> -> memref<256xi32, #tpu.memory_space<vmem>>
    %dma_start3A_168 = arith.constant 0 : i32
    %dma_start3A_169 = tpu.memref_slice %arg2[%dma_start3A_168] : memref<16001024xf32, #tpu.memory_space<hbm>> -> memref<16001024xf32, #tpu.memory_space<hbm>>
    tpu.enqueue_indirect_dma source(%dma_start3A_169 : memref<16001024xf32, #tpu.memory_space<hbm>>) target(%dma_start3A_164 : memref<256xf32, #tpu.memory_space<vmem>>) offsets(%dma_start3A_167 : memref<256xi32, #tpu.memory_space<vmem>>) semaphore(%arg9 : memref<!tpu.dma_semaphore, #tpu.memory_space<semaphore_mem>>)
    %scan3A_170 = arith.constant 0 : i32
    %scan3A_171 = arith.constant 16 : i32
    %scan3A_172 = arith.constant 16 : i32
    %scan3A_173 = arith.addi %scan3A_171, %scan3A_172 : i32
    %scan3A_174 = arith.constant 1 : i32
    scf.for %scan3A_1456 = %scan3A_171 to %scan3A_173 step %scan3A_174  : i32 {
      %mul3A_1457 = arith.constant 16 : i32
      %mul3A_1458 = arith.muli %scan3A_1456, %mul3A_1457 : i32
      %get3A = arith.index_cast %mul3A_1458 : i32 to index
      %get3A_1459 = tpu.vector_load %arg5[%get3A] {strides = array<i32>} : memref<512xi32, #tpu.memory_space<vmem>>, vector<16xi32>,
      %get3A_1460 = vector.shape_cast %get3A_1459 : vector<16xi32> to vector<16xi32>
      %shift_right_logical3A = arith.constant 7 : i32
      %shift_right_logical3A_1461 = vector.broadcast %shift_right_logical3A : i32 to vector<16xi32>
      %shift_right_logical3A_1462 = arith.shrui %get3A_1460, %shift_right_logical3A_1461 : vector<16xi32>
      %and3A = arith.constant 127 : i32
      %and3A_1463 = vector.broadcast %and3A : i32 to vector<16xi32>
      %and3A_1464 = arith.andi %get3A_1460, %and3A_1463 : vector<16xi32>
      %shift_right_logical3A_1465 = arith.constant 0 : i32
      %shift_right_logical3A_1466 = vector.broadcast %shift_right_logical3A_1465 : i32 to vector<16xi32>
      %shift_right_logical3A_1467 = arith.shrui %shift_right_logical3A_1462, %shift_right_logical3A_1466 : vector<16xi32>
      %and3A_1468 = arith.constant 0 : i32
      %and3A_1469 = vector.broadcast %and3A_1468 : i32 to vector<16xi32>
      %and3A_1470 = arith.andi %shift_right_logical3A_1462, %and3A_1469 : vector<16xi32>
      %mul3A_1471 = arith.constant 2048 : i32
      %mul3A_1472 = vector.broadcast %mul3A_1471 : i32 to vector<16xi32>
      %mul3A_1473 = arith.muli %shift_right_logical3A_1467, %mul3A_1472 : vector<16xi32>
      %mul3A_1474 = arith.constant 128 : i32
      %mul3A_1475 = vector.broadcast %mul3A_1474 : i32 to vector<16xi32>
      %mul3A_1476 = arith.muli %and3A_1470, %mul3A_1475 : vector<16xi32>
      %add3A_1477 = arith.addi %mul3A_1473, %mul3A_1476 : vector<16xi32>
      %add3A_1478 = arith.addi %add3A_1477, %and3A_1464 : vector<16xi32>
      %add3A_1479 = arith.constant 0 : i32
      %add3A_1480 = vector.broadcast %add3A_1479 : i32 to vector<16xi32>
      %add3A_1481 = arith.addi %add3A_1478, %add3A_1480 : vector<16xi32>
      %mul3A_1482 = arith.constant 16 : i32
      %mul3A_1483 = arith.muli %scan3A_1456, %mul3A_1482 : i32
      %swap3A = arith.constant 0 : i32
      %swap3A_1484 = arith.index_cast %swap3A : i32 to index
      %swap3A_1485 = arith.index_cast %mul3A_1483 : i32 to index
      %swap3A_1486 = tpu.vector_load %arg6[%swap3A_1484, %swap3A_1485] {strides = array<i32>} : memref<16x512xi32, #tpu.memory_space<vmem>>, vector<1x16xi32>,
      %swap3A_1487 = vector.shape_cast %swap3A_1486 : vector<1x16xi32> to vector<16xi32>
      %swap3A_1488 = vector.shape_cast %add3A_1481 : vector<16xi32> to vector<1x16xi32>
      tpu.vector_store %arg6[%swap3A_1484, %swap3A_1485], %swap3A_1488 {strides = array<i32>} : memref<16x512xi32, #tpu.memory_space<vmem>>, vector<1x16xi32>,
      %add3A_1489 = arith.constant 128 : i32
      %add3A_1490 = vector.broadcast %add3A_1489 : i32 to vector<16xi32>
      %add3A_1491 = arith.addi %add3A_1478, %add3A_1490 : vector<16xi32>
      %mul3A_1492 = arith.constant 16 : i32
      %mul3A_1493 = arith.muli %scan3A_1456, %mul3A_1492 : i32
      %swap3A_1494 = arith.constant 1 : i32
      %swap3A_1495 = arith.index_cast %swap3A_1494 : i32 to index
      %swap3A_1496 = arith.index_cast %mul3A_1493 : i32 to index
      %swap3A_1497 = tpu.vector_load %arg6[%swap3A_1495, %swap3A_1496] {strides = array<i32>} : memref<16x512xi32, #tpu.memory_space<vmem>>, vector<1x16xi32>,
      %swap3A_1498 = vector.shape_cast %swap3A_1497 : vector<1x16xi32> to vector<16xi32>
      %swap3A_1499 = vector.shape_cast %add3A_1491 : vector<16xi32> to vector<1x16xi32>
      tpu.vector_store %arg6[%swap3A_1495, %swap3A_1496], %swap3A_1499 {strides = array<i32>} : memref<16x512xi32, #tpu.memory_space<vmem>>, vector<1x16xi32>,
      %add3A_1500 = arith.constant 256 : i32
      %add3A_1501 = vector.broadcast %add3A_1500 : i32 to vector<16xi32>
      %add3A_1502 = arith.addi %add3A_1478, %add3A_1501 : vector<16xi32>
      %mul3A_1503 = arith.constant 16 : i32
      %mul3A_1504 = arith.muli %scan3A_1456, %mul3A_1503 : i32
      %swap3A_1505 = arith.constant 2 : i32
      %swap3A_1506 = arith.index_cast %swap3A_1505 : i32 to index
      %swap3A_1507 = arith.index_cast %mul3A_1504 : i32 to index
      %swap3A_1508 = tpu.vector_load %arg6[%swap3A_1506, %swap3A_1507] {strides = array<i32>} : memref<16x512xi32, #tpu.memory_space<vmem>>, vector<1x16xi32>,
      %swap3A_1509 = vector.shape_cast %swap3A_1508 : vector<1x16xi32> to vector<16xi32>
      %swap3A_1510 = vector.shape_cast %add3A_1502 : vector<16xi32> to vector<1x16xi32>
      tpu.vector_store %arg6[%swap3A_1506, %swap3A_1507], %swap3A_1510 {strides = array<i32>} : memref<16x512xi32, #tpu.memory_space<vmem>>, vector<1x16xi32>,
      %add3A_1511 = arith.constant 384 : i32
      %add3A_1512 = vector.broadcast %add3A_1511 : i32 to vector<16xi32>
      %add3A_1513 = arith.addi %add3A_1478, %add3A_1512 : vector<16xi32>
      %mul3A_1514 = arith.constant 16 : i32
      %mul3A_1515 = arith.muli %scan3A_1456, %mul3A_1514 : i32
      %swap3A_1516 = arith.constant 3 : i32
      %swap3A_1517 = arith.index_cast %swap3A_1516 : i32 to index
      %swap3A_1518 = arith.index_cast %mul3A_1515 : i32 to index
      %swap3A_1519 = tpu.vector_load %arg6[%swap3A_1517, %swap3A_1518] {strides = array<i32>} : memref<16x512xi32, #tpu.memory_space<vmem>>, vector<1x16xi32>,
      %swap3A_1520 = vector.shape_cast %swap3A_1519 : vector<1x16xi32> to vector<16xi32>
      %swap3A_1521 = vector.shape_cast %add3A_1513 : vector<16xi32> to vector<1x16xi32>
      tpu.vector_store %arg6[%swap3A_1517, %swap3A_1518], %swap3A_1521 {strides = array<i32>} : memref<16x512xi32, #tpu.memory_space<vmem>>, vector<1x16xi32>,
      %add3A_1522 = arith.constant 512 : i32
      %add3A_1523 = vector.broadcast %add3A_1522 : i32 to vector<16xi32>
      %add3A_1524 = arith.addi %add3A_1478, %add3A_1523 : vector<16xi32>
      %mul3A_1525 = arith.constant 16 : i32
      %mul3A_1526 = arith.muli %scan3A_1456, %mul3A_1525 : i32
      %swap3A_1527 = arith.constant 4 : i32
      %swap3A_1528 = arith.index_cast %swap3A_1527 : i32 to index
      %swap3A_1529 = arith.index_cast %mul3A_1526 : i32 to index
      %swap3A_1530 = tpu.vector_load %arg6[%swap3A_1528, %swap3A_1529] {strides = array<i32>} : memref<16x512xi32, #tpu.memory_space<vmem>>, vector<1x16xi32>,
      %swap3A_1531 = vector.shape_cast %swap3A_1530 : vector<1x16xi32> to vector<16xi32>
      %swap3A_1532 = vector.shape_cast %add3A_1524 : vector<16xi32> to vector<1x16xi32>
      tpu.vector_store %arg6[%swap3A_1528, %swap3A_1529], %swap3A_1532 {strides = array<i32>} : memref<16x512xi32, #tpu.memory_space<vmem>>, vector<1x16xi32>,
      %add3A_1533 = arith.constant 640 : i32
      %add3A_1534 = vector.broadcast %add3A_1533 : i32 to vector<16xi32>
      %add3A_1535 = arith.addi %add3A_1478, %add3A_1534 : vector<16xi32>
      %mul3A_1536 = arith.constant 16 : i32
      %mul3A_1537 = arith.muli %scan3A_1456, %mul3A_1536 : i32
      %swap3A_1538 = arith.constant 5 : i32
      %swap3A_1539 = arith.index_cast %swap3A_1538 : i32 to index
      %swap3A_1540 = arith.index_cast %mul3A_1537 : i32 to index
      %swap3A_1541 = tpu.vector_load %arg6[%swap3A_1539, %swap3A_1540] {strides = array<i32>} : memref<16x512xi32, #tpu.memory_space<vmem>>, vector<1x16xi32>,
      %swap3A_1542 = vector.shape_cast %swap3A_1541 : vector<1x16xi32> to vector<16xi32>
      %swap3A_1543 = vector.shape_cast %add3A_1535 : vector<16xi32> to vector<1x16xi32>
      tpu.vector_store %arg6[%swap3A_1539, %swap3A_1540], %swap3A_1543 {strides = array<i32>} : memref<16x512xi32, #tpu.memory_space<vmem>>, vector<1x16xi32>,
      %add3A_1544 = arith.constant 768 : i32
      %add3A_1545 = vector.broadcast %add3A_1544 : i32 to vector<16xi32>
      %add3A_1546 = arith.addi %add3A_1478, %add3A_1545 : vector<16xi32>
      %mul3A_1547 = arith.constant 16 : i32
      %mul3A_1548 = arith.muli %scan3A_1456, %mul3A_1547 : i32
      %swap3A_1549 = arith.constant 6 : i32
      %swap3A_1550 = arith.index_cast %swap3A_1549 : i32 to index
      %swap3A_1551 = arith.index_cast %mul3A_1548 : i32 to index
      %swap3A_1552 = tpu.vector_load %arg6[%swap3A_1550, %swap3A_1551] {strides = array<i32>} : memref<16x512xi32, #tpu.memory_space<vmem>>, vector<1x16xi32>,
      %swap3A_1553 = vector.shape_cast %swap3A_1552 : vector<1x16xi32> to vector<16xi32>
      %swap3A_1554 = vector.shape_cast %add3A_1546 : vector<16xi32> to vector<1x16xi32>
      tpu.vector_store %arg6[%swap3A_1550, %swap3A_1551], %swap3A_1554 {strides = array<i32>} : memref<16x512xi32, #tpu.memory_space<vmem>>, vector<1x16xi32>,
      %add3A_1555 = arith.constant 896 : i32
      %add3A_1556 = vector.broadcast %add3A_1555 : i32 to vector<16xi32>
      %add3A_1557 = arith.addi %add3A_1478, %add3A_1556 : vector<16xi32>
      %mul3A_1558 = arith.constant 16 : i32
      %mul3A_1559 = arith.muli %scan3A_1456, %mul3A_1558 : i32
      %swap3A_1560 = arith.constant 7 : i32
      %swap3A_1561 = arith.index_cast %swap3A_1560 : i32 to index
      %swap3A_1562 = arith.index_cast %mul3A_1559 : i32 to index
      %swap3A_1563 = tpu.vector_load %arg6[%swap3A_1561, %swap3A_1562] {strides = array<i32>} : memref<16x512xi32, #tpu.memory_space<vmem>>, vector<1x16xi32>,
      %swap3A_1564 = vector.shape_cast %swap3A_1563 : vector<1x16xi32> to vector<16xi32>
      %swap3A_1565 = vector.shape_cast %add3A_1557 : vector<16xi32> to vector<1x16xi32>
      tpu.vector_store %arg6[%swap3A_1561, %swap3A_1562], %swap3A_1565 {strides = array<i32>} : memref<16x512xi32, #tpu.memory_space<vmem>>, vector<1x16xi32>,
      %add3A_1566 = arith.constant 1024 : i32
      %add3A_1567 = vector.broadcast %add3A_1566 : i32 to vector<16xi32>
      %add3A_1568 = arith.addi %add3A_1478, %add3A_1567 : vector<16xi32>
      %mul3A_1569 = arith.constant 16 : i32
      %mul3A_1570 = arith.muli %scan3A_1456, %mul3A_1569 : i32
      %swap3A_1571 = arith.constant 8 : i32
      %swap3A_1572 = arith.index_cast %swap3A_1571 : i32 to index
      %swap3A_1573 = arith.index_cast %mul3A_1570 : i32 to index
      %swap3A_1574 = tpu.vector_load %arg6[%swap3A_1572, %swap3A_1573] {strides = array<i32>} : memref<16x512xi32, #tpu.memory_space<vmem>>, vector<1x16xi32>,
      %swap3A_1575 = vector.shape_cast %swap3A_1574 : vector<1x16xi32> to vector<16xi32>
      %swap3A_1576 = vector.shape_cast %add3A_1568 : vector<16xi32> to vector<1x16xi32>
      tpu.vector_store %arg6[%swap3A_1572, %swap3A_1573], %swap3A_1576 {strides = array<i32>} : memref<16x512xi32, #tpu.memory_space<vmem>>, vector<1x16xi32>,
      %add3A_1577 = arith.constant 1152 : i32
      %add3A_1578 = vector.broadcast %add3A_1577 : i32 to vector<16xi32>
      %add3A_1579 = arith.addi %add3A_1478, %add3A_1578 : vector<16xi32>
      %mul3A_1580 = arith.constant 16 : i32
      %mul3A_1581 = arith.muli %scan3A_1456, %mul3A_1580 : i32
      %swap3A_1582 = arith.constant 9 : i32
      %swap3A_1583 = arith.index_cast %swap3A_1582 : i32 to index
      %swap3A_1584 = arith.index_cast %mul3A_1581 : i32 to index
      %swap3A_1585 = tpu.vector_load %arg6[%swap3A_1583, %swap3A_1584] {strides = array<i32>} : memref<16x512xi32, #tpu.memory_space<vmem>>, vector<1x16xi32>,
      %swap3A_1586 = vector.shape_cast %swap3A_1585 : vector<1x16xi32> to vector<16xi32>
      %swap3A_1587 = vector.shape_cast %add3A_1579 : vector<16xi32> to vector<1x16xi32>
      tpu.vector_store %arg6[%swap3A_1583, %swap3A_1584], %swap3A_1587 {strides = array<i32>} : memref<16x512xi32, #tpu.memory_space<vmem>>, vector<1x16xi32>,
      %add3A_1588 = arith.constant 1280 : i32
      %add3A_1589 = vector.broadcast %add3A_1588 : i32 to vector<16xi32>
      %add3A_1590 = arith.addi %add3A_1478, %add3A_1589 : vector<16xi32>
      %mul3A_1591 = arith.constant 16 : i32
      %mul3A_1592 = arith.muli %scan3A_1456, %mul3A_1591 : i32
      %swap3A_1593 = arith.constant 10 : i32
      %swap3A_1594 = arith.index_cast %swap3A_1593 : i32 to index
      %swap3A_1595 = arith.index_cast %mul3A_1592 : i32 to index
      %swap3A_1596 = tpu.vector_load %arg6[%swap3A_1594, %swap3A_1595] {strides = array<i32>} : memref<16x512xi32, #tpu.memory_space<vmem>>, vector<1x16xi32>,
      %swap3A_1597 = vector.shape_cast %swap3A_1596 : vector<1x16xi32> to vector<16xi32>
      %swap3A_1598 = vector.shape_cast %add3A_1590 : vector<16xi32> to vector<1x16xi32>
      tpu.vector_store %arg6[%swap3A_1594, %swap3A_1595], %swap3A_1598 {strides = array<i32>} : memref<16x512xi32, #tpu.memory_space<vmem>>, vector<1x16xi32>,
      %add3A_1599 = arith.constant 1408 : i32
      %add3A_1600 = vector.broadcast %add3A_1599 : i32 to vector<16xi32>
      %add3A_1601 = arith.addi %add3A_1478, %add3A_1600 : vector<16xi32>
      %mul3A_1602 = arith.constant 16 : i32
      %mul3A_1603 = arith.muli %scan3A_1456, %mul3A_1602 : i32
      %swap3A_1604 = arith.constant 11 : i32
      %swap3A_1605 = arith.index_cast %swap3A_1604 : i32 to index
      %swap3A_1606 = arith.index_cast %mul3A_1603 : i32 to index
      %swap3A_1607 = tpu.vector_load %arg6[%swap3A_1605, %swap3A_1606] {strides = array<i32>} : memref<16x512xi32, #tpu.memory_space<vmem>>, vector<1x16xi32>,
      %swap3A_1608 = vector.shape_cast %swap3A_1607 : vector<1x16xi32> to vector<16xi32>
      %swap3A_1609 = vector.shape_cast %add3A_1601 : vector<16xi32> to vector<1x16xi32>
      tpu.vector_store %arg6[%swap3A_1605, %swap3A_1606], %swap3A_1609 {strides = array<i32>} : memref<16x512xi32, #tpu.memory_space<vmem>>, vector<1x16xi32>,
      %add3A_1610 = arith.constant 1536 : i32
      %add3A_1611 = vector.broadcast %add3A_1610 : i32 to vector<16xi32>
      %add3A_1612 = arith.addi %add3A_1478, %add3A_1611 : vector<16xi32>
      %mul3A_1613 = arith.constant 16 : i32
      %mul3A_1614 = arith.muli %scan3A_1456, %mul3A_1613 : i32
      %swap3A_1615 = arith.constant 12 : i32
      %swap3A_1616 = arith.index_cast %swap3A_1615 : i32 to index
      %swap3A_1617 = arith.index_cast %mul3A_1614 : i32 to index
      %swap3A_1618 = tpu.vector_load %arg6[%swap3A_1616, %swap3A_1617] {strides = array<i32>} : memref<16x512xi32, #tpu.memory_space<vmem>>, vector<1x16xi32>,
      %swap3A_1619 = vector.shape_cast %swap3A_1618 : vector<1x16xi32> to vector<16xi32>
      %swap3A_1620 = vector.shape_cast %add3A_1612 : vector<16xi32> to vector<1x16xi32>
      tpu.vector_store %arg6[%swap3A_1616, %swap3A_1617], %swap3A_1620 {strides = array<i32>} : memref<16x512xi32, #tpu.memory_space<vmem>>, vector<1x16xi32>,
      %add3A_1621 = arith.constant 1664 : i32
      %add3A_1622 = vector.broadcast %add3A_1621 : i32 to vector<16xi32>
      %add3A_1623 = arith.addi %add3A_1478, %add3A_1622 : vector<16xi32>
      %mul3A_1624 = arith.constant 16 : i32
      %mul3A_1625 = arith.muli %scan3A_1456, %mul3A_1624 : i32
      %swap3A_1626 = arith.constant 13 : i32
      %swap3A_1627 = arith.index_cast %swap3A_1626 : i32 to index
      %swap3A_1628 = arith.index_cast %mul3A_1625 : i32 to index
      %swap3A_1629 = tpu.vector_load %arg6[%swap3A_1627, %swap3A_1628] {strides = array<i32>} : memref<16x512xi32, #tpu.memory_space<vmem>>, vector<1x16xi32>,
      %swap3A_1630 = vector.shape_cast %swap3A_1629 : vector<1x16xi32> to vector<16xi32>
      %swap3A_1631 = vector.shape_cast %add3A_1623 : vector<16xi32> to vector<1x16xi32>
      tpu.vector_store %arg6[%swap3A_1627, %swap3A_1628], %swap3A_1631 {strides = array<i32>} : memref<16x512xi32, #tpu.memory_space<vmem>>, vector<1x16xi32>,
      %add3A_1632 = arith.constant 1792 : i32
      %add3A_1633 = vector.broadcast %add3A_1632 : i32 to vector<16xi32>
      %add3A_1634 = arith.addi %add3A_1478, %add3A_1633 : vector<16xi32>
      %mul3A_1635 = arith.constant 16 : i32
      %mul3A_1636 = arith.muli %scan3A_1456, %mul3A_1635 : i32
      %swap3A_1637 = arith.constant 14 : i32
      %swap3A_1638 = arith.index_cast %swap3A_1637 : i32 to index
      %swap3A_1639 = arith.index_cast %mul3A_1636 : i32 to index
      %swap3A_1640 = tpu.vector_load %arg6[%swap3A_1638, %swap3A_1639] {strides = array<i32>} : memref<16x512xi32, #tpu.memory_space<vmem>>, vector<1x16xi32>,
      %swap3A_1641 = vector.shape_cast %swap3A_1640 : vector<1x16xi32> to vector<16xi32>
      %swap3A_1642 = vector.shape_cast %add3A_1634 : vector<16xi32> to vector<1x16xi32>
      tpu.vector_store %arg6[%swap3A_1638, %swap3A_1639], %swap3A_1642 {strides = array<i32>} : memref<16x512xi32, #tpu.memory_space<vmem>>, vector<1x16xi32>,
      %add3A_1643 = arith.constant 1920 : i32
      %add3A_1644 = vector.broadcast %add3A_1643 : i32 to vector<16xi32>
      %add3A_1645 = arith.addi %add3A_1478, %add3A_1644 : vector<16xi32>
      %mul3A_1646 = arith.constant 16 : i32
      %mul3A_1647 = arith.muli %scan3A_1456, %mul3A_1646 : i32
      %swap3A_1648 = arith.constant 15 : i32
      %swap3A_1649 = arith.index_cast %swap3A_1648 : i32 to index
      %swap3A_1650 = arith.index_cast %mul3A_1647 : i32 to index
      %swap3A_1651 = tpu.vector_load %arg6[%swap3A_1649, %swap3A_1650] {strides = array<i32>} : memref<16x512xi32, #tpu.memory_space<vmem>>, vector<1x16xi32>,
      %swap3A_1652 = vector.shape_cast %swap3A_1651 : vector<1x16xi32> to vector<16xi32>
      %swap3A_1653 = vector.shape_cast %add3A_1645 : vector<16xi32> to vector<1x16xi32>
      tpu.vector_store %arg6[%swap3A_1649, %swap3A_1650], %swap3A_1653 {strides = array<i32>} : memref<16x512xi32, #tpu.memory_space<vmem>>, vector<1x16xi32>,
    }
    %scan3A_175 = arith.constant 16 : i32
    %dma_start3A_176 = arith.constant 0 : i32
    %dma_start3A_177 = arith.constant 0 : i32
    %dma_start3A_178 = arith.constant 256 : i32
    %dma_start3A_179 = tpu.memref_slice %arg7[%dma_start3A_177, %dma_start3A_178] : memref<16x512xf32, #tpu.memory_space<vmem>> -> memref<1x256xf32, #tpu.memory_space<vmem>>
    %dma_start3A_180 = tpu.memref_squeeze %dma_start3A_179 : memref<1x256xf32, #tpu.memory_space<vmem>> -> memref<256xf32, #tpu.memory_space<vmem>>
    %dma_start3A_181 = arith.constant 256 : i32
    %dma_start3A_182 = tpu.memref_slice %arg6[%dma_start3A_176, %dma_start3A_181] : memref<16x512xi32, #tpu.memory_space<vmem>> -> memref<1x256xi32, #tpu.memory_space<vmem>>
    %dma_start3A_183 = tpu.memref_squeeze %dma_start3A_182 : memref<1x256xi32, #tpu.memory_space<vmem>> -> memref<256xi32, #tpu.memory_space<vmem>>
    %dma_start3A_184 = arith.constant 0 : i32
    %dma_start3A_185 = tpu.memref_slice %arg2[%dma_start3A_184] : memref<16001024xf32, #tpu.memory_space<hbm>> -> memref<16001024xf32, #tpu.memory_space<hbm>>
    tpu.enqueue_indirect_dma source(%dma_start3A_185 : memref<16001024xf32, #tpu.memory_space<hbm>>) target(%dma_start3A_180 : memref<256xf32, #tpu.memory_space<vmem>>) offsets(%dma_start3A_183 : memref<256xi32, #tpu.memory_space<vmem>>) semaphore(%arg9 : memref<!tpu.dma_semaphore, #tpu.memory_space<semaphore_mem>>)
    %dma_start3A_186 = arith.constant 1 : i32
    %dma_start3A_187 = arith.constant 1 : i32
    %dma_start3A_188 = arith.constant 256 : i32
    %dma_start3A_189 = tpu.memref_slice %arg7[%dma_start3A_187, %dma_start3A_188] : memref<16x512xf32, #tpu.memory_space<vmem>> -> memref<1x256xf32, #tpu.memory_space<vmem>>
    %dma_start3A_190 = tpu.memref_squeeze %dma_start3A_189 : memref<1x256xf32, #tpu.memory_space<vmem>> -> memref<256xf32, #tpu.memory_space<vmem>>
    %dma_start3A_191 = arith.constant 256 : i32
    %dma_start3A_192 = tpu.memref_slice %arg6[%dma_start3A_186, %dma_start3A_191] : memref<16x512xi32, #tpu.memory_space<vmem>> -> memref<1x256xi32, #tpu.memory_space<vmem>>
    %dma_start3A_193 = tpu.memref_squeeze %dma_start3A_192 : memref<1x256xi32, #tpu.memory_space<vmem>> -> memref<256xi32, #tpu.memory_space<vmem>>
    %dma_start3A_194 = arith.constant 0 : i32
    %dma_start3A_195 = tpu.memref_slice %arg2[%dma_start3A_194] : memref<16001024xf32, #tpu.memory_space<hbm>> -> memref<16001024xf32, #tpu.memory_space<hbm>>
    tpu.enqueue_indirect_dma source(%dma_start3A_195 : memref<16001024xf32, #tpu.memory_space<hbm>>) target(%dma_start3A_190 : memref<256xf32, #tpu.memory_space<vmem>>) offsets(%dma_start3A_193 : memref<256xi32, #tpu.memory_space<vmem>>) semaphore(%arg9 : memref<!tpu.dma_semaphore, #tpu.memory_space<semaphore_mem>>)
    %dma_start3A_196 = arith.constant 2 : i32
    %dma_start3A_197 = arith.constant 2 : i32
    %dma_start3A_198 = arith.constant 256 : i32
    %dma_start3A_199 = tpu.memref_slice %arg7[%dma_start3A_197, %dma_start3A_198] : memref<16x512xf32, #tpu.memory_space<vmem>> -> memref<1x256xf32, #tpu.memory_space<vmem>>
    %dma_start3A_200 = tpu.memref_squeeze %dma_start3A_199 : memref<1x256xf32, #tpu.memory_space<vmem>> -> memref<256xf32, #tpu.memory_space<vmem>>
    %dma_start3A_201 = arith.constant 256 : i32
    %dma_start3A_202 = tpu.memref_slice %arg6[%dma_start3A_196, %dma_start3A_201] : memref<16x512xi32, #tpu.memory_space<vmem>> -> memref<1x256xi32, #tpu.memory_space<vmem>>
    %dma_start3A_203 = tpu.memref_squeeze %dma_start3A_202 : memref<1x256xi32, #tpu.memory_space<vmem>> -> memref<256xi32, #tpu.memory_space<vmem>>
    %dma_start3A_204 = arith.constant 0 : i32
    %dma_start3A_205 = tpu.memref_slice %arg2[%dma_start3A_204] : memref<16001024xf32, #tpu.memory_space<hbm>> -> memref<16001024xf32, #tpu.memory_space<hbm>>
    tpu.enqueue_indirect_dma source(%dma_start3A_205 : memref<16001024xf32, #tpu.memory_space<hbm>>) target(%dma_start3A_200 : memref<256xf32, #tpu.memory_space<vmem>>) offsets(%dma_start3A_203 : memref<256xi32, #tpu.memory_space<vmem>>) semaphore(%arg9 : memref<!tpu.dma_semaphore, #tpu.memory_space<semaphore_mem>>)
    %dma_start3A_206 = arith.constant 3 : i32
    %dma_start3A_207 = arith.constant 3 : i32
    %dma_start3A_208 = arith.constant 256 : i32
    %dma_start3A_209 = tpu.memref_slice %arg7[%dma_start3A_207, %dma_start3A_208] : memref<16x512xf32, #tpu.memory_space<vmem>> -> memref<1x256xf32, #tpu.memory_space<vmem>>
    %dma_start3A_210 = tpu.memref_squeeze %dma_start3A_209 : memref<1x256xf32, #tpu.memory_space<vmem>> -> memref<256xf32, #tpu.memory_space<vmem>>
    %dma_start3A_211 = arith.constant 256 : i32
    %dma_start3A_212 = tpu.memref_slice %arg6[%dma_start3A_206, %dma_start3A_211] : memref<16x512xi32, #tpu.memory_space<vmem>> -> memref<1x256xi32, #tpu.memory_space<vmem>>
    %dma_start3A_213 = tpu.memref_squeeze %dma_start3A_212 : memref<1x256xi32, #tpu.memory_space<vmem>> -> memref<256xi32, #tpu.memory_space<vmem>>
    %dma_start3A_214 = arith.constant 0 : i32
    %dma_start3A_215 = tpu.memref_slice %arg2[%dma_start3A_214] : memref<16001024xf32, #tpu.memory_space<hbm>> -> memref<16001024xf32, #tpu.memory_space<hbm>>
    tpu.enqueue_indirect_dma source(%dma_start3A_215 : memref<16001024xf32, #tpu.memory_space<hbm>>) target(%dma_start3A_210 : memref<256xf32, #tpu.memory_space<vmem>>) offsets(%dma_start3A_213 : memref<256xi32, #tpu.memory_space<vmem>>) semaphore(%arg9 : memref<!tpu.dma_semaphore, #tpu.memory_space<semaphore_mem>>)
    %dma_start3A_216 = arith.constant 4 : i32
    %dma_start3A_217 = arith.constant 4 : i32
    %dma_start3A_218 = arith.constant 256 : i32
    %dma_start3A_219 = tpu.memref_slice %arg7[%dma_start3A_217, %dma_start3A_218] : memref<16x512xf32, #tpu.memory_space<vmem>> -> memref<1x256xf32, #tpu.memory_space<vmem>>
    %dma_start3A_220 = tpu.memref_squeeze %dma_start3A_219 : memref<1x256xf32, #tpu.memory_space<vmem>> -> memref<256xf32, #tpu.memory_space<vmem>>
    %dma_start3A_221 = arith.constant 256 : i32
    %dma_start3A_222 = tpu.memref_slice %arg6[%dma_start3A_216, %dma_start3A_221] : memref<16x512xi32, #tpu.memory_space<vmem>> -> memref<1x256xi32, #tpu.memory_space<vmem>>
    %dma_start3A_223 = tpu.memref_squeeze %dma_start3A_222 : memref<1x256xi32, #tpu.memory_space<vmem>> -> memref<256xi32, #tpu.memory_space<vmem>>
    %dma_start3A_224 = arith.constant 0 : i32
    %dma_start3A_225 = tpu.memref_slice %arg2[%dma_start3A_224] : memref<16001024xf32, #tpu.memory_space<hbm>> -> memref<16001024xf32, #tpu.memory_space<hbm>>
    tpu.enqueue_indirect_dma source(%dma_start3A_225 : memref<16001024xf32, #tpu.memory_space<hbm>>) target(%dma_start3A_220 : memref<256xf32, #tpu.memory_space<vmem>>) offsets(%dma_start3A_223 : memref<256xi32, #tpu.memory_space<vmem>>) semaphore(%arg9 : memref<!tpu.dma_semaphore, #tpu.memory_space<semaphore_mem>>)
    %dma_start3A_226 = arith.constant 5 : i32
    %dma_start3A_227 = arith.constant 5 : i32
    %dma_start3A_228 = arith.constant 256 : i32
    %dma_start3A_229 = tpu.memref_slice %arg7[%dma_start3A_227, %dma_start3A_228] : memref<16x512xf32, #tpu.memory_space<vmem>> -> memref<1x256xf32, #tpu.memory_space<vmem>>
    %dma_start3A_230 = tpu.memref_squeeze %dma_start3A_229 : memref<1x256xf32, #tpu.memory_space<vmem>> -> memref<256xf32, #tpu.memory_space<vmem>>
    %dma_start3A_231 = arith.constant 256 : i32
    %dma_start3A_232 = tpu.memref_slice %arg6[%dma_start3A_226, %dma_start3A_231] : memref<16x512xi32, #tpu.memory_space<vmem>> -> memref<1x256xi32, #tpu.memory_space<vmem>>
    %dma_start3A_233 = tpu.memref_squeeze %dma_start3A_232 : memref<1x256xi32, #tpu.memory_space<vmem>> -> memref<256xi32, #tpu.memory_space<vmem>>
    %dma_start3A_234 = arith.constant 0 : i32
    %dma_start3A_235 = tpu.memref_slice %arg2[%dma_start3A_234] : memref<16001024xf32, #tpu.memory_space<hbm>> -> memref<16001024xf32, #tpu.memory_space<hbm>>
    tpu.enqueue_indirect_dma source(%dma_start3A_235 : memref<16001024xf32, #tpu.memory_space<hbm>>) target(%dma_start3A_230 : memref<256xf32, #tpu.memory_space<vmem>>) offsets(%dma_start3A_233 : memref<256xi32, #tpu.memory_space<vmem>>) semaphore(%arg9 : memref<!tpu.dma_semaphore, #tpu.memory_space<semaphore_mem>>)
    %dma_start3A_236 = arith.constant 6 : i32
    %dma_start3A_237 = arith.constant 6 : i32
    %dma_start3A_238 = arith.constant 256 : i32
    %dma_start3A_239 = tpu.memref_slice %arg7[%dma_start3A_237, %dma_start3A_238] : memref<16x512xf32, #tpu.memory_space<vmem>> -> memref<1x256xf32, #tpu.memory_space<vmem>>
    %dma_start3A_240 = tpu.memref_squeeze %dma_start3A_239 : memref<1x256xf32, #tpu.memory_space<vmem>> -> memref<256xf32, #tpu.memory_space<vmem>>
    %dma_start3A_241 = arith.constant 256 : i32
    %dma_start3A_242 = tpu.memref_slice %arg6[%dma_start3A_236, %dma_start3A_241] : memref<16x512xi32, #tpu.memory_space<vmem>> -> memref<1x256xi32, #tpu.memory_space<vmem>>
    %dma_start3A_243 = tpu.memref_squeeze %dma_start3A_242 : memref<1x256xi32, #tpu.memory_space<vmem>> -> memref<256xi32, #tpu.memory_space<vmem>>
    %dma_start3A_244 = arith.constant 0 : i32
    %dma_start3A_245 = tpu.memref_slice %arg2[%dma_start3A_244] : memref<16001024xf32, #tpu.memory_space<hbm>> -> memref<16001024xf32, #tpu.memory_space<hbm>>
    tpu.enqueue_indirect_dma source(%dma_start3A_245 : memref<16001024xf32, #tpu.memory_space<hbm>>) target(%dma_start3A_240 : memref<256xf32, #tpu.memory_space<vmem>>) offsets(%dma_start3A_243 : memref<256xi32, #tpu.memory_space<vmem>>) semaphore(%arg9 : memref<!tpu.dma_semaphore, #tpu.memory_space<semaphore_mem>>)
    %dma_start3A_246 = arith.constant 7 : i32
    %dma_start3A_247 = arith.constant 7 : i32
    %dma_start3A_248 = arith.constant 256 : i32
    %dma_start3A_249 = tpu.memref_slice %arg7[%dma_start3A_247, %dma_start3A_248] : memref<16x512xf32, #tpu.memory_space<vmem>> -> memref<1x256xf32, #tpu.memory_space<vmem>>
    %dma_start3A_250 = tpu.memref_squeeze %dma_start3A_249 : memref<1x256xf32, #tpu.memory_space<vmem>> -> memref<256xf32, #tpu.memory_space<vmem>>
    %dma_start3A_251 = arith.constant 256 : i32
    %dma_start3A_252 = tpu.memref_slice %arg6[%dma_start3A_246, %dma_start3A_251] : memref<16x512xi32, #tpu.memory_space<vmem>> -> memref<1x256xi32, #tpu.memory_space<vmem>>
    %dma_start3A_253 = tpu.memref_squeeze %dma_start3A_252 : memref<1x256xi32, #tpu.memory_space<vmem>> -> memref<256xi32, #tpu.memory_space<vmem>>
    %dma_start3A_254 = arith.constant 0 : i32
    %dma_start3A_255 = tpu.memref_slice %arg2[%dma_start3A_254] : memref<16001024xf32, #tpu.memory_space<hbm>> -> memref<16001024xf32, #tpu.memory_space<hbm>>
    tpu.enqueue_indirect_dma source(%dma_start3A_255 : memref<16001024xf32, #tpu.memory_space<hbm>>) target(%dma_start3A_250 : memref<256xf32, #tpu.memory_space<vmem>>) offsets(%dma_start3A_253 : memref<256xi32, #tpu.memory_space<vmem>>) semaphore(%arg9 : memref<!tpu.dma_semaphore, #tpu.memory_space<semaphore_mem>>)
    %dma_start3A_256 = arith.constant 8 : i32
    %dma_start3A_257 = arith.constant 8 : i32
    %dma_start3A_258 = arith.constant 256 : i32
    %dma_start3A_259 = tpu.memref_slice %arg7[%dma_start3A_257, %dma_start3A_258] : memref<16x512xf32, #tpu.memory_space<vmem>> -> memref<1x256xf32, #tpu.memory_space<vmem>>
    %dma_start3A_260 = tpu.memref_squeeze %dma_start3A_259 : memref<1x256xf32, #tpu.memory_space<vmem>> -> memref<256xf32, #tpu.memory_space<vmem>>
    %dma_start3A_261 = arith.constant 256 : i32
    %dma_start3A_262 = tpu.memref_slice %arg6[%dma_start3A_256, %dma_start3A_261] : memref<16x512xi32, #tpu.memory_space<vmem>> -> memref<1x256xi32, #tpu.memory_space<vmem>>
    %dma_start3A_263 = tpu.memref_squeeze %dma_start3A_262 : memref<1x256xi32, #tpu.memory_space<vmem>> -> memref<256xi32, #tpu.memory_space<vmem>>
    %dma_start3A_264 = arith.constant 0 : i32
    %dma_start3A_265 = tpu.memref_slice %arg2[%dma_start3A_264] : memref<16001024xf32, #tpu.memory_space<hbm>> -> memref<16001024xf32, #tpu.memory_space<hbm>>
    tpu.enqueue_indirect_dma source(%dma_start3A_265 : memref<16001024xf32, #tpu.memory_space<hbm>>) target(%dma_start3A_260 : memref<256xf32, #tpu.memory_space<vmem>>) offsets(%dma_start3A_263 : memref<256xi32, #tpu.memory_space<vmem>>) semaphore(%arg9 : memref<!tpu.dma_semaphore, #tpu.memory_space<semaphore_mem>>)
    %dma_start3A_266 = arith.constant 9 : i32
    %dma_start3A_267 = arith.constant 9 : i32
    %dma_start3A_268 = arith.constant 256 : i32
    %dma_start3A_269 = tpu.memref_slice %arg7[%dma_start3A_267, %dma_start3A_268] : memref<16x512xf32, #tpu.memory_space<vmem>> -> memref<1x256xf32, #tpu.memory_space<vmem>>
    %dma_start3A_270 = tpu.memref_squeeze %dma_start3A_269 : memref<1x256xf32, #tpu.memory_space<vmem>> -> memref<256xf32, #tpu.memory_space<vmem>>
    %dma_start3A_271 = arith.constant 256 : i32
    %dma_start3A_272 = tpu.memref_slice %arg6[%dma_start3A_266, %dma_start3A_271] : memref<16x512xi32, #tpu.memory_space<vmem>> -> memref<1x256xi32, #tpu.memory_space<vmem>>
    %dma_start3A_273 = tpu.memref_squeeze %dma_start3A_272 : memref<1x256xi32, #tpu.memory_space<vmem>> -> memref<256xi32, #tpu.memory_space<vmem>>
    %dma_start3A_274 = arith.constant 0 : i32
    %dma_start3A_275 = tpu.memref_slice %arg2[%dma_start3A_274] : memref<16001024xf32, #tpu.memory_space<hbm>> -> memref<16001024xf32, #tpu.memory_space<hbm>>
    tpu.enqueue_indirect_dma source(%dma_start3A_275 : memref<16001024xf32, #tpu.memory_space<hbm>>) target(%dma_start3A_270 : memref<256xf32, #tpu.memory_space<vmem>>) offsets(%dma_start3A_273 : memref<256xi32, #tpu.memory_space<vmem>>) semaphore(%arg9 : memref<!tpu.dma_semaphore, #tpu.memory_space<semaphore_mem>>)
    %dma_start3A_276 = arith.constant 10 : i32
    %dma_start3A_277 = arith.constant 10 : i32
    %dma_start3A_278 = arith.constant 256 : i32
    %dma_start3A_279 = tpu.memref_slice %arg7[%dma_start3A_277, %dma_start3A_278] : memref<16x512xf32, #tpu.memory_space<vmem>> -> memref<1x256xf32, #tpu.memory_space<vmem>>
    %dma_start3A_280 = tpu.memref_squeeze %dma_start3A_279 : memref<1x256xf32, #tpu.memory_space<vmem>> -> memref<256xf32, #tpu.memory_space<vmem>>
    %dma_start3A_281 = arith.constant 256 : i32
    %dma_start3A_282 = tpu.memref_slice %arg6[%dma_start3A_276, %dma_start3A_281] : memref<16x512xi32, #tpu.memory_space<vmem>> -> memref<1x256xi32, #tpu.memory_space<vmem>>
    %dma_start3A_283 = tpu.memref_squeeze %dma_start3A_282 : memref<1x256xi32, #tpu.memory_space<vmem>> -> memref<256xi32, #tpu.memory_space<vmem>>
    %dma_start3A_284 = arith.constant 0 : i32
    %dma_start3A_285 = tpu.memref_slice %arg2[%dma_start3A_284] : memref<16001024xf32, #tpu.memory_space<hbm>> -> memref<16001024xf32, #tpu.memory_space<hbm>>
    tpu.enqueue_indirect_dma source(%dma_start3A_285 : memref<16001024xf32, #tpu.memory_space<hbm>>) target(%dma_start3A_280 : memref<256xf32, #tpu.memory_space<vmem>>) offsets(%dma_start3A_283 : memref<256xi32, #tpu.memory_space<vmem>>) semaphore(%arg9 : memref<!tpu.dma_semaphore, #tpu.memory_space<semaphore_mem>>)
    %dma_start3A_286 = arith.constant 11 : i32
    %dma_start3A_287 = arith.constant 11 : i32
    %dma_start3A_288 = arith.constant 256 : i32
    %dma_start3A_289 = tpu.memref_slice %arg7[%dma_start3A_287, %dma_start3A_288] : memref<16x512xf32, #tpu.memory_space<vmem>> -> memref<1x256xf32, #tpu.memory_space<vmem>>
    %dma_start3A_290 = tpu.memref_squeeze %dma_start3A_289 : memref<1x256xf32, #tpu.memory_space<vmem>> -> memref<256xf32, #tpu.memory_space<vmem>>
    %dma_start3A_291 = arith.constant 256 : i32
    %dma_start3A_292 = tpu.memref_slice %arg6[%dma_start3A_286, %dma_start3A_291] : memref<16x512xi32, #tpu.memory_space<vmem>> -> memref<1x256xi32, #tpu.memory_space<vmem>>
    %dma_start3A_293 = tpu.memref_squeeze %dma_start3A_292 : memref<1x256xi32, #tpu.memory_space<vmem>> -> memref<256xi32, #tpu.memory_space<vmem>>
    %dma_start3A_294 = arith.constant 0 : i32
    %dma_start3A_295 = tpu.memref_slice %arg2[%dma_start3A_294] : memref<16001024xf32, #tpu.memory_space<hbm>> -> memref<16001024xf32, #tpu.memory_space<hbm>>
    tpu.enqueue_indirect_dma source(%dma_start3A_295 : memref<16001024xf32, #tpu.memory_space<hbm>>) target(%dma_start3A_290 : memref<256xf32, #tpu.memory_space<vmem>>) offsets(%dma_start3A_293 : memref<256xi32, #tpu.memory_space<vmem>>) semaphore(%arg9 : memref<!tpu.dma_semaphore, #tpu.memory_space<semaphore_mem>>)
    %dma_start3A_296 = arith.constant 12 : i32
    %dma_start3A_297 = arith.constant 12 : i32
    %dma_start3A_298 = arith.constant 256 : i32
    %dma_start3A_299 = tpu.memref_slice %arg7[%dma_start3A_297, %dma_start3A_298] : memref<16x512xf32, #tpu.memory_space<vmem>> -> memref<1x256xf32, #tpu.memory_space<vmem>>
    %dma_start3A_300 = tpu.memref_squeeze %dma_start3A_299 : memref<1x256xf32, #tpu.memory_space<vmem>> -> memref<256xf32, #tpu.memory_space<vmem>>
    %dma_start3A_301 = arith.constant 256 : i32
    %dma_start3A_302 = tpu.memref_slice %arg6[%dma_start3A_296, %dma_start3A_301] : memref<16x512xi32, #tpu.memory_space<vmem>> -> memref<1x256xi32, #tpu.memory_space<vmem>>
    %dma_start3A_303 = tpu.memref_squeeze %dma_start3A_302 : memref<1x256xi32, #tpu.memory_space<vmem>> -> memref<256xi32, #tpu.memory_space<vmem>>
    %dma_start3A_304 = arith.constant 0 : i32
    %dma_start3A_305 = tpu.memref_slice %arg2[%dma_start3A_304] : memref<16001024xf32, #tpu.memory_space<hbm>> -> memref<16001024xf32, #tpu.memory_space<hbm>>
    tpu.enqueue_indirect_dma source(%dma_start3A_305 : memref<16001024xf32, #tpu.memory_space<hbm>>) target(%dma_start3A_300 : memref<256xf32, #tpu.memory_space<vmem>>) offsets(%dma_start3A_303 : memref<256xi32, #tpu.memory_space<vmem>>) semaphore(%arg9 : memref<!tpu.dma_semaphore, #tpu.memory_space<semaphore_mem>>)
    %dma_start3A_306 = arith.constant 13 : i32
    %dma_start3A_307 = arith.constant 13 : i32
    %dma_start3A_308 = arith.constant 256 : i32
    %dma_start3A_309 = tpu.memref_slice %arg7[%dma_start3A_307, %dma_start3A_308] : memref<16x512xf32, #tpu.memory_space<vmem>> -> memref<1x256xf32, #tpu.memory_space<vmem>>
    %dma_start3A_310 = tpu.memref_squeeze %dma_start3A_309 : memref<1x256xf32, #tpu.memory_space<vmem>> -> memref<256xf32, #tpu.memory_space<vmem>>
    %dma_start3A_311 = arith.constant 256 : i32
    %dma_start3A_312 = tpu.memref_slice %arg6[%dma_start3A_306, %dma_start3A_311] : memref<16x512xi32, #tpu.memory_space<vmem>> -> memref<1x256xi32, #tpu.memory_space<vmem>>
    %dma_start3A_313 = tpu.memref_squeeze %dma_start3A_312 : memref<1x256xi32, #tpu.memory_space<vmem>> -> memref<256xi32, #tpu.memory_space<vmem>>
    %dma_start3A_314 = arith.constant 0 : i32
    %dma_start3A_315 = tpu.memref_slice %arg2[%dma_start3A_314] : memref<16001024xf32, #tpu.memory_space<hbm>> -> memref<16001024xf32, #tpu.memory_space<hbm>>
    tpu.enqueue_indirect_dma source(%dma_start3A_315 : memref<16001024xf32, #tpu.memory_space<hbm>>) target(%dma_start3A_310 : memref<256xf32, #tpu.memory_space<vmem>>) offsets(%dma_start3A_313 : memref<256xi32, #tpu.memory_space<vmem>>) semaphore(%arg9 : memref<!tpu.dma_semaphore, #tpu.memory_space<semaphore_mem>>)
    %dma_start3A_316 = arith.constant 14 : i32
    %dma_start3A_317 = arith.constant 14 : i32
    %dma_start3A_318 = arith.constant 256 : i32
    %dma_start3A_319 = tpu.memref_slice %arg7[%dma_start3A_317, %dma_start3A_318] : memref<16x512xf32, #tpu.memory_space<vmem>> -> memref<1x256xf32, #tpu.memory_space<vmem>>
    %dma_start3A_320 = tpu.memref_squeeze %dma_start3A_319 : memref<1x256xf32, #tpu.memory_space<vmem>> -> memref<256xf32, #tpu.memory_space<vmem>>
    %dma_start3A_321 = arith.constant 256 : i32
    %dma_start3A_322 = tpu.memref_slice %arg6[%dma_start3A_316, %dma_start3A_321] : memref<16x512xi32, #tpu.memory_space<vmem>> -> memref<1x256xi32, #tpu.memory_space<vmem>>
    %dma_start3A_323 = tpu.memref_squeeze %dma_start3A_322 : memref<1x256xi32, #tpu.memory_space<vmem>> -> memref<256xi32, #tpu.memory_space<vmem>>
    %dma_start3A_324 = arith.constant 0 : i32
    %dma_start3A_325 = tpu.memref_slice %arg2[%dma_start3A_324] : memref<16001024xf32, #tpu.memory_space<hbm>> -> memref<16001024xf32, #tpu.memory_space<hbm>>
    tpu.enqueue_indirect_dma source(%dma_start3A_325 : memref<16001024xf32, #tpu.memory_space<hbm>>) target(%dma_start3A_320 : memref<256xf32, #tpu.memory_space<vmem>>) offsets(%dma_start3A_323 : memref<256xi32, #tpu.memory_space<vmem>>) semaphore(%arg9 : memref<!tpu.dma_semaphore, #tpu.memory_space<semaphore_mem>>)
    %dma_start3A_326 = arith.constant 15 : i32
    %dma_start3A_327 = arith.constant 15 : i32
    %dma_start3A_328 = arith.constant 256 : i32
    %dma_start3A_329 = tpu.memref_slice %arg7[%dma_start3A_327, %dma_start3A_328] : memref<16x512xf32, #tpu.memory_space<vmem>> -> memref<1x256xf32, #tpu.memory_space<vmem>>
    %dma_start3A_330 = tpu.memref_squeeze %dma_start3A_329 : memref<1x256xf32, #tpu.memory_space<vmem>> -> memref<256xf32, #tpu.memory_space<vmem>>
    %dma_start3A_331 = arith.constant 256 : i32
    %dma_start3A_332 = tpu.memref_slice %arg6[%dma_start3A_326, %dma_start3A_331] : memref<16x512xi32, #tpu.memory_space<vmem>> -> memref<1x256xi32, #tpu.memory_space<vmem>>
    %dma_start3A_333 = tpu.memref_squeeze %dma_start3A_332 : memref<1x256xi32, #tpu.memory_space<vmem>> -> memref<256xi32, #tpu.memory_space<vmem>>
    %dma_start3A_334 = arith.constant 0 : i32
    %dma_start3A_335 = tpu.memref_slice %arg2[%dma_start3A_334] : memref<16001024xf32, #tpu.memory_space<hbm>> -> memref<16001024xf32, #tpu.memory_space<hbm>>
    tpu.enqueue_indirect_dma source(%dma_start3A_335 : memref<16001024xf32, #tpu.memory_space<hbm>>) target(%dma_start3A_330 : memref<256xf32, #tpu.memory_space<vmem>>) offsets(%dma_start3A_333 : memref<256xi32, #tpu.memory_space<vmem>>) semaphore(%arg9 : memref<!tpu.dma_semaphore, #tpu.memory_space<semaphore_mem>>)
    %dma_wait3A_336 = arith.constant 0 : i32
    %dma_wait3A_337 = arith.constant 0 : i32
    %dma_wait3A_338 = arith.constant 0 : i32
    %dma_wait3A_339 = tpu.memref_slice %arg7[%dma_wait3A_337, %dma_wait3A_338] : memref<16x512xf32, #tpu.memory_space<vmem>> -> memref<1x256xf32, #tpu.memory_space<vmem>>
    %dma_wait3A_340 = tpu.memref_squeeze %dma_wait3A_339 : memref<1x256xf32, #tpu.memory_space<vmem>> -> memref<256xf32, #tpu.memory_space<vmem>>
    %dma_wait3A_341 = arith.constant 0 : i32
    %dma_wait3A_342 = tpu.memref_slice %arg6[%dma_wait3A_336, %dma_wait3A_341] : memref<16x512xi32, #tpu.memory_space<vmem>> -> memref<1x256xi32, #tpu.memory_space<vmem>>
    %dma_wait3A_343 = tpu.memref_squeeze %dma_wait3A_342 : memref<1x256xi32, #tpu.memory_space<vmem>> -> memref<256xi32, #tpu.memory_space<vmem>>
    %dma_wait3A_344 = arith.constant 0 : i32
    %dma_wait3A_345 = tpu.memref_slice %arg2[%dma_wait3A_344] : memref<16001024xf32, #tpu.memory_space<hbm>> -> memref<16001024xf32, #tpu.memory_space<hbm>>
    tpu.wait_indirect_dma semaphore(%arg9 : memref<!tpu.dma_semaphore, #tpu.memory_space<semaphore_mem>>) src(%dma_wait3A_345 : memref<16001024xf32, #tpu.memory_space<hbm>>) dst(%dma_wait3A_340 : memref<256xf32, #tpu.memory_space<vmem>>)
    %dma_start3A_346 = arith.constant 0 : i32
    %dma_start3A_347 = arith.constant 0 : i32
    %dma_start3A_348 = arith.constant 0 : i32
    %dma_start3A_349 = tpu.memref_slice %arg7[%dma_start3A_346, %dma_start3A_348] : memref<16x512xf32, #tpu.memory_space<vmem>> -> memref<1x256xf32, #tpu.memory_space<vmem>>
    %dma_start3A_350 = tpu.memref_squeeze %dma_start3A_349 : memref<1x256xf32, #tpu.memory_space<vmem>> -> memref<256xf32, #tpu.memory_space<vmem>>
    %dma_start3A_351 = tpu.memref_slice %arg4[%dma_start3A_347, %mul3A_2] : memref<16x16384xf32, #tpu.memory_space<hbm>> -> memref<1x256xf32, #tpu.memory_space<hbm>>
    %dma_start3A_352 = tpu.memref_squeeze %dma_start3A_351 : memref<1x256xf32, #tpu.memory_space<hbm>> -> memref<256xf32, #tpu.memory_space<hbm>>
    %dma_start3A_353 = tpu.memref_slice %arg4[%dma_start3A_347, %mul3A_2] : memref<16x16384xf32, #tpu.memory_space<hbm>> -> memref<1x256xf32, #tpu.memory_space<hbm>>
    %dma_start3A_354 = tpu.memref_squeeze %dma_start3A_353 : memref<1x256xf32, #tpu.memory_space<hbm>> -> memref<256xf32, #tpu.memory_space<hbm>>
    %dma_start3A_355 = arith.constant 0 : i32
    %dma_start3A_356 = tpu.memref_slice %arg7[%dma_start3A_346, %dma_start3A_355] : memref<16x512xf32, #tpu.memory_space<vmem>> -> memref<1x256xf32, #tpu.memory_space<vmem>>
    %dma_start3A_357 = tpu.memref_squeeze %dma_start3A_356 : memref<1x256xf32, #tpu.memory_space<vmem>> -> memref<256xf32, #tpu.memory_space<vmem>>
    tpu.enqueue_dma source(%dma_start3A_357 : memref<256xf32, #tpu.memory_space<vmem>>) target(%dma_start3A_354 : memref<256xf32, #tpu.memory_space<hbm>>) target_semaphore(%arg10 : memref<!tpu.dma_semaphore, #tpu.memory_space<semaphore_mem>>)
    %dma_wait3A_358 = arith.constant 1 : i32
    %dma_wait3A_359 = arith.constant 1 : i32
    %dma_wait3A_360 = arith.constant 0 : i32
    %dma_wait3A_361 = tpu.memref_slice %arg7[%dma_wait3A_359, %dma_wait3A_360] : memref<16x512xf32, #tpu.memory_space<vmem>> -> memref<1x256xf32, #tpu.memory_space<vmem>>
    %dma_wait3A_362 = tpu.memref_squeeze %dma_wait3A_361 : memref<1x256xf32, #tpu.memory_space<vmem>> -> memref<256xf32, #tpu.memory_space<vmem>>
    %dma_wait3A_363 = arith.constant 0 : i32
    %dma_wait3A_364 = tpu.memref_slice %arg6[%dma_wait3A_358, %dma_wait3A_363] : memref<16x512xi32, #tpu.memory_space<vmem>> -> memref<1x256xi32, #tpu.memory_space<vmem>>
    %dma_wait3A_365 = tpu.memref_squeeze %dma_wait3A_364 : memref<1x256xi32, #tpu.memory_space<vmem>> -> memref<256xi32, #tpu.memory_space<vmem>>
    %dma_wait3A_366 = arith.constant 0 : i32
    %dma_wait3A_367 = tpu.memref_slice %arg2[%dma_wait3A_366] : memref<16001024xf32, #tpu.memory_space<hbm>> -> memref<16001024xf32, #tpu.memory_space<hbm>>
    tpu.wait_indirect_dma semaphore(%arg9 : memref<!tpu.dma_semaphore, #tpu.memory_space<semaphore_mem>>) src(%dma_wait3A_367 : memref<16001024xf32, #tpu.memory_space<hbm>>) dst(%dma_wait3A_362 : memref<256xf32, #tpu.memory_space<vmem>>)
    %dma_start3A_368 = arith.constant 1 : i32
    %dma_start3A_369 = arith.constant 1 : i32
    %dma_start3A_370 = arith.constant 0 : i32
    %dma_start3A_371 = tpu.memref_slice %arg7[%dma_start3A_368, %dma_start3A_370] : memref<16x512xf32, #tpu.memory_space<vmem>> -> memref<1x256xf32, #tpu.memory_space<vmem>>
    %dma_start3A_372 = tpu.memref_squeeze %dma_start3A_371 : memref<1x256xf32, #tpu.memory_space<vmem>> -> memref<256xf32, #tpu.memory_space<vmem>>
    %dma_start3A_373 = tpu.memref_slice %arg4[%dma_start3A_369, %mul3A_2] : memref<16x16384xf32, #tpu.memory_space<hbm>> -> memref<1x256xf32, #tpu.memory_space<hbm>>
    %dma_start3A_374 = tpu.memref_squeeze %dma_start3A_373 : memref<1x256xf32, #tpu.memory_space<hbm>> -> memref<256xf32, #tpu.memory_space<hbm>>
    %dma_start3A_375 = tpu.memref_slice %arg4[%dma_start3A_369, %mul3A_2] : memref<16x16384xf32, #tpu.memory_space<hbm>> -> memref<1x256xf32, #tpu.memory_space<hbm>>
    %dma_start3A_376 = tpu.memref_squeeze %dma_start3A_375 : memref<1x256xf32, #tpu.memory_space<hbm>> -> memref<256xf32, #tpu.memory_space<hbm>>
    %dma_start3A_377 = arith.constant 0 : i32
    %dma_start3A_378 = tpu.memref_slice %arg7[%dma_start3A_368, %dma_start3A_377] : memref<16x512xf32, #tpu.memory_space<vmem>> -> memref<1x256xf32, #tpu.memory_space<vmem>>
    %dma_start3A_379 = tpu.memref_squeeze %dma_start3A_378 : memref<1x256xf32, #tpu.memory_space<vmem>> -> memref<256xf32, #tpu.memory_space<vmem>>
    tpu.enqueue_dma source(%dma_start3A_379 : memref<256xf32, #tpu.memory_space<vmem>>) target(%dma_start3A_376 : memref<256xf32, #tpu.memory_space<hbm>>) target_semaphore(%arg10 : memref<!tpu.dma_semaphore, #tpu.memory_space<semaphore_mem>>)
    %dma_wait3A_380 = arith.constant 2 : i32
    %dma_wait3A_381 = arith.constant 2 : i32
    %dma_wait3A_382 = arith.constant 0 : i32
    %dma_wait3A_383 = tpu.memref_slice %arg7[%dma_wait3A_381, %dma_wait3A_382] : memref<16x512xf32, #tpu.memory_space<vmem>> -> memref<1x256xf32, #tpu.memory_space<vmem>>
    %dma_wait3A_384 = tpu.memref_squeeze %dma_wait3A_383 : memref<1x256xf32, #tpu.memory_space<vmem>> -> memref<256xf32, #tpu.memory_space<vmem>>
    %dma_wait3A_385 = arith.constant 0 : i32
    %dma_wait3A_386 = tpu.memref_slice %arg6[%dma_wait3A_380, %dma_wait3A_385] : memref<16x512xi32, #tpu.memory_space<vmem>> -> memref<1x256xi32, #tpu.memory_space<vmem>>
    %dma_wait3A_387 = tpu.memref_squeeze %dma_wait3A_386 : memref<1x256xi32, #tpu.memory_space<vmem>> -> memref<256xi32, #tpu.memory_space<vmem>>
    %dma_wait3A_388 = arith.constant 0 : i32
    %dma_wait3A_389 = tpu.memref_slice %arg2[%dma_wait3A_388] : memref<16001024xf32, #tpu.memory_space<hbm>> -> memref<16001024xf32, #tpu.memory_space<hbm>>
    tpu.wait_indirect_dma semaphore(%arg9 : memref<!tpu.dma_semaphore, #tpu.memory_space<semaphore_mem>>) src(%dma_wait3A_389 : memref<16001024xf32, #tpu.memory_space<hbm>>) dst(%dma_wait3A_384 : memref<256xf32, #tpu.memory_space<vmem>>)
    %dma_start3A_390 = arith.constant 2 : i32
    %dma_start3A_391 = arith.constant 2 : i32
    %dma_start3A_392 = arith.constant 0 : i32
    %dma_start3A_393 = tpu.memref_slice %arg7[%dma_start3A_390, %dma_start3A_392] : memref<16x512xf32, #tpu.memory_space<vmem>> -> memref<1x256xf32, #tpu.memory_space<vmem>>
    %dma_start3A_394 = tpu.memref_squeeze %dma_start3A_393 : memref<1x256xf32, #tpu.memory_space<vmem>> -> memref<256xf32, #tpu.memory_space<vmem>>
    %dma_start3A_395 = tpu.memref_slice %arg4[%dma_start3A_391, %mul3A_2] : memref<16x16384xf32, #tpu.memory_space<hbm>> -> memref<1x256xf32, #tpu.memory_space<hbm>>
    %dma_start3A_396 = tpu.memref_squeeze %dma_start3A_395 : memref<1x256xf32, #tpu.memory_space<hbm>> -> memref<256xf32, #tpu.memory_space<hbm>>
    %dma_start3A_397 = tpu.memref_slice %arg4[%dma_start3A_391, %mul3A_2] : memref<16x16384xf32, #tpu.memory_space<hbm>> -> memref<1x256xf32, #tpu.memory_space<hbm>>
    %dma_start3A_398 = tpu.memref_squeeze %dma_start3A_397 : memref<1x256xf32, #tpu.memory_space<hbm>> -> memref<256xf32, #tpu.memory_space<hbm>>
    %dma_start3A_399 = arith.constant 0 : i32
    %dma_start3A_400 = tpu.memref_slice %arg7[%dma_start3A_390, %dma_start3A_399] : memref<16x512xf32, #tpu.memory_space<vmem>> -> memref<1x256xf32, #tpu.memory_space<vmem>>
    %dma_start3A_401 = tpu.memref_squeeze %dma_start3A_400 : memref<1x256xf32, #tpu.memory_space<vmem>> -> memref<256xf32, #tpu.memory_space<vmem>>
    tpu.enqueue_dma source(%dma_start3A_401 : memref<256xf32, #tpu.memory_space<vmem>>) target(%dma_start3A_398 : memref<256xf32, #tpu.memory_space<hbm>>) target_semaphore(%arg10 : memref<!tpu.dma_semaphore, #tpu.memory_space<semaphore_mem>>)
    %dma_wait3A_402 = arith.constant 3 : i32
    %dma_wait3A_403 = arith.constant 3 : i32
    %dma_wait3A_404 = arith.constant 0 : i32
    %dma_wait3A_405 = tpu.memref_slice %arg7[%dma_wait3A_403, %dma_wait3A_404] : memref<16x512xf32, #tpu.memory_space<vmem>> -> memref<1x256xf32, #tpu.memory_space<vmem>>
    %dma_wait3A_406 = tpu.memref_squeeze %dma_wait3A_405 : memref<1x256xf32, #tpu.memory_space<vmem>> -> memref<256xf32, #tpu.memory_space<vmem>>
    %dma_wait3A_407 = arith.constant 0 : i32
    %dma_wait3A_408 = tpu.memref_slice %arg6[%dma_wait3A_402, %dma_wait3A_407] : memref<16x512xi32, #tpu.memory_space<vmem>> -> memref<1x256xi32, #tpu.memory_space<vmem>>
    %dma_wait3A_409 = tpu.memref_squeeze %dma_wait3A_408 : memref<1x256xi32, #tpu.memory_space<vmem>> -> memref<256xi32, #tpu.memory_space<vmem>>
    %dma_wait3A_410 = arith.constant 0 : i32
    %dma_wait3A_411 = tpu.memref_slice %arg2[%dma_wait3A_410] : memref<16001024xf32, #tpu.memory_space<hbm>> -> memref<16001024xf32, #tpu.memory_space<hbm>>
    tpu.wait_indirect_dma semaphore(%arg9 : memref<!tpu.dma_semaphore, #tpu.memory_space<semaphore_mem>>) src(%dma_wait3A_411 : memref<16001024xf32, #tpu.memory_space<hbm>>) dst(%dma_wait3A_406 : memref<256xf32, #tpu.memory_space<vmem>>)
    %dma_start3A_412 = arith.constant 3 : i32
    %dma_start3A_413 = arith.constant 3 : i32
    %dma_start3A_414 = arith.constant 0 : i32
    %dma_start3A_415 = tpu.memref_slice %arg7[%dma_start3A_412, %dma_start3A_414] : memref<16x512xf32, #tpu.memory_space<vmem>> -> memref<1x256xf32, #tpu.memory_space<vmem>>
    %dma_start3A_416 = tpu.memref_squeeze %dma_start3A_415 : memref<1x256xf32, #tpu.memory_space<vmem>> -> memref<256xf32, #tpu.memory_space<vmem>>
    %dma_start3A_417 = tpu.memref_slice %arg4[%dma_start3A_413, %mul3A_2] : memref<16x16384xf32, #tpu.memory_space<hbm>> -> memref<1x256xf32, #tpu.memory_space<hbm>>
    %dma_start3A_418 = tpu.memref_squeeze %dma_start3A_417 : memref<1x256xf32, #tpu.memory_space<hbm>> -> memref<256xf32, #tpu.memory_space<hbm>>
    %dma_start3A_419 = tpu.memref_slice %arg4[%dma_start3A_413, %mul3A_2] : memref<16x16384xf32, #tpu.memory_space<hbm>> -> memref<1x256xf32, #tpu.memory_space<hbm>>
    %dma_start3A_420 = tpu.memref_squeeze %dma_start3A_419 : memref<1x256xf32, #tpu.memory_space<hbm>> -> memref<256xf32, #tpu.memory_space<hbm>>
    %dma_start3A_421 = arith.constant 0 : i32
    %dma_start3A_422 = tpu.memref_slice %arg7[%dma_start3A_412, %dma_start3A_421] : memref<16x512xf32, #tpu.memory_space<vmem>> -> memref<1x256xf32, #tpu.memory_space<vmem>>
    %dma_start3A_423 = tpu.memref_squeeze %dma_start3A_422 : memref<1x256xf32, #tpu.memory_space<vmem>> -> memref<256xf32, #tpu.memory_space<vmem>>
    tpu.enqueue_dma source(%dma_start3A_423 : memref<256xf32, #tpu.memory_space<vmem>>) target(%dma_start3A_420 : memref<256xf32, #tpu.memory_space<hbm>>) target_semaphore(%arg10 : memref<!tpu.dma_semaphore, #tpu.memory_space<semaphore_mem>>)
    %dma_wait3A_424 = arith.constant 4 : i32
    %dma_wait3A_425 = arith.constant 4 : i32
    %dma_wait3A_426 = arith.constant 0 : i32
    %dma_wait3A_427 = tpu.memref_slice %arg7[%dma_wait3A_425, %dma_wait3A_426] : memref<16x512xf32, #tpu.memory_space<vmem>> -> memref<1x256xf32, #tpu.memory_space<vmem>>
    %dma_wait3A_428 = tpu.memref_squeeze %dma_wait3A_427 : memref<1x256xf32, #tpu.memory_space<vmem>> -> memref<256xf32, #tpu.memory_space<vmem>>
    %dma_wait3A_429 = arith.constant 0 : i32
    %dma_wait3A_430 = tpu.memref_slice %arg6[%dma_wait3A_424, %dma_wait3A_429] : memref<16x512xi32, #tpu.memory_space<vmem>> -> memref<1x256xi32, #tpu.memory_space<vmem>>
    %dma_wait3A_431 = tpu.memref_squeeze %dma_wait3A_430 : memref<1x256xi32, #tpu.memory_space<vmem>> -> memref<256xi32, #tpu.memory_space<vmem>>
    %dma_wait3A_432 = arith.constant 0 : i32
    %dma_wait3A_433 = tpu.memref_slice %arg2[%dma_wait3A_432] : memref<16001024xf32, #tpu.memory_space<hbm>> -> memref<16001024xf32, #tpu.memory_space<hbm>>
    tpu.wait_indirect_dma semaphore(%arg9 : memref<!tpu.dma_semaphore, #tpu.memory_space<semaphore_mem>>) src(%dma_wait3A_433 : memref<16001024xf32, #tpu.memory_space<hbm>>) dst(%dma_wait3A_428 : memref<256xf32, #tpu.memory_space<vmem>>)
    %dma_start3A_434 = arith.constant 4 : i32
    %dma_start3A_435 = arith.constant 4 : i32
    %dma_start3A_436 = arith.constant 0 : i32
    %dma_start3A_437 = tpu.memref_slice %arg7[%dma_start3A_434, %dma_start3A_436] : memref<16x512xf32, #tpu.memory_space<vmem>> -> memref<1x256xf32, #tpu.memory_space<vmem>>
    %dma_start3A_438 = tpu.memref_squeeze %dma_start3A_437 : memref<1x256xf32, #tpu.memory_space<vmem>> -> memref<256xf32, #tpu.memory_space<vmem>>
    %dma_start3A_439 = tpu.memref_slice %arg4[%dma_start3A_435, %mul3A_2] : memref<16x16384xf32, #tpu.memory_space<hbm>> -> memref<1x256xf32, #tpu.memory_space<hbm>>
    %dma_start3A_440 = tpu.memref_squeeze %dma_start3A_439 : memref<1x256xf32, #tpu.memory_space<hbm>> -> memref<256xf32, #tpu.memory_space<hbm>>
    %dma_start3A_441 = tpu.memref_slice %arg4[%dma_start3A_435, %mul3A_2] : memref<16x16384xf32, #tpu.memory_space<hbm>> -> memref<1x256xf32, #tpu.memory_space<hbm>>
    %dma_start3A_442 = tpu.memref_squeeze %dma_start3A_441 : memref<1x256xf32, #tpu.memory_space<hbm>> -> memref<256xf32, #tpu.memory_space<hbm>>
    %dma_start3A_443 = arith.constant 0 : i32
    %dma_start3A_444 = tpu.memref_slice %arg7[%dma_start3A_434, %dma_start3A_443] : memref<16x512xf32, #tpu.memory_space<vmem>> -> memref<1x256xf32, #tpu.memory_space<vmem>>
    %dma_start3A_445 = tpu.memref_squeeze %dma_start3A_444 : memref<1x256xf32, #tpu.memory_space<vmem>> -> memref<256xf32, #tpu.memory_space<vmem>>
    tpu.enqueue_dma source(%dma_start3A_445 : memref<256xf32, #tpu.memory_space<vmem>>) target(%dma_start3A_442 : memref<256xf32, #tpu.memory_space<hbm>>) target_semaphore(%arg10 : memref<!tpu.dma_semaphore, #tpu.memory_space<semaphore_mem>>)
    %dma_wait3A_446 = arith.constant 5 : i32
    %dma_wait3A_447 = arith.constant 5 : i32
    %dma_wait3A_448 = arith.constant 0 : i32
    %dma_wait3A_449 = tpu.memref_slice %arg7[%dma_wait3A_447, %dma_wait3A_448] : memref<16x512xf32, #tpu.memory_space<vmem>> -> memref<1x256xf32, #tpu.memory_space<vmem>>
    %dma_wait3A_450 = tpu.memref_squeeze %dma_wait3A_449 : memref<1x256xf32, #tpu.memory_space<vmem>> -> memref<256xf32, #tpu.memory_space<vmem>>
    %dma_wait3A_451 = arith.constant 0 : i32
    %dma_wait3A_452 = tpu.memref_slice %arg6[%dma_wait3A_446, %dma_wait3A_451] : memref<16x512xi32, #tpu.memory_space<vmem>> -> memref<1x256xi32, #tpu.memory_space<vmem>>
    %dma_wait3A_453 = tpu.memref_squeeze %dma_wait3A_452 : memref<1x256xi32, #tpu.memory_space<vmem>> -> memref<256xi32, #tpu.memory_space<vmem>>
    %dma_wait3A_454 = arith.constant 0 : i32
    %dma_wait3A_455 = tpu.memref_slice %arg2[%dma_wait3A_454] : memref<16001024xf32, #tpu.memory_space<hbm>> -> memref<16001024xf32, #tpu.memory_space<hbm>>
    tpu.wait_indirect_dma semaphore(%arg9 : memref<!tpu.dma_semaphore, #tpu.memory_space<semaphore_mem>>) src(%dma_wait3A_455 : memref<16001024xf32, #tpu.memory_space<hbm>>) dst(%dma_wait3A_450 : memref<256xf32, #tpu.memory_space<vmem>>)
    %dma_start3A_456 = arith.constant 5 : i32
    %dma_start3A_457 = arith.constant 5 : i32
    %dma_start3A_458 = arith.constant 0 : i32
    %dma_start3A_459 = tpu.memref_slice %arg7[%dma_start3A_456, %dma_start3A_458] : memref<16x512xf32, #tpu.memory_space<vmem>> -> memref<1x256xf32, #tpu.memory_space<vmem>>
    %dma_start3A_460 = tpu.memref_squeeze %dma_start3A_459 : memref<1x256xf32, #tpu.memory_space<vmem>> -> memref<256xf32, #tpu.memory_space<vmem>>
    %dma_start3A_461 = tpu.memref_slice %arg4[%dma_start3A_457, %mul3A_2] : memref<16x16384xf32, #tpu.memory_space<hbm>> -> memref<1x256xf32, #tpu.memory_space<hbm>>
    %dma_start3A_462 = tpu.memref_squeeze %dma_start3A_461 : memref<1x256xf32, #tpu.memory_space<hbm>> -> memref<256xf32, #tpu.memory_space<hbm>>
    %dma_start3A_463 = tpu.memref_slice %arg4[%dma_start3A_457, %mul3A_2] : memref<16x16384xf32, #tpu.memory_space<hbm>> -> memref<1x256xf32, #tpu.memory_space<hbm>>
    %dma_start3A_464 = tpu.memref_squeeze %dma_start3A_463 : memref<1x256xf32, #tpu.memory_space<hbm>> -> memref<256xf32, #tpu.memory_space<hbm>>
    %dma_start3A_465 = arith.constant 0 : i32
    %dma_start3A_466 = tpu.memref_slice %arg7[%dma_start3A_456, %dma_start3A_465] : memref<16x512xf32, #tpu.memory_space<vmem>> -> memref<1x256xf32, #tpu.memory_space<vmem>>
    %dma_start3A_467 = tpu.memref_squeeze %dma_start3A_466 : memref<1x256xf32, #tpu.memory_space<vmem>> -> memref<256xf32, #tpu.memory_space<vmem>>
    tpu.enqueue_dma source(%dma_start3A_467 : memref<256xf32, #tpu.memory_space<vmem>>) target(%dma_start3A_464 : memref<256xf32, #tpu.memory_space<hbm>>) target_semaphore(%arg10 : memref<!tpu.dma_semaphore, #tpu.memory_space<semaphore_mem>>)
    %dma_wait3A_468 = arith.constant 6 : i32
    %dma_wait3A_469 = arith.constant 6 : i32
    %dma_wait3A_470 = arith.constant 0 : i32
    %dma_wait3A_471 = tpu.memref_slice %arg7[%dma_wait3A_469, %dma_wait3A_470] : memref<16x512xf32, #tpu.memory_space<vmem>> -> memref<1x256xf32, #tpu.memory_space<vmem>>
    %dma_wait3A_472 = tpu.memref_squeeze %dma_wait3A_471 : memref<1x256xf32, #tpu.memory_space<vmem>> -> memref<256xf32, #tpu.memory_space<vmem>>
    %dma_wait3A_473 = arith.constant 0 : i32
    %dma_wait3A_474 = tpu.memref_slice %arg6[%dma_wait3A_468, %dma_wait3A_473] : memref<16x512xi32, #tpu.memory_space<vmem>> -> memref<1x256xi32, #tpu.memory_space<vmem>>
    %dma_wait3A_475 = tpu.memref_squeeze %dma_wait3A_474 : memref<1x256xi32, #tpu.memory_space<vmem>> -> memref<256xi32, #tpu.memory_space<vmem>>
    %dma_wait3A_476 = arith.constant 0 : i32
    %dma_wait3A_477 = tpu.memref_slice %arg2[%dma_wait3A_476] : memref<16001024xf32, #tpu.memory_space<hbm>> -> memref<16001024xf32, #tpu.memory_space<hbm>>
    tpu.wait_indirect_dma semaphore(%arg9 : memref<!tpu.dma_semaphore, #tpu.memory_space<semaphore_mem>>) src(%dma_wait3A_477 : memref<16001024xf32, #tpu.memory_space<hbm>>) dst(%dma_wait3A_472 : memref<256xf32, #tpu.memory_space<vmem>>)
    %dma_start3A_478 = arith.constant 6 : i32
    %dma_start3A_479 = arith.constant 6 : i32
    %dma_start3A_480 = arith.constant 0 : i32
    %dma_start3A_481 = tpu.memref_slice %arg7[%dma_start3A_478, %dma_start3A_480] : memref<16x512xf32, #tpu.memory_space<vmem>> -> memref<1x256xf32, #tpu.memory_space<vmem>>
    %dma_start3A_482 = tpu.memref_squeeze %dma_start3A_481 : memref<1x256xf32, #tpu.memory_space<vmem>> -> memref<256xf32, #tpu.memory_space<vmem>>
    %dma_start3A_483 = tpu.memref_slice %arg4[%dma_start3A_479, %mul3A_2] : memref<16x16384xf32, #tpu.memory_space<hbm>> -> memref<1x256xf32, #tpu.memory_space<hbm>>
    %dma_start3A_484 = tpu.memref_squeeze %dma_start3A_483 : memref<1x256xf32, #tpu.memory_space<hbm>> -> memref<256xf32, #tpu.memory_space<hbm>>
    %dma_start3A_485 = tpu.memref_slice %arg4[%dma_start3A_479, %mul3A_2] : memref<16x16384xf32, #tpu.memory_space<hbm>> -> memref<1x256xf32, #tpu.memory_space<hbm>>
    %dma_start3A_486 = tpu.memref_squeeze %dma_start3A_485 : memref<1x256xf32, #tpu.memory_space<hbm>> -> memref<256xf32, #tpu.memory_space<hbm>>
    %dma_start3A_487 = arith.constant 0 : i32
    %dma_start3A_488 = tpu.memref_slice %arg7[%dma_start3A_478, %dma_start3A_487] : memref<16x512xf32, #tpu.memory_space<vmem>> -> memref<1x256xf32, #tpu.memory_space<vmem>>
    %dma_start3A_489 = tpu.memref_squeeze %dma_start3A_488 : memref<1x256xf32, #tpu.memory_space<vmem>> -> memref<256xf32, #tpu.memory_space<vmem>>
    tpu.enqueue_dma source(%dma_start3A_489 : memref<256xf32, #tpu.memory_space<vmem>>) target(%dma_start3A_486 : memref<256xf32, #tpu.memory_space<hbm>>) target_semaphore(%arg10 : memref<!tpu.dma_semaphore, #tpu.memory_space<semaphore_mem>>)
    %dma_wait3A_490 = arith.constant 7 : i32
    %dma_wait3A_491 = arith.constant 7 : i32
    %dma_wait3A_492 = arith.constant 0 : i32
    %dma_wait3A_493 = tpu.memref_slice %arg7[%dma_wait3A_491, %dma_wait3A_492] : memref<16x512xf32, #tpu.memory_space<vmem>> -> memref<1x256xf32, #tpu.memory_space<vmem>>
    %dma_wait3A_494 = tpu.memref_squeeze %dma_wait3A_493 : memref<1x256xf32, #tpu.memory_space<vmem>> -> memref<256xf32, #tpu.memory_space<vmem>>
    %dma_wait3A_495 = arith.constant 0 : i32
    %dma_wait3A_496 = tpu.memref_slice %arg6[%dma_wait3A_490, %dma_wait3A_495] : memref<16x512xi32, #tpu.memory_space<vmem>> -> memref<1x256xi32, #tpu.memory_space<vmem>>
    %dma_wait3A_497 = tpu.memref_squeeze %dma_wait3A_496 : memref<1x256xi32, #tpu.memory_space<vmem>> -> memref<256xi32, #tpu.memory_space<vmem>>
    %dma_wait3A_498 = arith.constant 0 : i32
    %dma_wait3A_499 = tpu.memref_slice %arg2[%dma_wait3A_498] : memref<16001024xf32, #tpu.memory_space<hbm>> -> memref<16001024xf32, #tpu.memory_space<hbm>>
    tpu.wait_indirect_dma semaphore(%arg9 : memref<!tpu.dma_semaphore, #tpu.memory_space<semaphore_mem>>) src(%dma_wait3A_499 : memref<16001024xf32, #tpu.memory_space<hbm>>) dst(%dma_wait3A_494 : memref<256xf32, #tpu.memory_space<vmem>>)
    %dma_start3A_500 = arith.constant 7 : i32
    %dma_start3A_501 = arith.constant 7 : i32
    %dma_start3A_502 = arith.constant 0 : i32
    %dma_start3A_503 = tpu.memref_slice %arg7[%dma_start3A_500, %dma_start3A_502] : memref<16x512xf32, #tpu.memory_space<vmem>> -> memref<1x256xf32, #tpu.memory_space<vmem>>
    %dma_start3A_504 = tpu.memref_squeeze %dma_start3A_503 : memref<1x256xf32, #tpu.memory_space<vmem>> -> memref<256xf32, #tpu.memory_space<vmem>>
    %dma_start3A_505 = tpu.memref_slice %arg4[%dma_start3A_501, %mul3A_2] : memref<16x16384xf32, #tpu.memory_space<hbm>> -> memref<1x256xf32, #tpu.memory_space<hbm>>
    %dma_start3A_506 = tpu.memref_squeeze %dma_start3A_505 : memref<1x256xf32, #tpu.memory_space<hbm>> -> memref<256xf32, #tpu.memory_space<hbm>>
    %dma_start3A_507 = tpu.memref_slice %arg4[%dma_start3A_501, %mul3A_2] : memref<16x16384xf32, #tpu.memory_space<hbm>> -> memref<1x256xf32, #tpu.memory_space<hbm>>
    %dma_start3A_508 = tpu.memref_squeeze %dma_start3A_507 : memref<1x256xf32, #tpu.memory_space<hbm>> -> memref<256xf32, #tpu.memory_space<hbm>>
    %dma_start3A_509 = arith.constant 0 : i32
    %dma_start3A_510 = tpu.memref_slice %arg7[%dma_start3A_500, %dma_start3A_509] : memref<16x512xf32, #tpu.memory_space<vmem>> -> memref<1x256xf32, #tpu.memory_space<vmem>>
    %dma_start3A_511 = tpu.memref_squeeze %dma_start3A_510 : memref<1x256xf32, #tpu.memory_space<vmem>> -> memref<256xf32, #tpu.memory_space<vmem>>
    tpu.enqueue_dma source(%dma_start3A_511 : memref<256xf32, #tpu.memory_space<vmem>>) target(%dma_start3A_508 : memref<256xf32, #tpu.memory_space<hbm>>) target_semaphore(%arg10 : memref<!tpu.dma_semaphore, #tpu.memory_space<semaphore_mem>>)
    %dma_wait3A_512 = arith.constant 8 : i32
    %dma_wait3A_513 = arith.constant 8 : i32
    %dma_wait3A_514 = arith.constant 0 : i32
    %dma_wait3A_515 = tpu.memref_slice %arg7[%dma_wait3A_513, %dma_wait3A_514] : memref<16x512xf32, #tpu.memory_space<vmem>> -> memref<1x256xf32, #tpu.memory_space<vmem>>
    %dma_wait3A_516 = tpu.memref_squeeze %dma_wait3A_515 : memref<1x256xf32, #tpu.memory_space<vmem>> -> memref<256xf32, #tpu.memory_space<vmem>>
    %dma_wait3A_517 = arith.constant 0 : i32
    %dma_wait3A_518 = tpu.memref_slice %arg6[%dma_wait3A_512, %dma_wait3A_517] : memref<16x512xi32, #tpu.memory_space<vmem>> -> memref<1x256xi32, #tpu.memory_space<vmem>>
    %dma_wait3A_519 = tpu.memref_squeeze %dma_wait3A_518 : memref<1x256xi32, #tpu.memory_space<vmem>> -> memref<256xi32, #tpu.memory_space<vmem>>
    %dma_wait3A_520 = arith.constant 0 : i32
    %dma_wait3A_521 = tpu.memref_slice %arg2[%dma_wait3A_520] : memref<16001024xf32, #tpu.memory_space<hbm>> -> memref<16001024xf32, #tpu.memory_space<hbm>>
    tpu.wait_indirect_dma semaphore(%arg9 : memref<!tpu.dma_semaphore, #tpu.memory_space<semaphore_mem>>) src(%dma_wait3A_521 : memref<16001024xf32, #tpu.memory_space<hbm>>) dst(%dma_wait3A_516 : memref<256xf32, #tpu.memory_space<vmem>>)
    %dma_start3A_522 = arith.constant 8 : i32
    %dma_start3A_523 = arith.constant 8 : i32
    %dma_start3A_524 = arith.constant 0 : i32
    %dma_start3A_525 = tpu.memref_slice %arg7[%dma_start3A_522, %dma_start3A_524] : memref<16x512xf32, #tpu.memory_space<vmem>> -> memref<1x256xf32, #tpu.memory_space<vmem>>
    %dma_start3A_526 = tpu.memref_squeeze %dma_start3A_525 : memref<1x256xf32, #tpu.memory_space<vmem>> -> memref<256xf32, #tpu.memory_space<vmem>>
    %dma_start3A_527 = tpu.memref_slice %arg4[%dma_start3A_523, %mul3A_2] : memref<16x16384xf32, #tpu.memory_space<hbm>> -> memref<1x256xf32, #tpu.memory_space<hbm>>
    %dma_start3A_528 = tpu.memref_squeeze %dma_start3A_527 : memref<1x256xf32, #tpu.memory_space<hbm>> -> memref<256xf32, #tpu.memory_space<hbm>>
    %dma_start3A_529 = tpu.memref_slice %arg4[%dma_start3A_523, %mul3A_2] : memref<16x16384xf32, #tpu.memory_space<hbm>> -> memref<1x256xf32, #tpu.memory_space<hbm>>
    %dma_start3A_530 = tpu.memref_squeeze %dma_start3A_529 : memref<1x256xf32, #tpu.memory_space<hbm>> -> memref<256xf32, #tpu.memory_space<hbm>>
    %dma_start3A_531 = arith.constant 0 : i32
    %dma_start3A_532 = tpu.memref_slice %arg7[%dma_start3A_522, %dma_start3A_531] : memref<16x512xf32, #tpu.memory_space<vmem>> -> memref<1x256xf32, #tpu.memory_space<vmem>>
    %dma_start3A_533 = tpu.memref_squeeze %dma_start3A_532 : memref<1x256xf32, #tpu.memory_space<vmem>> -> memref<256xf32, #tpu.memory_space<vmem>>
    tpu.enqueue_dma source(%dma_start3A_533 : memref<256xf32, #tpu.memory_space<vmem>>) target(%dma_start3A_530 : memref<256xf32, #tpu.memory_space<hbm>>) target_semaphore(%arg10 : memref<!tpu.dma_semaphore, #tpu.memory_space<semaphore_mem>>)
    %dma_wait3A_534 = arith.constant 9 : i32
    %dma_wait3A_535 = arith.constant 9 : i32
    %dma_wait3A_536 = arith.constant 0 : i32
    %dma_wait3A_537 = tpu.memref_slice %arg7[%dma_wait3A_535, %dma_wait3A_536] : memref<16x512xf32, #tpu.memory_space<vmem>> -> memref<1x256xf32, #tpu.memory_space<vmem>>
    %dma_wait3A_538 = tpu.memref_squeeze %dma_wait3A_537 : memref<1x256xf32, #tpu.memory_space<vmem>> -> memref<256xf32, #tpu.memory_space<vmem>>
    %dma_wait3A_539 = arith.constant 0 : i32
    %dma_wait3A_540 = tpu.memref_slice %arg6[%dma_wait3A_534, %dma_wait3A_539] : memref<16x512xi32, #tpu.memory_space<vmem>> -> memref<1x256xi32, #tpu.memory_space<vmem>>
    %dma_wait3A_541 = tpu.memref_squeeze %dma_wait3A_540 : memref<1x256xi32, #tpu.memory_space<vmem>> -> memref<256xi32, #tpu.memory_space<vmem>>
    %dma_wait3A_542 = arith.constant 0 : i32
    %dma_wait3A_543 = tpu.memref_slice %arg2[%dma_wait3A_542] : memref<16001024xf32, #tpu.memory_space<hbm>> -> memref<16001024xf32, #tpu.memory_space<hbm>>
    tpu.wait_indirect_dma semaphore(%arg9 : memref<!tpu.dma_semaphore, #tpu.memory_space<semaphore_mem>>) src(%dma_wait3A_543 : memref<16001024xf32, #tpu.memory_space<hbm>>) dst(%dma_wait3A_538 : memref<256xf32, #tpu.memory_space<vmem>>)
    %dma_start3A_544 = arith.constant 9 : i32
    %dma_start3A_545 = arith.constant 9 : i32
    %dma_start3A_546 = arith.constant 0 : i32
    %dma_start3A_547 = tpu.memref_slice %arg7[%dma_start3A_544, %dma_start3A_546] : memref<16x512xf32, #tpu.memory_space<vmem>> -> memref<1x256xf32, #tpu.memory_space<vmem>>
    %dma_start3A_548 = tpu.memref_squeeze %dma_start3A_547 : memref<1x256xf32, #tpu.memory_space<vmem>> -> memref<256xf32, #tpu.memory_space<vmem>>
    %dma_start3A_549 = tpu.memref_slice %arg4[%dma_start3A_545, %mul3A_2] : memref<16x16384xf32, #tpu.memory_space<hbm>> -> memref<1x256xf32, #tpu.memory_space<hbm>>
    %dma_start3A_550 = tpu.memref_squeeze %dma_start3A_549 : memref<1x256xf32, #tpu.memory_space<hbm>> -> memref<256xf32, #tpu.memory_space<hbm>>
    %dma_start3A_551 = tpu.memref_slice %arg4[%dma_start3A_545, %mul3A_2] : memref<16x16384xf32, #tpu.memory_space<hbm>> -> memref<1x256xf32, #tpu.memory_space<hbm>>
    %dma_start3A_552 = tpu.memref_squeeze %dma_start3A_551 : memref<1x256xf32, #tpu.memory_space<hbm>> -> memref<256xf32, #tpu.memory_space<hbm>>
    %dma_start3A_553 = arith.constant 0 : i32
    %dma_start3A_554 = tpu.memref_slice %arg7[%dma_start3A_544, %dma_start3A_553] : memref<16x512xf32, #tpu.memory_space<vmem>> -> memref<1x256xf32, #tpu.memory_space<vmem>>
    %dma_start3A_555 = tpu.memref_squeeze %dma_start3A_554 : memref<1x256xf32, #tpu.memory_space<vmem>> -> memref<256xf32, #tpu.memory_space<vmem>>
    tpu.enqueue_dma source(%dma_start3A_555 : memref<256xf32, #tpu.memory_space<vmem>>) target(%dma_start3A_552 : memref<256xf32, #tpu.memory_space<hbm>>) target_semaphore(%arg10 : memref<!tpu.dma_semaphore, #tpu.memory_space<semaphore_mem>>)
    %dma_wait3A_556 = arith.constant 10 : i32
    %dma_wait3A_557 = arith.constant 10 : i32
    %dma_wait3A_558 = arith.constant 0 : i32
    %dma_wait3A_559 = tpu.memref_slice %arg7[%dma_wait3A_557, %dma_wait3A_558] : memref<16x512xf32, #tpu.memory_space<vmem>> -> memref<1x256xf32, #tpu.memory_space<vmem>>
    %dma_wait3A_560 = tpu.memref_squeeze %dma_wait3A_559 : memref<1x256xf32, #tpu.memory_space<vmem>> -> memref<256xf32, #tpu.memory_space<vmem>>
    %dma_wait3A_561 = arith.constant 0 : i32
    %dma_wait3A_562 = tpu.memref_slice %arg6[%dma_wait3A_556, %dma_wait3A_561] : memref<16x512xi32, #tpu.memory_space<vmem>> -> memref<1x256xi32, #tpu.memory_space<vmem>>
    %dma_wait3A_563 = tpu.memref_squeeze %dma_wait3A_562 : memref<1x256xi32, #tpu.memory_space<vmem>> -> memref<256xi32, #tpu.memory_space<vmem>>
    %dma_wait3A_564 = arith.constant 0 : i32
    %dma_wait3A_565 = tpu.memref_slice %arg2[%dma_wait3A_564] : memref<16001024xf32, #tpu.memory_space<hbm>> -> memref<16001024xf32, #tpu.memory_space<hbm>>
    tpu.wait_indirect_dma semaphore(%arg9 : memref<!tpu.dma_semaphore, #tpu.memory_space<semaphore_mem>>) src(%dma_wait3A_565 : memref<16001024xf32, #tpu.memory_space<hbm>>) dst(%dma_wait3A_560 : memref<256xf32, #tpu.memory_space<vmem>>)
    %dma_start3A_566 = arith.constant 10 : i32
    %dma_start3A_567 = arith.constant 10 : i32
    %dma_start3A_568 = arith.constant 0 : i32
    %dma_start3A_569 = tpu.memref_slice %arg7[%dma_start3A_566, %dma_start3A_568] : memref<16x512xf32, #tpu.memory_space<vmem>> -> memref<1x256xf32, #tpu.memory_space<vmem>>
    %dma_start3A_570 = tpu.memref_squeeze %dma_start3A_569 : memref<1x256xf32, #tpu.memory_space<vmem>> -> memref<256xf32, #tpu.memory_space<vmem>>
    %dma_start3A_571 = tpu.memref_slice %arg4[%dma_start3A_567, %mul3A_2] : memref<16x16384xf32, #tpu.memory_space<hbm>> -> memref<1x256xf32, #tpu.memory_space<hbm>>
    %dma_start3A_572 = tpu.memref_squeeze %dma_start3A_571 : memref<1x256xf32, #tpu.memory_space<hbm>> -> memref<256xf32, #tpu.memory_space<hbm>>
    %dma_start3A_573 = tpu.memref_slice %arg4[%dma_start3A_567, %mul3A_2] : memref<16x16384xf32, #tpu.memory_space<hbm>> -> memref<1x256xf32, #tpu.memory_space<hbm>>
    %dma_start3A_574 = tpu.memref_squeeze %dma_start3A_573 : memref<1x256xf32, #tpu.memory_space<hbm>> -> memref<256xf32, #tpu.memory_space<hbm>>
    %dma_start3A_575 = arith.constant 0 : i32
    %dma_start3A_576 = tpu.memref_slice %arg7[%dma_start3A_566, %dma_start3A_575] : memref<16x512xf32, #tpu.memory_space<vmem>> -> memref<1x256xf32, #tpu.memory_space<vmem>>
    %dma_start3A_577 = tpu.memref_squeeze %dma_start3A_576 : memref<1x256xf32, #tpu.memory_space<vmem>> -> memref<256xf32, #tpu.memory_space<vmem>>
    tpu.enqueue_dma source(%dma_start3A_577 : memref<256xf32, #tpu.memory_space<vmem>>) target(%dma_start3A_574 : memref<256xf32, #tpu.memory_space<hbm>>) target_semaphore(%arg10 : memref<!tpu.dma_semaphore, #tpu.memory_space<semaphore_mem>>)
    %dma_wait3A_578 = arith.constant 11 : i32
    %dma_wait3A_579 = arith.constant 11 : i32
    %dma_wait3A_580 = arith.constant 0 : i32
    %dma_wait3A_581 = tpu.memref_slice %arg7[%dma_wait3A_579, %dma_wait3A_580] : memref<16x512xf32, #tpu.memory_space<vmem>> -> memref<1x256xf32, #tpu.memory_space<vmem>>
    %dma_wait3A_582 = tpu.memref_squeeze %dma_wait3A_581 : memref<1x256xf32, #tpu.memory_space<vmem>> -> memref<256xf32, #tpu.memory_space<vmem>>
    %dma_wait3A_583 = arith.constant 0 : i32
    %dma_wait3A_584 = tpu.memref_slice %arg6[%dma_wait3A_578, %dma_wait3A_583] : memref<16x512xi32, #tpu.memory_space<vmem>> -> memref<1x256xi32, #tpu.memory_space<vmem>>
    %dma_wait3A_585 = tpu.memref_squeeze %dma_wait3A_584 : memref<1x256xi32, #tpu.memory_space<vmem>> -> memref<256xi32, #tpu.memory_space<vmem>>
    %dma_wait3A_586 = arith.constant 0 : i32
    %dma_wait3A_587 = tpu.memref_slice %arg2[%dma_wait3A_586] : memref<16001024xf32, #tpu.memory_space<hbm>> -> memref<16001024xf32, #tpu.memory_space<hbm>>
    tpu.wait_indirect_dma semaphore(%arg9 : memref<!tpu.dma_semaphore, #tpu.memory_space<semaphore_mem>>) src(%dma_wait3A_587 : memref<16001024xf32, #tpu.memory_space<hbm>>) dst(%dma_wait3A_582 : memref<256xf32, #tpu.memory_space<vmem>>)
    %dma_start3A_588 = arith.constant 11 : i32
    %dma_start3A_589 = arith.constant 11 : i32
    %dma_start3A_590 = arith.constant 0 : i32
    %dma_start3A_591 = tpu.memref_slice %arg7[%dma_start3A_588, %dma_start3A_590] : memref<16x512xf32, #tpu.memory_space<vmem>> -> memref<1x256xf32, #tpu.memory_space<vmem>>
    %dma_start3A_592 = tpu.memref_squeeze %dma_start3A_591 : memref<1x256xf32, #tpu.memory_space<vmem>> -> memref<256xf32, #tpu.memory_space<vmem>>
    %dma_start3A_593 = tpu.memref_slice %arg4[%dma_start3A_589, %mul3A_2] : memref<16x16384xf32, #tpu.memory_space<hbm>> -> memref<1x256xf32, #tpu.memory_space<hbm>>
    %dma_start3A_594 = tpu.memref_squeeze %dma_start3A_593 : memref<1x256xf32, #tpu.memory_space<hbm>> -> memref<256xf32, #tpu.memory_space<hbm>>
    %dma_start3A_595 = tpu.memref_slice %arg4[%dma_start3A_589, %mul3A_2] : memref<16x16384xf32, #tpu.memory_space<hbm>> -> memref<1x256xf32, #tpu.memory_space<hbm>>
    %dma_start3A_596 = tpu.memref_squeeze %dma_start3A_595 : memref<1x256xf32, #tpu.memory_space<hbm>> -> memref<256xf32, #tpu.memory_space<hbm>>
    %dma_start3A_597 = arith.constant 0 : i32
    %dma_start3A_598 = tpu.memref_slice %arg7[%dma_start3A_588, %dma_start3A_597] : memref<16x512xf32, #tpu.memory_space<vmem>> -> memref<1x256xf32, #tpu.memory_space<vmem>>
    %dma_start3A_599 = tpu.memref_squeeze %dma_start3A_598 : memref<1x256xf32, #tpu.memory_space<vmem>> -> memref<256xf32, #tpu.memory_space<vmem>>
    tpu.enqueue_dma source(%dma_start3A_599 : memref<256xf32, #tpu.memory_space<vmem>>) target(%dma_start3A_596 : memref<256xf32, #tpu.memory_space<hbm>>) target_semaphore(%arg10 : memref<!tpu.dma_semaphore, #tpu.memory_space<semaphore_mem>>)
    %dma_wait3A_600 = arith.constant 12 : i32
    %dma_wait3A_601 = arith.constant 12 : i32
    %dma_wait3A_602 = arith.constant 0 : i32
    %dma_wait3A_603 = tpu.memref_slice %arg7[%dma_wait3A_601, %dma_wait3A_602] : memref<16x512xf32, #tpu.memory_space<vmem>> -> memref<1x256xf32, #tpu.memory_space<vmem>>
    %dma_wait3A_604 = tpu.memref_squeeze %dma_wait3A_603 : memref<1x256xf32, #tpu.memory_space<vmem>> -> memref<256xf32, #tpu.memory_space<vmem>>
    %dma_wait3A_605 = arith.constant 0 : i32
    %dma_wait3A_606 = tpu.memref_slice %arg6[%dma_wait3A_600, %dma_wait3A_605] : memref<16x512xi32, #tpu.memory_space<vmem>> -> memref<1x256xi32, #tpu.memory_space<vmem>>
    %dma_wait3A_607 = tpu.memref_squeeze %dma_wait3A_606 : memref<1x256xi32, #tpu.memory_space<vmem>> -> memref<256xi32, #tpu.memory_space<vmem>>
    %dma_wait3A_608 = arith.constant 0 : i32
    %dma_wait3A_609 = tpu.memref_slice %arg2[%dma_wait3A_608] : memref<16001024xf32, #tpu.memory_space<hbm>> -> memref<16001024xf32, #tpu.memory_space<hbm>>
    tpu.wait_indirect_dma semaphore(%arg9 : memref<!tpu.dma_semaphore, #tpu.memory_space<semaphore_mem>>) src(%dma_wait3A_609 : memref<16001024xf32, #tpu.memory_space<hbm>>) dst(%dma_wait3A_604 : memref<256xf32, #tpu.memory_space<vmem>>)
    %dma_start3A_610 = arith.constant 12 : i32
    %dma_start3A_611 = arith.constant 12 : i32
    %dma_start3A_612 = arith.constant 0 : i32
    %dma_start3A_613 = tpu.memref_slice %arg7[%dma_start3A_610, %dma_start3A_612] : memref<16x512xf32, #tpu.memory_space<vmem>> -> memref<1x256xf32, #tpu.memory_space<vmem>>
    %dma_start3A_614 = tpu.memref_squeeze %dma_start3A_613 : memref<1x256xf32, #tpu.memory_space<vmem>> -> memref<256xf32, #tpu.memory_space<vmem>>
    %dma_start3A_615 = tpu.memref_slice %arg4[%dma_start3A_611, %mul3A_2] : memref<16x16384xf32, #tpu.memory_space<hbm>> -> memref<1x256xf32, #tpu.memory_space<hbm>>
    %dma_start3A_616 = tpu.memref_squeeze %dma_start3A_615 : memref<1x256xf32, #tpu.memory_space<hbm>> -> memref<256xf32, #tpu.memory_space<hbm>>
    %dma_start3A_617 = tpu.memref_slice %arg4[%dma_start3A_611, %mul3A_2] : memref<16x16384xf32, #tpu.memory_space<hbm>> -> memref<1x256xf32, #tpu.memory_space<hbm>>
    %dma_start3A_618 = tpu.memref_squeeze %dma_start3A_617 : memref<1x256xf32, #tpu.memory_space<hbm>> -> memref<256xf32, #tpu.memory_space<hbm>>
    %dma_start3A_619 = arith.constant 0 : i32
    %dma_start3A_620 = tpu.memref_slice %arg7[%dma_start3A_610, %dma_start3A_619] : memref<16x512xf32, #tpu.memory_space<vmem>> -> memref<1x256xf32, #tpu.memory_space<vmem>>
    %dma_start3A_621 = tpu.memref_squeeze %dma_start3A_620 : memref<1x256xf32, #tpu.memory_space<vmem>> -> memref<256xf32, #tpu.memory_space<vmem>>
    tpu.enqueue_dma source(%dma_start3A_621 : memref<256xf32, #tpu.memory_space<vmem>>) target(%dma_start3A_618 : memref<256xf32, #tpu.memory_space<hbm>>) target_semaphore(%arg10 : memref<!tpu.dma_semaphore, #tpu.memory_space<semaphore_mem>>)
    %dma_wait3A_622 = arith.constant 13 : i32
    %dma_wait3A_623 = arith.constant 13 : i32
    %dma_wait3A_624 = arith.constant 0 : i32
    %dma_wait3A_625 = tpu.memref_slice %arg7[%dma_wait3A_623, %dma_wait3A_624] : memref<16x512xf32, #tpu.memory_space<vmem>> -> memref<1x256xf32, #tpu.memory_space<vmem>>
    %dma_wait3A_626 = tpu.memref_squeeze %dma_wait3A_625 : memref<1x256xf32, #tpu.memory_space<vmem>> -> memref<256xf32, #tpu.memory_space<vmem>>
    %dma_wait3A_627 = arith.constant 0 : i32
    %dma_wait3A_628 = tpu.memref_slice %arg6[%dma_wait3A_622, %dma_wait3A_627] : memref<16x512xi32, #tpu.memory_space<vmem>> -> memref<1x256xi32, #tpu.memory_space<vmem>>
    %dma_wait3A_629 = tpu.memref_squeeze %dma_wait3A_628 : memref<1x256xi32, #tpu.memory_space<vmem>> -> memref<256xi32, #tpu.memory_space<vmem>>
    %dma_wait3A_630 = arith.constant 0 : i32
    %dma_wait3A_631 = tpu.memref_slice %arg2[%dma_wait3A_630] : memref<16001024xf32, #tpu.memory_space<hbm>> -> memref<16001024xf32, #tpu.memory_space<hbm>>
    tpu.wait_indirect_dma semaphore(%arg9 : memref<!tpu.dma_semaphore, #tpu.memory_space<semaphore_mem>>) src(%dma_wait3A_631 : memref<16001024xf32, #tpu.memory_space<hbm>>) dst(%dma_wait3A_626 : memref<256xf32, #tpu.memory_space<vmem>>)
    %dma_start3A_632 = arith.constant 13 : i32
    %dma_start3A_633 = arith.constant 13 : i32
    %dma_start3A_634 = arith.constant 0 : i32
    %dma_start3A_635 = tpu.memref_slice %arg7[%dma_start3A_632, %dma_start3A_634] : memref<16x512xf32, #tpu.memory_space<vmem>> -> memref<1x256xf32, #tpu.memory_space<vmem>>
    %dma_start3A_636 = tpu.memref_squeeze %dma_start3A_635 : memref<1x256xf32, #tpu.memory_space<vmem>> -> memref<256xf32, #tpu.memory_space<vmem>>
    %dma_start3A_637 = tpu.memref_slice %arg4[%dma_start3A_633, %mul3A_2] : memref<16x16384xf32, #tpu.memory_space<hbm>> -> memref<1x256xf32, #tpu.memory_space<hbm>>
    %dma_start3A_638 = tpu.memref_squeeze %dma_start3A_637 : memref<1x256xf32, #tpu.memory_space<hbm>> -> memref<256xf32, #tpu.memory_space<hbm>>
    %dma_start3A_639 = tpu.memref_slice %arg4[%dma_start3A_633, %mul3A_2] : memref<16x16384xf32, #tpu.memory_space<hbm>> -> memref<1x256xf32, #tpu.memory_space<hbm>>
    %dma_start3A_640 = tpu.memref_squeeze %dma_start3A_639 : memref<1x256xf32, #tpu.memory_space<hbm>> -> memref<256xf32, #tpu.memory_space<hbm>>
    %dma_start3A_641 = arith.constant 0 : i32
    %dma_start3A_642 = tpu.memref_slice %arg7[%dma_start3A_632, %dma_start3A_641] : memref<16x512xf32, #tpu.memory_space<vmem>> -> memref<1x256xf32, #tpu.memory_space<vmem>>
    %dma_start3A_643 = tpu.memref_squeeze %dma_start3A_642 : memref<1x256xf32, #tpu.memory_space<vmem>> -> memref<256xf32, #tpu.memory_space<vmem>>
    tpu.enqueue_dma source(%dma_start3A_643 : memref<256xf32, #tpu.memory_space<vmem>>) target(%dma_start3A_640 : memref<256xf32, #tpu.memory_space<hbm>>) target_semaphore(%arg10 : memref<!tpu.dma_semaphore, #tpu.memory_space<semaphore_mem>>)
    %dma_wait3A_644 = arith.constant 14 : i32
    %dma_wait3A_645 = arith.constant 14 : i32
    %dma_wait3A_646 = arith.constant 0 : i32
    %dma_wait3A_647 = tpu.memref_slice %arg7[%dma_wait3A_645, %dma_wait3A_646] : memref<16x512xf32, #tpu.memory_space<vmem>> -> memref<1x256xf32, #tpu.memory_space<vmem>>
    %dma_wait3A_648 = tpu.memref_squeeze %dma_wait3A_647 : memref<1x256xf32, #tpu.memory_space<vmem>> -> memref<256xf32, #tpu.memory_space<vmem>>
    %dma_wait3A_649 = arith.constant 0 : i32
    %dma_wait3A_650 = tpu.memref_slice %arg6[%dma_wait3A_644, %dma_wait3A_649] : memref<16x512xi32, #tpu.memory_space<vmem>> -> memref<1x256xi32, #tpu.memory_space<vmem>>
    %dma_wait3A_651 = tpu.memref_squeeze %dma_wait3A_650 : memref<1x256xi32, #tpu.memory_space<vmem>> -> memref<256xi32, #tpu.memory_space<vmem>>
    %dma_wait3A_652 = arith.constant 0 : i32
    %dma_wait3A_653 = tpu.memref_slice %arg2[%dma_wait3A_652] : memref<16001024xf32, #tpu.memory_space<hbm>> -> memref<16001024xf32, #tpu.memory_space<hbm>>
    tpu.wait_indirect_dma semaphore(%arg9 : memref<!tpu.dma_semaphore, #tpu.memory_space<semaphore_mem>>) src(%dma_wait3A_653 : memref<16001024xf32, #tpu.memory_space<hbm>>) dst(%dma_wait3A_648 : memref<256xf32, #tpu.memory_space<vmem>>)
    %dma_start3A_654 = arith.constant 14 : i32
    %dma_start3A_655 = arith.constant 14 : i32
    %dma_start3A_656 = arith.constant 0 : i32
    %dma_start3A_657 = tpu.memref_slice %arg7[%dma_start3A_654, %dma_start3A_656] : memref<16x512xf32, #tpu.memory_space<vmem>> -> memref<1x256xf32, #tpu.memory_space<vmem>>
    %dma_start3A_658 = tpu.memref_squeeze %dma_start3A_657 : memref<1x256xf32, #tpu.memory_space<vmem>> -> memref<256xf32, #tpu.memory_space<vmem>>
    %dma_start3A_659 = tpu.memref_slice %arg4[%dma_start3A_655, %mul3A_2] : memref<16x16384xf32, #tpu.memory_space<hbm>> -> memref<1x256xf32, #tpu.memory_space<hbm>>
    %dma_start3A_660 = tpu.memref_squeeze %dma_start3A_659 : memref<1x256xf32, #tpu.memory_space<hbm>> -> memref<256xf32, #tpu.memory_space<hbm>>
    %dma_start3A_661 = tpu.memref_slice %arg4[%dma_start3A_655, %mul3A_2] : memref<16x16384xf32, #tpu.memory_space<hbm>> -> memref<1x256xf32, #tpu.memory_space<hbm>>
    %dma_start3A_662 = tpu.memref_squeeze %dma_start3A_661 : memref<1x256xf32, #tpu.memory_space<hbm>> -> memref<256xf32, #tpu.memory_space<hbm>>
    %dma_start3A_663 = arith.constant 0 : i32
    %dma_start3A_664 = tpu.memref_slice %arg7[%dma_start3A_654, %dma_start3A_663] : memref<16x512xf32, #tpu.memory_space<vmem>> -> memref<1x256xf32, #tpu.memory_space<vmem>>
    %dma_start3A_665 = tpu.memref_squeeze %dma_start3A_664 : memref<1x256xf32, #tpu.memory_space<vmem>> -> memref<256xf32, #tpu.memory_space<vmem>>
    tpu.enqueue_dma source(%dma_start3A_665 : memref<256xf32, #tpu.memory_space<vmem>>) target(%dma_start3A_662 : memref<256xf32, #tpu.memory_space<hbm>>) target_semaphore(%arg10 : memref<!tpu.dma_semaphore, #tpu.memory_space<semaphore_mem>>)
    %dma_wait3A_666 = arith.constant 15 : i32
    %dma_wait3A_667 = arith.constant 15 : i32
    %dma_wait3A_668 = arith.constant 0 : i32
    %dma_wait3A_669 = tpu.memref_slice %arg7[%dma_wait3A_667, %dma_wait3A_668] : memref<16x512xf32, #tpu.memory_space<vmem>> -> memref<1x256xf32, #tpu.memory_space<vmem>>
    %dma_wait3A_670 = tpu.memref_squeeze %dma_wait3A_669 : memref<1x256xf32, #tpu.memory_space<vmem>> -> memref<256xf32, #tpu.memory_space<vmem>>
    %dma_wait3A_671 = arith.constant 0 : i32
    %dma_wait3A_672 = tpu.memref_slice %arg6[%dma_wait3A_666, %dma_wait3A_671] : memref<16x512xi32, #tpu.memory_space<vmem>> -> memref<1x256xi32, #tpu.memory_space<vmem>>
    %dma_wait3A_673 = tpu.memref_squeeze %dma_wait3A_672 : memref<1x256xi32, #tpu.memory_space<vmem>> -> memref<256xi32, #tpu.memory_space<vmem>>
    %dma_wait3A_674 = arith.constant 0 : i32
    %dma_wait3A_675 = tpu.memref_slice %arg2[%dma_wait3A_674] : memref<16001024xf32, #tpu.memory_space<hbm>> -> memref<16001024xf32, #tpu.memory_space<hbm>>
    tpu.wait_indirect_dma semaphore(%arg9 : memref<!tpu.dma_semaphore, #tpu.memory_space<semaphore_mem>>) src(%dma_wait3A_675 : memref<16001024xf32, #tpu.memory_space<hbm>>) dst(%dma_wait3A_670 : memref<256xf32, #tpu.memory_space<vmem>>)
    %dma_start3A_676 = arith.constant 15 : i32
    %dma_start3A_677 = arith.constant 15 : i32
    %dma_start3A_678 = arith.constant 0 : i32
    %dma_start3A_679 = tpu.memref_slice %arg7[%dma_start3A_676, %dma_start3A_678] : memref<16x512xf32, #tpu.memory_space<vmem>> -> memref<1x256xf32, #tpu.memory_space<vmem>>
    %dma_start3A_680 = tpu.memref_squeeze %dma_start3A_679 : memref<1x256xf32, #tpu.memory_space<vmem>> -> memref<256xf32, #tpu.memory_space<vmem>>
    %dma_start3A_681 = tpu.memref_slice %arg4[%dma_start3A_677, %mul3A_2] : memref<16x16384xf32, #tpu.memory_space<hbm>> -> memref<1x256xf32, #tpu.memory_space<hbm>>
    %dma_start3A_682 = tpu.memref_squeeze %dma_start3A_681 : memref<1x256xf32, #tpu.memory_space<hbm>> -> memref<256xf32, #tpu.memory_space<hbm>>
    %dma_start3A_683 = tpu.memref_slice %arg4[%dma_start3A_677, %mul3A_2] : memref<16x16384xf32, #tpu.memory_space<hbm>> -> memref<1x256xf32, #tpu.memory_space<hbm>>
    %dma_start3A_684 = tpu.memref_squeeze %dma_start3A_683 : memref<1x256xf32, #tpu.memory_space<hbm>> -> memref<256xf32, #tpu.memory_space<hbm>>
    %dma_start3A_685 = arith.constant 0 : i32
    %dma_start3A_686 = tpu.memref_slice %arg7[%dma_start3A_676, %dma_start3A_685] : memref<16x512xf32, #tpu.memory_space<vmem>> -> memref<1x256xf32, #tpu.memory_space<vmem>>
    %dma_start3A_687 = tpu.memref_squeeze %dma_start3A_686 : memref<1x256xf32, #tpu.memory_space<vmem>> -> memref<256xf32, #tpu.memory_space<vmem>>
    tpu.enqueue_dma source(%dma_start3A_687 : memref<256xf32, #tpu.memory_space<vmem>>) target(%dma_start3A_684 : memref<256xf32, #tpu.memory_space<hbm>>) target_semaphore(%arg10 : memref<!tpu.dma_semaphore, #tpu.memory_space<semaphore_mem>>)
    %dma_wait3A_688 = arith.constant 0 : i32
    %dma_wait3A_689 = arith.constant 0 : i32
    %dma_wait3A_690 = arith.constant 256 : i32
    %dma_wait3A_691 = tpu.memref_slice %arg7[%dma_wait3A_689, %dma_wait3A_690] : memref<16x512xf32, #tpu.memory_space<vmem>> -> memref<1x256xf32, #tpu.memory_space<vmem>>
    %dma_wait3A_692 = tpu.memref_squeeze %dma_wait3A_691 : memref<1x256xf32, #tpu.memory_space<vmem>> -> memref<256xf32, #tpu.memory_space<vmem>>
    %dma_wait3A_693 = arith.constant 256 : i32
    %dma_wait3A_694 = tpu.memref_slice %arg6[%dma_wait3A_688, %dma_wait3A_693] : memref<16x512xi32, #tpu.memory_space<vmem>> -> memref<1x256xi32, #tpu.memory_space<vmem>>
    %dma_wait3A_695 = tpu.memref_squeeze %dma_wait3A_694 : memref<1x256xi32, #tpu.memory_space<vmem>> -> memref<256xi32, #tpu.memory_space<vmem>>
    %dma_wait3A_696 = arith.constant 0 : i32
    %dma_wait3A_697 = tpu.memref_slice %arg2[%dma_wait3A_696] : memref<16001024xf32, #tpu.memory_space<hbm>> -> memref<16001024xf32, #tpu.memory_space<hbm>>
    tpu.wait_indirect_dma semaphore(%arg9 : memref<!tpu.dma_semaphore, #tpu.memory_space<semaphore_mem>>) src(%dma_wait3A_697 : memref<16001024xf32, #tpu.memory_space<hbm>>) dst(%dma_wait3A_692 : memref<256xf32, #tpu.memory_space<vmem>>)
    %add3A_698 = arith.constant 256 : i32
    %add3A_699 = arith.addi %mul3A_2, %add3A_698 : i32
    %dma_start3A_700 = arith.constant 0 : i32
    %dma_start3A_701 = arith.constant 0 : i32
    %dma_start3A_702 = arith.constant 256 : i32
    %dma_start3A_703 = tpu.memref_slice %arg7[%dma_start3A_700, %dma_start3A_702] : memref<16x512xf32, #tpu.memory_space<vmem>> -> memref<1x256xf32, #tpu.memory_space<vmem>>
    %dma_start3A_704 = tpu.memref_squeeze %dma_start3A_703 : memref<1x256xf32, #tpu.memory_space<vmem>> -> memref<256xf32, #tpu.memory_space<vmem>>
    %dma_start3A_705 = tpu.memref_slice %arg4[%dma_start3A_701, %add3A_699] : memref<16x16384xf32, #tpu.memory_space<hbm>> -> memref<1x256xf32, #tpu.memory_space<hbm>>
    %dma_start3A_706 = tpu.memref_squeeze %dma_start3A_705 : memref<1x256xf32, #tpu.memory_space<hbm>> -> memref<256xf32, #tpu.memory_space<hbm>>
    %dma_start3A_707 = tpu.memref_slice %arg4[%dma_start3A_701, %add3A_699] : memref<16x16384xf32, #tpu.memory_space<hbm>> -> memref<1x256xf32, #tpu.memory_space<hbm>>
    %dma_start3A_708 = tpu.memref_squeeze %dma_start3A_707 : memref<1x256xf32, #tpu.memory_space<hbm>> -> memref<256xf32, #tpu.memory_space<hbm>>
    %dma_start3A_709 = arith.constant 256 : i32
    %dma_start3A_710 = tpu.memref_slice %arg7[%dma_start3A_700, %dma_start3A_709] : memref<16x512xf32, #tpu.memory_space<vmem>> -> memref<1x256xf32, #tpu.memory_space<vmem>>
    %dma_start3A_711 = tpu.memref_squeeze %dma_start3A_710 : memref<1x256xf32, #tpu.memory_space<vmem>> -> memref<256xf32, #tpu.memory_space<vmem>>
    tpu.enqueue_dma source(%dma_start3A_711 : memref<256xf32, #tpu.memory_space<vmem>>) target(%dma_start3A_708 : memref<256xf32, #tpu.memory_space<hbm>>) target_semaphore(%arg10 : memref<!tpu.dma_semaphore, #tpu.memory_space<semaphore_mem>>)
    %dma_wait3A_712 = arith.constant 1 : i32
    %dma_wait3A_713 = arith.constant 1 : i32
    %dma_wait3A_714 = arith.constant 256 : i32
    %dma_wait3A_715 = tpu.memref_slice %arg7[%dma_wait3A_713, %dma_wait3A_714] : memref<16x512xf32, #tpu.memory_space<vmem>> -> memref<1x256xf32, #tpu.memory_space<vmem>>
    %dma_wait3A_716 = tpu.memref_squeeze %dma_wait3A_715 : memref<1x256xf32, #tpu.memory_space<vmem>> -> memref<256xf32, #tpu.memory_space<vmem>>
    %dma_wait3A_717 = arith.constant 256 : i32
    %dma_wait3A_718 = tpu.memref_slice %arg6[%dma_wait3A_712, %dma_wait3A_717] : memref<16x512xi32, #tpu.memory_space<vmem>> -> memref<1x256xi32, #tpu.memory_space<vmem>>
    %dma_wait3A_719 = tpu.memref_squeeze %dma_wait3A_718 : memref<1x256xi32, #tpu.memory_space<vmem>> -> memref<256xi32, #tpu.memory_space<vmem>>
    %dma_wait3A_720 = arith.constant 0 : i32
    %dma_wait3A_721 = tpu.memref_slice %arg2[%dma_wait3A_720] : memref<16001024xf32, #tpu.memory_space<hbm>> -> memref<16001024xf32, #tpu.memory_space<hbm>>
    tpu.wait_indirect_dma semaphore(%arg9 : memref<!tpu.dma_semaphore, #tpu.memory_space<semaphore_mem>>) src(%dma_wait3A_721 : memref<16001024xf32, #tpu.memory_space<hbm>>) dst(%dma_wait3A_716 : memref<256xf32, #tpu.memory_space<vmem>>)
    %add3A_722 = arith.constant 256 : i32
    %add3A_723 = arith.addi %mul3A_2, %add3A_722 : i32
    %dma_start3A_724 = arith.constant 1 : i32
    %dma_start3A_725 = arith.constant 1 : i32
    %dma_start3A_726 = arith.constant 256 : i32
    %dma_start3A_727 = tpu.memref_slice %arg7[%dma_start3A_724, %dma_start3A_726] : memref<16x512xf32, #tpu.memory_space<vmem>> -> memref<1x256xf32, #tpu.memory_space<vmem>>
    %dma_start3A_728 = tpu.memref_squeeze %dma_start3A_727 : memref<1x256xf32, #tpu.memory_space<vmem>> -> memref<256xf32, #tpu.memory_space<vmem>>
    %dma_start3A_729 = tpu.memref_slice %arg4[%dma_start3A_725, %add3A_723] : memref<16x16384xf32, #tpu.memory_space<hbm>> -> memref<1x256xf32, #tpu.memory_space<hbm>>
    %dma_start3A_730 = tpu.memref_squeeze %dma_start3A_729 : memref<1x256xf32, #tpu.memory_space<hbm>> -> memref<256xf32, #tpu.memory_space<hbm>>
    %dma_start3A_731 = tpu.memref_slice %arg4[%dma_start3A_725, %add3A_723] : memref<16x16384xf32, #tpu.memory_space<hbm>> -> memref<1x256xf32, #tpu.memory_space<hbm>>
    %dma_start3A_732 = tpu.memref_squeeze %dma_start3A_731 : memref<1x256xf32, #tpu.memory_space<hbm>> -> memref<256xf32, #tpu.memory_space<hbm>>
    %dma_start3A_733 = arith.constant 256 : i32
    %dma_start3A_734 = tpu.memref_slice %arg7[%dma_start3A_724, %dma_start3A_733] : memref<16x512xf32, #tpu.memory_space<vmem>> -> memref<1x256xf32, #tpu.memory_space<vmem>>
    %dma_start3A_735 = tpu.memref_squeeze %dma_start3A_734 : memref<1x256xf32, #tpu.memory_space<vmem>> -> memref<256xf32, #tpu.memory_space<vmem>>
    tpu.enqueue_dma source(%dma_start3A_735 : memref<256xf32, #tpu.memory_space<vmem>>) target(%dma_start3A_732 : memref<256xf32, #tpu.memory_space<hbm>>) target_semaphore(%arg10 : memref<!tpu.dma_semaphore, #tpu.memory_space<semaphore_mem>>)
    %dma_wait3A_736 = arith.constant 2 : i32
    %dma_wait3A_737 = arith.constant 2 : i32
    %dma_wait3A_738 = arith.constant 256 : i32
    %dma_wait3A_739 = tpu.memref_slice %arg7[%dma_wait3A_737, %dma_wait3A_738] : memref<16x512xf32, #tpu.memory_space<vmem>> -> memref<1x256xf32, #tpu.memory_space<vmem>>
    %dma_wait3A_740 = tpu.memref_squeeze %dma_wait3A_739 : memref<1x256xf32, #tpu.memory_space<vmem>> -> memref<256xf32, #tpu.memory_space<vmem>>
    %dma_wait3A_741 = arith.constant 256 : i32
    %dma_wait3A_742 = tpu.memref_slice %arg6[%dma_wait3A_736, %dma_wait3A_741] : memref<16x512xi32, #tpu.memory_space<vmem>> -> memref<1x256xi32, #tpu.memory_space<vmem>>
    %dma_wait3A_743 = tpu.memref_squeeze %dma_wait3A_742 : memref<1x256xi32, #tpu.memory_space<vmem>> -> memref<256xi32, #tpu.memory_space<vmem>>
    %dma_wait3A_744 = arith.constant 0 : i32
    %dma_wait3A_745 = tpu.memref_slice %arg2[%dma_wait3A_744] : memref<16001024xf32, #tpu.memory_space<hbm>> -> memref<16001024xf32, #tpu.memory_space<hbm>>
    tpu.wait_indirect_dma semaphore(%arg9 : memref<!tpu.dma_semaphore, #tpu.memory_space<semaphore_mem>>) src(%dma_wait3A_745 : memref<16001024xf32, #tpu.memory_space<hbm>>) dst(%dma_wait3A_740 : memref<256xf32, #tpu.memory_space<vmem>>)
    %add3A_746 = arith.constant 256 : i32
    %add3A_747 = arith.addi %mul3A_2, %add3A_746 : i32
    %dma_start3A_748 = arith.constant 2 : i32
    %dma_start3A_749 = arith.constant 2 : i32
    %dma_start3A_750 = arith.constant 256 : i32
    %dma_start3A_751 = tpu.memref_slice %arg7[%dma_start3A_748, %dma_start3A_750] : memref<16x512xf32, #tpu.memory_space<vmem>> -> memref<1x256xf32, #tpu.memory_space<vmem>>
    %dma_start3A_752 = tpu.memref_squeeze %dma_start3A_751 : memref<1x256xf32, #tpu.memory_space<vmem>> -> memref<256xf32, #tpu.memory_space<vmem>>
    %dma_start3A_753 = tpu.memref_slice %arg4[%dma_start3A_749, %add3A_747] : memref<16x16384xf32, #tpu.memory_space<hbm>> -> memref<1x256xf32, #tpu.memory_space<hbm>>
    %dma_start3A_754 = tpu.memref_squeeze %dma_start3A_753 : memref<1x256xf32, #tpu.memory_space<hbm>> -> memref<256xf32, #tpu.memory_space<hbm>>
    %dma_start3A_755 = tpu.memref_slice %arg4[%dma_start3A_749, %add3A_747] : memref<16x16384xf32, #tpu.memory_space<hbm>> -> memref<1x256xf32, #tpu.memory_space<hbm>>
    %dma_start3A_756 = tpu.memref_squeeze %dma_start3A_755 : memref<1x256xf32, #tpu.memory_space<hbm>> -> memref<256xf32, #tpu.memory_space<hbm>>
    %dma_start3A_757 = arith.constant 256 : i32
    %dma_start3A_758 = tpu.memref_slice %arg7[%dma_start3A_748, %dma_start3A_757] : memref<16x512xf32, #tpu.memory_space<vmem>> -> memref<1x256xf32, #tpu.memory_space<vmem>>
    %dma_start3A_759 = tpu.memref_squeeze %dma_start3A_758 : memref<1x256xf32, #tpu.memory_space<vmem>> -> memref<256xf32, #tpu.memory_space<vmem>>
    tpu.enqueue_dma source(%dma_start3A_759 : memref<256xf32, #tpu.memory_space<vmem>>) target(%dma_start3A_756 : memref<256xf32, #tpu.memory_space<hbm>>) target_semaphore(%arg10 : memref<!tpu.dma_semaphore, #tpu.memory_space<semaphore_mem>>)
    %dma_wait3A_760 = arith.constant 3 : i32
    %dma_wait3A_761 = arith.constant 3 : i32
    %dma_wait3A_762 = arith.constant 256 : i32
    %dma_wait3A_763 = tpu.memref_slice %arg7[%dma_wait3A_761, %dma_wait3A_762] : memref<16x512xf32, #tpu.memory_space<vmem>> -> memref<1x256xf32, #tpu.memory_space<vmem>>
    %dma_wait3A_764 = tpu.memref_squeeze %dma_wait3A_763 : memref<1x256xf32, #tpu.memory_space<vmem>> -> memref<256xf32, #tpu.memory_space<vmem>>
    %dma_wait3A_765 = arith.constant 256 : i32
    %dma_wait3A_766 = tpu.memref_slice %arg6[%dma_wait3A_760, %dma_wait3A_765] : memref<16x512xi32, #tpu.memory_space<vmem>> -> memref<1x256xi32, #tpu.memory_space<vmem>>
    %dma_wait3A_767 = tpu.memref_squeeze %dma_wait3A_766 : memref<1x256xi32, #tpu.memory_space<vmem>> -> memref<256xi32, #tpu.memory_space<vmem>>
    %dma_wait3A_768 = arith.constant 0 : i32
    %dma_wait3A_769 = tpu.memref_slice %arg2[%dma_wait3A_768] : memref<16001024xf32, #tpu.memory_space<hbm>> -> memref<16001024xf32, #tpu.memory_space<hbm>>
    tpu.wait_indirect_dma semaphore(%arg9 : memref<!tpu.dma_semaphore, #tpu.memory_space<semaphore_mem>>) src(%dma_wait3A_769 : memref<16001024xf32, #tpu.memory_space<hbm>>) dst(%dma_wait3A_764 : memref<256xf32, #tpu.memory_space<vmem>>)
    %add3A_770 = arith.constant 256 : i32
    %add3A_771 = arith.addi %mul3A_2, %add3A_770 : i32
    %dma_start3A_772 = arith.constant 3 : i32
    %dma_start3A_773 = arith.constant 3 : i32
    %dma_start3A_774 = arith.constant 256 : i32
    %dma_start3A_775 = tpu.memref_slice %arg7[%dma_start3A_772, %dma_start3A_774] : memref<16x512xf32, #tpu.memory_space<vmem>> -> memref<1x256xf32, #tpu.memory_space<vmem>>
    %dma_start3A_776 = tpu.memref_squeeze %dma_start3A_775 : memref<1x256xf32, #tpu.memory_space<vmem>> -> memref<256xf32, #tpu.memory_space<vmem>>
    %dma_start3A_777 = tpu.memref_slice %arg4[%dma_start3A_773, %add3A_771] : memref<16x16384xf32, #tpu.memory_space<hbm>> -> memref<1x256xf32, #tpu.memory_space<hbm>>
    %dma_start3A_778 = tpu.memref_squeeze %dma_start3A_777 : memref<1x256xf32, #tpu.memory_space<hbm>> -> memref<256xf32, #tpu.memory_space<hbm>>
    %dma_start3A_779 = tpu.memref_slice %arg4[%dma_start3A_773, %add3A_771] : memref<16x16384xf32, #tpu.memory_space<hbm>> -> memref<1x256xf32, #tpu.memory_space<hbm>>
    %dma_start3A_780 = tpu.memref_squeeze %dma_start3A_779 : memref<1x256xf32, #tpu.memory_space<hbm>> -> memref<256xf32, #tpu.memory_space<hbm>>
    %dma_start3A_781 = arith.constant 256 : i32
    %dma_start3A_782 = tpu.memref_slice %arg7[%dma_start3A_772, %dma_start3A_781] : memref<16x512xf32, #tpu.memory_space<vmem>> -> memref<1x256xf32, #tpu.memory_space<vmem>>
    %dma_start3A_783 = tpu.memref_squeeze %dma_start3A_782 : memref<1x256xf32, #tpu.memory_space<vmem>> -> memref<256xf32, #tpu.memory_space<vmem>>
    tpu.enqueue_dma source(%dma_start3A_783 : memref<256xf32, #tpu.memory_space<vmem>>) target(%dma_start3A_780 : memref<256xf32, #tpu.memory_space<hbm>>) target_semaphore(%arg10 : memref<!tpu.dma_semaphore, #tpu.memory_space<semaphore_mem>>)
    %dma_wait3A_784 = arith.constant 4 : i32
    %dma_wait3A_785 = arith.constant 4 : i32
    %dma_wait3A_786 = arith.constant 256 : i32
    %dma_wait3A_787 = tpu.memref_slice %arg7[%dma_wait3A_785, %dma_wait3A_786] : memref<16x512xf32, #tpu.memory_space<vmem>> -> memref<1x256xf32, #tpu.memory_space<vmem>>
    %dma_wait3A_788 = tpu.memref_squeeze %dma_wait3A_787 : memref<1x256xf32, #tpu.memory_space<vmem>> -> memref<256xf32, #tpu.memory_space<vmem>>
    %dma_wait3A_789 = arith.constant 256 : i32
    %dma_wait3A_790 = tpu.memref_slice %arg6[%dma_wait3A_784, %dma_wait3A_789] : memref<16x512xi32, #tpu.memory_space<vmem>> -> memref<1x256xi32, #tpu.memory_space<vmem>>
    %dma_wait3A_791 = tpu.memref_squeeze %dma_wait3A_790 : memref<1x256xi32, #tpu.memory_space<vmem>> -> memref<256xi32, #tpu.memory_space<vmem>>
    %dma_wait3A_792 = arith.constant 0 : i32
    %dma_wait3A_793 = tpu.memref_slice %arg2[%dma_wait3A_792] : memref<16001024xf32, #tpu.memory_space<hbm>> -> memref<16001024xf32, #tpu.memory_space<hbm>>
    tpu.wait_indirect_dma semaphore(%arg9 : memref<!tpu.dma_semaphore, #tpu.memory_space<semaphore_mem>>) src(%dma_wait3A_793 : memref<16001024xf32, #tpu.memory_space<hbm>>) dst(%dma_wait3A_788 : memref<256xf32, #tpu.memory_space<vmem>>)
    %add3A_794 = arith.constant 256 : i32
    %add3A_795 = arith.addi %mul3A_2, %add3A_794 : i32
    %dma_start3A_796 = arith.constant 4 : i32
    %dma_start3A_797 = arith.constant 4 : i32
    %dma_start3A_798 = arith.constant 256 : i32
    %dma_start3A_799 = tpu.memref_slice %arg7[%dma_start3A_796, %dma_start3A_798] : memref<16x512xf32, #tpu.memory_space<vmem>> -> memref<1x256xf32, #tpu.memory_space<vmem>>
    %dma_start3A_800 = tpu.memref_squeeze %dma_start3A_799 : memref<1x256xf32, #tpu.memory_space<vmem>> -> memref<256xf32, #tpu.memory_space<vmem>>
    %dma_start3A_801 = tpu.memref_slice %arg4[%dma_start3A_797, %add3A_795] : memref<16x16384xf32, #tpu.memory_space<hbm>> -> memref<1x256xf32, #tpu.memory_space<hbm>>
    %dma_start3A_802 = tpu.memref_squeeze %dma_start3A_801 : memref<1x256xf32, #tpu.memory_space<hbm>> -> memref<256xf32, #tpu.memory_space<hbm>>
    %dma_start3A_803 = tpu.memref_slice %arg4[%dma_start3A_797, %add3A_795] : memref<16x16384xf32, #tpu.memory_space<hbm>> -> memref<1x256xf32, #tpu.memory_space<hbm>>
    %dma_start3A_804 = tpu.memref_squeeze %dma_start3A_803 : memref<1x256xf32, #tpu.memory_space<hbm>> -> memref<256xf32, #tpu.memory_space<hbm>>
    %dma_start3A_805 = arith.constant 256 : i32
    %dma_start3A_806 = tpu.memref_slice %arg7[%dma_start3A_796, %dma_start3A_805] : memref<16x512xf32, #tpu.memory_space<vmem>> -> memref<1x256xf32, #tpu.memory_space<vmem>>
    %dma_start3A_807 = tpu.memref_squeeze %dma_start3A_806 : memref<1x256xf32, #tpu.memory_space<vmem>> -> memref<256xf32, #tpu.memory_space<vmem>>
    tpu.enqueue_dma source(%dma_start3A_807 : memref<256xf32, #tpu.memory_space<vmem>>) target(%dma_start3A_804 : memref<256xf32, #tpu.memory_space<hbm>>) target_semaphore(%arg10 : memref<!tpu.dma_semaphore, #tpu.memory_space<semaphore_mem>>)
    %dma_wait3A_808 = arith.constant 5 : i32
    %dma_wait3A_809 = arith.constant 5 : i32
    %dma_wait3A_810 = arith.constant 256 : i32
    %dma_wait3A_811 = tpu.memref_slice %arg7[%dma_wait3A_809, %dma_wait3A_810] : memref<16x512xf32, #tpu.memory_space<vmem>> -> memref<1x256xf32, #tpu.memory_space<vmem>>
    %dma_wait3A_812 = tpu.memref_squeeze %dma_wait3A_811 : memref<1x256xf32, #tpu.memory_space<vmem>> -> memref<256xf32, #tpu.memory_space<vmem>>
    %dma_wait3A_813 = arith.constant 256 : i32
    %dma_wait3A_814 = tpu.memref_slice %arg6[%dma_wait3A_808, %dma_wait3A_813] : memref<16x512xi32, #tpu.memory_space<vmem>> -> memref<1x256xi32, #tpu.memory_space<vmem>>
    %dma_wait3A_815 = tpu.memref_squeeze %dma_wait3A_814 : memref<1x256xi32, #tpu.memory_space<vmem>> -> memref<256xi32, #tpu.memory_space<vmem>>
    %dma_wait3A_816 = arith.constant 0 : i32
    %dma_wait3A_817 = tpu.memref_slice %arg2[%dma_wait3A_816] : memref<16001024xf32, #tpu.memory_space<hbm>> -> memref<16001024xf32, #tpu.memory_space<hbm>>
    tpu.wait_indirect_dma semaphore(%arg9 : memref<!tpu.dma_semaphore, #tpu.memory_space<semaphore_mem>>) src(%dma_wait3A_817 : memref<16001024xf32, #tpu.memory_space<hbm>>) dst(%dma_wait3A_812 : memref<256xf32, #tpu.memory_space<vmem>>)
    %add3A_818 = arith.constant 256 : i32
    %add3A_819 = arith.addi %mul3A_2, %add3A_818 : i32
    %dma_start3A_820 = arith.constant 5 : i32
    %dma_start3A_821 = arith.constant 5 : i32
    %dma_start3A_822 = arith.constant 256 : i32
    %dma_start3A_823 = tpu.memref_slice %arg7[%dma_start3A_820, %dma_start3A_822] : memref<16x512xf32, #tpu.memory_space<vmem>> -> memref<1x256xf32, #tpu.memory_space<vmem>>
    %dma_start3A_824 = tpu.memref_squeeze %dma_start3A_823 : memref<1x256xf32, #tpu.memory_space<vmem>> -> memref<256xf32, #tpu.memory_space<vmem>>
    %dma_start3A_825 = tpu.memref_slice %arg4[%dma_start3A_821, %add3A_819] : memref<16x16384xf32, #tpu.memory_space<hbm>> -> memref<1x256xf32, #tpu.memory_space<hbm>>
    %dma_start3A_826 = tpu.memref_squeeze %dma_start3A_825 : memref<1x256xf32, #tpu.memory_space<hbm>> -> memref<256xf32, #tpu.memory_space<hbm>>
    %dma_start3A_827 = tpu.memref_slice %arg4[%dma_start3A_821, %add3A_819] : memref<16x16384xf32, #tpu.memory_space<hbm>> -> memref<1x256xf32, #tpu.memory_space<hbm>>
    %dma_start3A_828 = tpu.memref_squeeze %dma_start3A_827 : memref<1x256xf32, #tpu.memory_space<hbm>> -> memref<256xf32, #tpu.memory_space<hbm>>
    %dma_start3A_829 = arith.constant 256 : i32
    %dma_start3A_830 = tpu.memref_slice %arg7[%dma_start3A_820, %dma_start3A_829] : memref<16x512xf32, #tpu.memory_space<vmem>> -> memref<1x256xf32, #tpu.memory_space<vmem>>
    %dma_start3A_831 = tpu.memref_squeeze %dma_start3A_830 : memref<1x256xf32, #tpu.memory_space<vmem>> -> memref<256xf32, #tpu.memory_space<vmem>>
    tpu.enqueue_dma source(%dma_start3A_831 : memref<256xf32, #tpu.memory_space<vmem>>) target(%dma_start3A_828 : memref<256xf32, #tpu.memory_space<hbm>>) target_semaphore(%arg10 : memref<!tpu.dma_semaphore, #tpu.memory_space<semaphore_mem>>)
    %dma_wait3A_832 = arith.constant 6 : i32
    %dma_wait3A_833 = arith.constant 6 : i32
    %dma_wait3A_834 = arith.constant 256 : i32
    %dma_wait3A_835 = tpu.memref_slice %arg7[%dma_wait3A_833, %dma_wait3A_834] : memref<16x512xf32, #tpu.memory_space<vmem>> -> memref<1x256xf32, #tpu.memory_space<vmem>>
    %dma_wait3A_836 = tpu.memref_squeeze %dma_wait3A_835 : memref<1x256xf32, #tpu.memory_space<vmem>> -> memref<256xf32, #tpu.memory_space<vmem>>
    %dma_wait3A_837 = arith.constant 256 : i32
    %dma_wait3A_838 = tpu.memref_slice %arg6[%dma_wait3A_832, %dma_wait3A_837] : memref<16x512xi32, #tpu.memory_space<vmem>> -> memref<1x256xi32, #tpu.memory_space<vmem>>
    %dma_wait3A_839 = tpu.memref_squeeze %dma_wait3A_838 : memref<1x256xi32, #tpu.memory_space<vmem>> -> memref<256xi32, #tpu.memory_space<vmem>>
    %dma_wait3A_840 = arith.constant 0 : i32
    %dma_wait3A_841 = tpu.memref_slice %arg2[%dma_wait3A_840] : memref<16001024xf32, #tpu.memory_space<hbm>> -> memref<16001024xf32, #tpu.memory_space<hbm>>
    tpu.wait_indirect_dma semaphore(%arg9 : memref<!tpu.dma_semaphore, #tpu.memory_space<semaphore_mem>>) src(%dma_wait3A_841 : memref<16001024xf32, #tpu.memory_space<hbm>>) dst(%dma_wait3A_836 : memref<256xf32, #tpu.memory_space<vmem>>)
    %add3A_842 = arith.constant 256 : i32
    %add3A_843 = arith.addi %mul3A_2, %add3A_842 : i32
    %dma_start3A_844 = arith.constant 6 : i32
    %dma_start3A_845 = arith.constant 6 : i32
    %dma_start3A_846 = arith.constant 256 : i32
    %dma_start3A_847 = tpu.memref_slice %arg7[%dma_start3A_844, %dma_start3A_846] : memref<16x512xf32, #tpu.memory_space<vmem>> -> memref<1x256xf32, #tpu.memory_space<vmem>>
    %dma_start3A_848 = tpu.memref_squeeze %dma_start3A_847 : memref<1x256xf32, #tpu.memory_space<vmem>> -> memref<256xf32, #tpu.memory_space<vmem>>
    %dma_start3A_849 = tpu.memref_slice %arg4[%dma_start3A_845, %add3A_843] : memref<16x16384xf32, #tpu.memory_space<hbm>> -> memref<1x256xf32, #tpu.memory_space<hbm>>
    %dma_start3A_850 = tpu.memref_squeeze %dma_start3A_849 : memref<1x256xf32, #tpu.memory_space<hbm>> -> memref<256xf32, #tpu.memory_space<hbm>>
    %dma_start3A_851 = tpu.memref_slice %arg4[%dma_start3A_845, %add3A_843] : memref<16x16384xf32, #tpu.memory_space<hbm>> -> memref<1x256xf32, #tpu.memory_space<hbm>>
    %dma_start3A_852 = tpu.memref_squeeze %dma_start3A_851 : memref<1x256xf32, #tpu.memory_space<hbm>> -> memref<256xf32, #tpu.memory_space<hbm>>
    %dma_start3A_853 = arith.constant 256 : i32
    %dma_start3A_854 = tpu.memref_slice %arg7[%dma_start3A_844, %dma_start3A_853] : memref<16x512xf32, #tpu.memory_space<vmem>> -> memref<1x256xf32, #tpu.memory_space<vmem>>
    %dma_start3A_855 = tpu.memref_squeeze %dma_start3A_854 : memref<1x256xf32, #tpu.memory_space<vmem>> -> memref<256xf32, #tpu.memory_space<vmem>>
    tpu.enqueue_dma source(%dma_start3A_855 : memref<256xf32, #tpu.memory_space<vmem>>) target(%dma_start3A_852 : memref<256xf32, #tpu.memory_space<hbm>>) target_semaphore(%arg10 : memref<!tpu.dma_semaphore, #tpu.memory_space<semaphore_mem>>)
    %dma_wait3A_856 = arith.constant 7 : i32
    %dma_wait3A_857 = arith.constant 7 : i32
    %dma_wait3A_858 = arith.constant 256 : i32
    %dma_wait3A_859 = tpu.memref_slice %arg7[%dma_wait3A_857, %dma_wait3A_858] : memref<16x512xf32, #tpu.memory_space<vmem>> -> memref<1x256xf32, #tpu.memory_space<vmem>>
    %dma_wait3A_860 = tpu.memref_squeeze %dma_wait3A_859 : memref<1x256xf32, #tpu.memory_space<vmem>> -> memref<256xf32, #tpu.memory_space<vmem>>
    %dma_wait3A_861 = arith.constant 256 : i32
    %dma_wait3A_862 = tpu.memref_slice %arg6[%dma_wait3A_856, %dma_wait3A_861] : memref<16x512xi32, #tpu.memory_space<vmem>> -> memref<1x256xi32, #tpu.memory_space<vmem>>
    %dma_wait3A_863 = tpu.memref_squeeze %dma_wait3A_862 : memref<1x256xi32, #tpu.memory_space<vmem>> -> memref<256xi32, #tpu.memory_space<vmem>>
    %dma_wait3A_864 = arith.constant 0 : i32
    %dma_wait3A_865 = tpu.memref_slice %arg2[%dma_wait3A_864] : memref<16001024xf32, #tpu.memory_space<hbm>> -> memref<16001024xf32, #tpu.memory_space<hbm>>
    tpu.wait_indirect_dma semaphore(%arg9 : memref<!tpu.dma_semaphore, #tpu.memory_space<semaphore_mem>>) src(%dma_wait3A_865 : memref<16001024xf32, #tpu.memory_space<hbm>>) dst(%dma_wait3A_860 : memref<256xf32, #tpu.memory_space<vmem>>)
    %add3A_866 = arith.constant 256 : i32
    %add3A_867 = arith.addi %mul3A_2, %add3A_866 : i32
    %dma_start3A_868 = arith.constant 7 : i32
    %dma_start3A_869 = arith.constant 7 : i32
    %dma_start3A_870 = arith.constant 256 : i32
    %dma_start3A_871 = tpu.memref_slice %arg7[%dma_start3A_868, %dma_start3A_870] : memref<16x512xf32, #tpu.memory_space<vmem>> -> memref<1x256xf32, #tpu.memory_space<vmem>>
    %dma_start3A_872 = tpu.memref_squeeze %dma_start3A_871 : memref<1x256xf32, #tpu.memory_space<vmem>> -> memref<256xf32, #tpu.memory_space<vmem>>
    %dma_start3A_873 = tpu.memref_slice %arg4[%dma_start3A_869, %add3A_867] : memref<16x16384xf32, #tpu.memory_space<hbm>> -> memref<1x256xf32, #tpu.memory_space<hbm>>
    %dma_start3A_874 = tpu.memref_squeeze %dma_start3A_873 : memref<1x256xf32, #tpu.memory_space<hbm>> -> memref<256xf32, #tpu.memory_space<hbm>>
    %dma_start3A_875 = tpu.memref_slice %arg4[%dma_start3A_869, %add3A_867] : memref<16x16384xf32, #tpu.memory_space<hbm>> -> memref<1x256xf32, #tpu.memory_space<hbm>>
    %dma_start3A_876 = tpu.memref_squeeze %dma_start3A_875 : memref<1x256xf32, #tpu.memory_space<hbm>> -> memref<256xf32, #tpu.memory_space<hbm>>
    %dma_start3A_877 = arith.constant 256 : i32
    %dma_start3A_878 = tpu.memref_slice %arg7[%dma_start3A_868, %dma_start3A_877] : memref<16x512xf32, #tpu.memory_space<vmem>> -> memref<1x256xf32, #tpu.memory_space<vmem>>
    %dma_start3A_879 = tpu.memref_squeeze %dma_start3A_878 : memref<1x256xf32, #tpu.memory_space<vmem>> -> memref<256xf32, #tpu.memory_space<vmem>>
    tpu.enqueue_dma source(%dma_start3A_879 : memref<256xf32, #tpu.memory_space<vmem>>) target(%dma_start3A_876 : memref<256xf32, #tpu.memory_space<hbm>>) target_semaphore(%arg10 : memref<!tpu.dma_semaphore, #tpu.memory_space<semaphore_mem>>)
    %dma_wait3A_880 = arith.constant 8 : i32
    %dma_wait3A_881 = arith.constant 8 : i32
    %dma_wait3A_882 = arith.constant 256 : i32
    %dma_wait3A_883 = tpu.memref_slice %arg7[%dma_wait3A_881, %dma_wait3A_882] : memref<16x512xf32, #tpu.memory_space<vmem>> -> memref<1x256xf32, #tpu.memory_space<vmem>>
    %dma_wait3A_884 = tpu.memref_squeeze %dma_wait3A_883 : memref<1x256xf32, #tpu.memory_space<vmem>> -> memref<256xf32, #tpu.memory_space<vmem>>
    %dma_wait3A_885 = arith.constant 256 : i32
    %dma_wait3A_886 = tpu.memref_slice %arg6[%dma_wait3A_880, %dma_wait3A_885] : memref<16x512xi32, #tpu.memory_space<vmem>> -> memref<1x256xi32, #tpu.memory_space<vmem>>
    %dma_wait3A_887 = tpu.memref_squeeze %dma_wait3A_886 : memref<1x256xi32, #tpu.memory_space<vmem>> -> memref<256xi32, #tpu.memory_space<vmem>>
    %dma_wait3A_888 = arith.constant 0 : i32
    %dma_wait3A_889 = tpu.memref_slice %arg2[%dma_wait3A_888] : memref<16001024xf32, #tpu.memory_space<hbm>> -> memref<16001024xf32, #tpu.memory_space<hbm>>
    tpu.wait_indirect_dma semaphore(%arg9 : memref<!tpu.dma_semaphore, #tpu.memory_space<semaphore_mem>>) src(%dma_wait3A_889 : memref<16001024xf32, #tpu.memory_space<hbm>>) dst(%dma_wait3A_884 : memref<256xf32, #tpu.memory_space<vmem>>)
    %add3A_890 = arith.constant 256 : i32
    %add3A_891 = arith.addi %mul3A_2, %add3A_890 : i32
    %dma_start3A_892 = arith.constant 8 : i32
    %dma_start3A_893 = arith.constant 8 : i32
    %dma_start3A_894 = arith.constant 256 : i32
    %dma_start3A_895 = tpu.memref_slice %arg7[%dma_start3A_892, %dma_start3A_894] : memref<16x512xf32, #tpu.memory_space<vmem>> -> memref<1x256xf32, #tpu.memory_space<vmem>>
    %dma_start3A_896 = tpu.memref_squeeze %dma_start3A_895 : memref<1x256xf32, #tpu.memory_space<vmem>> -> memref<256xf32, #tpu.memory_space<vmem>>
    %dma_start3A_897 = tpu.memref_slice %arg4[%dma_start3A_893, %add3A_891] : memref<16x16384xf32, #tpu.memory_space<hbm>> -> memref<1x256xf32, #tpu.memory_space<hbm>>
    %dma_start3A_898 = tpu.memref_squeeze %dma_start3A_897 : memref<1x256xf32, #tpu.memory_space<hbm>> -> memref<256xf32, #tpu.memory_space<hbm>>
    %dma_start3A_899 = tpu.memref_slice %arg4[%dma_start3A_893, %add3A_891] : memref<16x16384xf32, #tpu.memory_space<hbm>> -> memref<1x256xf32, #tpu.memory_space<hbm>>
    %dma_start3A_900 = tpu.memref_squeeze %dma_start3A_899 : memref<1x256xf32, #tpu.memory_space<hbm>> -> memref<256xf32, #tpu.memory_space<hbm>>
    %dma_start3A_901 = arith.constant 256 : i32
    %dma_start3A_902 = tpu.memref_slice %arg7[%dma_start3A_892, %dma_start3A_901] : memref<16x512xf32, #tpu.memory_space<vmem>> -> memref<1x256xf32, #tpu.memory_space<vmem>>
    %dma_start3A_903 = tpu.memref_squeeze %dma_start3A_902 : memref<1x256xf32, #tpu.memory_space<vmem>> -> memref<256xf32, #tpu.memory_space<vmem>>
    tpu.enqueue_dma source(%dma_start3A_903 : memref<256xf32, #tpu.memory_space<vmem>>) target(%dma_start3A_900 : memref<256xf32, #tpu.memory_space<hbm>>) target_semaphore(%arg10 : memref<!tpu.dma_semaphore, #tpu.memory_space<semaphore_mem>>)
    %dma_wait3A_904 = arith.constant 9 : i32
    %dma_wait3A_905 = arith.constant 9 : i32
    %dma_wait3A_906 = arith.constant 256 : i32
    %dma_wait3A_907 = tpu.memref_slice %arg7[%dma_wait3A_905, %dma_wait3A_906] : memref<16x512xf32, #tpu.memory_space<vmem>> -> memref<1x256xf32, #tpu.memory_space<vmem>>
    %dma_wait3A_908 = tpu.memref_squeeze %dma_wait3A_907 : memref<1x256xf32, #tpu.memory_space<vmem>> -> memref<256xf32, #tpu.memory_space<vmem>>
    %dma_wait3A_909 = arith.constant 256 : i32
    %dma_wait3A_910 = tpu.memref_slice %arg6[%dma_wait3A_904, %dma_wait3A_909] : memref<16x512xi32, #tpu.memory_space<vmem>> -> memref<1x256xi32, #tpu.memory_space<vmem>>
    %dma_wait3A_911 = tpu.memref_squeeze %dma_wait3A_910 : memref<1x256xi32, #tpu.memory_space<vmem>> -> memref<256xi32, #tpu.memory_space<vmem>>
    %dma_wait3A_912 = arith.constant 0 : i32
    %dma_wait3A_913 = tpu.memref_slice %arg2[%dma_wait3A_912] : memref<16001024xf32, #tpu.memory_space<hbm>> -> memref<16001024xf32, #tpu.memory_space<hbm>>
    tpu.wait_indirect_dma semaphore(%arg9 : memref<!tpu.dma_semaphore, #tpu.memory_space<semaphore_mem>>) src(%dma_wait3A_913 : memref<16001024xf32, #tpu.memory_space<hbm>>) dst(%dma_wait3A_908 : memref<256xf32, #tpu.memory_space<vmem>>)
    %add3A_914 = arith.constant 256 : i32
    %add3A_915 = arith.addi %mul3A_2, %add3A_914 : i32
    %dma_start3A_916 = arith.constant 9 : i32
    %dma_start3A_917 = arith.constant 9 : i32
    %dma_start3A_918 = arith.constant 256 : i32
    %dma_start3A_919 = tpu.memref_slice %arg7[%dma_start3A_916, %dma_start3A_918] : memref<16x512xf32, #tpu.memory_space<vmem>> -> memref<1x256xf32, #tpu.memory_space<vmem>>
    %dma_start3A_920 = tpu.memref_squeeze %dma_start3A_919 : memref<1x256xf32, #tpu.memory_space<vmem>> -> memref<256xf32, #tpu.memory_space<vmem>>
    %dma_start3A_921 = tpu.memref_slice %arg4[%dma_start3A_917, %add3A_915] : memref<16x16384xf32, #tpu.memory_space<hbm>> -> memref<1x256xf32, #tpu.memory_space<hbm>>
    %dma_start3A_922 = tpu.memref_squeeze %dma_start3A_921 : memref<1x256xf32, #tpu.memory_space<hbm>> -> memref<256xf32, #tpu.memory_space<hbm>>
    %dma_start3A_923 = tpu.memref_slice %arg4[%dma_start3A_917, %add3A_915] : memref<16x16384xf32, #tpu.memory_space<hbm>> -> memref<1x256xf32, #tpu.memory_space<hbm>>
    %dma_start3A_924 = tpu.memref_squeeze %dma_start3A_923 : memref<1x256xf32, #tpu.memory_space<hbm>> -> memref<256xf32, #tpu.memory_space<hbm>>
    %dma_start3A_925 = arith.constant 256 : i32
    %dma_start3A_926 = tpu.memref_slice %arg7[%dma_start3A_916, %dma_start3A_925] : memref<16x512xf32, #tpu.memory_space<vmem>> -> memref<1x256xf32, #tpu.memory_space<vmem>>
    %dma_start3A_927 = tpu.memref_squeeze %dma_start3A_926 : memref<1x256xf32, #tpu.memory_space<vmem>> -> memref<256xf32, #tpu.memory_space<vmem>>
    tpu.enqueue_dma source(%dma_start3A_927 : memref<256xf32, #tpu.memory_space<vmem>>) target(%dma_start3A_924 : memref<256xf32, #tpu.memory_space<hbm>>) target_semaphore(%arg10 : memref<!tpu.dma_semaphore, #tpu.memory_space<semaphore_mem>>)
    %dma_wait3A_928 = arith.constant 10 : i32
    %dma_wait3A_929 = arith.constant 10 : i32
    %dma_wait3A_930 = arith.constant 256 : i32
    %dma_wait3A_931 = tpu.memref_slice %arg7[%dma_wait3A_929, %dma_wait3A_930] : memref<16x512xf32, #tpu.memory_space<vmem>> -> memref<1x256xf32, #tpu.memory_space<vmem>>
    %dma_wait3A_932 = tpu.memref_squeeze %dma_wait3A_931 : memref<1x256xf32, #tpu.memory_space<vmem>> -> memref<256xf32, #tpu.memory_space<vmem>>
    %dma_wait3A_933 = arith.constant 256 : i32
    %dma_wait3A_934 = tpu.memref_slice %arg6[%dma_wait3A_928, %dma_wait3A_933] : memref<16x512xi32, #tpu.memory_space<vmem>> -> memref<1x256xi32, #tpu.memory_space<vmem>>
    %dma_wait3A_935 = tpu.memref_squeeze %dma_wait3A_934 : memref<1x256xi32, #tpu.memory_space<vmem>> -> memref<256xi32, #tpu.memory_space<vmem>>
    %dma_wait3A_936 = arith.constant 0 : i32
    %dma_wait3A_937 = tpu.memref_slice %arg2[%dma_wait3A_936] : memref<16001024xf32, #tpu.memory_space<hbm>> -> memref<16001024xf32, #tpu.memory_space<hbm>>
    tpu.wait_indirect_dma semaphore(%arg9 : memref<!tpu.dma_semaphore, #tpu.memory_space<semaphore_mem>>) src(%dma_wait3A_937 : memref<16001024xf32, #tpu.memory_space<hbm>>) dst(%dma_wait3A_932 : memref<256xf32, #tpu.memory_space<vmem>>)
    %add3A_938 = arith.constant 256 : i32
    %add3A_939 = arith.addi %mul3A_2, %add3A_938 : i32
    %dma_start3A_940 = arith.constant 10 : i32
    %dma_start3A_941 = arith.constant 10 : i32
    %dma_start3A_942 = arith.constant 256 : i32
    %dma_start3A_943 = tpu.memref_slice %arg7[%dma_start3A_940, %dma_start3A_942] : memref<16x512xf32, #tpu.memory_space<vmem>> -> memref<1x256xf32, #tpu.memory_space<vmem>>
    %dma_start3A_944 = tpu.memref_squeeze %dma_start3A_943 : memref<1x256xf32, #tpu.memory_space<vmem>> -> memref<256xf32, #tpu.memory_space<vmem>>
    %dma_start3A_945 = tpu.memref_slice %arg4[%dma_start3A_941, %add3A_939] : memref<16x16384xf32, #tpu.memory_space<hbm>> -> memref<1x256xf32, #tpu.memory_space<hbm>>
    %dma_start3A_946 = tpu.memref_squeeze %dma_start3A_945 : memref<1x256xf32, #tpu.memory_space<hbm>> -> memref<256xf32, #tpu.memory_space<hbm>>
    %dma_start3A_947 = tpu.memref_slice %arg4[%dma_start3A_941, %add3A_939] : memref<16x16384xf32, #tpu.memory_space<hbm>> -> memref<1x256xf32, #tpu.memory_space<hbm>>
    %dma_start3A_948 = tpu.memref_squeeze %dma_start3A_947 : memref<1x256xf32, #tpu.memory_space<hbm>> -> memref<256xf32, #tpu.memory_space<hbm>>
    %dma_start3A_949 = arith.constant 256 : i32
    %dma_start3A_950 = tpu.memref_slice %arg7[%dma_start3A_940, %dma_start3A_949] : memref<16x512xf32, #tpu.memory_space<vmem>> -> memref<1x256xf32, #tpu.memory_space<vmem>>
    %dma_start3A_951 = tpu.memref_squeeze %dma_start3A_950 : memref<1x256xf32, #tpu.memory_space<vmem>> -> memref<256xf32, #tpu.memory_space<vmem>>
    tpu.enqueue_dma source(%dma_start3A_951 : memref<256xf32, #tpu.memory_space<vmem>>) target(%dma_start3A_948 : memref<256xf32, #tpu.memory_space<hbm>>) target_semaphore(%arg10 : memref<!tpu.dma_semaphore, #tpu.memory_space<semaphore_mem>>)
    %dma_wait3A_952 = arith.constant 11 : i32
    %dma_wait3A_953 = arith.constant 11 : i32
    %dma_wait3A_954 = arith.constant 256 : i32
    %dma_wait3A_955 = tpu.memref_slice %arg7[%dma_wait3A_953, %dma_wait3A_954] : memref<16x512xf32, #tpu.memory_space<vmem>> -> memref<1x256xf32, #tpu.memory_space<vmem>>
    %dma_wait3A_956 = tpu.memref_squeeze %dma_wait3A_955 : memref<1x256xf32, #tpu.memory_space<vmem>> -> memref<256xf32, #tpu.memory_space<vmem>>
    %dma_wait3A_957 = arith.constant 256 : i32
    %dma_wait3A_958 = tpu.memref_slice %arg6[%dma_wait3A_952, %dma_wait3A_957] : memref<16x512xi32, #tpu.memory_space<vmem>> -> memref<1x256xi32, #tpu.memory_space<vmem>>
    %dma_wait3A_959 = tpu.memref_squeeze %dma_wait3A_958 : memref<1x256xi32, #tpu.memory_space<vmem>> -> memref<256xi32, #tpu.memory_space<vmem>>
    %dma_wait3A_960 = arith.constant 0 : i32
    %dma_wait3A_961 = tpu.memref_slice %arg2[%dma_wait3A_960] : memref<16001024xf32, #tpu.memory_space<hbm>> -> memref<16001024xf32, #tpu.memory_space<hbm>>
    tpu.wait_indirect_dma semaphore(%arg9 : memref<!tpu.dma_semaphore, #tpu.memory_space<semaphore_mem>>) src(%dma_wait3A_961 : memref<16001024xf32, #tpu.memory_space<hbm>>) dst(%dma_wait3A_956 : memref<256xf32, #tpu.memory_space<vmem>>)
    %add3A_962 = arith.constant 256 : i32
    %add3A_963 = arith.addi %mul3A_2, %add3A_962 : i32
    %dma_start3A_964 = arith.constant 11 : i32
    %dma_start3A_965 = arith.constant 11 : i32
    %dma_start3A_966 = arith.constant 256 : i32
    %dma_start3A_967 = tpu.memref_slice %arg7[%dma_start3A_964, %dma_start3A_966] : memref<16x512xf32, #tpu.memory_space<vmem>> -> memref<1x256xf32, #tpu.memory_space<vmem>>
    %dma_start3A_968 = tpu.memref_squeeze %dma_start3A_967 : memref<1x256xf32, #tpu.memory_space<vmem>> -> memref<256xf32, #tpu.memory_space<vmem>>
    %dma_start3A_969 = tpu.memref_slice %arg4[%dma_start3A_965, %add3A_963] : memref<16x16384xf32, #tpu.memory_space<hbm>> -> memref<1x256xf32, #tpu.memory_space<hbm>>
    %dma_start3A_970 = tpu.memref_squeeze %dma_start3A_969 : memref<1x256xf32, #tpu.memory_space<hbm>> -> memref<256xf32, #tpu.memory_space<hbm>>
    %dma_start3A_971 = tpu.memref_slice %arg4[%dma_start3A_965, %add3A_963] : memref<16x16384xf32, #tpu.memory_space<hbm>> -> memref<1x256xf32, #tpu.memory_space<hbm>>
    %dma_start3A_972 = tpu.memref_squeeze %dma_start3A_971 : memref<1x256xf32, #tpu.memory_space<hbm>> -> memref<256xf32, #tpu.memory_space<hbm>>
    %dma_start3A_973 = arith.constant 256 : i32
    %dma_start3A_974 = tpu.memref_slice %arg7[%dma_start3A_964, %dma_start3A_973] : memref<16x512xf32, #tpu.memory_space<vmem>> -> memref<1x256xf32, #tpu.memory_space<vmem>>
    %dma_start3A_975 = tpu.memref_squeeze %dma_start3A_974 : memref<1x256xf32, #tpu.memory_space<vmem>> -> memref<256xf32, #tpu.memory_space<vmem>>
    tpu.enqueue_dma source(%dma_start3A_975 : memref<256xf32, #tpu.memory_space<vmem>>) target(%dma_start3A_972 : memref<256xf32, #tpu.memory_space<hbm>>) target_semaphore(%arg10 : memref<!tpu.dma_semaphore, #tpu.memory_space<semaphore_mem>>)
    %dma_wait3A_976 = arith.constant 12 : i32
    %dma_wait3A_977 = arith.constant 12 : i32
    %dma_wait3A_978 = arith.constant 256 : i32
    %dma_wait3A_979 = tpu.memref_slice %arg7[%dma_wait3A_977, %dma_wait3A_978] : memref<16x512xf32, #tpu.memory_space<vmem>> -> memref<1x256xf32, #tpu.memory_space<vmem>>
    %dma_wait3A_980 = tpu.memref_squeeze %dma_wait3A_979 : memref<1x256xf32, #tpu.memory_space<vmem>> -> memref<256xf32, #tpu.memory_space<vmem>>
    %dma_wait3A_981 = arith.constant 256 : i32
    %dma_wait3A_982 = tpu.memref_slice %arg6[%dma_wait3A_976, %dma_wait3A_981] : memref<16x512xi32, #tpu.memory_space<vmem>> -> memref<1x256xi32, #tpu.memory_space<vmem>>
    %dma_wait3A_983 = tpu.memref_squeeze %dma_wait3A_982 : memref<1x256xi32, #tpu.memory_space<vmem>> -> memref<256xi32, #tpu.memory_space<vmem>>
    %dma_wait3A_984 = arith.constant 0 : i32
    %dma_wait3A_985 = tpu.memref_slice %arg2[%dma_wait3A_984] : memref<16001024xf32, #tpu.memory_space<hbm>> -> memref<16001024xf32, #tpu.memory_space<hbm>>
    tpu.wait_indirect_dma semaphore(%arg9 : memref<!tpu.dma_semaphore, #tpu.memory_space<semaphore_mem>>) src(%dma_wait3A_985 : memref<16001024xf32, #tpu.memory_space<hbm>>) dst(%dma_wait3A_980 : memref<256xf32, #tpu.memory_space<vmem>>)
    %add3A_986 = arith.constant 256 : i32
    %add3A_987 = arith.addi %mul3A_2, %add3A_986 : i32
    %dma_start3A_988 = arith.constant 12 : i32
    %dma_start3A_989 = arith.constant 12 : i32
    %dma_start3A_990 = arith.constant 256 : i32
    %dma_start3A_991 = tpu.memref_slice %arg7[%dma_start3A_988, %dma_start3A_990] : memref<16x512xf32, #tpu.memory_space<vmem>> -> memref<1x256xf32, #tpu.memory_space<vmem>>
    %dma_start3A_992 = tpu.memref_squeeze %dma_start3A_991 : memref<1x256xf32, #tpu.memory_space<vmem>> -> memref<256xf32, #tpu.memory_space<vmem>>
    %dma_start3A_993 = tpu.memref_slice %arg4[%dma_start3A_989, %add3A_987] : memref<16x16384xf32, #tpu.memory_space<hbm>> -> memref<1x256xf32, #tpu.memory_space<hbm>>
    %dma_start3A_994 = tpu.memref_squeeze %dma_start3A_993 : memref<1x256xf32, #tpu.memory_space<hbm>> -> memref<256xf32, #tpu.memory_space<hbm>>
    %dma_start3A_995 = tpu.memref_slice %arg4[%dma_start3A_989, %add3A_987] : memref<16x16384xf32, #tpu.memory_space<hbm>> -> memref<1x256xf32, #tpu.memory_space<hbm>>
    %dma_start3A_996 = tpu.memref_squeeze %dma_start3A_995 : memref<1x256xf32, #tpu.memory_space<hbm>> -> memref<256xf32, #tpu.memory_space<hbm>>
    %dma_start3A_997 = arith.constant 256 : i32
    %dma_start3A_998 = tpu.memref_slice %arg7[%dma_start3A_988, %dma_start3A_997] : memref<16x512xf32, #tpu.memory_space<vmem>> -> memref<1x256xf32, #tpu.memory_space<vmem>>
    %dma_start3A_999 = tpu.memref_squeeze %dma_start3A_998 : memref<1x256xf32, #tpu.memory_space<vmem>> -> memref<256xf32, #tpu.memory_space<vmem>>
    tpu.enqueue_dma source(%dma_start3A_999 : memref<256xf32, #tpu.memory_space<vmem>>) target(%dma_start3A_996 : memref<256xf32, #tpu.memory_space<hbm>>) target_semaphore(%arg10 : memref<!tpu.dma_semaphore, #tpu.memory_space<semaphore_mem>>)
    %dma_wait3A_1000 = arith.constant 13 : i32
    %dma_wait3A_1001 = arith.constant 13 : i32
    %dma_wait3A_1002 = arith.constant 256 : i32
    %dma_wait3A_1003 = tpu.memref_slice %arg7[%dma_wait3A_1001, %dma_wait3A_1002] : memref<16x512xf32, #tpu.memory_space<vmem>> -> memref<1x256xf32, #tpu.memory_space<vmem>>
    %dma_wait3A_1004 = tpu.memref_squeeze %dma_wait3A_1003 : memref<1x256xf32, #tpu.memory_space<vmem>> -> memref<256xf32, #tpu.memory_space<vmem>>
    %dma_wait3A_1005 = arith.constant 256 : i32
    %dma_wait3A_1006 = tpu.memref_slice %arg6[%dma_wait3A_1000, %dma_wait3A_1005] : memref<16x512xi32, #tpu.memory_space<vmem>> -> memref<1x256xi32, #tpu.memory_space<vmem>>
    %dma_wait3A_1007 = tpu.memref_squeeze %dma_wait3A_1006 : memref<1x256xi32, #tpu.memory_space<vmem>> -> memref<256xi32, #tpu.memory_space<vmem>>
    %dma_wait3A_1008 = arith.constant 0 : i32
    %dma_wait3A_1009 = tpu.memref_slice %arg2[%dma_wait3A_1008] : memref<16001024xf32, #tpu.memory_space<hbm>> -> memref<16001024xf32, #tpu.memory_space<hbm>>
    tpu.wait_indirect_dma semaphore(%arg9 : memref<!tpu.dma_semaphore, #tpu.memory_space<semaphore_mem>>) src(%dma_wait3A_1009 : memref<16001024xf32, #tpu.memory_space<hbm>>) dst(%dma_wait3A_1004 : memref<256xf32, #tpu.memory_space<vmem>>)
    %add3A_1010 = arith.constant 256 : i32
    %add3A_1011 = arith.addi %mul3A_2, %add3A_1010 : i32
    %dma_start3A_1012 = arith.constant 13 : i32
    %dma_start3A_1013 = arith.constant 13 : i32
    %dma_start3A_1014 = arith.constant 256 : i32
    %dma_start3A_1015 = tpu.memref_slice %arg7[%dma_start3A_1012, %dma_start3A_1014] : memref<16x512xf32, #tpu.memory_space<vmem>> -> memref<1x256xf32, #tpu.memory_space<vmem>>
    %dma_start3A_1016 = tpu.memref_squeeze %dma_start3A_1015 : memref<1x256xf32, #tpu.memory_space<vmem>> -> memref<256xf32, #tpu.memory_space<vmem>>
    %dma_start3A_1017 = tpu.memref_slice %arg4[%dma_start3A_1013, %add3A_1011] : memref<16x16384xf32, #tpu.memory_space<hbm>> -> memref<1x256xf32, #tpu.memory_space<hbm>>
    %dma_start3A_1018 = tpu.memref_squeeze %dma_start3A_1017 : memref<1x256xf32, #tpu.memory_space<hbm>> -> memref<256xf32, #tpu.memory_space<hbm>>
    %dma_start3A_1019 = tpu.memref_slice %arg4[%dma_start3A_1013, %add3A_1011] : memref<16x16384xf32, #tpu.memory_space<hbm>> -> memref<1x256xf32, #tpu.memory_space<hbm>>
    %dma_start3A_1020 = tpu.memref_squeeze %dma_start3A_1019 : memref<1x256xf32, #tpu.memory_space<hbm>> -> memref<256xf32, #tpu.memory_space<hbm>>
    %dma_start3A_1021 = arith.constant 256 : i32
    %dma_start3A_1022 = tpu.memref_slice %arg7[%dma_start3A_1012, %dma_start3A_1021] : memref<16x512xf32, #tpu.memory_space<vmem>> -> memref<1x256xf32, #tpu.memory_space<vmem>>
    %dma_start3A_1023 = tpu.memref_squeeze %dma_start3A_1022 : memref<1x256xf32, #tpu.memory_space<vmem>> -> memref<256xf32, #tpu.memory_space<vmem>>
    tpu.enqueue_dma source(%dma_start3A_1023 : memref<256xf32, #tpu.memory_space<vmem>>) target(%dma_start3A_1020 : memref<256xf32, #tpu.memory_space<hbm>>) target_semaphore(%arg10 : memref<!tpu.dma_semaphore, #tpu.memory_space<semaphore_mem>>)
    %dma_wait3A_1024 = arith.constant 14 : i32
    %dma_wait3A_1025 = arith.constant 14 : i32
    %dma_wait3A_1026 = arith.constant 256 : i32
    %dma_wait3A_1027 = tpu.memref_slice %arg7[%dma_wait3A_1025, %dma_wait3A_1026] : memref<16x512xf32, #tpu.memory_space<vmem>> -> memref<1x256xf32, #tpu.memory_space<vmem>>
    %dma_wait3A_1028 = tpu.memref_squeeze %dma_wait3A_1027 : memref<1x256xf32, #tpu.memory_space<vmem>> -> memref<256xf32, #tpu.memory_space<vmem>>
    %dma_wait3A_1029 = arith.constant 256 : i32
    %dma_wait3A_1030 = tpu.memref_slice %arg6[%dma_wait3A_1024, %dma_wait3A_1029] : memref<16x512xi32, #tpu.memory_space<vmem>> -> memref<1x256xi32, #tpu.memory_space<vmem>>
    %dma_wait3A_1031 = tpu.memref_squeeze %dma_wait3A_1030 : memref<1x256xi32, #tpu.memory_space<vmem>> -> memref<256xi32, #tpu.memory_space<vmem>>
    %dma_wait3A_1032 = arith.constant 0 : i32
    %dma_wait3A_1033 = tpu.memref_slice %arg2[%dma_wait3A_1032] : memref<16001024xf32, #tpu.memory_space<hbm>> -> memref<16001024xf32, #tpu.memory_space<hbm>>
    tpu.wait_indirect_dma semaphore(%arg9 : memref<!tpu.dma_semaphore, #tpu.memory_space<semaphore_mem>>) src(%dma_wait3A_1033 : memref<16001024xf32, #tpu.memory_space<hbm>>) dst(%dma_wait3A_1028 : memref<256xf32, #tpu.memory_space<vmem>>)
    %add3A_1034 = arith.constant 256 : i32
    %add3A_1035 = arith.addi %mul3A_2, %add3A_1034 : i32
    %dma_start3A_1036 = arith.constant 14 : i32
    %dma_start3A_1037 = arith.constant 14 : i32
    %dma_start3A_1038 = arith.constant 256 : i32
    %dma_start3A_1039 = tpu.memref_slice %arg7[%dma_start3A_1036, %dma_start3A_1038] : memref<16x512xf32, #tpu.memory_space<vmem>> -> memref<1x256xf32, #tpu.memory_space<vmem>>
    %dma_start3A_1040 = tpu.memref_squeeze %dma_start3A_1039 : memref<1x256xf32, #tpu.memory_space<vmem>> -> memref<256xf32, #tpu.memory_space<vmem>>
    %dma_start3A_1041 = tpu.memref_slice %arg4[%dma_start3A_1037, %add3A_1035] : memref<16x16384xf32, #tpu.memory_space<hbm>> -> memref<1x256xf32, #tpu.memory_space<hbm>>
    %dma_start3A_1042 = tpu.memref_squeeze %dma_start3A_1041 : memref<1x256xf32, #tpu.memory_space<hbm>> -> memref<256xf32, #tpu.memory_space<hbm>>
    %dma_start3A_1043 = tpu.memref_slice %arg4[%dma_start3A_1037, %add3A_1035] : memref<16x16384xf32, #tpu.memory_space<hbm>> -> memref<1x256xf32, #tpu.memory_space<hbm>>
    %dma_start3A_1044 = tpu.memref_squeeze %dma_start3A_1043 : memref<1x256xf32, #tpu.memory_space<hbm>> -> memref<256xf32, #tpu.memory_space<hbm>>
    %dma_start3A_1045 = arith.constant 256 : i32
    %dma_start3A_1046 = tpu.memref_slice %arg7[%dma_start3A_1036, %dma_start3A_1045] : memref<16x512xf32, #tpu.memory_space<vmem>> -> memref<1x256xf32, #tpu.memory_space<vmem>>
    %dma_start3A_1047 = tpu.memref_squeeze %dma_start3A_1046 : memref<1x256xf32, #tpu.memory_space<vmem>> -> memref<256xf32, #tpu.memory_space<vmem>>
    tpu.enqueue_dma source(%dma_start3A_1047 : memref<256xf32, #tpu.memory_space<vmem>>) target(%dma_start3A_1044 : memref<256xf32, #tpu.memory_space<hbm>>) target_semaphore(%arg10 : memref<!tpu.dma_semaphore, #tpu.memory_space<semaphore_mem>>)
    %dma_wait3A_1048 = arith.constant 15 : i32
    %dma_wait3A_1049 = arith.constant 15 : i32
    %dma_wait3A_1050 = arith.constant 256 : i32
    %dma_wait3A_1051 = tpu.memref_slice %arg7[%dma_wait3A_1049, %dma_wait3A_1050] : memref<16x512xf32, #tpu.memory_space<vmem>> -> memref<1x256xf32, #tpu.memory_space<vmem>>
    %dma_wait3A_1052 = tpu.memref_squeeze %dma_wait3A_1051 : memref<1x256xf32, #tpu.memory_space<vmem>> -> memref<256xf32, #tpu.memory_space<vmem>>
    %dma_wait3A_1053 = arith.constant 256 : i32
    %dma_wait3A_1054 = tpu.memref_slice %arg6[%dma_wait3A_1048, %dma_wait3A_1053] : memref<16x512xi32, #tpu.memory_space<vmem>> -> memref<1x256xi32, #tpu.memory_space<vmem>>
    %dma_wait3A_1055 = tpu.memref_squeeze %dma_wait3A_1054 : memref<1x256xi32, #tpu.memory_space<vmem>> -> memref<256xi32, #tpu.memory_space<vmem>>
    %dma_wait3A_1056 = arith.constant 0 : i32
    %dma_wait3A_1057 = tpu.memref_slice %arg2[%dma_wait3A_1056] : memref<16001024xf32, #tpu.memory_space<hbm>> -> memref<16001024xf32, #tpu.memory_space<hbm>>
    tpu.wait_indirect_dma semaphore(%arg9 : memref<!tpu.dma_semaphore, #tpu.memory_space<semaphore_mem>>) src(%dma_wait3A_1057 : memref<16001024xf32, #tpu.memory_space<hbm>>) dst(%dma_wait3A_1052 : memref<256xf32, #tpu.memory_space<vmem>>)
    %add3A_1058 = arith.constant 256 : i32
    %add3A_1059 = arith.addi %mul3A_2, %add3A_1058 : i32
    %dma_start3A_1060 = arith.constant 15 : i32
    %dma_start3A_1061 = arith.constant 15 : i32
    %dma_start3A_1062 = arith.constant 256 : i32
    %dma_start3A_1063 = tpu.memref_slice %arg7[%dma_start3A_1060, %dma_start3A_1062] : memref<16x512xf32, #tpu.memory_space<vmem>> -> memref<1x256xf32, #tpu.memory_space<vmem>>
    %dma_start3A_1064 = tpu.memref_squeeze %dma_start3A_1063 : memref<1x256xf32, #tpu.memory_space<vmem>> -> memref<256xf32, #tpu.memory_space<vmem>>
    %dma_start3A_1065 = tpu.memref_slice %arg4[%dma_start3A_1061, %add3A_1059] : memref<16x16384xf32, #tpu.memory_space<hbm>> -> memref<1x256xf32, #tpu.memory_space<hbm>>
    %dma_start3A_1066 = tpu.memref_squeeze %dma_start3A_1065 : memref<1x256xf32, #tpu.memory_space<hbm>> -> memref<256xf32, #tpu.memory_space<hbm>>
    %dma_start3A_1067 = tpu.memref_slice %arg4[%dma_start3A_1061, %add3A_1059] : memref<16x16384xf32, #tpu.memory_space<hbm>> -> memref<1x256xf32, #tpu.memory_space<hbm>>
    %dma_start3A_1068 = tpu.memref_squeeze %dma_start3A_1067 : memref<1x256xf32, #tpu.memory_space<hbm>> -> memref<256xf32, #tpu.memory_space<hbm>>
    %dma_start3A_1069 = arith.constant 256 : i32
    %dma_start3A_1070 = tpu.memref_slice %arg7[%dma_start3A_1060, %dma_start3A_1069] : memref<16x512xf32, #tpu.memory_space<vmem>> -> memref<1x256xf32, #tpu.memory_space<vmem>>
    %dma_start3A_1071 = tpu.memref_squeeze %dma_start3A_1070 : memref<1x256xf32, #tpu.memory_space<vmem>> -> memref<256xf32, #tpu.memory_space<vmem>>
    tpu.enqueue_dma source(%dma_start3A_1071 : memref<256xf32, #tpu.memory_space<vmem>>) target(%dma_start3A_1068 : memref<256xf32, #tpu.memory_space<hbm>>) target_semaphore(%arg10 : memref<!tpu.dma_semaphore, #tpu.memory_space<semaphore_mem>>)
    %dma_wait3A_1072 = arith.constant 0 : i32
    %dma_wait3A_1073 = arith.constant 0 : i32
    %dma_wait3A_1074 = arith.constant 0 : i32
    %dma_wait3A_1075 = tpu.memref_slice %arg7[%dma_wait3A_1072, %dma_wait3A_1074] : memref<16x512xf32, #tpu.memory_space<vmem>> -> memref<1x256xf32, #tpu.memory_space<vmem>>
    %dma_wait3A_1076 = tpu.memref_squeeze %dma_wait3A_1075 : memref<1x256xf32, #tpu.memory_space<vmem>> -> memref<256xf32, #tpu.memory_space<vmem>>
    %dma_wait3A_1077 = tpu.memref_slice %arg4[%dma_wait3A_1073, %mul3A_2] : memref<16x16384xf32, #tpu.memory_space<hbm>> -> memref<1x256xf32, #tpu.memory_space<hbm>>
    %dma_wait3A_1078 = tpu.memref_squeeze %dma_wait3A_1077 : memref<1x256xf32, #tpu.memory_space<hbm>> -> memref<256xf32, #tpu.memory_space<hbm>>
    %dma_wait3A_1079 = tpu.memref_slice %arg4[%dma_wait3A_1073, %mul3A_2] : memref<16x16384xf32, #tpu.memory_space<hbm>> -> memref<1x256xf32, #tpu.memory_space<hbm>>
    %dma_wait3A_1080 = tpu.memref_squeeze %dma_wait3A_1079 : memref<1x256xf32, #tpu.memory_space<hbm>> -> memref<256xf32, #tpu.memory_space<hbm>>
    %dma_wait3A_1081 = arith.constant 0 : i32
    %dma_wait3A_1082 = tpu.memref_slice %arg7[%dma_wait3A_1072, %dma_wait3A_1081] : memref<16x512xf32, #tpu.memory_space<vmem>> -> memref<1x256xf32, #tpu.memory_space<vmem>>
    %dma_wait3A_1083 = tpu.memref_squeeze %dma_wait3A_1082 : memref<1x256xf32, #tpu.memory_space<vmem>> -> memref<256xf32, #tpu.memory_space<vmem>>
    tpu.wait_dma2 semaphore(%arg10 : memref<!tpu.dma_semaphore, #tpu.memory_space<semaphore_mem>>) src(%dma_wait3A_1083 : memref<256xf32, #tpu.memory_space<vmem>>) dst(%dma_wait3A_1080 : memref<256xf32, #tpu.memory_space<hbm>>)
    %dma_wait3A_1084 = arith.constant 0 : i32
    %dma_wait3A_1085 = arith.constant 0 : i32
    %dma_wait3A_1086 = arith.constant 0 : i32
    %dma_wait3A_1087 = tpu.memref_slice %arg7[%dma_wait3A_1084, %dma_wait3A_1086] : memref<16x512xf32, #tpu.memory_space<vmem>> -> memref<1x256xf32, #tpu.memory_space<vmem>>
    %dma_wait3A_1088 = tpu.memref_squeeze %dma_wait3A_1087 : memref<1x256xf32, #tpu.memory_space<vmem>> -> memref<256xf32, #tpu.memory_space<vmem>>
    %dma_wait3A_1089 = tpu.memref_slice %arg4[%dma_wait3A_1085, %mul3A_2] : memref<16x16384xf32, #tpu.memory_space<hbm>> -> memref<1x256xf32, #tpu.memory_space<hbm>>
    %dma_wait3A_1090 = tpu.memref_squeeze %dma_wait3A_1089 : memref<1x256xf32, #tpu.memory_space<hbm>> -> memref<256xf32, #tpu.memory_space<hbm>>
    %dma_wait3A_1091 = tpu.memref_slice %arg4[%dma_wait3A_1085, %mul3A_2] : memref<16x16384xf32, #tpu.memory_space<hbm>> -> memref<1x256xf32, #tpu.memory_space<hbm>>
    %dma_wait3A_1092 = tpu.memref_squeeze %dma_wait3A_1091 : memref<1x256xf32, #tpu.memory_space<hbm>> -> memref<256xf32, #tpu.memory_space<hbm>>
    %dma_wait3A_1093 = arith.constant 0 : i32
    %dma_wait3A_1094 = tpu.memref_slice %arg7[%dma_wait3A_1084, %dma_wait3A_1093] : memref<16x512xf32, #tpu.memory_space<vmem>> -> memref<1x256xf32, #tpu.memory_space<vmem>>
    %dma_wait3A_1095 = tpu.memref_squeeze %dma_wait3A_1094 : memref<1x256xf32, #tpu.memory_space<vmem>> -> memref<256xf32, #tpu.memory_space<vmem>>
    tpu.wait_dma2 semaphore(%arg10 : memref<!tpu.dma_semaphore, #tpu.memory_space<semaphore_mem>>) src(%dma_wait3A_1095 : memref<256xf32, #tpu.memory_space<vmem>>) dst(%dma_wait3A_1092 : memref<256xf32, #tpu.memory_space<hbm>>)
    %dma_wait3A_1096 = arith.constant 0 : i32
    %dma_wait3A_1097 = arith.constant 0 : i32
    %dma_wait3A_1098 = arith.constant 0 : i32
    %dma_wait3A_1099 = tpu.memref_slice %arg7[%dma_wait3A_1096, %dma_wait3A_1098] : memref<16x512xf32, #tpu.memory_space<vmem>> -> memref<1x256xf32, #tpu.memory_space<vmem>>
    %dma_wait3A_1100 = tpu.memref_squeeze %dma_wait3A_1099 : memref<1x256xf32, #tpu.memory_space<vmem>> -> memref<256xf32, #tpu.memory_space<vmem>>
    %dma_wait3A_1101 = tpu.memref_slice %arg4[%dma_wait3A_1097, %mul3A_2] : memref<16x16384xf32, #tpu.memory_space<hbm>> -> memref<1x256xf32, #tpu.memory_space<hbm>>
    %dma_wait3A_1102 = tpu.memref_squeeze %dma_wait3A_1101 : memref<1x256xf32, #tpu.memory_space<hbm>> -> memref<256xf32, #tpu.memory_space<hbm>>
    %dma_wait3A_1103 = tpu.memref_slice %arg4[%dma_wait3A_1097, %mul3A_2] : memref<16x16384xf32, #tpu.memory_space<hbm>> -> memref<1x256xf32, #tpu.memory_space<hbm>>
    %dma_wait3A_1104 = tpu.memref_squeeze %dma_wait3A_1103 : memref<1x256xf32, #tpu.memory_space<hbm>> -> memref<256xf32, #tpu.memory_space<hbm>>
    %dma_wait3A_1105 = arith.constant 0 : i32
    %dma_wait3A_1106 = tpu.memref_slice %arg7[%dma_wait3A_1096, %dma_wait3A_1105] : memref<16x512xf32, #tpu.memory_space<vmem>> -> memref<1x256xf32, #tpu.memory_space<vmem>>
    %dma_wait3A_1107 = tpu.memref_squeeze %dma_wait3A_1106 : memref<1x256xf32, #tpu.memory_space<vmem>> -> memref<256xf32, #tpu.memory_space<vmem>>
    tpu.wait_dma2 semaphore(%arg10 : memref<!tpu.dma_semaphore, #tpu.memory_space<semaphore_mem>>) src(%dma_wait3A_1107 : memref<256xf32, #tpu.memory_space<vmem>>) dst(%dma_wait3A_1104 : memref<256xf32, #tpu.memory_space<hbm>>)
    %dma_wait3A_1108 = arith.constant 0 : i32
    %dma_wait3A_1109 = arith.constant 0 : i32
    %dma_wait3A_1110 = arith.constant 0 : i32
    %dma_wait3A_1111 = tpu.memref_slice %arg7[%dma_wait3A_1108, %dma_wait3A_1110] : memref<16x512xf32, #tpu.memory_space<vmem>> -> memref<1x256xf32, #tpu.memory_space<vmem>>
    %dma_wait3A_1112 = tpu.memref_squeeze %dma_wait3A_1111 : memref<1x256xf32, #tpu.memory_space<vmem>> -> memref<256xf32, #tpu.memory_space<vmem>>
    %dma_wait3A_1113 = tpu.memref_slice %arg4[%dma_wait3A_1109, %mul3A_2] : memref<16x16384xf32, #tpu.memory_space<hbm>> -> memref<1x256xf32, #tpu.memory_space<hbm>>
    %dma_wait3A_1114 = tpu.memref_squeeze %dma_wait3A_1113 : memref<1x256xf32, #tpu.memory_space<hbm>> -> memref<256xf32, #tpu.memory_space<hbm>>
    %dma_wait3A_1115 = tpu.memref_slice %arg4[%dma_wait3A_1109, %mul3A_2] : memref<16x16384xf32, #tpu.memory_space<hbm>> -> memref<1x256xf32, #tpu.memory_space<hbm>>
    %dma_wait3A_1116 = tpu.memref_squeeze %dma_wait3A_1115 : memref<1x256xf32, #tpu.memory_space<hbm>> -> memref<256xf32, #tpu.memory_space<hbm>>
    %dma_wait3A_1117 = arith.constant 0 : i32
    %dma_wait3A_1118 = tpu.memref_slice %arg7[%dma_wait3A_1108, %dma_wait3A_1117] : memref<16x512xf32, #tpu.memory_space<vmem>> -> memref<1x256xf32, #tpu.memory_space<vmem>>
    %dma_wait3A_1119 = tpu.memref_squeeze %dma_wait3A_1118 : memref<1x256xf32, #tpu.memory_space<vmem>> -> memref<256xf32, #tpu.memory_space<vmem>>
    tpu.wait_dma2 semaphore(%arg10 : memref<!tpu.dma_semaphore, #tpu.memory_space<semaphore_mem>>) src(%dma_wait3A_1119 : memref<256xf32, #tpu.memory_space<vmem>>) dst(%dma_wait3A_1116 : memref<256xf32, #tpu.memory_space<hbm>>)
    %dma_wait3A_1120 = arith.constant 0 : i32
    %dma_wait3A_1121 = arith.constant 0 : i32
    %dma_wait3A_1122 = arith.constant 0 : i32
    %dma_wait3A_1123 = tpu.memref_slice %arg7[%dma_wait3A_1120, %dma_wait3A_1122] : memref<16x512xf32, #tpu.memory_space<vmem>> -> memref<1x256xf32, #tpu.memory_space<vmem>>
    %dma_wait3A_1124 = tpu.memref_squeeze %dma_wait3A_1123 : memref<1x256xf32, #tpu.memory_space<vmem>> -> memref<256xf32, #tpu.memory_space<vmem>>
    %dma_wait3A_1125 = tpu.memref_slice %arg4[%dma_wait3A_1121, %mul3A_2] : memref<16x16384xf32, #tpu.memory_space<hbm>> -> memref<1x256xf32, #tpu.memory_space<hbm>>
    %dma_wait3A_1126 = tpu.memref_squeeze %dma_wait3A_1125 : memref<1x256xf32, #tpu.memory_space<hbm>> -> memref<256xf32, #tpu.memory_space<hbm>>
    %dma_wait3A_1127 = tpu.memref_slice %arg4[%dma_wait3A_1121, %mul3A_2] : memref<16x16384xf32, #tpu.memory_space<hbm>> -> memref<1x256xf32, #tpu.memory_space<hbm>>
    %dma_wait3A_1128 = tpu.memref_squeeze %dma_wait3A_1127 : memref<1x256xf32, #tpu.memory_space<hbm>> -> memref<256xf32, #tpu.memory_space<hbm>>
    %dma_wait3A_1129 = arith.constant 0 : i32
    %dma_wait3A_1130 = tpu.memref_slice %arg7[%dma_wait3A_1120, %dma_wait3A_1129] : memref<16x512xf32, #tpu.memory_space<vmem>> -> memref<1x256xf32, #tpu.memory_space<vmem>>
    %dma_wait3A_1131 = tpu.memref_squeeze %dma_wait3A_1130 : memref<1x256xf32, #tpu.memory_space<vmem>> -> memref<256xf32, #tpu.memory_space<vmem>>
    tpu.wait_dma2 semaphore(%arg10 : memref<!tpu.dma_semaphore, #tpu.memory_space<semaphore_mem>>) src(%dma_wait3A_1131 : memref<256xf32, #tpu.memory_space<vmem>>) dst(%dma_wait3A_1128 : memref<256xf32, #tpu.memory_space<hbm>>)
    %dma_wait3A_1132 = arith.constant 0 : i32
    %dma_wait3A_1133 = arith.constant 0 : i32
    %dma_wait3A_1134 = arith.constant 0 : i32
    %dma_wait3A_1135 = tpu.memref_slice %arg7[%dma_wait3A_1132, %dma_wait3A_1134] : memref<16x512xf32, #tpu.memory_space<vmem>> -> memref<1x256xf32, #tpu.memory_space<vmem>>
    %dma_wait3A_1136 = tpu.memref_squeeze %dma_wait3A_1135 : memref<1x256xf32, #tpu.memory_space<vmem>> -> memref<256xf32, #tpu.memory_space<vmem>>
    %dma_wait3A_1137 = tpu.memref_slice %arg4[%dma_wait3A_1133, %mul3A_2] : memref<16x16384xf32, #tpu.memory_space<hbm>> -> memref<1x256xf32, #tpu.memory_space<hbm>>
    %dma_wait3A_1138 = tpu.memref_squeeze %dma_wait3A_1137 : memref<1x256xf32, #tpu.memory_space<hbm>> -> memref<256xf32, #tpu.memory_space<hbm>>
    %dma_wait3A_1139 = tpu.memref_slice %arg4[%dma_wait3A_1133, %mul3A_2] : memref<16x16384xf32, #tpu.memory_space<hbm>> -> memref<1x256xf32, #tpu.memory_space<hbm>>
    %dma_wait3A_1140 = tpu.memref_squeeze %dma_wait3A_1139 : memref<1x256xf32, #tpu.memory_space<hbm>> -> memref<256xf32, #tpu.memory_space<hbm>>
    %dma_wait3A_1141 = arith.constant 0 : i32
    %dma_wait3A_1142 = tpu.memref_slice %arg7[%dma_wait3A_1132, %dma_wait3A_1141] : memref<16x512xf32, #tpu.memory_space<vmem>> -> memref<1x256xf32, #tpu.memory_space<vmem>>
    %dma_wait3A_1143 = tpu.memref_squeeze %dma_wait3A_1142 : memref<1x256xf32, #tpu.memory_space<vmem>> -> memref<256xf32, #tpu.memory_space<vmem>>
    tpu.wait_dma2 semaphore(%arg10 : memref<!tpu.dma_semaphore, #tpu.memory_space<semaphore_mem>>) src(%dma_wait3A_1143 : memref<256xf32, #tpu.memory_space<vmem>>) dst(%dma_wait3A_1140 : memref<256xf32, #tpu.memory_space<hbm>>)
    %dma_wait3A_1144 = arith.constant 0 : i32
    %dma_wait3A_1145 = arith.constant 0 : i32
    %dma_wait3A_1146 = arith.constant 0 : i32
    %dma_wait3A_1147 = tpu.memref_slice %arg7[%dma_wait3A_1144, %dma_wait3A_1146] : memref<16x512xf32, #tpu.memory_space<vmem>> -> memref<1x256xf32, #tpu.memory_space<vmem>>
    %dma_wait3A_1148 = tpu.memref_squeeze %dma_wait3A_1147 : memref<1x256xf32, #tpu.memory_space<vmem>> -> memref<256xf32, #tpu.memory_space<vmem>>
    %dma_wait3A_1149 = tpu.memref_slice %arg4[%dma_wait3A_1145, %mul3A_2] : memref<16x16384xf32, #tpu.memory_space<hbm>> -> memref<1x256xf32, #tpu.memory_space<hbm>>
    %dma_wait3A_1150 = tpu.memref_squeeze %dma_wait3A_1149 : memref<1x256xf32, #tpu.memory_space<hbm>> -> memref<256xf32, #tpu.memory_space<hbm>>
    %dma_wait3A_1151 = tpu.memref_slice %arg4[%dma_wait3A_1145, %mul3A_2] : memref<16x16384xf32, #tpu.memory_space<hbm>> -> memref<1x256xf32, #tpu.memory_space<hbm>>
    %dma_wait3A_1152 = tpu.memref_squeeze %dma_wait3A_1151 : memref<1x256xf32, #tpu.memory_space<hbm>> -> memref<256xf32, #tpu.memory_space<hbm>>
    %dma_wait3A_1153 = arith.constant 0 : i32
    %dma_wait3A_1154 = tpu.memref_slice %arg7[%dma_wait3A_1144, %dma_wait3A_1153] : memref<16x512xf32, #tpu.memory_space<vmem>> -> memref<1x256xf32, #tpu.memory_space<vmem>>
    %dma_wait3A_1155 = tpu.memref_squeeze %dma_wait3A_1154 : memref<1x256xf32, #tpu.memory_space<vmem>> -> memref<256xf32, #tpu.memory_space<vmem>>
    tpu.wait_dma2 semaphore(%arg10 : memref<!tpu.dma_semaphore, #tpu.memory_space<semaphore_mem>>) src(%dma_wait3A_1155 : memref<256xf32, #tpu.memory_space<vmem>>) dst(%dma_wait3A_1152 : memref<256xf32, #tpu.memory_space<hbm>>)
    %dma_wait3A_1156 = arith.constant 0 : i32
    %dma_wait3A_1157 = arith.constant 0 : i32
    %dma_wait3A_1158 = arith.constant 0 : i32
    %dma_wait3A_1159 = tpu.memref_slice %arg7[%dma_wait3A_1156, %dma_wait3A_1158] : memref<16x512xf32, #tpu.memory_space<vmem>> -> memref<1x256xf32, #tpu.memory_space<vmem>>
    %dma_wait3A_1160 = tpu.memref_squeeze %dma_wait3A_1159 : memref<1x256xf32, #tpu.memory_space<vmem>> -> memref<256xf32, #tpu.memory_space<vmem>>
    %dma_wait3A_1161 = tpu.memref_slice %arg4[%dma_wait3A_1157, %mul3A_2] : memref<16x16384xf32, #tpu.memory_space<hbm>> -> memref<1x256xf32, #tpu.memory_space<hbm>>
    %dma_wait3A_1162 = tpu.memref_squeeze %dma_wait3A_1161 : memref<1x256xf32, #tpu.memory_space<hbm>> -> memref<256xf32, #tpu.memory_space<hbm>>
    %dma_wait3A_1163 = tpu.memref_slice %arg4[%dma_wait3A_1157, %mul3A_2] : memref<16x16384xf32, #tpu.memory_space<hbm>> -> memref<1x256xf32, #tpu.memory_space<hbm>>
    %dma_wait3A_1164 = tpu.memref_squeeze %dma_wait3A_1163 : memref<1x256xf32, #tpu.memory_space<hbm>> -> memref<256xf32, #tpu.memory_space<hbm>>
    %dma_wait3A_1165 = arith.constant 0 : i32
    %dma_wait3A_1166 = tpu.memref_slice %arg7[%dma_wait3A_1156, %dma_wait3A_1165] : memref<16x512xf32, #tpu.memory_space<vmem>> -> memref<1x256xf32, #tpu.memory_space<vmem>>
    %dma_wait3A_1167 = tpu.memref_squeeze %dma_wait3A_1166 : memref<1x256xf32, #tpu.memory_space<vmem>> -> memref<256xf32, #tpu.memory_space<vmem>>
    tpu.wait_dma2 semaphore(%arg10 : memref<!tpu.dma_semaphore, #tpu.memory_space<semaphore_mem>>) src(%dma_wait3A_1167 : memref<256xf32, #tpu.memory_space<vmem>>) dst(%dma_wait3A_1164 : memref<256xf32, #tpu.memory_space<hbm>>)
    %dma_wait3A_1168 = arith.constant 0 : i32
    %dma_wait3A_1169 = arith.constant 0 : i32
    %dma_wait3A_1170 = arith.constant 0 : i32
    %dma_wait3A_1171 = tpu.memref_slice %arg7[%dma_wait3A_1168, %dma_wait3A_1170] : memref<16x512xf32, #tpu.memory_space<vmem>> -> memref<1x256xf32, #tpu.memory_space<vmem>>
    %dma_wait3A_1172 = tpu.memref_squeeze %dma_wait3A_1171 : memref<1x256xf32, #tpu.memory_space<vmem>> -> memref<256xf32, #tpu.memory_space<vmem>>
    %dma_wait3A_1173 = tpu.memref_slice %arg4[%dma_wait3A_1169, %mul3A_2] : memref<16x16384xf32, #tpu.memory_space<hbm>> -> memref<1x256xf32, #tpu.memory_space<hbm>>
    %dma_wait3A_1174 = tpu.memref_squeeze %dma_wait3A_1173 : memref<1x256xf32, #tpu.memory_space<hbm>> -> memref<256xf32, #tpu.memory_space<hbm>>
    %dma_wait3A_1175 = tpu.memref_slice %arg4[%dma_wait3A_1169, %mul3A_2] : memref<16x16384xf32, #tpu.memory_space<hbm>> -> memref<1x256xf32, #tpu.memory_space<hbm>>
    %dma_wait3A_1176 = tpu.memref_squeeze %dma_wait3A_1175 : memref<1x256xf32, #tpu.memory_space<hbm>> -> memref<256xf32, #tpu.memory_space<hbm>>
    %dma_wait3A_1177 = arith.constant 0 : i32
    %dma_wait3A_1178 = tpu.memref_slice %arg7[%dma_wait3A_1168, %dma_wait3A_1177] : memref<16x512xf32, #tpu.memory_space<vmem>> -> memref<1x256xf32, #tpu.memory_space<vmem>>
    %dma_wait3A_1179 = tpu.memref_squeeze %dma_wait3A_1178 : memref<1x256xf32, #tpu.memory_space<vmem>> -> memref<256xf32, #tpu.memory_space<vmem>>
    tpu.wait_dma2 semaphore(%arg10 : memref<!tpu.dma_semaphore, #tpu.memory_space<semaphore_mem>>) src(%dma_wait3A_1179 : memref<256xf32, #tpu.memory_space<vmem>>) dst(%dma_wait3A_1176 : memref<256xf32, #tpu.memory_space<hbm>>)
    %dma_wait3A_1180 = arith.constant 0 : i32
    %dma_wait3A_1181 = arith.constant 0 : i32
    %dma_wait3A_1182 = arith.constant 0 : i32
    %dma_wait3A_1183 = tpu.memref_slice %arg7[%dma_wait3A_1180, %dma_wait3A_1182] : memref<16x512xf32, #tpu.memory_space<vmem>> -> memref<1x256xf32, #tpu.memory_space<vmem>>
    %dma_wait3A_1184 = tpu.memref_squeeze %dma_wait3A_1183 : memref<1x256xf32, #tpu.memory_space<vmem>> -> memref<256xf32, #tpu.memory_space<vmem>>
    %dma_wait3A_1185 = tpu.memref_slice %arg4[%dma_wait3A_1181, %mul3A_2] : memref<16x16384xf32, #tpu.memory_space<hbm>> -> memref<1x256xf32, #tpu.memory_space<hbm>>
    %dma_wait3A_1186 = tpu.memref_squeeze %dma_wait3A_1185 : memref<1x256xf32, #tpu.memory_space<hbm>> -> memref<256xf32, #tpu.memory_space<hbm>>
    %dma_wait3A_1187 = tpu.memref_slice %arg4[%dma_wait3A_1181, %mul3A_2] : memref<16x16384xf32, #tpu.memory_space<hbm>> -> memref<1x256xf32, #tpu.memory_space<hbm>>
    %dma_wait3A_1188 = tpu.memref_squeeze %dma_wait3A_1187 : memref<1x256xf32, #tpu.memory_space<hbm>> -> memref<256xf32, #tpu.memory_space<hbm>>
    %dma_wait3A_1189 = arith.constant 0 : i32
    %dma_wait3A_1190 = tpu.memref_slice %arg7[%dma_wait3A_1180, %dma_wait3A_1189] : memref<16x512xf32, #tpu.memory_space<vmem>> -> memref<1x256xf32, #tpu.memory_space<vmem>>
    %dma_wait3A_1191 = tpu.memref_squeeze %dma_wait3A_1190 : memref<1x256xf32, #tpu.memory_space<vmem>> -> memref<256xf32, #tpu.memory_space<vmem>>
    tpu.wait_dma2 semaphore(%arg10 : memref<!tpu.dma_semaphore, #tpu.memory_space<semaphore_mem>>) src(%dma_wait3A_1191 : memref<256xf32, #tpu.memory_space<vmem>>) dst(%dma_wait3A_1188 : memref<256xf32, #tpu.memory_space<hbm>>)
    %dma_wait3A_1192 = arith.constant 0 : i32
    %dma_wait3A_1193 = arith.constant 0 : i32
    %dma_wait3A_1194 = arith.constant 0 : i32
    %dma_wait3A_1195 = tpu.memref_slice %arg7[%dma_wait3A_1192, %dma_wait3A_1194] : memref<16x512xf32, #tpu.memory_space<vmem>> -> memref<1x256xf32, #tpu.memory_space<vmem>>
    %dma_wait3A_1196 = tpu.memref_squeeze %dma_wait3A_1195 : memref<1x256xf32, #tpu.memory_space<vmem>> -> memref<256xf32, #tpu.memory_space<vmem>>
    %dma_wait3A_1197 = tpu.memref_slice %arg4[%dma_wait3A_1193, %mul3A_2] : memref<16x16384xf32, #tpu.memory_space<hbm>> -> memref<1x256xf32, #tpu.memory_space<hbm>>
    %dma_wait3A_1198 = tpu.memref_squeeze %dma_wait3A_1197 : memref<1x256xf32, #tpu.memory_space<hbm>> -> memref<256xf32, #tpu.memory_space<hbm>>
    %dma_wait3A_1199 = tpu.memref_slice %arg4[%dma_wait3A_1193, %mul3A_2] : memref<16x16384xf32, #tpu.memory_space<hbm>> -> memref<1x256xf32, #tpu.memory_space<hbm>>
    %dma_wait3A_1200 = tpu.memref_squeeze %dma_wait3A_1199 : memref<1x256xf32, #tpu.memory_space<hbm>> -> memref<256xf32, #tpu.memory_space<hbm>>
    %dma_wait3A_1201 = arith.constant 0 : i32
    %dma_wait3A_1202 = tpu.memref_slice %arg7[%dma_wait3A_1192, %dma_wait3A_1201] : memref<16x512xf32, #tpu.memory_space<vmem>> -> memref<1x256xf32, #tpu.memory_space<vmem>>
    %dma_wait3A_1203 = tpu.memref_squeeze %dma_wait3A_1202 : memref<1x256xf32, #tpu.memory_space<vmem>> -> memref<256xf32, #tpu.memory_space<vmem>>
    tpu.wait_dma2 semaphore(%arg10 : memref<!tpu.dma_semaphore, #tpu.memory_space<semaphore_mem>>) src(%dma_wait3A_1203 : memref<256xf32, #tpu.memory_space<vmem>>) dst(%dma_wait3A_1200 : memref<256xf32, #tpu.memory_space<hbm>>)
    %dma_wait3A_1204 = arith.constant 0 : i32
    %dma_wait3A_1205 = arith.constant 0 : i32
    %dma_wait3A_1206 = arith.constant 0 : i32
    %dma_wait3A_1207 = tpu.memref_slice %arg7[%dma_wait3A_1204, %dma_wait3A_1206] : memref<16x512xf32, #tpu.memory_space<vmem>> -> memref<1x256xf32, #tpu.memory_space<vmem>>
    %dma_wait3A_1208 = tpu.memref_squeeze %dma_wait3A_1207 : memref<1x256xf32, #tpu.memory_space<vmem>> -> memref<256xf32, #tpu.memory_space<vmem>>
    %dma_wait3A_1209 = tpu.memref_slice %arg4[%dma_wait3A_1205, %mul3A_2] : memref<16x16384xf32, #tpu.memory_space<hbm>> -> memref<1x256xf32, #tpu.memory_space<hbm>>
    %dma_wait3A_1210 = tpu.memref_squeeze %dma_wait3A_1209 : memref<1x256xf32, #tpu.memory_space<hbm>> -> memref<256xf32, #tpu.memory_space<hbm>>
    %dma_wait3A_1211 = tpu.memref_slice %arg4[%dma_wait3A_1205, %mul3A_2] : memref<16x16384xf32, #tpu.memory_space<hbm>> -> memref<1x256xf32, #tpu.memory_space<hbm>>
    %dma_wait3A_1212 = tpu.memref_squeeze %dma_wait3A_1211 : memref<1x256xf32, #tpu.memory_space<hbm>> -> memref<256xf32, #tpu.memory_space<hbm>>
    %dma_wait3A_1213 = arith.constant 0 : i32
    %dma_wait3A_1214 = tpu.memref_slice %arg7[%dma_wait3A_1204, %dma_wait3A_1213] : memref<16x512xf32, #tpu.memory_space<vmem>> -> memref<1x256xf32, #tpu.memory_space<vmem>>
    %dma_wait3A_1215 = tpu.memref_squeeze %dma_wait3A_1214 : memref<1x256xf32, #tpu.memory_space<vmem>> -> memref<256xf32, #tpu.memory_space<vmem>>
    tpu.wait_dma2 semaphore(%arg10 : memref<!tpu.dma_semaphore, #tpu.memory_space<semaphore_mem>>) src(%dma_wait3A_1215 : memref<256xf32, #tpu.memory_space<vmem>>) dst(%dma_wait3A_1212 : memref<256xf32, #tpu.memory_space<hbm>>)
    %dma_wait3A_1216 = arith.constant 0 : i32
    %dma_wait3A_1217 = arith.constant 0 : i32
    %dma_wait3A_1218 = arith.constant 0 : i32
    %dma_wait3A_1219 = tpu.memref_slice %arg7[%dma_wait3A_1216, %dma_wait3A_1218] : memref<16x512xf32, #tpu.memory_space<vmem>> -> memref<1x256xf32, #tpu.memory_space<vmem>>
    %dma_wait3A_1220 = tpu.memref_squeeze %dma_wait3A_1219 : memref<1x256xf32, #tpu.memory_space<vmem>> -> memref<256xf32, #tpu.memory_space<vmem>>
    %dma_wait3A_1221 = tpu.memref_slice %arg4[%dma_wait3A_1217, %mul3A_2] : memref<16x16384xf32, #tpu.memory_space<hbm>> -> memref<1x256xf32, #tpu.memory_space<hbm>>
    %dma_wait3A_1222 = tpu.memref_squeeze %dma_wait3A_1221 : memref<1x256xf32, #tpu.memory_space<hbm>> -> memref<256xf32, #tpu.memory_space<hbm>>
    %dma_wait3A_1223 = tpu.memref_slice %arg4[%dma_wait3A_1217, %mul3A_2] : memref<16x16384xf32, #tpu.memory_space<hbm>> -> memref<1x256xf32, #tpu.memory_space<hbm>>
    %dma_wait3A_1224 = tpu.memref_squeeze %dma_wait3A_1223 : memref<1x256xf32, #tpu.memory_space<hbm>> -> memref<256xf32, #tpu.memory_space<hbm>>
    %dma_wait3A_1225 = arith.constant 0 : i32
    %dma_wait3A_1226 = tpu.memref_slice %arg7[%dma_wait3A_1216, %dma_wait3A_1225] : memref<16x512xf32, #tpu.memory_space<vmem>> -> memref<1x256xf32, #tpu.memory_space<vmem>>
    %dma_wait3A_1227 = tpu.memref_squeeze %dma_wait3A_1226 : memref<1x256xf32, #tpu.memory_space<vmem>> -> memref<256xf32, #tpu.memory_space<vmem>>
    tpu.wait_dma2 semaphore(%arg10 : memref<!tpu.dma_semaphore, #tpu.memory_space<semaphore_mem>>) src(%dma_wait3A_1227 : memref<256xf32, #tpu.memory_space<vmem>>) dst(%dma_wait3A_1224 : memref<256xf32, #tpu.memory_space<hbm>>)
    %dma_wait3A_1228 = arith.constant 0 : i32
    %dma_wait3A_1229 = arith.constant 0 : i32
    %dma_wait3A_1230 = arith.constant 0 : i32
    %dma_wait3A_1231 = tpu.memref_slice %arg7[%dma_wait3A_1228, %dma_wait3A_1230] : memref<16x512xf32, #tpu.memory_space<vmem>> -> memref<1x256xf32, #tpu.memory_space<vmem>>
    %dma_wait3A_1232 = tpu.memref_squeeze %dma_wait3A_1231 : memref<1x256xf32, #tpu.memory_space<vmem>> -> memref<256xf32, #tpu.memory_space<vmem>>
    %dma_wait3A_1233 = tpu.memref_slice %arg4[%dma_wait3A_1229, %mul3A_2] : memref<16x16384xf32, #tpu.memory_space<hbm>> -> memref<1x256xf32, #tpu.memory_space<hbm>>
    %dma_wait3A_1234 = tpu.memref_squeeze %dma_wait3A_1233 : memref<1x256xf32, #tpu.memory_space<hbm>> -> memref<256xf32, #tpu.memory_space<hbm>>
    %dma_wait3A_1235 = tpu.memref_slice %arg4[%dma_wait3A_1229, %mul3A_2] : memref<16x16384xf32, #tpu.memory_space<hbm>> -> memref<1x256xf32, #tpu.memory_space<hbm>>
    %dma_wait3A_1236 = tpu.memref_squeeze %dma_wait3A_1235 : memref<1x256xf32, #tpu.memory_space<hbm>> -> memref<256xf32, #tpu.memory_space<hbm>>
    %dma_wait3A_1237 = arith.constant 0 : i32
    %dma_wait3A_1238 = tpu.memref_slice %arg7[%dma_wait3A_1228, %dma_wait3A_1237] : memref<16x512xf32, #tpu.memory_space<vmem>> -> memref<1x256xf32, #tpu.memory_space<vmem>>
    %dma_wait3A_1239 = tpu.memref_squeeze %dma_wait3A_1238 : memref<1x256xf32, #tpu.memory_space<vmem>> -> memref<256xf32, #tpu.memory_space<vmem>>
    tpu.wait_dma2 semaphore(%arg10 : memref<!tpu.dma_semaphore, #tpu.memory_space<semaphore_mem>>) src(%dma_wait3A_1239 : memref<256xf32, #tpu.memory_space<vmem>>) dst(%dma_wait3A_1236 : memref<256xf32, #tpu.memory_space<hbm>>)
    %dma_wait3A_1240 = arith.constant 0 : i32
    %dma_wait3A_1241 = arith.constant 0 : i32
    %dma_wait3A_1242 = arith.constant 0 : i32
    %dma_wait3A_1243 = tpu.memref_slice %arg7[%dma_wait3A_1240, %dma_wait3A_1242] : memref<16x512xf32, #tpu.memory_space<vmem>> -> memref<1x256xf32, #tpu.memory_space<vmem>>
    %dma_wait3A_1244 = tpu.memref_squeeze %dma_wait3A_1243 : memref<1x256xf32, #tpu.memory_space<vmem>> -> memref<256xf32, #tpu.memory_space<vmem>>
    %dma_wait3A_1245 = tpu.memref_slice %arg4[%dma_wait3A_1241, %mul3A_2] : memref<16x16384xf32, #tpu.memory_space<hbm>> -> memref<1x256xf32, #tpu.memory_space<hbm>>
    %dma_wait3A_1246 = tpu.memref_squeeze %dma_wait3A_1245 : memref<1x256xf32, #tpu.memory_space<hbm>> -> memref<256xf32, #tpu.memory_space<hbm>>
    %dma_wait3A_1247 = tpu.memref_slice %arg4[%dma_wait3A_1241, %mul3A_2] : memref<16x16384xf32, #tpu.memory_space<hbm>> -> memref<1x256xf32, #tpu.memory_space<hbm>>
    %dma_wait3A_1248 = tpu.memref_squeeze %dma_wait3A_1247 : memref<1x256xf32, #tpu.memory_space<hbm>> -> memref<256xf32, #tpu.memory_space<hbm>>
    %dma_wait3A_1249 = arith.constant 0 : i32
    %dma_wait3A_1250 = tpu.memref_slice %arg7[%dma_wait3A_1240, %dma_wait3A_1249] : memref<16x512xf32, #tpu.memory_space<vmem>> -> memref<1x256xf32, #tpu.memory_space<vmem>>
    %dma_wait3A_1251 = tpu.memref_squeeze %dma_wait3A_1250 : memref<1x256xf32, #tpu.memory_space<vmem>> -> memref<256xf32, #tpu.memory_space<vmem>>
    tpu.wait_dma2 semaphore(%arg10 : memref<!tpu.dma_semaphore, #tpu.memory_space<semaphore_mem>>) src(%dma_wait3A_1251 : memref<256xf32, #tpu.memory_space<vmem>>) dst(%dma_wait3A_1248 : memref<256xf32, #tpu.memory_space<hbm>>)
    %dma_wait3A_1252 = arith.constant 0 : i32
    %dma_wait3A_1253 = arith.constant 0 : i32
    %dma_wait3A_1254 = arith.constant 0 : i32
    %dma_wait3A_1255 = tpu.memref_slice %arg7[%dma_wait3A_1252, %dma_wait3A_1254] : memref<16x512xf32, #tpu.memory_space<vmem>> -> memref<1x256xf32, #tpu.memory_space<vmem>>
    %dma_wait3A_1256 = tpu.memref_squeeze %dma_wait3A_1255 : memref<1x256xf32, #tpu.memory_space<vmem>> -> memref<256xf32, #tpu.memory_space<vmem>>
    %dma_wait3A_1257 = tpu.memref_slice %arg4[%dma_wait3A_1253, %mul3A_2] : memref<16x16384xf32, #tpu.memory_space<hbm>> -> memref<1x256xf32, #tpu.memory_space<hbm>>
    %dma_wait3A_1258 = tpu.memref_squeeze %dma_wait3A_1257 : memref<1x256xf32, #tpu.memory_space<hbm>> -> memref<256xf32, #tpu.memory_space<hbm>>
    %dma_wait3A_1259 = tpu.memref_slice %arg4[%dma_wait3A_1253, %mul3A_2] : memref<16x16384xf32, #tpu.memory_space<hbm>> -> memref<1x256xf32, #tpu.memory_space<hbm>>
    %dma_wait3A_1260 = tpu.memref_squeeze %dma_wait3A_1259 : memref<1x256xf32, #tpu.memory_space<hbm>> -> memref<256xf32, #tpu.memory_space<hbm>>
    %dma_wait3A_1261 = arith.constant 0 : i32
    %dma_wait3A_1262 = tpu.memref_slice %arg7[%dma_wait3A_1252, %dma_wait3A_1261] : memref<16x512xf32, #tpu.memory_space<vmem>> -> memref<1x256xf32, #tpu.memory_space<vmem>>
    %dma_wait3A_1263 = tpu.memref_squeeze %dma_wait3A_1262 : memref<1x256xf32, #tpu.memory_space<vmem>> -> memref<256xf32, #tpu.memory_space<vmem>>
    tpu.wait_dma2 semaphore(%arg10 : memref<!tpu.dma_semaphore, #tpu.memory_space<semaphore_mem>>) src(%dma_wait3A_1263 : memref<256xf32, #tpu.memory_space<vmem>>) dst(%dma_wait3A_1260 : memref<256xf32, #tpu.memory_space<hbm>>)
    %dma_wait3A_1264 = arith.constant 0 : i32
    %dma_wait3A_1265 = arith.constant 0 : i32
    %dma_wait3A_1266 = arith.constant 0 : i32
    %dma_wait3A_1267 = tpu.memref_slice %arg7[%dma_wait3A_1264, %dma_wait3A_1266] : memref<16x512xf32, #tpu.memory_space<vmem>> -> memref<1x256xf32, #tpu.memory_space<vmem>>
    %dma_wait3A_1268 = tpu.memref_squeeze %dma_wait3A_1267 : memref<1x256xf32, #tpu.memory_space<vmem>> -> memref<256xf32, #tpu.memory_space<vmem>>
    %dma_wait3A_1269 = tpu.memref_slice %arg4[%dma_wait3A_1265, %mul3A_2] : memref<16x16384xf32, #tpu.memory_space<hbm>> -> memref<1x256xf32, #tpu.memory_space<hbm>>
    %dma_wait3A_1270 = tpu.memref_squeeze %dma_wait3A_1269 : memref<1x256xf32, #tpu.memory_space<hbm>> -> memref<256xf32, #tpu.memory_space<hbm>>
    %dma_wait3A_1271 = tpu.memref_slice %arg4[%dma_wait3A_1265, %mul3A_2] : memref<16x16384xf32, #tpu.memory_space<hbm>> -> memref<1x256xf32, #tpu.memory_space<hbm>>
    %dma_wait3A_1272 = tpu.memref_squeeze %dma_wait3A_1271 : memref<1x256xf32, #tpu.memory_space<hbm>> -> memref<256xf32, #tpu.memory_space<hbm>>
    %dma_wait3A_1273 = arith.constant 0 : i32
    %dma_wait3A_1274 = tpu.memref_slice %arg7[%dma_wait3A_1264, %dma_wait3A_1273] : memref<16x512xf32, #tpu.memory_space<vmem>> -> memref<1x256xf32, #tpu.memory_space<vmem>>
    %dma_wait3A_1275 = tpu.memref_squeeze %dma_wait3A_1274 : memref<1x256xf32, #tpu.memory_space<vmem>> -> memref<256xf32, #tpu.memory_space<vmem>>
    tpu.wait_dma2 semaphore(%arg10 : memref<!tpu.dma_semaphore, #tpu.memory_space<semaphore_mem>>) src(%dma_wait3A_1275 : memref<256xf32, #tpu.memory_space<vmem>>) dst(%dma_wait3A_1272 : memref<256xf32, #tpu.memory_space<hbm>>)
    %dma_wait3A_1276 = arith.constant 0 : i32
    %dma_wait3A_1277 = arith.constant 0 : i32
    %dma_wait3A_1278 = arith.constant 0 : i32
    %dma_wait3A_1279 = tpu.memref_slice %arg7[%dma_wait3A_1276, %dma_wait3A_1278] : memref<16x512xf32, #tpu.memory_space<vmem>> -> memref<1x256xf32, #tpu.memory_space<vmem>>
    %dma_wait3A_1280 = tpu.memref_squeeze %dma_wait3A_1279 : memref<1x256xf32, #tpu.memory_space<vmem>> -> memref<256xf32, #tpu.memory_space<vmem>>
    %dma_wait3A_1281 = tpu.memref_slice %arg4[%dma_wait3A_1277, %mul3A_2] : memref<16x16384xf32, #tpu.memory_space<hbm>> -> memref<1x256xf32, #tpu.memory_space<hbm>>
    %dma_wait3A_1282 = tpu.memref_squeeze %dma_wait3A_1281 : memref<1x256xf32, #tpu.memory_space<hbm>> -> memref<256xf32, #tpu.memory_space<hbm>>
    %dma_wait3A_1283 = tpu.memref_slice %arg4[%dma_wait3A_1277, %mul3A_2] : memref<16x16384xf32, #tpu.memory_space<hbm>> -> memref<1x256xf32, #tpu.memory_space<hbm>>
    %dma_wait3A_1284 = tpu.memref_squeeze %dma_wait3A_1283 : memref<1x256xf32, #tpu.memory_space<hbm>> -> memref<256xf32, #tpu.memory_space<hbm>>
    %dma_wait3A_1285 = arith.constant 0 : i32
    %dma_wait3A_1286 = tpu.memref_slice %arg7[%dma_wait3A_1276, %dma_wait3A_1285] : memref<16x512xf32, #tpu.memory_space<vmem>> -> memref<1x256xf32, #tpu.memory_space<vmem>>
    %dma_wait3A_1287 = tpu.memref_squeeze %dma_wait3A_1286 : memref<1x256xf32, #tpu.memory_space<vmem>> -> memref<256xf32, #tpu.memory_space<vmem>>
    tpu.wait_dma2 semaphore(%arg10 : memref<!tpu.dma_semaphore, #tpu.memory_space<semaphore_mem>>) src(%dma_wait3A_1287 : memref<256xf32, #tpu.memory_space<vmem>>) dst(%dma_wait3A_1284 : memref<256xf32, #tpu.memory_space<hbm>>)
    %dma_wait3A_1288 = arith.constant 0 : i32
    %dma_wait3A_1289 = arith.constant 0 : i32
    %dma_wait3A_1290 = arith.constant 0 : i32
    %dma_wait3A_1291 = tpu.memref_slice %arg7[%dma_wait3A_1288, %dma_wait3A_1290] : memref<16x512xf32, #tpu.memory_space<vmem>> -> memref<1x256xf32, #tpu.memory_space<vmem>>
    %dma_wait3A_1292 = tpu.memref_squeeze %dma_wait3A_1291 : memref<1x256xf32, #tpu.memory_space<vmem>> -> memref<256xf32, #tpu.memory_space<vmem>>
    %dma_wait3A_1293 = tpu.memref_slice %arg4[%dma_wait3A_1289, %mul3A_2] : memref<16x16384xf32, #tpu.memory_space<hbm>> -> memref<1x256xf32, #tpu.memory_space<hbm>>
    %dma_wait3A_1294 = tpu.memref_squeeze %dma_wait3A_1293 : memref<1x256xf32, #tpu.memory_space<hbm>> -> memref<256xf32, #tpu.memory_space<hbm>>
    %dma_wait3A_1295 = tpu.memref_slice %arg4[%dma_wait3A_1289, %mul3A_2] : memref<16x16384xf32, #tpu.memory_space<hbm>> -> memref<1x256xf32, #tpu.memory_space<hbm>>
    %dma_wait3A_1296 = tpu.memref_squeeze %dma_wait3A_1295 : memref<1x256xf32, #tpu.memory_space<hbm>> -> memref<256xf32, #tpu.memory_space<hbm>>
    %dma_wait3A_1297 = arith.constant 0 : i32
    %dma_wait3A_1298 = tpu.memref_slice %arg7[%dma_wait3A_1288, %dma_wait3A_1297] : memref<16x512xf32, #tpu.memory_space<vmem>> -> memref<1x256xf32, #tpu.memory_space<vmem>>
    %dma_wait3A_1299 = tpu.memref_squeeze %dma_wait3A_1298 : memref<1x256xf32, #tpu.memory_space<vmem>> -> memref<256xf32, #tpu.memory_space<vmem>>
    tpu.wait_dma2 semaphore(%arg10 : memref<!tpu.dma_semaphore, #tpu.memory_space<semaphore_mem>>) src(%dma_wait3A_1299 : memref<256xf32, #tpu.memory_space<vmem>>) dst(%dma_wait3A_1296 : memref<256xf32, #tpu.memory_space<hbm>>)
    %dma_wait3A_1300 = arith.constant 0 : i32
    %dma_wait3A_1301 = arith.constant 0 : i32
    %dma_wait3A_1302 = arith.constant 0 : i32
    %dma_wait3A_1303 = tpu.memref_slice %arg7[%dma_wait3A_1300, %dma_wait3A_1302] : memref<16x512xf32, #tpu.memory_space<vmem>> -> memref<1x256xf32, #tpu.memory_space<vmem>>
    %dma_wait3A_1304 = tpu.memref_squeeze %dma_wait3A_1303 : memref<1x256xf32, #tpu.memory_space<vmem>> -> memref<256xf32, #tpu.memory_space<vmem>>
    %dma_wait3A_1305 = tpu.memref_slice %arg4[%dma_wait3A_1301, %mul3A_2] : memref<16x16384xf32, #tpu.memory_space<hbm>> -> memref<1x256xf32, #tpu.memory_space<hbm>>
    %dma_wait3A_1306 = tpu.memref_squeeze %dma_wait3A_1305 : memref<1x256xf32, #tpu.memory_space<hbm>> -> memref<256xf32, #tpu.memory_space<hbm>>
    %dma_wait3A_1307 = tpu.memref_slice %arg4[%dma_wait3A_1301, %mul3A_2] : memref<16x16384xf32, #tpu.memory_space<hbm>> -> memref<1x256xf32, #tpu.memory_space<hbm>>
    %dma_wait3A_1308 = tpu.memref_squeeze %dma_wait3A_1307 : memref<1x256xf32, #tpu.memory_space<hbm>> -> memref<256xf32, #tpu.memory_space<hbm>>
    %dma_wait3A_1309 = arith.constant 0 : i32
    %dma_wait3A_1310 = tpu.memref_slice %arg7[%dma_wait3A_1300, %dma_wait3A_1309] : memref<16x512xf32, #tpu.memory_space<vmem>> -> memref<1x256xf32, #tpu.memory_space<vmem>>
    %dma_wait3A_1311 = tpu.memref_squeeze %dma_wait3A_1310 : memref<1x256xf32, #tpu.memory_space<vmem>> -> memref<256xf32, #tpu.memory_space<vmem>>
    tpu.wait_dma2 semaphore(%arg10 : memref<!tpu.dma_semaphore, #tpu.memory_space<semaphore_mem>>) src(%dma_wait3A_1311 : memref<256xf32, #tpu.memory_space<vmem>>) dst(%dma_wait3A_1308 : memref<256xf32, #tpu.memory_space<hbm>>)
    %dma_wait3A_1312 = arith.constant 0 : i32
    %dma_wait3A_1313 = arith.constant 0 : i32
    %dma_wait3A_1314 = arith.constant 0 : i32
    %dma_wait3A_1315 = tpu.memref_slice %arg7[%dma_wait3A_1312, %dma_wait3A_1314] : memref<16x512xf32, #tpu.memory_space<vmem>> -> memref<1x256xf32, #tpu.memory_space<vmem>>
    %dma_wait3A_1316 = tpu.memref_squeeze %dma_wait3A_1315 : memref<1x256xf32, #tpu.memory_space<vmem>> -> memref<256xf32, #tpu.memory_space<vmem>>
    %dma_wait3A_1317 = tpu.memref_slice %arg4[%dma_wait3A_1313, %mul3A_2] : memref<16x16384xf32, #tpu.memory_space<hbm>> -> memref<1x256xf32, #tpu.memory_space<hbm>>
    %dma_wait3A_1318 = tpu.memref_squeeze %dma_wait3A_1317 : memref<1x256xf32, #tpu.memory_space<hbm>> -> memref<256xf32, #tpu.memory_space<hbm>>
    %dma_wait3A_1319 = tpu.memref_slice %arg4[%dma_wait3A_1313, %mul3A_2] : memref<16x16384xf32, #tpu.memory_space<hbm>> -> memref<1x256xf32, #tpu.memory_space<hbm>>
    %dma_wait3A_1320 = tpu.memref_squeeze %dma_wait3A_1319 : memref<1x256xf32, #tpu.memory_space<hbm>> -> memref<256xf32, #tpu.memory_space<hbm>>
    %dma_wait3A_1321 = arith.constant 0 : i32
    %dma_wait3A_1322 = tpu.memref_slice %arg7[%dma_wait3A_1312, %dma_wait3A_1321] : memref<16x512xf32, #tpu.memory_space<vmem>> -> memref<1x256xf32, #tpu.memory_space<vmem>>
    %dma_wait3A_1323 = tpu.memref_squeeze %dma_wait3A_1322 : memref<1x256xf32, #tpu.memory_space<vmem>> -> memref<256xf32, #tpu.memory_space<vmem>>
    tpu.wait_dma2 semaphore(%arg10 : memref<!tpu.dma_semaphore, #tpu.memory_space<semaphore_mem>>) src(%dma_wait3A_1323 : memref<256xf32, #tpu.memory_space<vmem>>) dst(%dma_wait3A_1320 : memref<256xf32, #tpu.memory_space<hbm>>)
    %dma_wait3A_1324 = arith.constant 0 : i32
    %dma_wait3A_1325 = arith.constant 0 : i32
    %dma_wait3A_1326 = arith.constant 0 : i32
    %dma_wait3A_1327 = tpu.memref_slice %arg7[%dma_wait3A_1324, %dma_wait3A_1326] : memref<16x512xf32, #tpu.memory_space<vmem>> -> memref<1x256xf32, #tpu.memory_space<vmem>>
    %dma_wait3A_1328 = tpu.memref_squeeze %dma_wait3A_1327 : memref<1x256xf32, #tpu.memory_space<vmem>> -> memref<256xf32, #tpu.memory_space<vmem>>
    %dma_wait3A_1329 = tpu.memref_slice %arg4[%dma_wait3A_1325, %mul3A_2] : memref<16x16384xf32, #tpu.memory_space<hbm>> -> memref<1x256xf32, #tpu.memory_space<hbm>>
    %dma_wait3A_1330 = tpu.memref_squeeze %dma_wait3A_1329 : memref<1x256xf32, #tpu.memory_space<hbm>> -> memref<256xf32, #tpu.memory_space<hbm>>
    %dma_wait3A_1331 = tpu.memref_slice %arg4[%dma_wait3A_1325, %mul3A_2] : memref<16x16384xf32, #tpu.memory_space<hbm>> -> memref<1x256xf32, #tpu.memory_space<hbm>>
    %dma_wait3A_1332 = tpu.memref_squeeze %dma_wait3A_1331 : memref<1x256xf32, #tpu.memory_space<hbm>> -> memref<256xf32, #tpu.memory_space<hbm>>
    %dma_wait3A_1333 = arith.constant 0 : i32
    %dma_wait3A_1334 = tpu.memref_slice %arg7[%dma_wait3A_1324, %dma_wait3A_1333] : memref<16x512xf32, #tpu.memory_space<vmem>> -> memref<1x256xf32, #tpu.memory_space<vmem>>
    %dma_wait3A_1335 = tpu.memref_squeeze %dma_wait3A_1334 : memref<1x256xf32, #tpu.memory_space<vmem>> -> memref<256xf32, #tpu.memory_space<vmem>>
    tpu.wait_dma2 semaphore(%arg10 : memref<!tpu.dma_semaphore, #tpu.memory_space<semaphore_mem>>) src(%dma_wait3A_1335 : memref<256xf32, #tpu.memory_space<vmem>>) dst(%dma_wait3A_1332 : memref<256xf32, #tpu.memory_space<hbm>>)
    %dma_wait3A_1336 = arith.constant 0 : i32
    %dma_wait3A_1337 = arith.constant 0 : i32
    %dma_wait3A_1338 = arith.constant 0 : i32
    %dma_wait3A_1339 = tpu.memref_slice %arg7[%dma_wait3A_1336, %dma_wait3A_1338] : memref<16x512xf32, #tpu.memory_space<vmem>> -> memref<1x256xf32, #tpu.memory_space<vmem>>
    %dma_wait3A_1340 = tpu.memref_squeeze %dma_wait3A_1339 : memref<1x256xf32, #tpu.memory_space<vmem>> -> memref<256xf32, #tpu.memory_space<vmem>>
    %dma_wait3A_1341 = tpu.memref_slice %arg4[%dma_wait3A_1337, %mul3A_2] : memref<16x16384xf32, #tpu.memory_space<hbm>> -> memref<1x256xf32, #tpu.memory_space<hbm>>
    %dma_wait3A_1342 = tpu.memref_squeeze %dma_wait3A_1341 : memref<1x256xf32, #tpu.memory_space<hbm>> -> memref<256xf32, #tpu.memory_space<hbm>>
    %dma_wait3A_1343 = tpu.memref_slice %arg4[%dma_wait3A_1337, %mul3A_2] : memref<16x16384xf32, #tpu.memory_space<hbm>> -> memref<1x256xf32, #tpu.memory_space<hbm>>
    %dma_wait3A_1344 = tpu.memref_squeeze %dma_wait3A_1343 : memref<1x256xf32, #tpu.memory_space<hbm>> -> memref<256xf32, #tpu.memory_space<hbm>>
    %dma_wait3A_1345 = arith.constant 0 : i32
    %dma_wait3A_1346 = tpu.memref_slice %arg7[%dma_wait3A_1336, %dma_wait3A_1345] : memref<16x512xf32, #tpu.memory_space<vmem>> -> memref<1x256xf32, #tpu.memory_space<vmem>>
    %dma_wait3A_1347 = tpu.memref_squeeze %dma_wait3A_1346 : memref<1x256xf32, #tpu.memory_space<vmem>> -> memref<256xf32, #tpu.memory_space<vmem>>
    tpu.wait_dma2 semaphore(%arg10 : memref<!tpu.dma_semaphore, #tpu.memory_space<semaphore_mem>>) src(%dma_wait3A_1347 : memref<256xf32, #tpu.memory_space<vmem>>) dst(%dma_wait3A_1344 : memref<256xf32, #tpu.memory_space<hbm>>)
    %dma_wait3A_1348 = arith.constant 0 : i32
    %dma_wait3A_1349 = arith.constant 0 : i32
    %dma_wait3A_1350 = arith.constant 0 : i32
    %dma_wait3A_1351 = tpu.memref_slice %arg7[%dma_wait3A_1348, %dma_wait3A_1350] : memref<16x512xf32, #tpu.memory_space<vmem>> -> memref<1x256xf32, #tpu.memory_space<vmem>>
    %dma_wait3A_1352 = tpu.memref_squeeze %dma_wait3A_1351 : memref<1x256xf32, #tpu.memory_space<vmem>> -> memref<256xf32, #tpu.memory_space<vmem>>
    %dma_wait3A_1353 = tpu.memref_slice %arg4[%dma_wait3A_1349, %mul3A_2] : memref<16x16384xf32, #tpu.memory_space<hbm>> -> memref<1x256xf32, #tpu.memory_space<hbm>>
    %dma_wait3A_1354 = tpu.memref_squeeze %dma_wait3A_1353 : memref<1x256xf32, #tpu.memory_space<hbm>> -> memref<256xf32, #tpu.memory_space<hbm>>
    %dma_wait3A_1355 = tpu.memref_slice %arg4[%dma_wait3A_1349, %mul3A_2] : memref<16x16384xf32, #tpu.memory_space<hbm>> -> memref<1x256xf32, #tpu.memory_space<hbm>>
    %dma_wait3A_1356 = tpu.memref_squeeze %dma_wait3A_1355 : memref<1x256xf32, #tpu.memory_space<hbm>> -> memref<256xf32, #tpu.memory_space<hbm>>
    %dma_wait3A_1357 = arith.constant 0 : i32
    %dma_wait3A_1358 = tpu.memref_slice %arg7[%dma_wait3A_1348, %dma_wait3A_1357] : memref<16x512xf32, #tpu.memory_space<vmem>> -> memref<1x256xf32, #tpu.memory_space<vmem>>
    %dma_wait3A_1359 = tpu.memref_squeeze %dma_wait3A_1358 : memref<1x256xf32, #tpu.memory_space<vmem>> -> memref<256xf32, #tpu.memory_space<vmem>>
    tpu.wait_dma2 semaphore(%arg10 : memref<!tpu.dma_semaphore, #tpu.memory_space<semaphore_mem>>) src(%dma_wait3A_1359 : memref<256xf32, #tpu.memory_space<vmem>>) dst(%dma_wait3A_1356 : memref<256xf32, #tpu.memory_space<hbm>>)
    %dma_wait3A_1360 = arith.constant 0 : i32
    %dma_wait3A_1361 = arith.constant 0 : i32
    %dma_wait3A_1362 = arith.constant 0 : i32
    %dma_wait3A_1363 = tpu.memref_slice %arg7[%dma_wait3A_1360, %dma_wait3A_1362] : memref<16x512xf32, #tpu.memory_space<vmem>> -> memref<1x256xf32, #tpu.memory_space<vmem>>
    %dma_wait3A_1364 = tpu.memref_squeeze %dma_wait3A_1363 : memref<1x256xf32, #tpu.memory_space<vmem>> -> memref<256xf32, #tpu.memory_space<vmem>>
    %dma_wait3A_1365 = tpu.memref_slice %arg4[%dma_wait3A_1361, %mul3A_2] : memref<16x16384xf32, #tpu.memory_space<hbm>> -> memref<1x256xf32, #tpu.memory_space<hbm>>
    %dma_wait3A_1366 = tpu.memref_squeeze %dma_wait3A_1365 : memref<1x256xf32, #tpu.memory_space<hbm>> -> memref<256xf32, #tpu.memory_space<hbm>>
    %dma_wait3A_1367 = tpu.memref_slice %arg4[%dma_wait3A_1361, %mul3A_2] : memref<16x16384xf32, #tpu.memory_space<hbm>> -> memref<1x256xf32, #tpu.memory_space<hbm>>
    %dma_wait3A_1368 = tpu.memref_squeeze %dma_wait3A_1367 : memref<1x256xf32, #tpu.memory_space<hbm>> -> memref<256xf32, #tpu.memory_space<hbm>>
    %dma_wait3A_1369 = arith.constant 0 : i32
    %dma_wait3A_1370 = tpu.memref_slice %arg7[%dma_wait3A_1360, %dma_wait3A_1369] : memref<16x512xf32, #tpu.memory_space<vmem>> -> memref<1x256xf32, #tpu.memory_space<vmem>>
    %dma_wait3A_1371 = tpu.memref_squeeze %dma_wait3A_1370 : memref<1x256xf32, #tpu.memory_space<vmem>> -> memref<256xf32, #tpu.memory_space<vmem>>
    tpu.wait_dma2 semaphore(%arg10 : memref<!tpu.dma_semaphore, #tpu.memory_space<semaphore_mem>>) src(%dma_wait3A_1371 : memref<256xf32, #tpu.memory_space<vmem>>) dst(%dma_wait3A_1368 : memref<256xf32, #tpu.memory_space<hbm>>)
    %dma_wait3A_1372 = arith.constant 0 : i32
    %dma_wait3A_1373 = arith.constant 0 : i32
    %dma_wait3A_1374 = arith.constant 0 : i32
    %dma_wait3A_1375 = tpu.memref_slice %arg7[%dma_wait3A_1372, %dma_wait3A_1374] : memref<16x512xf32, #tpu.memory_space<vmem>> -> memref<1x256xf32, #tpu.memory_space<vmem>>
    %dma_wait3A_1376 = tpu.memref_squeeze %dma_wait3A_1375 : memref<1x256xf32, #tpu.memory_space<vmem>> -> memref<256xf32, #tpu.memory_space<vmem>>
    %dma_wait3A_1377 = tpu.memref_slice %arg4[%dma_wait3A_1373, %mul3A_2] : memref<16x16384xf32, #tpu.memory_space<hbm>> -> memref<1x256xf32, #tpu.memory_space<hbm>>
    %dma_wait3A_1378 = tpu.memref_squeeze %dma_wait3A_1377 : memref<1x256xf32, #tpu.memory_space<hbm>> -> memref<256xf32, #tpu.memory_space<hbm>>
    %dma_wait3A_1379 = tpu.memref_slice %arg4[%dma_wait3A_1373, %mul3A_2] : memref<16x16384xf32, #tpu.memory_space<hbm>> -> memref<1x256xf32, #tpu.memory_space<hbm>>
    %dma_wait3A_1380 = tpu.memref_squeeze %dma_wait3A_1379 : memref<1x256xf32, #tpu.memory_space<hbm>> -> memref<256xf32, #tpu.memory_space<hbm>>
    %dma_wait3A_1381 = arith.constant 0 : i32
    %dma_wait3A_1382 = tpu.memref_slice %arg7[%dma_wait3A_1372, %dma_wait3A_1381] : memref<16x512xf32, #tpu.memory_space<vmem>> -> memref<1x256xf32, #tpu.memory_space<vmem>>
    %dma_wait3A_1383 = tpu.memref_squeeze %dma_wait3A_1382 : memref<1x256xf32, #tpu.memory_space<vmem>> -> memref<256xf32, #tpu.memory_space<vmem>>
    tpu.wait_dma2 semaphore(%arg10 : memref<!tpu.dma_semaphore, #tpu.memory_space<semaphore_mem>>) src(%dma_wait3A_1383 : memref<256xf32, #tpu.memory_space<vmem>>) dst(%dma_wait3A_1380 : memref<256xf32, #tpu.memory_space<hbm>>)
    %dma_wait3A_1384 = arith.constant 0 : i32
    %dma_wait3A_1385 = arith.constant 0 : i32
    %dma_wait3A_1386 = arith.constant 0 : i32
    %dma_wait3A_1387 = tpu.memref_slice %arg7[%dma_wait3A_1384, %dma_wait3A_1386] : memref<16x512xf32, #tpu.memory_space<vmem>> -> memref<1x256xf32, #tpu.memory_space<vmem>>
    %dma_wait3A_1388 = tpu.memref_squeeze %dma_wait3A_1387 : memref<1x256xf32, #tpu.memory_space<vmem>> -> memref<256xf32, #tpu.memory_space<vmem>>
    %dma_wait3A_1389 = tpu.memref_slice %arg4[%dma_wait3A_1385, %mul3A_2] : memref<16x16384xf32, #tpu.memory_space<hbm>> -> memref<1x256xf32, #tpu.memory_space<hbm>>
    %dma_wait3A_1390 = tpu.memref_squeeze %dma_wait3A_1389 : memref<1x256xf32, #tpu.memory_space<hbm>> -> memref<256xf32, #tpu.memory_space<hbm>>
    %dma_wait3A_1391 = tpu.memref_slice %arg4[%dma_wait3A_1385, %mul3A_2] : memref<16x16384xf32, #tpu.memory_space<hbm>> -> memref<1x256xf32, #tpu.memory_space<hbm>>
    %dma_wait3A_1392 = tpu.memref_squeeze %dma_wait3A_1391 : memref<1x256xf32, #tpu.memory_space<hbm>> -> memref<256xf32, #tpu.memory_space<hbm>>
    %dma_wait3A_1393 = arith.constant 0 : i32
    %dma_wait3A_1394 = tpu.memref_slice %arg7[%dma_wait3A_1384, %dma_wait3A_1393] : memref<16x512xf32, #tpu.memory_space<vmem>> -> memref<1x256xf32, #tpu.memory_space<vmem>>
    %dma_wait3A_1395 = tpu.memref_squeeze %dma_wait3A_1394 : memref<1x256xf32, #tpu.memory_space<vmem>> -> memref<256xf32, #tpu.memory_space<vmem>>
    tpu.wait_dma2 semaphore(%arg10 : memref<!tpu.dma_semaphore, #tpu.memory_space<semaphore_mem>>) src(%dma_wait3A_1395 : memref<256xf32, #tpu.memory_space<vmem>>) dst(%dma_wait3A_1392 : memref<256xf32, #tpu.memory_space<hbm>>)
    %dma_wait3A_1396 = arith.constant 0 : i32
    %dma_wait3A_1397 = arith.constant 0 : i32
    %dma_wait3A_1398 = arith.constant 0 : i32
    %dma_wait3A_1399 = tpu.memref_slice %arg7[%dma_wait3A_1396, %dma_wait3A_1398] : memref<16x512xf32, #tpu.memory_space<vmem>> -> memref<1x256xf32, #tpu.memory_space<vmem>>
    %dma_wait3A_1400 = tpu.memref_squeeze %dma_wait3A_1399 : memref<1x256xf32, #tpu.memory_space<vmem>> -> memref<256xf32, #tpu.memory_space<vmem>>
    %dma_wait3A_1401 = tpu.memref_slice %arg4[%dma_wait3A_1397, %mul3A_2] : memref<16x16384xf32, #tpu.memory_space<hbm>> -> memref<1x256xf32, #tpu.memory_space<hbm>>
    %dma_wait3A_1402 = tpu.memref_squeeze %dma_wait3A_1401 : memref<1x256xf32, #tpu.memory_space<hbm>> -> memref<256xf32, #tpu.memory_space<hbm>>
    %dma_wait3A_1403 = tpu.memref_slice %arg4[%dma_wait3A_1397, %mul3A_2] : memref<16x16384xf32, #tpu.memory_space<hbm>> -> memref<1x256xf32, #tpu.memory_space<hbm>>
    %dma_wait3A_1404 = tpu.memref_squeeze %dma_wait3A_1403 : memref<1x256xf32, #tpu.memory_space<hbm>> -> memref<256xf32, #tpu.memory_space<hbm>>
    %dma_wait3A_1405 = arith.constant 0 : i32
    %dma_wait3A_1406 = tpu.memref_slice %arg7[%dma_wait3A_1396, %dma_wait3A_1405] : memref<16x512xf32, #tpu.memory_space<vmem>> -> memref<1x256xf32, #tpu.memory_space<vmem>>
    %dma_wait3A_1407 = tpu.memref_squeeze %dma_wait3A_1406 : memref<1x256xf32, #tpu.memory_space<vmem>> -> memref<256xf32, #tpu.memory_space<vmem>>
    tpu.wait_dma2 semaphore(%arg10 : memref<!tpu.dma_semaphore, #tpu.memory_space<semaphore_mem>>) src(%dma_wait3A_1407 : memref<256xf32, #tpu.memory_space<vmem>>) dst(%dma_wait3A_1404 : memref<256xf32, #tpu.memory_space<hbm>>)
    %dma_wait3A_1408 = arith.constant 0 : i32
    %dma_wait3A_1409 = arith.constant 0 : i32
    %dma_wait3A_1410 = arith.constant 0 : i32
    %dma_wait3A_1411 = tpu.memref_slice %arg7[%dma_wait3A_1408, %dma_wait3A_1410] : memref<16x512xf32, #tpu.memory_space<vmem>> -> memref<1x256xf32, #tpu.memory_space<vmem>>
    %dma_wait3A_1412 = tpu.memref_squeeze %dma_wait3A_1411 : memref<1x256xf32, #tpu.memory_space<vmem>> -> memref<256xf32, #tpu.memory_space<vmem>>
    %dma_wait3A_1413 = tpu.memref_slice %arg4[%dma_wait3A_1409, %mul3A_2] : memref<16x16384xf32, #tpu.memory_space<hbm>> -> memref<1x256xf32, #tpu.memory_space<hbm>>
    %dma_wait3A_1414 = tpu.memref_squeeze %dma_wait3A_1413 : memref<1x256xf32, #tpu.memory_space<hbm>> -> memref<256xf32, #tpu.memory_space<hbm>>
    %dma_wait3A_1415 = tpu.memref_slice %arg4[%dma_wait3A_1409, %mul3A_2] : memref<16x16384xf32, #tpu.memory_space<hbm>> -> memref<1x256xf32, #tpu.memory_space<hbm>>
    %dma_wait3A_1416 = tpu.memref_squeeze %dma_wait3A_1415 : memref<1x256xf32, #tpu.memory_space<hbm>> -> memref<256xf32, #tpu.memory_space<hbm>>
    %dma_wait3A_1417 = arith.constant 0 : i32
    %dma_wait3A_1418 = tpu.memref_slice %arg7[%dma_wait3A_1408, %dma_wait3A_1417] : memref<16x512xf32, #tpu.memory_space<vmem>> -> memref<1x256xf32, #tpu.memory_space<vmem>>
    %dma_wait3A_1419 = tpu.memref_squeeze %dma_wait3A_1418 : memref<1x256xf32, #tpu.memory_space<vmem>> -> memref<256xf32, #tpu.memory_space<vmem>>
    tpu.wait_dma2 semaphore(%arg10 : memref<!tpu.dma_semaphore, #tpu.memory_space<semaphore_mem>>) src(%dma_wait3A_1419 : memref<256xf32, #tpu.memory_space<vmem>>) dst(%dma_wait3A_1416 : memref<256xf32, #tpu.memory_space<hbm>>)
    %dma_wait3A_1420 = arith.constant 0 : i32
    %dma_wait3A_1421 = arith.constant 0 : i32
    %dma_wait3A_1422 = arith.constant 0 : i32
    %dma_wait3A_1423 = tpu.memref_slice %arg7[%dma_wait3A_1420, %dma_wait3A_1422] : memref<16x512xf32, #tpu.memory_space<vmem>> -> memref<1x256xf32, #tpu.memory_space<vmem>>
    %dma_wait3A_1424 = tpu.memref_squeeze %dma_wait3A_1423 : memref<1x256xf32, #tpu.memory_space<vmem>> -> memref<256xf32, #tpu.memory_space<vmem>>
    %dma_wait3A_1425 = tpu.memref_slice %arg4[%dma_wait3A_1421, %mul3A_2] : memref<16x16384xf32, #tpu.memory_space<hbm>> -> memref<1x256xf32, #tpu.memory_space<hbm>>
    %dma_wait3A_1426 = tpu.memref_squeeze %dma_wait3A_1425 : memref<1x256xf32, #tpu.memory_space<hbm>> -> memref<256xf32, #tpu.memory_space<hbm>>
    %dma_wait3A_1427 = tpu.memref_slice %arg4[%dma_wait3A_1421, %mul3A_2] : memref<16x16384xf32, #tpu.memory_space<hbm>> -> memref<1x256xf32, #tpu.memory_space<hbm>>
    %dma_wait3A_1428 = tpu.memref_squeeze %dma_wait3A_1427 : memref<1x256xf32, #tpu.memory_space<hbm>> -> memref<256xf32, #tpu.memory_space<hbm>>
    %dma_wait3A_1429 = arith.constant 0 : i32
    %dma_wait3A_1430 = tpu.memref_slice %arg7[%dma_wait3A_1420, %dma_wait3A_1429] : memref<16x512xf32, #tpu.memory_space<vmem>> -> memref<1x256xf32, #tpu.memory_space<vmem>>
    %dma_wait3A_1431 = tpu.memref_squeeze %dma_wait3A_1430 : memref<1x256xf32, #tpu.memory_space<vmem>> -> memref<256xf32, #tpu.memory_space<vmem>>
    tpu.wait_dma2 semaphore(%arg10 : memref<!tpu.dma_semaphore, #tpu.memory_space<semaphore_mem>>) src(%dma_wait3A_1431 : memref<256xf32, #tpu.memory_space<vmem>>) dst(%dma_wait3A_1428 : memref<256xf32, #tpu.memory_space<hbm>>)
    %dma_wait3A_1432 = arith.constant 0 : i32
    %dma_wait3A_1433 = arith.constant 0 : i32
    %dma_wait3A_1434 = arith.constant 0 : i32
    %dma_wait3A_1435 = tpu.memref_slice %arg7[%dma_wait3A_1432, %dma_wait3A_1434] : memref<16x512xf32, #tpu.memory_space<vmem>> -> memref<1x256xf32, #tpu.memory_space<vmem>>
    %dma_wait3A_1436 = tpu.memref_squeeze %dma_wait3A_1435 : memref<1x256xf32, #tpu.memory_space<vmem>> -> memref<256xf32, #tpu.memory_space<vmem>>
    %dma_wait3A_1437 = tpu.memref_slice %arg4[%dma_wait3A_1433, %mul3A_2] : memref<16x16384xf32, #tpu.memory_space<hbm>> -> memref<1x256xf32, #tpu.memory_space<hbm>>
    %dma_wait3A_1438 = tpu.memref_squeeze %dma_wait3A_1437 : memref<1x256xf32, #tpu.memory_space<hbm>> -> memref<256xf32, #tpu.memory_space<hbm>>
    %dma_wait3A_1439 = tpu.memref_slice %arg4[%dma_wait3A_1433, %mul3A_2] : memref<16x16384xf32, #tpu.memory_space<hbm>> -> memref<1x256xf32, #tpu.memory_space<hbm>>
    %dma_wait3A_1440 = tpu.memref_squeeze %dma_wait3A_1439 : memref<1x256xf32, #tpu.memory_space<hbm>> -> memref<256xf32, #tpu.memory_space<hbm>>
    %dma_wait3A_1441 = arith.constant 0 : i32
    %dma_wait3A_1442 = tpu.memref_slice %arg7[%dma_wait3A_1432, %dma_wait3A_1441] : memref<16x512xf32, #tpu.memory_space<vmem>> -> memref<1x256xf32, #tpu.memory_space<vmem>>
    %dma_wait3A_1443 = tpu.memref_squeeze %dma_wait3A_1442 : memref<1x256xf32, #tpu.memory_space<vmem>> -> memref<256xf32, #tpu.memory_space<vmem>>
    tpu.wait_dma2 semaphore(%arg10 : memref<!tpu.dma_semaphore, #tpu.memory_space<semaphore_mem>>) src(%dma_wait3A_1443 : memref<256xf32, #tpu.memory_space<vmem>>) dst(%dma_wait3A_1440 : memref<256xf32, #tpu.memory_space<hbm>>)
    %dma_wait3A_1444 = arith.constant 0 : i32
    %dma_wait3A_1445 = arith.constant 0 : i32
    %dma_wait3A_1446 = arith.constant 0 : i32
    %dma_wait3A_1447 = tpu.memref_slice %arg7[%dma_wait3A_1444, %dma_wait3A_1446] : memref<16x512xf32, #tpu.memory_space<vmem>> -> memref<1x256xf32, #tpu.memory_space<vmem>>
    %dma_wait3A_1448 = tpu.memref_squeeze %dma_wait3A_1447 : memref<1x256xf32, #tpu.memory_space<vmem>> -> memref<256xf32, #tpu.memory_space<vmem>>
    %dma_wait3A_1449 = tpu.memref_slice %arg4[%dma_wait3A_1445, %mul3A_2] : memref<16x16384xf32, #tpu.memory_space<hbm>> -> memref<1x256xf32, #tpu.memory_space<hbm>>
    %dma_wait3A_1450 = tpu.memref_squeeze %dma_wait3A_1449 : memref<1x256xf32, #tpu.memory_space<hbm>> -> memref<256xf32, #tpu.memory_space<hbm>>
    %dma_wait3A_1451 = tpu.memref_slice %arg4[%dma_wait3A_1445, %mul3A_2] : memref<16x16384xf32, #tpu.memory_space<hbm>> -> memref<1x256xf32, #tpu.memory_space<hbm>>
    %dma_wait3A_1452 = tpu.memref_squeeze %dma_wait3A_1451 : memref<1x256xf32, #tpu.memory_space<hbm>> -> memref<256xf32, #tpu.memory_space<hbm>>
    %dma_wait3A_1453 = arith.constant 0 : i32
    %dma_wait3A_1454 = tpu.memref_slice %arg7[%dma_wait3A_1444, %dma_wait3A_1453] : memref<16x512xf32, #tpu.memory_space<vmem>> -> memref<1x256xf32, #tpu.memory_space<vmem>>
    %dma_wait3A_1455 = tpu.memref_squeeze %dma_wait3A_1454 : memref<1x256xf32, #tpu.memory_space<vmem>> -> memref<256xf32, #tpu.memory_space<vmem>>
    tpu.wait_dma2 semaphore(%arg10 : memref<!tpu.dma_semaphore, #tpu.memory_space<semaphore_mem>>) src(%dma_wait3A_1455 : memref<256xf32, #tpu.memory_space<vmem>>) dst(%dma_wait3A_1452 : memref<256xf32, #tpu.memory_space<hbm>>)
    return
  }
}

</mosaic_0001>

<sc_bundles>
// kernel: kernel.4.cloned.1.call-start
scs
__scs_entry_jumppad:
0x0: {  	(pc) =	sbr.rel $0x88, $3  }
0x1: {  	(tag) =	ssettag $0x0;
	lr =	simm.s32 $0x1  }
0x2: {  	[smem:$0x3F9F] =	sst lr;
	_ =	strace $0xD0000000  }
0x3: {  	_ = 	snop  }
0x4: {  	_ = 	snop  }
0x5: {  	_ = 	snop  }
0x6: {  	_ = 	snop  }
0x7: {  	_ = 	snop  }
__scs_overlays_trampoline_lowered:
0x8: {  	[smem:$0x3FAE] =	sst s0  }
0x9: {  	[smem:$0x3FAF] =	sst s1  }
0xa: {  	[smem:$0x3FB0] =	sst s2  }
0xb: {  	[smem:$0x3FB1] =	sst s3  }
0xc: {  	[smem:$0x3FB2] =	sst s4  }
0xd: {  	[smem:$0x3FB3] =	sst s5  }
0xe: {  	[smem:$0x3FB4] =	sst s6  }
0xf: {  	[smem:$0x3FB5] =	sst s7  }
0x10: {  	[smem:$0x3FB6] =	sst s8  }
0x11: {  	[smem:$0x3FB7] =	sst s9;
	s0 =	simm.s32 @!p0 $0x0  }
0x12: {  	s1 =	sld [smem:$0x3F9D];
	s0 =	simm.s32 @p0 $0x1  }
0x13: {  	[smem:$0x3FB8] =	sst s0;
	s0 =	simm.s32 @!p1 $0x0  }
0x14: {  	s2 =	sld [smem:$0x3F9C];
	s0 =	simm.s32 @p1 $0x1  }
0x15: {  	[smem:$0x3FB9] =	sst s0;
	s0 =	simm.s32 @!p2 $0x0  }
0x16: {  	s3 =	sld [smem:$0x3FDB];
	s0 =	simm.s32 @p2 $0x1  }
0x17: {  	s4 =	simm.s32 $0x1BF5;
	[smem:$0x3FBB] =	sst s0  }
0x18: {  	s0 =	sld [smem:$0x3F9E];
	_ =	swait.ge [sflag:s4], $0x0  }
0x19: {  	s7 =	sld [smem:$0x3F9F]  }
0x1a: {  	s8 =	sadd.s32 $0xFFFFE003, lr  }
0x1b: {  	s9 =	sadd.s32 $0xFFFFFEF7, lr;
	s5 =	simm.s32 $0xFFFFFFFF;
	p2 =	slt.u32 s8, $0xFFFFF086  }
0x1c: {  	p1 =	slt.u32 s9, $0xF7A;
	s5 =	simm.s32 @!p2 $0x0  }
0x1d: {  	s5 =	simm.s32 @p1 $0x1;
	p0 =	seq.s32 s7, s2  }
0x1e: {  	s7 =	smul.u32 @!p0 $0xF7A, s2;
	p2 =	seq.s32 @!p0 s5, $0x0  }
0x1f: {  	s9 =	smul.u32 $0xF7A, s1;
	s8 =	simm.s32 @!p0 $0x1BF5;
	p2 =	por !p2, p0  }
0x20: {  	[sflag:s8] =	ssyncset.s32 @!p0 $0xFFFFF086;
	s6 =	sadd.s32 @!p0 s3, s7;
	s7 =	simm.s32 @!p0 $0x108  }
0x21: {  	s3 =	sadd.s32 s3, s9;
	s6 =	sadd.s32 @!p0 $0x88, s6;
	s7 =	simm.s32 @p2 $0x1082  }
0x22: {  	[simem:s7], [sflag:s8] =	dma.local @!p0 [hbm:s6], $0xF7A  }
0x23: {  	s9 =	sor.u32 $0xD0000000, s2;
	s6 =	simm.s32 $0x108;
	_ =	swait.ge @!p0 [sflag:s8], $0x0  }
0x24: {  	s3 =	sadd.s32 $0x88, s3;
	s6 =	simm.s32 @!p1 $0x1082;
	[sflag:s4] =	ssyncset.s32 $0xFFFFF086  }
0x25: {  	[simem:s6], [sflag:s4] =	dma.local [hbm:s3], $0xF7A  }
0x26: {  	[smem:$0x3F9F] =	sst s1;
	(tag) =	ssettag s2;
	_ =	strace s9  }
0x27: {  	s1 =	sld [smem:$0x3FAF]  }
0x28: {  	s2 =	sld [smem:$0x3FB0]  }
0x29: {  	s4 =	sld [smem:$0x3FB2]  }
0x2a: {  	p0 =	seq.s32 s5, $0x0;
	s5 =	sld [smem:$0x3FB3]  }
0x2b: {  	s6 =	sld [smem:$0x3FB4]  }
0x2c: {  	s7 =	sld [smem:$0x3FB5]  }
0x2d: {  	s3 =	simm.s32 $0x108;
	s8 =	sld [smem:$0x3FB6]  }
0x2e: {  	s3 =	simm.s32 @!p0 $0x1082;
	s9 =	sld [smem:$0x3FB7]  }
0x2f: {  	lr =	sadd.s32 s0, s3;
	s0 =	sld [smem:$0x3FAE]  }
0x30: {  	s3 =	sld [smem:$0x3FB1]  }
0x31: {  	[smem:$0x3FBA] =	sst s10  }
0x32: {  	s10 =	sld [smem:$0x3FB8];
	_ =	sdelay $0x3  }
0x33: {  	p0 =	seq.s32 s10, $0x1;
	s10 =	sld [smem:$0x3FBA];
	_ =	sdelay $0x3  }
0x34: {  	[smem:$0x3FBA] =	sst s10  }
0x35: {  	s10 =	sld [smem:$0x3FB9];
	_ =	sdelay $0x3  }
0x36: {  	p1 =	seq.s32 s10, $0x1;
	s10 =	sld [smem:$0x3FBA];
	_ =	sdelay $0x3  }
0x37: {  	[smem:$0x3FBA] =	sst s10  }
0x38: {  	s10 =	sld [smem:$0x3FBB]  }
0x39: {  	_ = 	snop;
	(pc) =	sbr.ind lr, $3  }
0x3a: {  	_ = 	snop  }
0x3b: {  	_ = 	snop  }
0x3c: {  	p2 =	seq.s32 s10, $0x1;
	s10 =	sld [smem:$0x3FBA]  }
0x3d: {  	_ =	shalt  }
0x3e: {  	_ =	shalt  }
0x3f: {  	_ =	shalt  }
0x40: {  	_ =	shalt  }
0x41: {  	_ =	shalt  }
0x42: {  	_ =	shalt  }
0x43: {  	_ =	shalt  }
0x44: {  	_ =	shalt  }
0x45: {  	_ =	shalt  }
0x46: {  	_ =	shalt  }
0x47: {  	_ =	shalt  }
0x48: {  	_ =	shalt  }
0x49: {  	_ =	shalt  }
0x4a: {  	_ =	shalt  }
0x4b: {  	_ =	shalt  }
0x4c: {  	_ =	shalt  }
0x4d: {  	_ =	shalt  }
0x4e: {  	_ =	shalt  }
0x4f: {  	_ =	shalt  }
0x50: {  	_ =	shalt  }
0x51: {  	_ =	shalt  }
0x52: {  	_ =	shalt  }
0x53: {  	_ =	shalt  }
0x54: {  	_ =	shalt  }
0x55: {  	_ =	shalt  }
0x56: {  	_ =	shalt  }
0x57: {  	_ =	shalt  }
0x58: {  	_ =	shalt  }
0x59: {  	_ =	shalt  }
0x5a: {  	_ =	shalt  }
0x5b: {  	_ =	shalt  }
0x5c: {  	_ =	shalt  }
0x5d: {  	_ =	shalt  }
0x5e: {  	_ =	shalt  }
0x5f: {  	_ =	shalt  }
0x60: {  	_ =	shalt  }
0x61: {  	_ =	shalt  }
0x62: {  	_ =	shalt  }
0x63: {  	_ =	shalt  }
0x64: {  	_ =	shalt  }
0x65: {  	_ =	shalt  }
0x66: {  	_ =	shalt  }
0x67: {  	_ =	shalt  }
0x68: {  	_ =	shalt  }
0x69: {  	_ =	shalt  }
0x6a: {  	_ =	shalt  }
0x6b: {  	_ =	shalt  }
0x6c: {  	_ =	shalt  }
0x6d: {  	_ =	shalt  }
0x6e: {  	_ =	shalt  }
0x6f: {  	_ =	shalt  }
0x70: {  	_ =	shalt  }
0x71: {  	_ =	shalt  }
0x72: {  	_ =	shalt  }
0x73: {  	_ =	shalt  }
0x74: {  	_ =	shalt  }
0x75: {  	_ =	shalt  }
0x76: {  	_ =	shalt  }
0x77: {  	_ =	shalt  }
0x78: {  	_ =	shalt  }
0x79: {  	_ =	shalt  }
0x7a: {  	_ =	shalt  }
0x7b: {  	_ =	shalt  }
0x7c: {  	_ =	shalt  }
0x7d: {  	_ =	shalt  }
0x7e: {  	_ =	shalt  }
0x7f: {  	_ =	shalt  }
0x80: {  	_ =	shalt  }
0x81: {  	_ =	shalt  }
0x82: {  	_ =	shalt  }
0x83: {  	_ =	shalt  }
0x84: {  	_ =	shalt  }
0x85: {  	_ =	shalt  }
0x86: {  	_ =	shalt  }
0x87: {  	_ =	shalt  }
.Lfunc_end0:
.L_simem_size_0:
called_computation_lowered:
.L_overlay_start_0:
0x88: {  	s2 =	sld [smem:$0x3FD9]  }
0x89: {  	s3 =	sld [smem:$0x3FFE];
	_ =	sdelay $0x1  }
0x8a: {  	s1 =	srdreg.scid  }
0x8b: {  	s0 =	sand.u32 $0x1, s1  }
0x8c: {  	s17 =	sshll.u32 s0, $0xA;
	s2 =	sadd.s32 s3, s2  }
0x8d: {  	s2 =	sadd.s32 s2, s17  }
0x8e: {  	[smem:$0x3FC6] =	sst s2  }
0x8f: {  	_ = 	snop  }
0x90: {  	s2 =	sld [smem:$0x3FC8]  }
0x91: {  	s18 =	sld [smem:$0x3FD0];
	(tm) =	ssettm $0x1  }
0x92: {  	s4 =	sld [smem:$0x3FFB];
	_ =	sdelay $0x3  }
0x93: {  	_ =	strace s4  }
0x94: {  	s4 =	sld [smem:$0x3FFC];
	_ =	sdelay $0x3  }
0x95: {  	_ =	strace s4  }
0x96: {  	s4 =	sld [smem:$0x3FFD];
	_ =	sdelay $0x3  }
0x97: {  	_ =	strace s4  }
0x98: {  	_ =	strace $0x8FFFFFFF  }
0x99: {  	s19 =	sld [smem:$0x3FDB];
	_ =	sdelay $0x1  }
0x9a: {  	s5 =	simm.s32 $_scs_section_size  }
0x9b: {  	s6 =	simm.s32 $_size__tile_overlayer_lowered;
	s7 =	simm.s32 $_tile_overlayer_lowered  }
0x9c: {  	s22 =	simm.s32 $0x1BFF;
	s21 =	sshll.u32 s7, $0x1;
	s4 =	sadd.s32 s5, s19  }
0x9d: {  	s8 =	simm.s32 $0x0;
	s20 =	sshll.u32 s6, $0x1;
	s6 =	sadd.s32 s21, s4  }
0x9e: {  	[timem:s8], [sflag:s22] =	dma.local [hbm:s6], s20  }
0x9f: {  	_ =	swait.ge [sflag:s22], s20  }
0xa0: {  	s5 =	ssub.s32 $0x0, s20;
	[sflag:s22] =	ssyncset.done $0x0  }
0xa1: {  	[sflag:s22] =	ssyncadd.s32 s5;
	_ =	sdelay $0x1  }
0xa2: {  	s23 =	simm.s32 $0x1B8B  }
0xa3: {  	_ =	swait.ge [sflag:s23], $0x1  }
0xa4: {  	[sflag:s23] =	ssyncset.done $0x0  }
0xa5: {  	s25 =	simm.s32 $0x1B8E;
	s24 =	sld [smem:$0x3FFE];
	[sflag:s23] =	ssyncadd.s32 $0xFFFFFFFF  }
0xa6: {  	s26 =	simm.s32 $execute0_lowered;
	[smem:$0x3FD2] =	sst s25  }
0xa7: {  	s6 =	sshll.u32 s26, $0x1;
	_ =	strace $0x80000046;
	[dreg:$0x1] =	wrdreg $0xFFFFFFFF  }
0xa8: {  	s28 =	simm.s32 $_size_execute0_lowered;
	s4 =	sadd.s32 s4, s6;
	[dreg:$0x0] =	wrdreg $0x0  }
0xa9: {  	s6 =	sshll.u32 s28, $0x1;
	[dreg:$0x2] =	wrdreg s4  }
0xaa: {  	[dreg:$0x3] =	wrdreg s6  }
0xab: {  	[dreg:$0x4] =	wrdreg $0xC0  }
0xac: {  	_ =	task [dreg:s8], $0x5FFFF  }
0xad: {  	[dreg:$0x1] =	wrdreg $0xFFFFFFFF  }
0xae: {  	[dreg:$0x0] =	wrdreg $0x60  }
0xaf: {  	[dreg:$0x2] =	wrdreg s2  }
0xb0: {  	[dreg:$0x3] =	wrdreg s18  }
0xb1: {  	[dreg:$0x4] =	wrdreg s24  }
0xb2: {  	[dreg:$0x5] =	wrdreg $0x9  }
0xb3: {  	_ =	task.clear_ibuf [dreg:s8], $0x6FFFF;
	_ =	strace $0x90000046  }
0xb4: {  	s29 =	simm.s32 $0x9;
	_ =	strace $0x80000048  }
0xb5: {  	_ =	swait.ge [sflag:s29], $0x1  }
0xb6: {  	[sflag:s29] =	ssyncadd.s32 $0xFFFFFFFF  }
0xb7: {  	_ =	strace $0x90000048  }
0xb8: {  	_ =	sfence  }
0xb9: {  	s30 =	sld [smem:$0x0];
	_ =	sdelay $0x2  }
0xba: {  	s31 =	sshll.u32 s1, $0xD;
	s1 =	sshrl.u32 s1, $0x2  }
0xbb: {  	s3 =	sand.u32 $0x4000, s31;
	s1 =	sadd.s32 s1, s30  }
0xbc: {  	s0 =	sor.u32 s3, s0;
	s1 =	sshll.u32 s1, $0x11  }
0xbd: {  	s0 =	sor.u32 s1, s0  }
0xbe: {  	s0 =	sadd.s32 $0x8F2B, s0  }
0xbf: {  	[sflag:s0] =	ssyncadd.remote.s32 $0x1  }
0xc0: {  	_ =	sfence.sel $0xFFFF  }
0xc1: {  	[dreg:$0x0] =	wrdreg $0xFFFFFFFF;
	(pc) =	sbr.abs _section_cstart, $3  }
0xc2: {  	[dreg:$0x1] =	wrdreg $0xFFFFFFFF  }
0xc3: {  	_ =	task.clear_ibuf [dreg:s8], $0x2FFFF;
	_ =	strace $0x9FFFFFFF  }
0xc4: {  	(tm) =	ssettm $0x7FFFFFFF  }
0xc5: {  	_ =	shalt  }
tec
execute0_lowered:
.L_overlay_start_1:
0x0: {  	(tag) =	ssettag $0x1  }
0x1: {  	s10 =	rddreg [dreg:$0x0]  }
0x2: {  	s2 =	rddreg [dreg:$0x1];
	s1 =	srdreg.scid  }
0x3: {  	s0 =	stileid.u32;
	s4 =	rddreg [dreg:$0x2];
	s3 =	simm.s32 $0x0  }
0x4: {  	s8 =	sand.u32 $0x1, s1;
	s1 =	rddreg [dreg:$0x3];
	s9 =	smul.u32 $0x1EA00, s0  }
0x5: {  	s5 =	sshll.u32 s0, $0x1;
	[smem:$0x7FF] =	sst s3;
	s11 =	smul.u32 $0xF500, s0  }
0x6: {  	s4 =	sadd.s32 $0x800, s4;
	s5 =	sor.u32 s8, s5;
	s12 =	smul.u32 $0x7A80, s8  }
0x7: {  	_ =	strace $0x80000047;
	s6 =	ssub.s32 $0x2, s8;
	s5 =	smul.u32 $0xF5, s5  }
0x8: {  	s8 =	smul.u32 $0xF500, s8;
	s7 =	sshrl.u32 s6, $0x1;
	s9 =	sadd.s32 $0xFFFFF000, s9  }
0x9: {  	s10 =	sadd.s32 s11, s10;
	s11 =	simm.s32 $0x2;
	s5 =	ssub.s32 $0x1E85, s5  }
0xa: {  	s7 =	ssub.s32 s6, s7;
	s10 =	sadd.s32 s12, s10;
	s5 =	smin.u32 s5, $0xF5  }
0xb: {  	s12 =	simm.s32 $0x0;
	s7 =	smax.u32 s7, $0x1;
	s6 =	sadd.s32 $0x10, s5  }
.LBB2_1:
0xc: {  	p1 =	por $0x1, $0x1;
	p2 =	sle.u32 s5, $0x0  }
0xd: {  	s16 =	simm.s32 @!p1 $0x2;
	s17 =	sadd.s32 @!p2 s9, s8  }
0xe: {  	s18 =	sand.u32 @!p2 $0x3E000, s3;
	_ =	swait.ge @!p1 [sflag:s16], $0x800;
	p3 =	seq.s32 @!p2 s17, $0x1E7400  }
0xf: {  	s17 =	sshrl.u32 @!p2 s18, $0x2;
	[sflag:s16] =	ssyncset.done @!p1 $0x0;
	p4 =	por !p3, p2  }
0x10: {  	[sflag:s16] =	ssyncadd.s32 @!p1 $0xFFFFF800;
	s16 =	simm.s32 @!p4 $0x0;
	p1 =	por p3, p2  }
0x11: {  	[tilespmem:s17], [sflag:$0x1] =	stream.linear.gather @!p4 [hbm4b:s2+s16], $0x800, $0x38;
	[tilespmem:$0x10000] =	vst v63  }
0x12: {  	s16 =	simm.s32 @!p1 $0x400;
	s20 =	simm.s32 @!p1 $0x7A1400  }
0x13: {  	[tilespmem:s17], [sflag:$0x1] =	stream.strided.gather @!p1 [hbm4b:s10+s16], $0x800, s20, s16, $0x38;
	[tilespmem:$0x10000] =	vst v63  }
0x14: {  	p1 =	sgt.u32 s6, $0x1  }
.Ltmp0:
0x15: {  	s15 =	simm.s32 $0xFFFFFFF0;
	(pc) =	sbr.rel @!p1 .LBB2_3-.Ltmp0, $4  }
0x16: {  	s13 =	simm.s32 $0xFFFFFFF1;
	s14 =	sadd.s32 $0x80, s10;
	p0 =	por $0x1, $0x1  }
0x17: {  	s19 =	sadd.s32 @!p0 s9, s8;
	s21 =	simm.s32 @!p0 $0xF;
	s18 =	simm.s32 @!p0 $0x1  }
0x18: {  	s16 =	sand.u32 @!p0 $0x1FFFFF00, s19;
	s20 =	sand.u32 @!p0 $0x7FFE0, s21;
	s17 =	smov.u32 s9  }
0x19: {  	_ =	swait.ge @!p0 [sflag:s18], $0x800;
	s19 =	sadd.s32 @!p0 s4, s16;
	s16 =	simm.s32 $0x0  }
.LBB2_2:
0x1a: {  	s15 =	ssub.s32 @!p0 s15, s20;
	s16 =	sadd.s32 $0x2000, s16;
	s17 =	sadd.s32 $0x100, s17  }
0x1b: {  	s20 =	simm.s32 @!p0 $0x0;
	[sflag:s18] =	ssyncset.done @!p0 $0x0;
	s15 =	sshll.u32 @!p0 s15, $0xD  }
0x1c: {  	[sflag:s18] =	ssyncadd.s32 @!p0 $0xFFFFF800;
	s18 =	sshra.s32 @!p0 s15, $0x2;
	s15 =	smov.u32 s13  }
0x1d: {  	[hbm4b:s19+s20] =	stream.linear.scatter @!p0 [tilespmem:s18], [sflag:$0x2], $0x800, $0x38;
	[tilespmem:$0x10000] =	vst v63  }
0x1e: {  	s13 =	sadd.s32 $0x1, s13;
	s19 =	smov.u32 s14  }
0x1f: {  	s18 =	sadd.s32 $0x10, s15;
	s14 =	sadd.s32 $0x80, s14;
	s24 =	sadd.s32 $0x11, s15  }
0x20: {  	p2 =	slt.u32 s18, $0x20;
	p1 =	sge.u32 s18, s5;
	p0 =	slt.u32 s18, $0x10  }
0x21: {  	s20 =	simm.s32 @!p2 $0x2;
	s18 =	sadd.s32 @!p1 s17, s8;
	s21 =	sand.u32 @!p1 $0x3E000, s16  }
0x22: {  	p4 =	seq.s32 @!p1 s18, $0x1E7400;
	s21 =	sshrl.u32 @!p1 s21, $0x2;
	_ =	swait.ge @!p2 [sflag:s20], $0x800  }
0x23: {  	s18 =	simm.s32 @!p0 $0x1;
	p3 =	por !p4, p1;
	[sflag:s20] =	ssyncset.done @!p2 $0x0  }
0x24: {  	p1 =	por p4, p1;
	[sflag:s20] =	ssyncadd.s32 @!p2 $0xFFFFF800;
	s20 =	simm.s32 @!p3 $0x0  }
0x25: {  	s22 =	sshra.s32 @!p0 s15, $0x1F;
	s23 =	sadd.s32 @!p0 s17, s8;
	p2 =	slt.u32 s24, s6  }
.Ltmp1:
0x26: {  	s22 =	sshrl.u32 @!p0 s22, $0x1B;
	s23 =	sand.u32 @!p0 $0x1FFFFF00, s23;
	(pc) =	sbr.rel @p2 .LBB2_2-.Ltmp1, $4  }
0x27: {  	[tilespmem:s21], [sflag:$0x1] =	stream.linear.gather @!p3 [hbm4b:s2+s20], $0x800, $0x38;
	[tilespmem:$0x10000] =	vst v63  }
0x28: {  	s22 =	sadd.s32 @!p0 s22, s15;
	s24 =	simm.s32 @!p1 $0x7A1400;
	s20 =	simm.s32 @!p1 $0x400  }
0x29: {  	[tilespmem:s21], [sflag:$0x1] =	stream.strided.gather @!p1 [hbm4b:s19+s20], $0x800, s24, s20, $0x38;
	[tilespmem:$0x10000] =	vst v63  }
0x2a: {  	s20 =	sand.u32 @!p0 $0x7FFE0, s22;
	s19 =	sadd.s32 @!p0 s4, s23;
	_ =	swait.ge @!p0 [sflag:s18], $0x800  }
.LBB2_3:
0x2b: {  	s13 =	ssub.s32 @!p0 s15, s20  }
0x2c: {  	[sflag:s18] =	ssyncset.done @!p0 $0x0;
	s13 =	sshll.u32 @!p0 s13, $0xD  }
0x2d: {  	s14 =	simm.s32 @!p0 $0x0;
	[sflag:s18] =	ssyncadd.s32 @!p0 $0xFFFFF800;
	s13 =	sshra.s32 @!p0 s13, $0x2  }
0x2e: {  	[hbm4b:s19+s14] =	stream.linear.scatter @!p0 [tilespmem:s13], [sflag:$0x2], $0x800, $0x38;
	[tilespmem:$0x10000] =	vst v63  }
0x2f: {  	_ =	swait.ge [sflag:s11], $0x800  }
0x30: {  	[sflag:s11] =	ssyncset.done $0x0  }
0x31: {  	[sflag:s11] =	ssyncadd.s32 $0xFFFFF800  }
0x32: {  	_ =	swait.ge [sflag:s11], $0x800  }
0x33: {  	[sflag:s11] =	ssyncset.done $0x0  }
0x34: {  	[sflag:s11] =	ssyncadd.s32 $0xFFFFF800  }
0x35: {  	_ =	swait.ge [sflag:s11], $0x800  }
0x36: {  	[sflag:s11] =	ssyncset.done $0x0  }
0x37: {  	[sflag:s11] =	ssyncadd.s32 $0xFFFFF800  }
0x38: {  	_ =	swait.ge [sflag:s11], $0x800  }
0x39: {  	[sflag:s11] =	ssyncset.done $0x0  }
0x3a: {  	[sflag:s11] =	ssyncadd.s32 $0xFFFFF800  }
0x3b: {  	_ =	swait.ge [sflag:s11], $0x800  }
0x3c: {  	[sflag:s11] =	ssyncset.done $0x0  }
0x3d: {  	[sflag:s11] =	ssyncadd.s32 $0xFFFFF800  }
0x3e: {  	_ =	swait.ge [sflag:s11], $0x800  }
0x3f: {  	[sflag:s11] =	ssyncset.done $0x0  }
0x40: {  	[sflag:s11] =	ssyncadd.s32 $0xFFFFF800  }
0x41: {  	_ =	swait.ge [sflag:s11], $0x800  }
0x42: {  	[sflag:s11] =	ssyncset.done $0x0  }
0x43: {  	[sflag:s11] =	ssyncadd.s32 $0xFFFFF800  }
0x44: {  	_ =	swait.ge [sflag:s11], $0x800  }
0x45: {  	[sflag:s11] =	ssyncset.done $0x0  }
0x46: {  	[sflag:s11] =	ssyncadd.s32 $0xFFFFF800  }
0x47: {  	_ =	swait.ge [sflag:s11], $0x800  }
0x48: {  	[sflag:s11] =	ssyncset.done $0x0  }
0x49: {  	[sflag:s11] =	ssyncadd.s32 $0xFFFFF800  }
0x4a: {  	_ =	swait.ge [sflag:s11], $0x800  }
0x4b: {  	[sflag:s11] =	ssyncset.done $0x0  }
0x4c: {  	[sflag:s11] =	ssyncadd.s32 $0xFFFFF800  }
0x4d: {  	_ =	swait.ge [sflag:s11], $0x800  }
0x4e: {  	[sflag:s11] =	ssyncset.done $0x0  }
0x4f: {  	[sflag:s11] =	ssyncadd.s32 $0xFFFFF800  }
0x50: {  	_ =	swait.ge [sflag:s11], $0x800  }
0x51: {  	[sflag:s11] =	ssyncset.done $0x0  }
0x52: {  	[sflag:s11] =	ssyncadd.s32 $0xFFFFF800  }
0x53: {  	_ =	swait.ge [sflag:s11], $0x800  }
0x54: {  	[sflag:s11] =	ssyncset.done $0x0  }
0x55: {  	[sflag:s11] =	ssyncadd.s32 $0xFFFFF800  }
0x56: {  	_ =	swait.ge [sflag:s11], $0x800  }
0x57: {  	[sflag:s11] =	ssyncset.done $0x0  }
0x58: {  	s12 =	sadd.s32 $0x1, s12;
	[sflag:s11] =	ssyncadd.s32 $0xFFFFF800  }
0x59: {  	p0 =	sne.s32 s12, s7;
	_ =	swait.ge [sflag:s11], $0x800  }
.Ltmp2:
0x5a: {  	[sflag:s11] =	ssyncset.done $0x0;
	(pc) =	sbr.rel @p0 .LBB2_1-.Ltmp2, $4  }
0x5b: {  	[sflag:s11] =	ssyncadd.s32 $0xFFFFF800  }
0x5c: {  	_ =	swait.ge [sflag:s11], $0x800  }
0x5d: {  	[sflag:s11] =	ssyncset.done $0x0  }
0x5e: {  	[sflag:s11] =	ssyncadd.s32 $0xFFFFF800  }
0x5f: {  	_ =	sfence.sel $0x180000  }
0x60: {  	[bflag:$0x0] =	sbarrier.arrive $0xFFFF  }
0x61: {  	p0 =	sne.s32 s0, $0x0;
	_ =	strace $0x90000047  }
0x62: {  	s0 =	sadd.s32 @!p0 $0x100000, s1;
	[bflag:$0x2] =	sbarrier.arrive $0xFFFF  }
0x63: {  	[sflag:s0] =	ssyncadd.tile.s32 @!p0 $0x1;
	_ =	shalt  }
.Lfunc_end2:
_tile_overlayer_lowered:
.L_overlay_start_2:
0x64: {  	(tag) =	ssettag $0x2  }
0x65: {  	s0 =	rddreg [dreg:$0x0];
	s2 =	stileid.u32  }
0x66: {  	s1 =	rddreg [dreg:$0x1];
	p0 =	sne.s32 s2, $0x0  }
0x67: {  	s3 =	rddreg [dreg:$0x2];
	[bflag:$0x3] =	sbarrier.arrive $0xFFFF;
	s2 =	simm.s32 @!p0 $0x1C03  }
0x68: {  	[timem:s3], [sflag:s2] =	dma.local @!p0 [hbm:s0], s1  }
0x69: {  	s0 =	simm.s32 @!p0 $0x3  }
0x6a: {  	_ =	swait.ge @!p0 [sflag:s0], s1  }
0x6b: {  	s1 =	ssub.s32 @!p0 $0x0, s1;
	[sflag:s0] =	ssyncset.done @!p0 $0x0  }
0x6c: {  	[sflag:s0] =	ssyncadd.s32 @!p0 s1  }
0x6d: {  	[bflag:$0x3] =	sbarrier.arrive $0xFFFF  }
0x6e: {  	_ =	shalt  }

// kernel: kernel.7.cloned.1.call-start
scs
__scs_entry_jumppad:
0x0: {  	(pc) =	sbr.rel $0x88, $3  }
0x1: {  	(tag) =	ssettag $0x0;
	lr =	simm.s32 $0x1  }
0x2: {  	[smem:$0x3F9F] =	sst lr;
	_ =	strace $0xD0000000  }
0x3: {  	_ = 	snop  }
0x4: {  	_ = 	snop  }
0x5: {  	_ = 	snop  }
0x6: {  	_ = 	snop  }
0x7: {  	_ = 	snop  }
__scs_overlays_trampoline_lowered:
0x8: {  	[smem:$0x3FAE] =	sst s0  }
0x9: {  	[smem:$0x3FAF] =	sst s1  }
0xa: {  	[smem:$0x3FB0] =	sst s2  }
0xb: {  	[smem:$0x3FB1] =	sst s3  }
0xc: {  	[smem:$0x3FB2] =	sst s4  }
0xd: {  	[smem:$0x3FB3] =	sst s5  }
0xe: {  	[smem:$0x3FB4] =	sst s6  }
0xf: {  	[smem:$0x3FB5] =	sst s7  }
0x10: {  	[smem:$0x3FB6] =	sst s8  }
0x11: {  	[smem:$0x3FB7] =	sst s9;
	s0 =	simm.s32 @!p0 $0x0  }
0x12: {  	s1 =	sld [smem:$0x3F9D];
	s0 =	simm.s32 @p0 $0x1  }
0x13: {  	[smem:$0x3FB8] =	sst s0;
	s0 =	simm.s32 @!p1 $0x0  }
0x14: {  	s2 =	sld [smem:$0x3F9C];
	s0 =	simm.s32 @p1 $0x1  }
0x15: {  	[smem:$0x3FB9] =	sst s0;
	s0 =	simm.s32 @!p2 $0x0  }
0x16: {  	s3 =	sld [smem:$0x3FDB];
	s0 =	simm.s32 @p2 $0x1  }
0x17: {  	s4 =	simm.s32 $0x1BF5;
	[smem:$0x3FBB] =	sst s0  }
0x18: {  	s0 =	sld [smem:$0x3F9E];
	_ =	swait.ge [sflag:s4], $0x0  }
0x19: {  	s7 =	sld [smem:$0x3F9F]  }
0x1a: {  	s8 =	sadd.s32 $0xFFFFE003, lr  }
0x1b: {  	s9 =	sadd.s32 $0xFFFFFEF7, lr;
	s5 =	simm.s32 $0xFFFFFFFF;
	p2 =	slt.u32 s8, $0xFFFFF086  }
0x1c: {  	p1 =	slt.u32 s9, $0xF7A;
	s5 =	simm.s32 @!p2 $0x0  }
0x1d: {  	s5 =	simm.s32 @p1 $0x1;
	p0 =	seq.s32 s7, s2  }
0x1e: {  	s7 =	smul.u32 @!p0 $0xF7A, s2;
	p2 =	seq.s32 @!p0 s5, $0x0  }
0x1f: {  	s9 =	smul.u32 $0xF7A, s1;
	s8 =	simm.s32 @!p0 $0x1BF5;
	p2 =	por !p2, p0  }
0x20: {  	[sflag:s8] =	ssyncset.s32 @!p0 $0xFFFFF086;
	s6 =	sadd.s32 @!p0 s3, s7;
	s7 =	simm.s32 @!p0 $0x108  }
0x21: {  	s3 =	sadd.s32 s3, s9;
	s6 =	sadd.s32 @!p0 $0x88, s6;
	s7 =	simm.s32 @p2 $0x1082  }
0x22: {  	[simem:s7], [sflag:s8] =	dma.local @!p0 [hbm:s6], $0xF7A  }
0x23: {  	s9 =	sor.u32 $0xD0000000, s2;
	s6 =	simm.s32 $0x108;
	_ =	swait.ge @!p0 [sflag:s8], $0x0  }
0x24: {  	s3 =	sadd.s32 $0x88, s3;
	s6 =	simm.s32 @!p1 $0x1082;
	[sflag:s4] =	ssyncset.s32 $0xFFFFF086  }
0x25: {  	[simem:s6], [sflag:s4] =	dma.local [hbm:s3], $0xF7A  }
0x26: {  	[smem:$0x3F9F] =	sst s1;
	(tag) =	ssettag s2;
	_ =	strace s9  }
0x27: {  	s1 =	sld [smem:$0x3FAF]  }
0x28: {  	s2 =	sld [smem:$0x3FB0]  }
0x29: {  	s4 =	sld [smem:$0x3FB2]  }
0x2a: {  	p0 =	seq.s32 s5, $0x0;
	s5 =	sld [smem:$0x3FB3]  }
0x2b: {  	s6 =	sld [smem:$0x3FB4]  }
0x2c: {  	s7 =	sld [smem:$0x3FB5]  }
0x2d: {  	s3 =	simm.s32 $0x108;
	s8 =	sld [smem:$0x3FB6]  }
0x2e: {  	s3 =	simm.s32 @!p0 $0x1082;
	s9 =	sld [smem:$0x3FB7]  }
0x2f: {  	lr =	sadd.s32 s0, s3;
	s0 =	sld [smem:$0x3FAE]  }
0x30: {  	s3 =	sld [smem:$0x3FB1]  }
0x31: {  	[smem:$0x3FBA] =	sst s10  }
0x32: {  	s10 =	sld [smem:$0x3FB8];
	_ =	sdelay $0x3  }
0x33: {  	p0 =	seq.s32 s10, $0x1;
	s10 =	sld [smem:$0x3FBA];
	_ =	sdelay $0x3  }
0x34: {  	[smem:$0x3FBA] =	sst s10  }
0x35: {  	s10 =	sld [smem:$0x3FB9];
	_ =	sdelay $0x3  }
0x36: {  	p1 =	seq.s32 s10, $0x1;
	s10 =	sld [smem:$0x3FBA];
	_ =	sdelay $0x3  }
0x37: {  	[smem:$0x3FBA] =	sst s10  }
0x38: {  	s10 =	sld [smem:$0x3FBB]  }
0x39: {  	_ = 	snop;
	(pc) =	sbr.ind lr, $3  }
0x3a: {  	_ = 	snop  }
0x3b: {  	_ = 	snop  }
0x3c: {  	p2 =	seq.s32 s10, $0x1;
	s10 =	sld [smem:$0x3FBA]  }
0x3d: {  	_ =	shalt  }
0x3e: {  	_ =	shalt  }
0x3f: {  	_ =	shalt  }
0x40: {  	_ =	shalt  }
0x41: {  	_ =	shalt  }
0x42: {  	_ =	shalt  }
0x43: {  	_ =	shalt  }
0x44: {  	_ =	shalt  }
0x45: {  	_ =	shalt  }
0x46: {  	_ =	shalt  }
0x47: {  	_ =	shalt  }
0x48: {  	_ =	shalt  }
0x49: {  	_ =	shalt  }
0x4a: {  	_ =	shalt  }
0x4b: {  	_ =	shalt  }
0x4c: {  	_ =	shalt  }
0x4d: {  	_ =	shalt  }
0x4e: {  	_ =	shalt  }
0x4f: {  	_ =	shalt  }
0x50: {  	_ =	shalt  }
0x51: {  	_ =	shalt  }
0x52: {  	_ =	shalt  }
0x53: {  	_ =	shalt  }
0x54: {  	_ =	shalt  }
0x55: {  	_ =	shalt  }
0x56: {  	_ =	shalt  }
0x57: {  	_ =	shalt  }
0x58: {  	_ =	shalt  }
0x59: {  	_ =	shalt  }
0x5a: {  	_ =	shalt  }
0x5b: {  	_ =	shalt  }
0x5c: {  	_ =	shalt  }
0x5d: {  	_ =	shalt  }
0x5e: {  	_ =	shalt  }
0x5f: {  	_ =	shalt  }
0x60: {  	_ =	shalt  }
0x61: {  	_ =	shalt  }
0x62: {  	_ =	shalt  }
0x63: {  	_ =	shalt  }
0x64: {  	_ =	shalt  }
0x65: {  	_ =	shalt  }
0x66: {  	_ =	shalt  }
0x67: {  	_ =	shalt  }
0x68: {  	_ =	shalt  }
0x69: {  	_ =	shalt  }
0x6a: {  	_ =	shalt  }
0x6b: {  	_ =	shalt  }
0x6c: {  	_ =	shalt  }
0x6d: {  	_ =	shalt  }
0x6e: {  	_ =	shalt  }
0x6f: {  	_ =	shalt  }
0x70: {  	_ =	shalt  }
0x71: {  	_ =	shalt  }
0x72: {  	_ =	shalt  }
0x73: {  	_ =	shalt  }
0x74: {  	_ =	shalt  }
0x75: {  	_ =	shalt  }
0x76: {  	_ =	shalt  }
0x77: {  	_ =	shalt  }
0x78: {  	_ =	shalt  }
0x79: {  	_ =	shalt  }
0x7a: {  	_ =	shalt  }
0x7b: {  	_ =	shalt  }
0x7c: {  	_ =	shalt  }
0x7d: {  	_ =	shalt  }
0x7e: {  	_ =	shalt  }
0x7f: {  	_ =	shalt  }
0x80: {  	_ =	shalt  }
0x81: {  	_ =	shalt  }
0x82: {  	_ =	shalt  }
0x83: {  	_ =	shalt  }
0x84: {  	_ =	shalt  }
0x85: {  	_ =	shalt  }
0x86: {  	_ =	shalt  }
0x87: {  	_ =	shalt  }
.Lfunc_end0:
.L_simem_size_0:
called_computation.1_lowered:
.L_overlay_start_0:
0x88: {  	s2 =	sld [smem:$0x3FD9]  }
0x89: {  	s3 =	sld [smem:$0x3FFE];
	_ =	sdelay $0x1  }
0x8a: {  	s1 =	srdreg.scid  }
0x8b: {  	s0 =	sand.u32 $0x1, s1  }
0x8c: {  	s17 =	sshll.u32 s0, $0xA;
	s2 =	sadd.s32 s3, s2  }
0x8d: {  	s2 =	sadd.s32 s2, s17  }
0x8e: {  	[smem:$0x3FC6] =	sst s2  }
0x8f: {  	_ = 	snop  }
0x90: {  	s2 =	sld [smem:$0x3FC9];
	(tm) =	ssettm $0x1  }
0x91: {  	s18 =	sld [smem:$0x3FFB];
	_ =	sdelay $0x3  }
0x92: {  	_ =	strace s18  }
0x93: {  	s3 =	sld [smem:$0x3FFC];
	_ =	sdelay $0x3  }
0x94: {  	_ =	strace s3  }
0x95: {  	s3 =	sld [smem:$0x3FFD];
	_ =	sdelay $0x3  }
0x96: {  	_ =	strace s3  }
0x97: {  	_ =	strace $0x8FFFFFFF  }
0x98: {  	s19 =	sld [smem:$0x3FDB];
	_ =	sdelay $0x1  }
0x99: {  	s4 =	simm.s32 $_scs_section_size  }
0x9a: {  	s5 =	simm.s32 $_size__tile_overlayer_lowered;
	s6 =	simm.s32 $_tile_overlayer_lowered  }
0x9b: {  	s22 =	simm.s32 $0x1BFF;
	s21 =	sshll.u32 s6, $0x1;
	s3 =	sadd.s32 s4, s19  }
0x9c: {  	s7 =	simm.s32 $0x0;
	s20 =	sshll.u32 s5, $0x1;
	s5 =	sadd.s32 s21, s3  }
0x9d: {  	[timem:s7], [sflag:s22] =	dma.local [hbm:s5], s20  }
0x9e: {  	_ =	swait.ge [sflag:s22], s20  }
0x9f: {  	s4 =	ssub.s32 $0x0, s20;
	[sflag:s22] =	ssyncset.done $0x0  }
0xa0: {  	[sflag:s22] =	ssyncadd.s32 s4;
	_ =	sdelay $0x1  }
0xa1: {  	s23 =	simm.s32 $0x1B8B  }
0xa2: {  	_ =	swait.ge [sflag:s23], $0x1  }
0xa3: {  	[sflag:s23] =	ssyncset.done $0x0  }
0xa4: {  	s25 =	simm.s32 $0x1B8E;
	s24 =	sld [smem:$0x3FFE];
	[sflag:s23] =	ssyncadd.s32 $0xFFFFFFFF  }
0xa5: {  	s26 =	simm.s32 $execute0_lowered;
	[smem:$0x3FD2] =	sst s25  }
0xa6: {  	s5 =	sshll.u32 s26, $0x1;
	_ =	strace $0x80000049;
	[dreg:$0x1] =	wrdreg $0xFFFFFFFF  }
0xa7: {  	s28 =	simm.s32 $_size_execute0_lowered;
	s3 =	sadd.s32 s3, s5;
	[dreg:$0x0] =	wrdreg $0x0  }
0xa8: {  	s5 =	sshll.u32 s28, $0x1;
	[dreg:$0x2] =	wrdreg s3  }
0xa9: {  	[dreg:$0x3] =	wrdreg s5  }
0xaa: {  	[dreg:$0x4] =	wrdreg $0xC0  }
0xab: {  	_ =	task [dreg:s7], $0x5FFFF  }
0xac: {  	[dreg:$0x1] =	wrdreg $0xFFFFFFFF  }
0xad: {  	[dreg:$0x0] =	wrdreg $0x60  }
0xae: {  	[dreg:$0x2] =	wrdreg s24  }
0xaf: {  	[dreg:$0x3] =	wrdreg s2  }
0xb0: {  	[dreg:$0x4] =	wrdreg $0x9  }
0xb1: {  	_ =	task.clear_ibuf [dreg:s7], $0x5FFFF;
	_ =	strace $0x90000049  }
0xb2: {  	s29 =	simm.s32 $0x9;
	_ =	strace $0x8000004B  }
0xb3: {  	_ =	swait.ge [sflag:s29], $0x1  }
0xb4: {  	[sflag:s29] =	ssyncadd.s32 $0xFFFFFFFF  }
0xb5: {  	_ =	strace $0x9000004B  }
0xb6: {  	_ =	sfence  }
0xb7: {  	s30 =	sld [smem:$0x0];
	_ =	sdelay $0x2  }
0xb8: {  	s31 =	sshll.u32 s1, $0xD;
	s1 =	sshrl.u32 s1, $0x2  }
0xb9: {  	s3 =	sand.u32 $0x4000, s31;
	s1 =	sadd.s32 s1, s30  }
0xba: {  	s0 =	sor.u32 s3, s0;
	s1 =	sshll.u32 s1, $0x11  }
0xbb: {  	s0 =	sor.u32 s1, s0  }
0xbc: {  	s0 =	sadd.s32 $0x8F2B, s0  }
0xbd: {  	[sflag:s0] =	ssyncadd.remote.s32 $0x1  }
0xbe: {  	_ =	sfence.sel $0xFFFF  }
0xbf: {  	[dreg:$0x0] =	wrdreg $0xFFFFFFFF;
	(pc) =	sbr.abs _section_cstart, $3  }
0xc0: {  	[dreg:$0x1] =	wrdreg $0xFFFFFFFF  }
0xc1: {  	_ =	task.clear_ibuf [dreg:s7], $0x2FFFF;
	_ =	strace $0x9FFFFFFF  }
0xc2: {  	(tm) =	ssettm $0x7FFFFFFF  }
0xc3: {  	_ =	shalt  }
tec
execute0_lowered:
.L_overlay_start_1:
0x0: {  	(tag) =	ssettag $0x1  }
0x1: {  	s0 =	rddreg [dreg:$0x0];
	s2 =	srdreg.scid  }
0x2: {  	s1 =	rddreg [dreg:$0x1];
	s3 =	stileid.u32;
	s4 =	sand.u32 $0x1, s2  }
0x3: {  	s2 =	simm.s32 $0x0;
	s3 =	sshll.u32 s3, $0x7;
	s5 =	sshll.u32 s4, $0x6  }
0x4: {  	[smem:$0x7FF] =	sst s2;
	s5 =	sor.u32 s5, s3  }
0x5: {  	s3 =	sadd.s32 $0x800, s0;
	s0 =	sadd.s32 s5, s0;
	s1 =	sadd.s32 s1, s5  }
0x6: {  	_ =	strace $0x8000004A;
	s6 =	sadd.s32 $0x1E8E00, s0;
	[dreg:$0x1f] =	wrdreg s1  }
0x7: {  	s16 =	sadd.s32 $0x1E9600, s0;
	[dreg:$0x3] =	wrdreg s6  }
0x8: {  	s17 =	sadd.s32 $0x1E9E00, s0;
	[dreg:$0x4] =	wrdreg s16  }
0x9: {  	s18 =	sadd.s32 $0x1EA600, s0;
	[dreg:$0x5] =	wrdreg s17  }
0xa: {  	s19 =	sadd.s32 $0x1EAE00, s0;
	[dreg:$0x6] =	wrdreg s18  }
0xb: {  	s20 =	sadd.s32 $0x1EB600, s0;
	[dreg:$0x7] =	wrdreg s19  }
0xc: {  	s21 =	sadd.s32 $0x1EBE00, s0;
	[dreg:$0x8] =	wrdreg s20  }
0xd: {  	s22 =	sadd.s32 $0x1EC600, s0;
	[dreg:$0x9] =	wrdreg s21  }
0xe: {  	s23 =	sadd.s32 $0x1ECE00, s0;
	[dreg:$0xa] =	wrdreg s22  }
0xf: {  	s24 =	sadd.s32 $0x1ED600, s0;
	[dreg:$0xb] =	wrdreg s23  }
0x10: {  	s25 =	sadd.s32 $0x1EDE00, s0;
	[dreg:$0xc] =	wrdreg s24  }
0x11: {  	s26 =	sadd.s32 $0x1EE600, s0;
	[dreg:$0xd] =	wrdreg s25  }
0x12: {  	s7 =	sadd.s32 $0x1EEE00, s0;
	[dreg:$0xe] =	wrdreg s26  }
0x13: {  	s8 =	sadd.s32 $0x1EF600, s0;
	[dreg:$0xf] =	wrdreg s7  }
0x14: {  	s9 =	sadd.s32 $0x1EFE00, s0;
	[dreg:$0x10] =	wrdreg s8  }
0x15: {  	s28 =	simm.s32 $0x2300;
	s10 =	sadd.s32 $0x1F0600, s0;
	[dreg:$0x11] =	wrdreg s9  }
0x16: {  	s29 =	simm.s32 $0x2500;
	s11 =	sadd.s32 $0x1E8E20, s0;
	[dreg:$0x12] =	wrdreg s10  }
0x17: {  	s30 =	simm.s32 $0x2700;
	s12 =	sadd.s32 $0x1E9620, s0;
	[dreg:$0x13] =	wrdreg s11  }
0x18: {  	s31 =	simm.s32 $0x2900;
	s13 =	sadd.s32 $0x1E9E20, s0;
	[dreg:$0x14] =	wrdreg s12  }
0x19: {  	s4 =	ssub.s32 $0x2, s4;
	s14 =	sadd.s32 $0x1EA620, s0;
	[dreg:$0x15] =	wrdreg s13  }
0x1a: {  	s5 =	simm.s32 $0x3500;
	s15 =	sadd.s32 $0x1EAE20, s0;
	[dreg:$0x16] =	wrdreg s14  }
0x1b: {  	s1 =	simm.s32 $0x2F00;
	[dreg:$0x17] =	wrdreg s15;
	s16 =	sadd.s32 $0x1EB620, s0  }
0x1c: {  	s17 =	sadd.s32 $0x1EBE20, s0;
	s18 =	sadd.s32 $0x1EC620, s0;
	[dreg:$0x18] =	wrdreg s16  }
0x1d: {  	s19 =	sshrl.u32 s4, $0x1;
	s7 =	sadd.s32 $0x1ECE20, s0;
	[dreg:$0x19] =	wrdreg s17  }
0x1e: {  	s20 =	sadd.s32 $0x1ED620, s0;
	s21 =	sadd.s32 $0x1EDE20, s0;
	[dreg:$0x1a] =	wrdreg s18  }
0x1f: {  	s22 =	sadd.s32 $0x1EE620, s0;
	s23 =	sadd.s32 $0x1EEE20, s0;
	[dreg:$0x1b] =	wrdreg s7  }
0x20: {  	s24 =	sadd.s32 $0x1EF620, s0;
	s25 =	sadd.s32 $0x1EFE20, s0;
	[dreg:$0x1c] =	wrdreg s20  }
0x21: {  	s0 =	sadd.s32 $0x1F0620, s0;
	s9 =	simm.s32 $0x1;
	[dreg:$0x1d] =	wrdreg s21  }
0x22: {  	s10 =	simm.s32 $0x100;
	s11 =	simm.s32 $0x2D00;
	[dreg:$0x1e] =	wrdreg s22  }
0x23: {  	s12 =	simm.s32 $0x3300;
	s6 =	simm.s32 $0x3700;
	[smem:$0x7F9] =	sst s23  }
0x24: {  	s13 =	simm.s32 $0x3900;
	s8 =	simm.s32 $0x3D00;
	[smem:$0x7FA] =	sst s24  }
0x25: {  	s14 =	simm.s32 $0x3F00;
	s15 =	simm.s32 $0x4100;
	[smem:$0x7FB] =	sst s25  }
0x26: {  	s4 =	ssub.s32 s4, s19;
	[smem:$0x7FC] =	sst s0;
	s22 =	simm.s32 $0x3800  }
0x27: {  	s23 =	simm.s32 $0x3A00;
	s24 =	simm.s32 $0x3C00;
	s25 =	simm.s32 $0x3E00  }
0x28: {  	s0 =	simm.s32 $0x2B00;
	s7 =	simm.s32 $0x3B00;
	s16 =	simm.s32 $0x2  }
0x29: {  	s17 =	simm.s32 $0x3;
	s18 =	simm.s32 $0x0;
	s26 =	smax.u32 s4, $0x1  }
0x2a: {  	s4 =	simm.s32 $0x3100;
	[smem:$0x7FD] =	sst s26;
	s26 =	simm.s32 $0x4000  }
.LBB2_1:
0x2b: {  	s19 =	rddreg [dreg:$0x1f]  }
0x2c: {  	[tilespmem:s2], [sflag:$0x1] =	stream.linear.gather [hbm4b:s19+s2], $0x200, $0x38;
	[tilespmem:$0x4200] =	vst v63  }
0x2d: {  	_ =	swait.ge [sflag:s9], $0x200  }
0x2e: {  	[sflag:s9] =	ssyncset.done $0x0  }
0x2f: {  	s19 =	simm.s32 $0x0;
	[sflag:s9] =	ssyncadd.s32 $0xFFFFFE00  }
0x30: {  	v0 =	vld [tilespmem:s19+$0x0];
	_ =	sdelay $0x4  }
0x31: {  	v1 =	vshll.u32 v0, $0x4  }
0x32: {  	v0 =	vand.u32 $0x7F, v0;
	v1 =	vand.u32 $0xFFFFF800, v1  }
0x33: {  	v0 =	vor.u32 v0, v1  }
0x34: {  	[tilespmem:s19+$0x200] =	vst v0;
	v1 =	vor.u32 $0x780, v0  }
0x35: {  	v2 =	vor.u32 $0x80, v0;
	[tilespmem:s19+$0x2000] =	vst v1  }
0x36: {  	v4 =	vor.u32 $0x280, v0;
	[tilespmem:s19+$0x400] =	vst v2  }
0x37: {  	v8 =	vor.u32 $0x300, v0;
	[tilespmem:s19+$0xC00] =	vst v4  }
0x38: {  	v5 =	vor.u32 $0x380, v0;
	v1 =	vor.u32 $0x100, v0;
	[tilespmem:s19+$0xE00] =	vst v8  }
0x39: {  	v7 =	vor.u32 $0x480, v0;
	v6 =	vor.u32 $0x500, v0;
	v2 =	vor.u32 $0x180, v0;
	[tilespmem:s19+$0x600] =	vst v1  }
0x3a: {  	v3 =	vor.u32 $0x580, v0;
	v4 =	vor.u32 $0x600, v0;
	v1 =	vor.u32 $0x200, v0;
	[tilespmem:s19+$0x800] =	vst v2  }
0x3b: {  	s20 =	simm.s32 $0x10;
	s21 =	simm.s32 $0x80;
	v2 =	vor.u32 $0x400, v0;
	[tilespmem:s19+$0xA00] =	vst v1;
	v1 =	vor.u32 $0x680, v0;
	v0 =	vor.u32 $0x700, v0  }
.LBB2_2:
0x3c: {  	p0 =	sne.s32 s21, $0x3C0;
	v8 =	vld [tilespmem:s20+$0x0];
	[tilespmem:s19+$0x1000] =	vst v5  }
0x3d: {  	[tilespmem:s19+$0x1200] =	vst v2  }
0x3e: {  	[tilespmem:s19+$0x1400] =	vst v7  }
0x3f: {  	[tilespmem:s19+$0x1600] =	vst v6  }
0x40: {  	[tilespmem:s19+$0x1800] =	vst v3  }
0x41: {  	v2 =	vshll.u32 v8, $0x4;
	[tilespmem:s19+$0x1A00] =	vst v4  }
0x42: {  	v3 =	vand.u32 $0x7F, v8;
	v2 =	vand.u32 $0xFFFFF800, v2;
	[tilespmem:s19+$0x1C00] =	vst v1  }
0x43: {  	v8 =	vor.u32 v3, v2;
	[tilespmem:s19+$0x1E00] =	vst v0;
	s19 =	smov.u32 s20  }
0x44: {  	[tilespmem:s19+$0x200] =	vst v8;
	v0 =	vor.u32 $0x80, v8;
	v1 =	vor.u32 $0x100, v8;
	v2 =	vor.u32 $0x780, v8  }
0x45: {  	v4 =	vor.u32 $0x180, v8;
	v9 =	vor.u32 $0x200, v8;
	v10 =	vor.u32 $0x280, v8;
	[tilespmem:s19+$0x2000] =	vst v2  }
0x46: {  	v11 =	vor.u32 $0x300, v8;
	v5 =	vor.u32 $0x380, v8;
	v2 =	vor.u32 $0x400, v8;
	[tilespmem:s19+$0x400] =	vst v0  }
.Ltmp0:
0x47: {  	v7 =	vor.u32 $0x480, v8;
	v6 =	vor.u32 $0x500, v8;
	v3 =	vor.u32 $0x580, v8;
	[tilespmem:s19+$0x600] =	vst v1;
	(pc) =	sbr.rel @p0 .LBB2_2-.Ltmp0, $4  }
0x48: {  	v0 =	vor.u32 $0x700, v8;
	v1 =	vor.u32 $0x680, v8;
	[tilespmem:s19+$0x800] =	vst v4;
	v4 =	vor.u32 $0x600, v8  }
0x49: {  	[tilespmem:s19+$0xA00] =	vst v9  }
0x4a: {  	[tilespmem:s19+$0xC00] =	vst v10  }
0x4b: {  	s20 =	sshra.s32 s21, $0x2;
	s21 =	sadd.s32 $0x40, s21;
	[tilespmem:s19+$0xE00] =	vst v11  }
0x4c: {  	v8 =	vld [tilespmem:s20+$0x0];
	[tilespmem:s19+$0x1000] =	vst v5  }
0x4d: {  	[tilespmem:s19+$0x1200] =	vst v2  }
0x4e: {  	[tilespmem:s19+$0x1400] =	vst v7  }
0x4f: {  	[tilespmem:s19+$0x1600] =	vst v6  }
0x50: {  	[tilespmem:s19+$0x1800] =	vst v3  }
0x51: {  	[tilespmem:s19+$0x1A00] =	vst v4;
	v2 =	vshll.u32 v8, $0x4  }
0x52: {  	[tilespmem:s19+$0x1C00] =	vst v1;
	v3 =	vand.u32 $0x7F, v8;
	v2 =	vand.u32 $0xFFFFF800, v2  }
0x53: {  	[tilespmem:s19+$0x1E00] =	vst v0;
	v1 =	vor.u32 v3, v2  }
0x54: {  	[tilespmem:s20+$0x200] =	vst v1;
	v0 =	vor.u32 $0x780, v1  }
0x55: {  	v2 =	vor.u32 $0x80, v1;
	[tilespmem:s20+$0x2000] =	vst v0  }
0x56: {  	v0 =	vor.u32 $0x100, v1;
	[tilespmem:s20+$0x400] =	vst v2  }
0x57: {  	v2 =	vor.u32 $0x180, v1;
	[tilespmem:s20+$0x600] =	vst v0  }
0x58: {  	v0 =	vor.u32 $0x200, v1;
	[tilespmem:s20+$0x800] =	vst v2  }
0x59: {  	v2 =	vor.u32 $0x280, v1;
	[tilespmem:s20+$0xA00] =	vst v0  }
0x5a: {  	v0 =	vor.u32 $0x300, v1;
	[tilespmem:s20+$0xC00] =	vst v2  }
0x5b: {  	v2 =	vor.u32 $0x380, v1;
	[tilespmem:s20+$0xE00] =	vst v0  }
0x5c: {  	v0 =	vor.u32 $0x400, v1;
	[tilespmem:s20+$0x1000] =	vst v2  }
0x5d: {  	v2 =	vor.u32 $0x480, v1;
	[tilespmem:s20+$0x1200] =	vst v0  }
0x5e: {  	v0 =	vor.u32 $0x500, v1;
	[tilespmem:s20+$0x1400] =	vst v2  }
0x5f: {  	v2 =	vor.u32 $0x580, v1;
	[tilespmem:s20+$0x1600] =	vst v0  }
0x60: {  	v0 =	vor.u32 $0x600, v1;
	[tilespmem:s20+$0x1800] =	vst v2  }
0x61: {  	v2 =	vor.u32 $0x680, v1;
	[tilespmem:s20+$0x1A00] =	vst v0  }
0x62: {  	v0 =	vor.u32 $0x700, v1;
	[tilespmem:s20+$0x1C00] =	vst v2  }
0x63: {  	s21 =	simm.s32 $0x2200;
	[tilespmem:s20+$0x1E00] =	vst v0;
	s20 =	simm.s32 $0x200  }
0x64: {  	[tilespmem:s21], [sflag:$0x2] =	stream.indirect.gather [hbm4b:s3+s10], $0x1, s20, s10, $0xb8;
	[tilespmem:$0x4200] =	vst v63  }
0x65: {  	s20 =	simm.s32 $0x400;
	s21 =	simm.s32 $0x2400  }
0x66: {  	[tilespmem:s21], [sflag:$0x2] =	stream.indirect.gather [hbm4b:s3+s10], $0x1, s20, s10, $0xb8;
	[tilespmem:$0x4200] =	vst v63  }
0x67: {  	s20 =	simm.s32 $0x600;
	s21 =	simm.s32 $0x2600  }
0x68: {  	[tilespmem:s21], [sflag:$0x2] =	stream.indirect.gather [hbm4b:s3+s10], $0x1, s20, s10, $0xb8;
	[tilespmem:$0x4200] =	vst v63  }
0x69: {  	s20 =	simm.s32 $0x800;
	s21 =	simm.s32 $0x2800  }
0x6a: {  	[tilespmem:s21], [sflag:$0x2] =	stream.indirect.gather [hbm4b:s3+s10], $0x1, s20, s10, $0xb8;
	[tilespmem:$0x4200] =	vst v63  }
0x6b: {  	s20 =	simm.s32 $0xA00;
	s21 =	simm.s32 $0x2A00  }
0x6c: {  	[tilespmem:s21], [sflag:$0x2] =	stream.indirect.gather [hbm4b:s3+s10], $0x1, s20, s10, $0xb8;
	[tilespmem:$0x4200] =	vst v63  }
0x6d: {  	s20 =	simm.s32 $0xC00;
	s21 =	simm.s32 $0x2C00  }
0x6e: {  	[tilespmem:s21], [sflag:$0x2] =	stream.indirect.gather [hbm4b:s3+s10], $0x1, s20, s10, $0xb8;
	[tilespmem:$0x4200] =	vst v63  }
0x6f: {  	s20 =	simm.s32 $0xE00;
	s21 =	simm.s32 $0x2E00  }
0x70: {  	[tilespmem:s21], [sflag:$0x2] =	stream.indirect.gather [hbm4b:s3+s10], $0x1, s20, s10, $0xb8;
	[tilespmem:$0x4200] =	vst v63  }
0x71: {  	s20 =	simm.s32 $0x1000;
	s21 =	simm.s32 $0x3000  }
0x72: {  	[tilespmem:s21], [sflag:$0x2] =	stream.indirect.gather [hbm4b:s3+s10], $0x1, s20, s10, $0xb8;
	[tilespmem:$0x4200] =	vst v63  }
0x73: {  	s20 =	simm.s32 $0x1200;
	s21 =	simm.s32 $0x3200  }
0x74: {  	[tilespmem:s21], [sflag:$0x2] =	stream.indirect.gather [hbm4b:s3+s10], $0x1, s20, s10, $0xb8;
	[tilespmem:$0x4200] =	vst v63  }
0x75: {  	s20 =	simm.s32 $0x1400;
	s21 =	simm.s32 $0x3400  }
0x76: {  	[tilespmem:s21], [sflag:$0x2] =	stream.indirect.gather [hbm4b:s3+s10], $0x1, s20, s10, $0xb8;
	[tilespmem:$0x4200] =	vst v63  }
0x77: {  	s20 =	simm.s32 $0x1600;
	s21 =	simm.s32 $0x3600  }
0x78: {  	[tilespmem:s21], [sflag:$0x2] =	stream.indirect.gather [hbm4b:s3+s10], $0x1, s20, s10, $0xb8;
	[tilespmem:$0x4200] =	vst v63  }
0x79: {  	s21 =	simm.s32 $0x1800  }
0x7a: {  	[tilespmem:s22], [sflag:$0x2] =	stream.indirect.gather [hbm4b:s3+s10], $0x1, s21, s10, $0xb8;
	[tilespmem:$0x4200] =	vst v63  }
0x7b: {  	s20 =	simm.s32 $0x1A00  }
0x7c: {  	[tilespmem:s23], [sflag:$0x2] =	stream.indirect.gather [hbm4b:s3+s10], $0x1, s20, s10, $0xb8;
	[tilespmem:$0x4200] =	vst v63  }
0x7d: {  	s21 =	simm.s32 $0x1C00  }
0x7e: {  	[tilespmem:s24], [sflag:$0x2] =	stream.indirect.gather [hbm4b:s3+s10], $0x1, s21, s10, $0xb8;
	[tilespmem:$0x4200] =	vst v63  }
0x7f: {  	s20 =	simm.s32 $0x1E00  }
0x80: {  	[tilespmem:s25], [sflag:$0x2] =	stream.indirect.gather [hbm4b:s3+s10], $0x1, s20, s10, $0xb8;
	[tilespmem:$0x4200] =	vst v63  }
0x81: {  	s19 =	simm.s32 $0x0;
	s21 =	simm.s32 $0x2000  }
0x82: {  	[tilespmem:s26], [sflag:$0x2] =	stream.indirect.gather [hbm4b:s3+s10], $0x1, s21, s10, $0xb8;
	[tilespmem:$0x4200] =	vst v63  }
0x83: {  	v0 =	vld [tilespmem:s19+$0x100];
	_ =	sdelay $0x4  }
0x84: {  	v1 =	vshll.u32 v0, $0x4  }
0x85: {  	v0 =	vand.u32 $0x7F, v0;
	v1 =	vand.u32 $0xFFFFF800, v1  }
0x86: {  	v0 =	vor.u32 v0, v1  }
0x87: {  	[tilespmem:s19+$0x300] =	vst v0;
	v1 =	vor.u32 $0x780, v0  }
0x88: {  	v2 =	vor.u32 $0x80, v0;
	[tilespmem:s19+$0x2100] =	vst v1  }
0x89: {  	v4 =	vor.u32 $0x280, v0;
	[tilespmem:s19+$0x500] =	vst v2  }
0x8a: {  	v8 =	vor.u32 $0x300, v0;
	[tilespmem:s19+$0xD00] =	vst v4  }
0x8b: {  	v5 =	vor.u32 $0x380, v0;
	v1 =	vor.u32 $0x100, v0;
	[tilespmem:s19+$0xF00] =	vst v8  }
0x8c: {  	v7 =	vor.u32 $0x480, v0;
	v6 =	vor.u32 $0x500, v0;
	v2 =	vor.u32 $0x180, v0;
	[tilespmem:s19+$0x700] =	vst v1  }
0x8d: {  	v3 =	vor.u32 $0x580, v0;
	v4 =	vor.u32 $0x600, v0;
	v1 =	vor.u32 $0x200, v0;
	[tilespmem:s19+$0x900] =	vst v2  }
0x8e: {  	s20 =	simm.s32 $0x10;
	s21 =	simm.s32 $0x80;
	v2 =	vor.u32 $0x400, v0;
	[tilespmem:s19+$0xB00] =	vst v1;
	v1 =	vor.u32 $0x680, v0;
	v0 =	vor.u32 $0x700, v0  }
.LBB2_4:
0x8f: {  	p0 =	sne.s32 s21, $0x3C0;
	v8 =	vld [tilespmem:s20+$0x100];
	[tilespmem:s19+$0x1100] =	vst v5  }
0x90: {  	[tilespmem:s19+$0x1300] =	vst v2  }
0x91: {  	[tilespmem:s19+$0x1500] =	vst v7  }
0x92: {  	[tilespmem:s19+$0x1700] =	vst v6  }
0x93: {  	[tilespmem:s19+$0x1900] =	vst v3  }
0x94: {  	v2 =	vshll.u32 v8, $0x4;
	[tilespmem:s19+$0x1B00] =	vst v4  }
0x95: {  	v3 =	vand.u32 $0x7F, v8;
	v2 =	vand.u32 $0xFFFFF800, v2;
	[tilespmem:s19+$0x1D00] =	vst v1  }
0x96: {  	v8 =	vor.u32 v3, v2;
	[tilespmem:s19+$0x1F00] =	vst v0;
	s19 =	smov.u32 s20  }
0x97: {  	[tilespmem:s19+$0x300] =	vst v8;
	v0 =	vor.u32 $0x80, v8;
	v1 =	vor.u32 $0x100, v8;
	v2 =	vor.u32 $0x780, v8  }
0x98: {  	v4 =	vor.u32 $0x180, v8;
	v9 =	vor.u32 $0x200, v8;
	v10 =	vor.u32 $0x280, v8;
	[tilespmem:s19+$0x2100] =	vst v2  }
0x99: {  	v11 =	vor.u32 $0x300, v8;
	v5 =	vor.u32 $0x380, v8;
	v2 =	vor.u32 $0x400, v8;
	[tilespmem:s19+$0x500] =	vst v0  }
.Ltmp1:
0x9a: {  	v7 =	vor.u32 $0x480, v8;
	v6 =	vor.u32 $0x500, v8;
	v3 =	vor.u32 $0x580, v8;
	[tilespmem:s19+$0x700] =	vst v1;
	(pc) =	sbr.rel @p0 .LBB2_4-.Ltmp1, $4  }
0x9b: {  	v0 =	vor.u32 $0x700, v8;
	v1 =	vor.u32 $0x680, v8;
	[tilespmem:s19+$0x900] =	vst v4;
	v4 =	vor.u32 $0x600, v8  }
0x9c: {  	[tilespmem:s19+$0xB00] =	vst v9  }
0x9d: {  	[tilespmem:s19+$0xD00] =	vst v10  }
0x9e: {  	s20 =	sshra.s32 s21, $0x2;
	s21 =	sadd.s32 $0x40, s21;
	[tilespmem:s19+$0xF00] =	vst v11  }
0x9f: {  	v8 =	vld [tilespmem:s20+$0x100];
	[tilespmem:s19+$0x1100] =	vst v5  }
0xa0: {  	[tilespmem:s19+$0x1300] =	vst v2  }
0xa1: {  	[tilespmem:s19+$0x1500] =	vst v7  }
0xa2: {  	[tilespmem:s19+$0x1700] =	vst v6  }
0xa3: {  	[tilespmem:s19+$0x1900] =	vst v3  }
0xa4: {  	[tilespmem:s19+$0x1B00] =	vst v4;
	v48 =	vshll.u32 v8, $0x4  }
0xa5: {  	[tilespmem:s19+$0x1D00] =	vst v1;
	v49 =	vand.u32 $0x7F, v8;
	v2 =	vand.u32 $0xFFFFF800, v48  }
0xa6: {  	[tilespmem:s19+$0x1F00] =	vst v0;
	v50 =	vor.u32 v49, v2  }
0xa7: {  	[tilespmem:s20+$0x300] =	vst v50;
	v51 =	vor.u32 $0x780, v50  }
0xa8: {  	v2 =	vor.u32 $0x80, v50;
	[tilespmem:s20+$0x2100] =	vst v51  }
0xa9: {  	v52 =	vor.u32 $0x100, v50;
	[tilespmem:s20+$0x500] =	vst v2  }
0xaa: {  	v53 =	vor.u32 $0x180, v50;
	[tilespmem:s20+$0x700] =	vst v52  }
0xab: {  	v54 =	vor.u32 $0x200, v50;
	[tilespmem:s20+$0x900] =	vst v53  }
0xac: {  	v55 =	vor.u32 $0x280, v50;
	[tilespmem:s20+$0xB00] =	vst v54  }
0xad: {  	v56 =	vor.u32 $0x300, v50;
	[tilespmem:s20+$0xD00] =	vst v55  }
0xae: {  	v57 =	vor.u32 $0x380, v50;
	[tilespmem:s20+$0xF00] =	vst v56  }
0xaf: {  	v58 =	vor.u32 $0x400, v50;
	[tilespmem:s20+$0x1100] =	vst v57  }
0xb0: {  	v59 =	vor.u32 $0x480, v50;
	[tilespmem:s20+$0x1300] =	vst v58  }
0xb1: {  	v60 =	vor.u32 $0x500, v50;
	[tilespmem:s20+$0x1500] =	vst v59  }
0xb2: {  	v61 =	vor.u32 $0x580, v50;
	[tilespmem:s20+$0x1700] =	vst v60  }
0xb3: {  	v62 =	vor.u32 $0x600, v50;
	[tilespmem:s20+$0x1900] =	vst v61  }
0xb4: {  	v63 =	vor.u32 $0x680, v50;
	[tilespmem:s20+$0x1B00] =	vst v62  }
0xb5: {  	v0 =	vor.u32 $0x700, v50;
	[tilespmem:s20+$0x1D00] =	vst v63  }
0xb6: {  	[tilespmem:s20+$0x1F00] =	vst v0;
	s20 =	simm.s32 $0x300  }
0xb7: {  	[tilespmem:s28], [sflag:$0x2] =	stream.indirect.gather [hbm4b:s3+s10], $0x1, s20, s10, $0xb8;
	[tilespmem:$0x4200] =	vst v63  }
0xb8: {  	s21 =	simm.s32 $0x500  }
0xb9: {  	[tilespmem:s29], [sflag:$0x2] =	stream.indirect.gather [hbm4b:s3+s10], $0x1, s21, s10, $0xb8;
	[tilespmem:$0x4200] =	vst v63  }
0xba: {  	s20 =	simm.s32 $0x700  }
0xbb: {  	[tilespmem:s30], [sflag:$0x2] =	stream.indirect.gather [hbm4b:s3+s10], $0x1, s20, s10, $0xb8;
	[tilespmem:$0x4200] =	vst v63  }
0xbc: {  	s21 =	simm.s32 $0x900  }
0xbd: {  	[tilespmem:s31], [sflag:$0x2] =	stream.indirect.gather [hbm4b:s3+s10], $0x1, s21, s10, $0xb8;
	[tilespmem:$0x4200] =	vst v63  }
0xbe: {  	s20 =	simm.s32 $0xB00  }
0xbf: {  	[tilespmem:s0], [sflag:$0x2] =	stream.indirect.gather [hbm4b:s3+s10], $0x1, s20, s10, $0xb8;
	[tilespmem:$0x4200] =	vst v63  }
0xc0: {  	s21 =	simm.s32 $0xD00  }
0xc1: {  	[tilespmem:s11], [sflag:$0x2] =	stream.indirect.gather [hbm4b:s3+s10], $0x1, s21, s10, $0xb8;
	[tilespmem:$0x4200] =	vst v63  }
0xc2: {  	s20 =	simm.s32 $0xF00  }
0xc3: {  	[tilespmem:s1], [sflag:$0x2] =	stream.indirect.gather [hbm4b:s3+s10], $0x1, s20, s10, $0xb8;
	[tilespmem:$0x4200] =	vst v63  }
0xc4: {  	s21 =	simm.s32 $0x1100  }
0xc5: {  	[tilespmem:s4], [sflag:$0x2] =	stream.indirect.gather [hbm4b:s3+s10], $0x1, s21, s10, $0xb8;
	[tilespmem:$0x4200] =	vst v63  }
0xc6: {  	s20 =	simm.s32 $0x1300  }
0xc7: {  	[tilespmem:s12], [sflag:$0x2] =	stream.indirect.gather [hbm4b:s3+s10], $0x1, s20, s10, $0xb8;
	[tilespmem:$0x4200] =	vst v63  }
0xc8: {  	s21 =	simm.s32 $0x1500  }
0xc9: {  	[tilespmem:s5], [sflag:$0x2] =	stream.indirect.gather [hbm4b:s3+s10], $0x1, s21, s10, $0xb8;
	[tilespmem:$0x4200] =	vst v63  }
0xca: {  	s20 =	simm.s32 $0x1700  }
0xcb: {  	[tilespmem:s6], [sflag:$0x2] =	stream.indirect.gather [hbm4b:s3+s10], $0x1, s20, s10, $0xb8;
	[tilespmem:$0x4200] =	vst v63  }
0xcc: {  	s21 =	simm.s32 $0x1900  }
0xcd: {  	[tilespmem:s13], [sflag:$0x2] =	stream.indirect.gather [hbm4b:s3+s10], $0x1, s21, s10, $0xb8;
	[tilespmem:$0x4200] =	vst v63  }
0xce: {  	s20 =	simm.s32 $0x1B00  }
0xcf: {  	[tilespmem:s7], [sflag:$0x2] =	stream.indirect.gather [hbm4b:s3+s10], $0x1, s20, s10, $0xb8;
	[tilespmem:$0x4200] =	vst v63  }
0xd0: {  	s21 =	simm.s32 $0x1D00  }
0xd1: {  	[tilespmem:s8], [sflag:$0x2] =	stream.indirect.gather [hbm4b:s3+s10], $0x1, s21, s10, $0xb8;
	[tilespmem:$0x4200] =	vst v63  }
0xd2: {  	s20 =	simm.s32 $0x1F00  }
0xd3: {  	[tilespmem:s14], [sflag:$0x2] =	stream.indirect.gather [hbm4b:s3+s10], $0x1, s20, s10, $0xb8;
	[tilespmem:$0x4200] =	vst v63  }
0xd4: {  	s21 =	simm.s32 $0x2100  }
0xd5: {  	[tilespmem:s15], [sflag:$0x2] =	stream.indirect.gather [hbm4b:s3+s10], $0x1, s21, s10, $0xb8;
	[tilespmem:$0x4200] =	vst v63  }
0xd6: {  	_ =	swait.ge [sflag:s16], $0x100  }
0xd7: {  	[sflag:s16] =	ssyncset.done $0x0  }
0xd8: {  	s21 =	simm.s32 $0x2200;
	s20 =	rddreg [dreg:$0x3];
	[sflag:s16] =	ssyncadd.s32 $0xFFFFFF00  }
0xd9: {  	[hbm4b:s20+s2] =	stream.linear.scatter [tilespmem:s21], [sflag:$0x3], $0x100, $0x38;
	[tilespmem:$0x4200] =	vst v63  }
0xda: {  	_ =	swait.ge [sflag:s16], $0x100  }
0xdb: {  	[sflag:s16] =	ssyncset.done $0x0  }
0xdc: {  	s21 =	simm.s32 $0x2400;
	s20 =	rddreg [dreg:$0x4];
	[sflag:s16] =	ssyncadd.s32 $0xFFFFFF00  }
0xdd: {  	[hbm4b:s20+s2] =	stream.linear.scatter [tilespmem:s21], [sflag:$0x3], $0x100, $0x38;
	[tilespmem:$0x4200] =	vst v63  }
0xde: {  	_ =	swait.ge [sflag:s16], $0x100  }
0xdf: {  	[sflag:s16] =	ssyncset.done $0x0  }
0xe0: {  	s21 =	simm.s32 $0x2600;
	s20 =	rddreg [dreg:$0x5];
	[sflag:s16] =	ssyncadd.s32 $0xFFFFFF00  }
0xe1: {  	[hbm4b:s20+s2] =	stream.linear.scatter [tilespmem:s21], [sflag:$0x3], $0x100, $0x38;
	[tilespmem:$0x4200] =	vst v63  }
0xe2: {  	_ =	swait.ge [sflag:s16], $0x100  }
0xe3: {  	[sflag:s16] =	ssyncset.done $0x0  }
0xe4: {  	s21 =	simm.s32 $0x2800;
	s20 =	rddreg [dreg:$0x6];
	[sflag:s16] =	ssyncadd.s32 $0xFFFFFF00  }
0xe5: {  	[hbm4b:s20+s2] =	stream.linear.scatter [tilespmem:s21], [sflag:$0x3], $0x100, $0x38;
	[tilespmem:$0x4200] =	vst v63  }
0xe6: {  	_ =	swait.ge [sflag:s16], $0x100  }
0xe7: {  	[sflag:s16] =	ssyncset.done $0x0  }
0xe8: {  	s21 =	simm.s32 $0x2A00;
	s20 =	rddreg [dreg:$0x7];
	[sflag:s16] =	ssyncadd.s32 $0xFFFFFF00  }
0xe9: {  	[hbm4b:s20+s2] =	stream.linear.scatter [tilespmem:s21], [sflag:$0x3], $0x100, $0x38;
	[tilespmem:$0x4200] =	vst v63  }
0xea: {  	_ =	swait.ge [sflag:s16], $0x100  }
0xeb: {  	[sflag:s16] =	ssyncset.done $0x0  }
0xec: {  	s21 =	simm.s32 $0x2C00;
	s20 =	rddreg [dreg:$0x8];
	[sflag:s16] =	ssyncadd.s32 $0xFFFFFF00  }
0xed: {  	[hbm4b:s20+s2] =	stream.linear.scatter [tilespmem:s21], [sflag:$0x3], $0x100, $0x38;
	[tilespmem:$0x4200] =	vst v63  }
0xee: {  	_ =	swait.ge [sflag:s16], $0x100  }
0xef: {  	[sflag:s16] =	ssyncset.done $0x0  }
0xf0: {  	s21 =	simm.s32 $0x2E00;
	s20 =	rddreg [dreg:$0x9];
	[sflag:s16] =	ssyncadd.s32 $0xFFFFFF00  }
0xf1: {  	[hbm4b:s20+s2] =	stream.linear.scatter [tilespmem:s21], [sflag:$0x3], $0x100, $0x38;
	[tilespmem:$0x4200] =	vst v63  }
0xf2: {  	_ =	swait.ge [sflag:s16], $0x100  }
0xf3: {  	[sflag:s16] =	ssyncset.done $0x0  }
0xf4: {  	s21 =	simm.s32 $0x3000;
	s20 =	rddreg [dreg:$0xa];
	[sflag:s16] =	ssyncadd.s32 $0xFFFFFF00  }
0xf5: {  	[hbm4b:s20+s2] =	stream.linear.scatter [tilespmem:s21], [sflag:$0x3], $0x100, $0x38;
	[tilespmem:$0x4200] =	vst v63  }
0xf6: {  	_ =	swait.ge [sflag:s16], $0x100  }
0xf7: {  	[sflag:s16] =	ssyncset.done $0x0  }
0xf8: {  	s21 =	simm.s32 $0x3200;
	s20 =	rddreg [dreg:$0xb];
	[sflag:s16] =	ssyncadd.s32 $0xFFFFFF00  }
0xf9: {  	[hbm4b:s20+s2] =	stream.linear.scatter [tilespmem:s21], [sflag:$0x3], $0x100, $0x38;
	[tilespmem:$0x4200] =	vst v63  }
0xfa: {  	_ =	swait.ge [sflag:s16], $0x100  }
0xfb: {  	[sflag:s16] =	ssyncset.done $0x0  }
0xfc: {  	s21 =	simm.s32 $0x3400;
	s20 =	rddreg [dreg:$0xc];
	[sflag:s16] =	ssyncadd.s32 $0xFFFFFF00  }
0xfd: {  	[hbm4b:s20+s2] =	stream.linear.scatter [tilespmem:s21], [sflag:$0x3], $0x100, $0x38;
	[tilespmem:$0x4200] =	vst v63  }
0xfe: {  	_ =	swait.ge [sflag:s16], $0x100  }
0xff: {  	[sflag:s16] =	ssyncset.done $0x0  }
0x100: {  	s21 =	simm.s32 $0x3600;
	s20 =	rddreg [dreg:$0xd];
	[sflag:s16] =	ssyncadd.s32 $0xFFFFFF00  }
0x101: {  	[hbm4b:s20+s2] =	stream.linear.scatter [tilespmem:s21], [sflag:$0x3], $0x100, $0x38;
	[tilespmem:$0x4200] =	vst v63  }
0x102: {  	_ =	swait.ge [sflag:s16], $0x100  }
0x103: {  	[sflag:s16] =	ssyncset.done $0x0  }
0x104: {  	s20 =	rddreg [dreg:$0xe];
	[sflag:s16] =	ssyncadd.s32 $0xFFFFFF00  }
0x105: {  	[hbm4b:s20+s2] =	stream.linear.scatter [tilespmem:s22], [sflag:$0x3], $0x100, $0x38;
	[tilespmem:$0x4200] =	vst v63  }
0x106: {  	_ =	swait.ge [sflag:s16], $0x100  }
0x107: {  	[sflag:s16] =	ssyncset.done $0x0  }
0x108: {  	s21 =	rddreg [dreg:$0xf];
	[sflag:s16] =	ssyncadd.s32 $0xFFFFFF00  }
0x109: {  	[hbm4b:s21+s2] =	stream.linear.scatter [tilespmem:s23], [sflag:$0x3], $0x100, $0x38;
	[tilespmem:$0x4200] =	vst v63  }
0x10a: {  	_ =	swait.ge [sflag:s16], $0x100  }
0x10b: {  	[sflag:s16] =	ssyncset.done $0x0  }
0x10c: {  	s20 =	rddreg [dreg:$0x10];
	[sflag:s16] =	ssyncadd.s32 $0xFFFFFF00  }
0x10d: {  	[hbm4b:s20+s2] =	stream.linear.scatter [tilespmem:s24], [sflag:$0x3], $0x100, $0x38;
	[tilespmem:$0x4200] =	vst v63  }
0x10e: {  	_ =	swait.ge [sflag:s16], $0x100  }
0x10f: {  	[sflag:s16] =	ssyncset.done $0x0  }
0x110: {  	s21 =	rddreg [dreg:$0x11];
	[sflag:s16] =	ssyncadd.s32 $0xFFFFFF00  }
0x111: {  	[hbm4b:s21+s2] =	stream.linear.scatter [tilespmem:s25], [sflag:$0x3], $0x100, $0x38;
	[tilespmem:$0x4200] =	vst v63  }
0x112: {  	_ =	swait.ge [sflag:s16], $0x100  }
0x113: {  	[sflag:s16] =	ssyncset.done $0x0  }
0x114: {  	s20 =	rddreg [dreg:$0x12];
	[sflag:s16] =	ssyncadd.s32 $0xFFFFFF00  }
0x115: {  	[hbm4b:s20+s2] =	stream.linear.scatter [tilespmem:s26], [sflag:$0x3], $0x100, $0x38;
	[tilespmem:$0x4200] =	vst v63  }
0x116: {  	_ =	swait.ge [sflag:s16], $0x100  }
0x117: {  	[sflag:s16] =	ssyncset.done $0x0  }
0x118: {  	s21 =	rddreg [dreg:$0x13];
	[sflag:s16] =	ssyncadd.s32 $0xFFFFFF00  }
0x119: {  	[hbm4b:s21+s2] =	stream.linear.scatter [tilespmem:s28], [sflag:$0x3], $0x100, $0x38;
	[tilespmem:$0x4200] =	vst v63  }
0x11a: {  	_ =	swait.ge [sflag:s16], $0x100  }
0x11b: {  	[sflag:s16] =	ssyncset.done $0x0  }
0x11c: {  	s20 =	rddreg [dreg:$0x14];
	[sflag:s16] =	ssyncadd.s32 $0xFFFFFF00  }
0x11d: {  	[hbm4b:s20+s2] =	stream.linear.scatter [tilespmem:s29], [sflag:$0x3], $0x100, $0x38;
	[tilespmem:$0x4200] =	vst v63  }
0x11e: {  	_ =	swait.ge [sflag:s16], $0x100  }
0x11f: {  	[sflag:s16] =	ssyncset.done $0x0  }
0x120: {  	s21 =	rddreg [dreg:$0x15];
	[sflag:s16] =	ssyncadd.s32 $0xFFFFFF00  }
0x121: {  	[hbm4b:s21+s2] =	stream.linear.scatter [tilespmem:s30], [sflag:$0x3], $0x100, $0x38;
	[tilespmem:$0x4200] =	vst v63  }
0x122: {  	_ =	swait.ge [sflag:s16], $0x100  }
0x123: {  	[sflag:s16] =	ssyncset.done $0x0  }
0x124: {  	s20 =	rddreg [dreg:$0x16];
	[sflag:s16] =	ssyncadd.s32 $0xFFFFFF00  }
0x125: {  	[hbm4b:s20+s2] =	stream.linear.scatter [tilespmem:s31], [sflag:$0x3], $0x100, $0x38;
	[tilespmem:$0x4200] =	vst v63  }
0x126: {  	_ =	swait.ge [sflag:s16], $0x100  }
0x127: {  	[sflag:s16] =	ssyncset.done $0x0  }
0x128: {  	s21 =	rddreg [dreg:$0x17];
	[sflag:s16] =	ssyncadd.s32 $0xFFFFFF00  }
0x129: {  	[hbm4b:s21+s2] =	stream.linear.scatter [tilespmem:s0], [sflag:$0x3], $0x100, $0x38;
	[tilespmem:$0x4200] =	vst v63  }
0x12a: {  	_ =	swait.ge [sflag:s16], $0x100  }
0x12b: {  	[sflag:s16] =	ssyncset.done $0x0  }
0x12c: {  	s20 =	rddreg [dreg:$0x18];
	[sflag:s16] =	ssyncadd.s32 $0xFFFFFF00  }
0x12d: {  	[hbm4b:s20+s2] =	stream.linear.scatter [tilespmem:s11], [sflag:$0x3], $0x100, $0x38;
	[tilespmem:$0x4200] =	vst v63  }
0x12e: {  	_ =	swait.ge [sflag:s16], $0x100  }
0x12f: {  	[sflag:s16] =	ssyncset.done $0x0  }
0x130: {  	s21 =	rddreg [dreg:$0x19];
	[sflag:s16] =	ssyncadd.s32 $0xFFFFFF00  }
0x131: {  	[hbm4b:s21+s2] =	stream.linear.scatter [tilespmem:s1], [sflag:$0x3], $0x100, $0x38;
	[tilespmem:$0x4200] =	vst v63  }
0x132: {  	_ =	swait.ge [sflag:s16], $0x100  }
0x133: {  	[sflag:s16] =	ssyncset.done $0x0  }
0x134: {  	s20 =	rddreg [dreg:$0x1a];
	[sflag:s16] =	ssyncadd.s32 $0xFFFFFF00  }
0x135: {  	[hbm4b:s20+s2] =	stream.linear.scatter [tilespmem:s4], [sflag:$0x3], $0x100, $0x38;
	[tilespmem:$0x4200] =	vst v63  }
0x136: {  	_ =	swait.ge [sflag:s16], $0x100  }
0x137: {  	[sflag:s16] =	ssyncset.done $0x0  }
0x138: {  	s21 =	rddreg [dreg:$0x1b];
	[sflag:s16] =	ssyncadd.s32 $0xFFFFFF00  }
0x139: {  	[hbm4b:s21+s2] =	stream.linear.scatter [tilespmem:s12], [sflag:$0x3], $0x100, $0x38;
	[tilespmem:$0x4200] =	vst v63  }
0x13a: {  	_ =	swait.ge [sflag:s16], $0x100  }
0x13b: {  	[sflag:s16] =	ssyncset.done $0x0  }
0x13c: {  	s20 =	rddreg [dreg:$0x1c];
	[sflag:s16] =	ssyncadd.s32 $0xFFFFFF00  }
0x13d: {  	[hbm4b:s20+s2] =	stream.linear.scatter [tilespmem:s5], [sflag:$0x3], $0x100, $0x38;
	[tilespmem:$0x4200] =	vst v63  }
0x13e: {  	_ =	swait.ge [sflag:s16], $0x100  }
0x13f: {  	[sflag:s16] =	ssyncset.done $0x0  }
0x140: {  	s21 =	rddreg [dreg:$0x1d];
	[sflag:s16] =	ssyncadd.s32 $0xFFFFFF00  }
0x141: {  	[hbm4b:s21+s2] =	stream.linear.scatter [tilespmem:s6], [sflag:$0x3], $0x100, $0x38;
	[tilespmem:$0x4200] =	vst v63  }
0x142: {  	_ =	swait.ge [sflag:s16], $0x100  }
0x143: {  	[sflag:s16] =	ssyncset.done $0x0  }
0x144: {  	s20 =	rddreg [dreg:$0x1e];
	[sflag:s16] =	ssyncadd.s32 $0xFFFFFF00  }
0x145: {  	[hbm4b:s20+s2] =	stream.linear.scatter [tilespmem:s13], [sflag:$0x3], $0x100, $0x38;
	[tilespmem:$0x4200] =	vst v63  }
0x146: {  	_ =	swait.ge [sflag:s16], $0x100  }
0x147: {  	s21 =	sld [smem:$0x7F9]  }
0x148: {  	[sflag:s16] =	ssyncset.done $0x0  }
0x149: {  	[sflag:s16] =	ssyncadd.s32 $0xFFFFFF00  }
0x14a: {  	[hbm4b:s21+s2] =	stream.linear.scatter [tilespmem:s7], [sflag:$0x3], $0x100, $0x38;
	[tilespmem:$0x4200] =	vst v63  }
0x14b: {  	_ =	swait.ge [sflag:s16], $0x100  }
0x14c: {  	s20 =	sld [smem:$0x7FA]  }
0x14d: {  	[sflag:s16] =	ssyncset.done $0x0  }
0x14e: {  	[sflag:s16] =	ssyncadd.s32 $0xFFFFFF00  }
0x14f: {  	[hbm4b:s20+s2] =	stream.linear.scatter [tilespmem:s8], [sflag:$0x3], $0x100, $0x38;
	[tilespmem:$0x4200] =	vst v63  }
0x150: {  	_ =	swait.ge [sflag:s16], $0x100  }
0x151: {  	s21 =	sld [smem:$0x7FB]  }
0x152: {  	[sflag:s16] =	ssyncset.done $0x0  }
0x153: {  	[sflag:s16] =	ssyncadd.s32 $0xFFFFFF00  }
0x154: {  	[hbm4b:s21+s2] =	stream.linear.scatter [tilespmem:s14], [sflag:$0x3], $0x100, $0x38;
	[tilespmem:$0x4200] =	vst v63  }
0x155: {  	_ =	swait.ge [sflag:s16], $0x100  }
0x156: {  	s20 =	sld [smem:$0x7FC]  }
0x157: {  	[sflag:s16] =	ssyncset.done $0x0  }
0x158: {  	[sflag:s16] =	ssyncadd.s32 $0xFFFFFF00  }
0x159: {  	[hbm4b:s20+s2] =	stream.linear.scatter [tilespmem:s15], [sflag:$0x3], $0x100, $0x38;
	[tilespmem:$0x4200] =	vst v63  }
0x15a: {  	_ =	swait.ge [sflag:s17], $0x100  }
0x15b: {  	[sflag:s17] =	ssyncset.done $0x0  }
0x15c: {  	[sflag:s17] =	ssyncadd.s32 $0xFFFFFF00  }
0x15d: {  	_ =	swait.ge [sflag:s17], $0x100  }
0x15e: {  	[sflag:s17] =	ssyncset.done $0x0  }
0x15f: {  	[sflag:s17] =	ssyncadd.s32 $0xFFFFFF00  }
0x160: {  	_ =	swait.ge [sflag:s17], $0x100  }
0x161: {  	[sflag:s17] =	ssyncset.done $0x0  }
0x162: {  	[sflag:s17] =	ssyncadd.s32 $0xFFFFFF00  }
0x163: {  	_ =	swait.ge [sflag:s17], $0x100  }
0x164: {  	[sflag:s17] =	ssyncset.done $0x0  }
0x165: {  	[sflag:s17] =	ssyncadd.s32 $0xFFFFFF00  }
0x166: {  	_ =	swait.ge [sflag:s17], $0x100  }
0x167: {  	[sflag:s17] =	ssyncset.done $0x0  }
0x168: {  	[sflag:s17] =	ssyncadd.s32 $0xFFFFFF00  }
0x169: {  	_ =	swait.ge [sflag:s17], $0x100  }
0x16a: {  	[sflag:s17] =	ssyncset.done $0x0  }
0x16b: {  	[sflag:s17] =	ssyncadd.s32 $0xFFFFFF00  }
0x16c: {  	_ =	swait.ge [sflag:s17], $0x100  }
0x16d: {  	[sflag:s17] =	ssyncset.done $0x0  }
0x16e: {  	[sflag:s17] =	ssyncadd.s32 $0xFFFFFF00  }
0x16f: {  	_ =	swait.ge [sflag:s17], $0x100  }
0x170: {  	[sflag:s17] =	ssyncset.done $0x0  }
0x171: {  	[sflag:s17] =	ssyncadd.s32 $0xFFFFFF00  }
0x172: {  	_ =	swait.ge [sflag:s17], $0x100  }
0x173: {  	[sflag:s17] =	ssyncset.done $0x0  }
0x174: {  	[sflag:s17] =	ssyncadd.s32 $0xFFFFFF00  }
0x175: {  	_ =	swait.ge [sflag:s17], $0x100  }
0x176: {  	[sflag:s17] =	ssyncset.done $0x0  }
0x177: {  	[sflag:s17] =	ssyncadd.s32 $0xFFFFFF00  }
0x178: {  	_ =	swait.ge [sflag:s17], $0x100  }
0x179: {  	[sflag:s17] =	ssyncset.done $0x0  }
0x17a: {  	[sflag:s17] =	ssyncadd.s32 $0xFFFFFF00  }
0x17b: {  	_ =	swait.ge [sflag:s17], $0x100  }
0x17c: {  	[sflag:s17] =	ssyncset.done $0x0  }
0x17d: {  	[sflag:s17] =	ssyncadd.s32 $0xFFFFFF00  }
0x17e: {  	_ =	swait.ge [sflag:s17], $0x100  }
0x17f: {  	[sflag:s17] =	ssyncset.done $0x0  }
0x180: {  	[sflag:s17] =	ssyncadd.s32 $0xFFFFFF00  }
0x181: {  	_ =	swait.ge [sflag:s17], $0x100  }
0x182: {  	[sflag:s17] =	ssyncset.done $0x0  }
0x183: {  	[sflag:s17] =	ssyncadd.s32 $0xFFFFFF00  }
0x184: {  	_ =	swait.ge [sflag:s17], $0x100  }
0x185: {  	[sflag:s17] =	ssyncset.done $0x0  }
0x186: {  	[sflag:s17] =	ssyncadd.s32 $0xFFFFFF00  }
0x187: {  	_ =	swait.ge [sflag:s17], $0x100  }
0x188: {  	[sflag:s17] =	ssyncset.done $0x0  }
0x189: {  	[sflag:s17] =	ssyncadd.s32 $0xFFFFFF00  }
0x18a: {  	_ =	swait.ge [sflag:s17], $0x100  }
0x18b: {  	[sflag:s17] =	ssyncset.done $0x0  }
0x18c: {  	[sflag:s17] =	ssyncadd.s32 $0xFFFFFF00  }
0x18d: {  	_ =	swait.ge [sflag:s17], $0x100  }
0x18e: {  	[sflag:s17] =	ssyncset.done $0x0  }
0x18f: {  	[sflag:s17] =	ssyncadd.s32 $0xFFFFFF00  }
0x190: {  	_ =	swait.ge [sflag:s17], $0x100  }
0x191: {  	[sflag:s17] =	ssyncset.done $0x0  }
0x192: {  	[sflag:s17] =	ssyncadd.s32 $0xFFFFFF00  }
0x193: {  	_ =	swait.ge [sflag:s17], $0x100  }
0x194: {  	[sflag:s17] =	ssyncset.done $0x0  }
0x195: {  	[sflag:s17] =	ssyncadd.s32 $0xFFFFFF00  }
0x196: {  	_ =	swait.ge [sflag:s17], $0x100  }
0x197: {  	[sflag:s17] =	ssyncset.done $0x0  }
0x198: {  	[sflag:s17] =	ssyncadd.s32 $0xFFFFFF00  }
0x199: {  	_ =	swait.ge [sflag:s17], $0x100  }
0x19a: {  	[sflag:s17] =	ssyncset.done $0x0  }
0x19b: {  	[sflag:s17] =	ssyncadd.s32 $0xFFFFFF00  }
0x19c: {  	_ =	swait.ge [sflag:s17], $0x100  }
0x19d: {  	[sflag:s17] =	ssyncset.done $0x0  }
0x19e: {  	[sflag:s17] =	ssyncadd.s32 $0xFFFFFF00  }
0x19f: {  	_ =	swait.ge [sflag:s17], $0x100  }
0x1a0: {  	[sflag:s17] =	ssyncset.done $0x0  }
0x1a1: {  	[sflag:s17] =	ssyncadd.s32 $0xFFFFFF00  }
0x1a2: {  	_ =	swait.ge [sflag:s17], $0x100  }
0x1a3: {  	[sflag:s17] =	ssyncset.done $0x0  }
0x1a4: {  	[sflag:s17] =	ssyncadd.s32 $0xFFFFFF00  }
0x1a5: {  	_ =	swait.ge [sflag:s17], $0x100  }
0x1a6: {  	[sflag:s17] =	ssyncset.done $0x0  }
0x1a7: {  	[sflag:s17] =	ssyncadd.s32 $0xFFFFFF00  }
0x1a8: {  	_ =	swait.ge [sflag:s17], $0x100  }
0x1a9: {  	[sflag:s17] =	ssyncset.done $0x0  }
0x1aa: {  	[sflag:s17] =	ssyncadd.s32 $0xFFFFFF00  }
0x1ab: {  	_ =	swait.ge [sflag:s17], $0x100  }
0x1ac: {  	[sflag:s17] =	ssyncset.done $0x0  }
0x1ad: {  	[sflag:s17] =	ssyncadd.s32 $0xFFFFFF00  }
0x1ae: {  	_ =	swait.ge [sflag:s17], $0x100  }
0x1af: {  	[sflag:s17] =	ssyncset.done $0x0  }
0x1b0: {  	[sflag:s17] =	ssyncadd.s32 $0xFFFFFF00  }
0x1b1: {  	_ =	swait.ge [sflag:s17], $0x100  }
0x1b2: {  	[sflag:s17] =	ssyncset.done $0x0  }
0x1b3: {  	[sflag:s17] =	ssyncadd.s32 $0xFFFFFF00  }
0x1b4: {  	_ =	swait.ge [sflag:s17], $0x100  }
0x1b5: {  	[sflag:s17] =	ssyncset.done $0x0  }
0x1b6: {  	[sflag:s17] =	ssyncadd.s32 $0xFFFFFF00  }
0x1b7: {  	_ =	swait.ge [sflag:s17], $0x100  }
0x1b8: {  	s21 =	sld [smem:$0x7FD];
	_ =	sdelay $0x1  }
0x1b9: {  	s18 =	sadd.s32 $0x1, s18  }
0x1ba: {  	p0 =	sne.s32 s18, s21  }
.Ltmp2:
0x1bb: {  	_ = 	snop;
	(pc) =	sbr.rel @p0 .LBB2_1-.Ltmp2, $3  }
0x1bc: {  	_ =	sdelay $0x1  }
0x1bd: {  	[sflag:s17] =	ssyncset.done $0x0  }
0x1be: {  	[sflag:s17] =	ssyncadd.s32 $0xFFFFFF00  }
0x1bf: {  	_ =	sfence.sel $0x180000  }
0x1c0: {  	[bflag:$0x0] =	sbarrier.arrive $0xFFFF  }
0x1c1: {  	_ =	strace $0x9000004A  }
0x1c2: {  	s0 =	stileid.u32;
	[bflag:$0x2] =	sbarrier.arrive $0xFFFF  }
0x1c3: {  	p0 =	sne.s32 s0, $0x0;
	s0 =	rddreg [dreg:$0x2]  }
0x1c4: {  	s0 =	sadd.s32 @!p0 $0x100000, s0  }
0x1c5: {  	[sflag:s0] =	ssyncadd.tile.s32 @!p0 $0x1;
	_ =	shalt  }
.Lfunc_end2:
_tile_overlayer_lowered:
.L_overlay_start_2:
0x1c6: {  	(tag) =	ssettag $0x2  }
0x1c7: {  	s0 =	rddreg [dreg:$0x0];
	s2 =	stileid.u32  }
0x1c8: {  	s1 =	rddreg [dreg:$0x1];
	p0 =	sne.s32 s2, $0x0  }
0x1c9: {  	s3 =	rddreg [dreg:$0x2];
	[bflag:$0x3] =	sbarrier.arrive $0xFFFF;
	s2 =	simm.s32 @!p0 $0x1C04  }
0x1ca: {  	[timem:s3], [sflag:s2] =	dma.local @!p0 [hbm:s0], s1  }
0x1cb: {  	s0 =	simm.s32 @!p0 $0x4  }
0x1cc: {  	_ =	swait.ge @!p0 [sflag:s0], s1  }
0x1cd: {  	s1 =	ssub.s32 @!p0 $0x0, s1;
	[sflag:s0] =	ssyncset.done @!p0 $0x0  }
0x1ce: {  	[sflag:s0] =	ssyncadd.s32 @!p0 s1  }
0x1cf: {  	[bflag:$0x3] =	sbarrier.arrive $0xFFFF  }
0x1d0: {  	_ =	shalt  }

</sc_bundles>
